<compile_context>
chip_gen: v7x
topology: tpu7x:2x2x1
jax: 0.10.2.dev20260603
libtpu: 0.0.44.dev20260713+nightly
codegen_flags: <defaults>
</compile_context>

<pallas_src>
import functools

import jax
import jax.numpy as jnp
from jax import lax
from jax.experimental import pallas as pl
from jax.experimental.pallas import tpu as pltpu
from jax.experimental.pallas import tpu_sc as plsc

_N = 10000
_E = 320000
_D = 128

_NSC = 2
_NSUB = 16
_NW = _NSC * _NSUB
_CH = 80
_NCHK = _E // _CH
_CPT = _NCHK // _NW
_LEFT = _NCHK - _CPT * _NW
_DCH = 128
_DCPT = (_E // _DCH) // _NW
_DLEFT = _E // _DCH - _DCPT * _NW
_RPT = 624

_mesh = plsc.VectorSubcoreMesh(core_axis_name="c", subcore_axis_name="s")


def _zero_my_slice(zer_v, acc_sh, sid, sem):
    r0 = sid * _RPT
    cs = [pltpu.make_async_copy(zer_v, acc_sh.at[pl.ds(r0 + j * 48, 48)], sem)
          for j in range(13)]
    for c in cs:
        c.start()

    @pl.when(sid == _NSUB - 1)
    def _():
        pltpu.sync_copy(zer_v.at[pl.ds(0, 16)], acc_sh.at[pl.ds(_N - 16, 16)])

    for c in cs:
        c.wait()


def _write_my_slice(acc_sh, out_hbm, cid, sid, sem):
    r0 = sid * _RPT
    cs = [pltpu.make_async_copy(acc_sh.at[pl.ds(r0 + j * 48, 48)],
                                out_hbm.at[cid, pl.ds(r0 + j * 48, 48), :],
                                sem)
          for j in range(13)]
    for c in cs:
        c.start()

    @pl.when(sid == _NSUB - 1)
    def _():
        pltpu.sync_copy(acc_sh.at[pl.ds(_N - 16, 16)],
                        out_hbm.at[cid, pl.ds(_N - 16, 16), :])

    for c in cs:
        c.wait()


@functools.partial(
    pl.kernel,
    out_type=jax.ShapeDtypeStruct((_NSC, _N, 16), jnp.float32),
    mesh=_mesh,
    scratch_types=[
        pltpu.VMEM((_DCH,), jnp.int32),
        pltpu.VMEM((_DCH,), jnp.int32),
        pltpu.VMEM((_DCH,), jnp.int32),
        pltpu.VMEM((_DCH,), jnp.int32),
        pltpu.VMEM((_DCH, 16), jnp.float32),
        pltpu.VMEM((48, 16), jnp.float32),
        pltpu.VMEM_SHARED((_N, 16), jnp.float32),
        pltpu.SemaphoreType.DMA,
        pltpu.SemaphoreType.DMA,
        pltpu.SemaphoreType.DMA,
        pltpu.SemaphoreType.DMA,
        pltpu.SemaphoreType.DMA,
        pltpu.SemaphoreType.DMA,
        pltpu.SemaphoreType.DMA,
        pltpu.SemaphoreType.DMA,
    ],
)
def _deg_kernel(dst_hbm, out_hbm, di0, di1, di2, di3, ones_v, zer_v, acc_sh,
                semI0, semI1, semI2, semI3, semS0, semS1, semS2, semS3):
    cid = lax.axis_index("c")
    sid = lax.axis_index("s")
    wid = sid * _NSC + cid
    base = wid * _DCPT

    dis = (di0, di1, di2, di3)
    semIs = (semI0, semI1, semI2, semI3)
    semSs = (semS0, semS1, semS2, semS3)

    def idx(c, k):
        return pltpu.make_async_copy(
            dst_hbm.at[pl.ds(c * _DCH, _DCH)], dis[k], semIs[k])

    def scat(k):
        return pltpu.make_async_copy(ones_v, acc_sh.at[dis[k]], semSs[k])

    idx(base, 0).start()
    idx(base + 1, 1).start()

    @pl.loop(0, 48)
    def _(i):
        zer_v[i, :] = jnp.zeros((16,), jnp.float32)

    @pl.loop(0, _DCH)
    def _(i):
        ones_v[i, :] = jnp.ones((16,), jnp.float32)

    _zero_my_slice(zer_v, acc_sh, sid, semS3)
    plsc.subcore_barrier()

    def part(c, k, wait_prev2):
        idx(c, k).wait()
        scat(k).start(add=True)
        if wait_prev2:
            scat((k - 2) % 4).wait()

        @pl.when(c + 2 < base + _DCPT)
        def _():
            idx(c + 2, (k + 2) % 4).start()

    part(base, 0, False)
    part(base + 1, 1, False)

    @pl.loop(0, (_DCPT - 2) // 4)
    def _(u):
        c0 = base + 2 + u * 4
        part(c0, 2, True)
        part(c0 + 1, 3, True)
        part(c0 + 2, 0, True)
        part(c0 + 3, 1, True)

    scat(0).wait()
    scat(1).wait()

    @pl.when(wid < _DLEFT)
    def _():
        c = _NW * _DCPT + wid
        idx(c, 0).start()
        idx(c, 0).wait()
        scat(0).start(add=True)
        scat(0).wait()

    plsc.subcore_barrier()
    _write_my_slice(acc_sh, out_hbm, cid, sid, semS3)


@functools.partial(
    pl.kernel,
    out_type=jax.ShapeDtypeStruct((_NSC, _N, _D), jnp.float32),
    mesh=_mesh,
    scratch_types=[
        pltpu.VMEM((_CH,), jnp.int32),
        pltpu.VMEM((_CH,), jnp.int32),
        pltpu.VMEM((_CH,), jnp.int32),
        pltpu.VMEM((_CH,), jnp.int32),
        pltpu.VMEM((_CH,), jnp.int32),
        pltpu.VMEM((_CH,), jnp.int32),
        pltpu.VMEM((_CH,), jnp.int32),
        pltpu.VMEM((_CH,), jnp.int32),
        pltpu.VMEM((_CH, _D), jnp.float32),
        pltpu.VMEM((_CH, _D), jnp.float32),
        pltpu.VMEM((_CH, _D), jnp.float32),
        pltpu.VMEM((_CH, _D), jnp.float32),
        pltpu.VMEM_SHARED((_N, _D), jnp.float32),
        pltpu.SemaphoreType.DMA,
        pltpu.SemaphoreType.DMA,
        pltpu.SemaphoreType.DMA,
        pltpu.SemaphoreType.DMA,
        pltpu.SemaphoreType.DMA,
        pltpu.SemaphoreType.DMA,
        pltpu.SemaphoreType.DMA,
        pltpu.SemaphoreType.DMA,
        pltpu.SemaphoreType.DMA,
        pltpu.SemaphoreType.DMA,
        pltpu.SemaphoreType.DMA,
        pltpu.SemaphoreType.DMA,
        pltpu.SemaphoreType.DMA,
        pltpu.SemaphoreType.DMA,
        pltpu.SemaphoreType.DMA,
        pltpu.SemaphoreType.DMA,
    ],
)
def _segsum_kernel(hs_hbm, src_hbm, dst_hbm, out_hbm,
                   si0, si1, si2, si3, di0, di1, di2, di3,
                   r0_v, r1_v, r2_v, r3_v, acc_sh,
                   semIS0, semIS1, semIS2, semIS3,
                   semID0, semID1, semID2, semID3,
                   semG0, semG1, semG2, semG3,
                   semS0, semS1, semS2, semS3):
    cid = lax.axis_index("c")
    sid = lax.axis_index("s")
    wid = sid * _NSC + cid
    base = wid * _CPT
    end = base + _CPT

    sis = (si0, si1, si2, si3)
    dis = (di0, di1, di2, di3)
    rows = (r0_v, r1_v, r2_v, r3_v)
    semISs = (semIS0, semIS1, semIS2, semIS3)
    semIDs = (semID0, semID1, semID2, semID3)
    semGs = (semG0, semG1, semG2, semG3)
    semSs = (semS0, semS1, semS2, semS3)

    def isrc_k(c, k):
        return pltpu.make_async_copy(
            src_hbm.at[pl.ds(c * _CH, _CH)], sis[k], semISs[k])

    def idst_k(c, k):
        return pltpu.make_async_copy(
            dst_hbm.at[pl.ds(c * _CH, _CH)], dis[k], semIDs[k])

    def gat(k):
        return pltpu.make_async_copy(hs_hbm.at[sis[k]], rows[k], semGs[k])

    def scat(k):
        return pltpu.make_async_copy(rows[k], acc_sh.at[dis[k]], semSs[k])

    isrc_k(base, 0).start()
    idst_k(base, 0).start()
    isrc_k(base + 1, 1).start()
    idst_k(base + 1, 1).start()

    @pl.loop(0, _CH)
    def _(i):
        @pl.loop(0, _D // 16)
        def _(j):
            r3_v[i, pl.ds(j * 16, 16)] = jnp.zeros((16,), jnp.float32)

    rbase = sid * _RPT
    zcs = [pltpu.make_async_copy(
               r3_v, acc_sh.at[pl.ds(rbase + j * _CH, _CH)], semS3)
           for j in range(7)]
    zcs.append(pltpu.make_async_copy(
        r3_v.at[pl.ds(0, 64)], acc_sh.at[pl.ds(rbase + 7 * _CH, 64)], semS3))
    for z in zcs:
        z.start()

    @pl.when(sid == _NSUB - 1)
    def _():
        pltpu.sync_copy(r3_v.at[pl.ds(0, 16)], acc_sh.at[pl.ds(_N - 16, 16)])

    for z in zcs:
        z.wait()

    isrc_k(base, 0).wait()
    gat(0).start()
    isrc_k(base + 1, 1).wait()
    gat(1).start()
    isrc_k(base + 2, 2).start()
    isrc_k(base + 3, 3).start()
    plsc.subcore_barrier()

    def part(c, k, first, s4, w2):
        gat(k).wait()
        if not first:
            scat((k + 2) % 4).wait()
        if w2:
            @pl.when(c + 2 < end)
            def _():
                idst_k(c + 2, (k + 2) % 4).start()
                isrc_k(c + 2, (k + 2) % 4).wait()
                gat((k + 2) % 4).start()
        if s4:
            @pl.when(c + 4 < end)
            def _():
                isrc_k(c + 4, k).start()
        idst_k(c, k).wait()
        scat(k).start(add=True)

    part(base + 0, 0, True, True, True)
    part(base + 1, 1, True, True, True)

    @pl.loop(0, (_CPT - 5) // 4)
    def _(u):
        c0 = base + 2 + u * 4
        part(c0, 2, False, True, True)
        part(c0 + 1, 3, False, True, True)
        part(c0 + 2, 0, False, True, True)
        part(c0 + 3, 1, False, True, True)

    part(end - 3, 2, False, False, True)
    part(end - 2, 3, False, False, False)
    part(end - 1, 0, False, False, False)

    scat(3).wait()
    scat(0).wait()

    plsc.subcore_barrier()
    _write_my_slice(acc_sh, out_hbm, cid, sid, semS3)


_BLK = 1000


def _tc1_body(x_ref, lx_ref, w_ref, b_ref, xo_ref, h_ref):
    xo = x_ref[...] * lx_ref[...]
    xo_ref[...] = xo
    h_ref[...] = (jnp.dot(xo, w_ref[...], preferred_element_type=jnp.float32)
                  + b_ref[...])


def _tc2_body(d0_ref, d1_ref, h_ref, hs_ref):
    dinv = lax.rsqrt(d0_ref[...] + d1_ref[...] + 1.0)
    hs_ref[...] = h_ref[...] * dinv


def _tc3_body(d0_ref, d1_ref, s0_ref, s1_ref, hs_ref, w_ref, b_ref, out_ref):
    dinv = lax.rsqrt(d0_ref[...] + d1_ref[...] + 1.0)
    t = (s0_ref[...] + s1_ref[...] + hs_ref[...]) * dinv
    h1 = jnp.maximum(t, 0.0)
    out_ref[...] = (jnp.dot(h1, w_ref[...], preferred_element_type=jnp.float32)
                    + b_ref[...]) * dinv


def _tc4_body(d0_ref, d1_ref, s0_ref, s1_ref, hs_ref,
              w1_ref, b1_ref, w2_ref, b2_ref, out_ref):
    dinv = lax.rsqrt(d0_ref[...] + d1_ref[...] + 1.0)
    embed = (s0_ref[...] + s1_ref[...] + hs_ref[...]) * dinv
    hidden = jnp.maximum(
        jnp.dot(embed, w1_ref[...], preferred_element_type=jnp.float32)
        + b1_ref[...], 0.0)
    out_ref[...] = (jnp.dot(hidden, w2_ref[...],
                            preferred_element_type=jnp.float32) + b2_ref[...])


def _row_spec():
    return pl.BlockSpec((_BLK, _D), lambda i: (i, 0))


def _deg_spec():
    return pl.BlockSpec((_BLK, 1), lambda i: (i, 0))


def _full_spec(shape):
    return pl.BlockSpec(shape, lambda i: tuple(0 for _ in shape))


def kernel(x, edge_index, emb1, emb3, learnable_x, cond_Wi, cond_bi, cond_Wo,
           cond_bo, g_W1, g_b1, g_W2, g_b2, c_W1, c_b1, c_W2, c_b2):
    src = edge_index[0]
    dst = edge_index[1]
    n, d = x.shape
    grid = (n // _BLK,)

    degp = _deg_kernel(dst)
    d0 = degp[0, :, 0].reshape(n, 1)
    d1 = degp[1, :, 0].reshape(n, 1)

    x_out, h1_pre = pl.pallas_call(
        _tc1_body,
        grid=grid,
        in_specs=[_row_spec(), _row_spec(),
                  _full_spec((_D, _D)), _full_spec((1, _D))],
        out_specs=[_row_spec(), _row_spec()],
        out_shape=[jax.ShapeDtypeStruct((n, d), jnp.float32)] * 2,
    )(x, learnable_x, g_W1, g_b1.reshape(1, d))

    hs1 = pl.pallas_call(
        _tc2_body,
        grid=grid,
        in_specs=[_deg_spec(), _deg_spec(), _row_spec()],
        out_specs=_row_spec(),
        out_shape=jax.ShapeDtypeStruct((n, d), jnp.float32),
    )(d0, d1, h1_pre)

    s1 = _segsum_kernel(hs1, src, dst)

    hs2 = pl.pallas_call(
        _tc3_body,
        grid=grid,
        in_specs=[_deg_spec(), _deg_spec(), _row_spec(), _row_spec(),
                  _row_spec(), _full_spec((_D, _D)), _full_spec((1, _D))],
        out_specs=_row_spec(),
        out_shape=jax.ShapeDtypeStruct((n, d), jnp.float32),
    )(d0, d1, s1[0], s1[1], hs1, g_W2, g_b2.reshape(1, d))

    s2 = _segsum_kernel(hs2, src, dst)

    nh = c_W1.shape[1]
    nc = c_W2.shape[1]
    logits = pl.pallas_call(
        _tc4_body,
        grid=grid,
        in_specs=[_deg_spec(), _deg_spec(), _row_spec(), _row_spec(),
                  _row_spec(), _full_spec((_D, nh)), _full_spec((1, nh)),
                  _full_spec((nh, nc)), _full_spec((1, nc))],
        out_specs=pl.BlockSpec((_BLK, nc), lambda i: (i, 0)),
        out_shape=jax.ShapeDtypeStruct((n, nc), jnp.float32),
    )(d0, d1, s2[0], s2[1], hs2, c_W1, c_b1.reshape(1, nh),
      c_W2, c_b2.reshape(1, nc))

    return (x_out, logits)

# --- scband reference (transcript-rebuilt; emitter-appended) ---
"""Pipeline reference for scband-fusion-mlp-41652592837096 (READ-ONLY COPY).

The authoritative reference and input builder live on the scoring server;
editing this copy changes nothing except your own understanding.
"""

import jax, jax.numpy as jnp
import numpy as np

N = 10000
E = 320000
D = 128
THOUGHT_D = 768
NC = 40


def gcn_conv(x, W, b, src, dst, num_nodes):
    # GCNConv with self loops and symmetric normalization
    h = x @ W + b
    loop = jnp.arange(num_nodes, dtype=src.dtype)
    s = jnp.concatenate([src, loop])
    d = jnp.concatenate([dst, loop])
    deg = jax.ops.segment_sum(jnp.ones_like(s, dtype=x.dtype), d, num_segments=num_nodes)
    dinv = jnp.where(deg > 0, 1.0 / jnp.sqrt(deg), 0.0)
    norm = dinv[s] * dinv[d]
    msg = h[s] * norm[:, None]
    return jax.ops.segment_sum(msg, d, num_segments=num_nodes)


def setup_inputs(seed: int = 0) -> dict:
    key = jax.random.key(seed)
    ks = jax.random.split(key, 24)
    inp = {}
    inp["x"] = jax.random.normal(ks[0], (N, D), jnp.float32)
    inp["edge_index"] = jax.random.randint(ks[1], (2, E), 0, N, dtype=jnp.int32)
    # emb1 / emb3 stand in for the externally loaded LLM thought embeddings
    inp["emb1"] = jax.random.normal(ks[2], (N, THOUGHT_D), jnp.float32)
    inp["emb3"] = jax.random.normal(ks[3], (N, THOUGHT_D), jnp.float32)
    # learned parameters
    inp["learnable_x"] = jax.random.normal(ks[4], (N, D), jnp.float32) * 0.1
    inp["cond_Wi"] = jax.random.normal(ks[5], (2 * THOUGHT_D, 128), jnp.float32) * 0.02
    inp["cond_bi"] = jnp.zeros((128,), jnp.float32)
    inp["cond_Wo"] = jax.random.normal(ks[6], (128, 128), jnp.float32) * 0.05
    inp["cond_bo"] = jnp.zeros((128,), jnp.float32)
    inp["g_W1"] = jax.random.normal(ks[7], (D, D), jnp.float32) * 0.05
    inp["g_b1"] = jnp.zeros((D,), jnp.float32)
    inp["g_W2"] = jax.random.normal(ks[8], (D, D), jnp.float32) * 0.05
    inp["g_b2"] = jnp.zeros((D,), jnp.float32)
    inp["c_W1"] = jax.random.normal(ks[9], (D, 32), jnp.float32) * 0.05
    inp["c_b1"] = jnp.zeros((32,), jnp.float32)
    inp["c_W2"] = jax.random.normal(ks[10], (32, NC), jnp.float32) * 0.05
    inp["c_b2"] = jnp.zeros((NC,), jnp.float32)
    return inp


def reference(x, edge_index, emb1, emb3, learnable_x, cond_Wi, cond_bi, cond_Wo, cond_bo, g_W1, g_b1, g_W2, g_b2, c_W1, c_b1, c_W2, c_b2):
    src = edge_index[0]
    dst = edge_index[1]
    # input_proj is Identity because n_in == 128
    origin_x = x
    # think layer (think_layer_num = 1)
    embed_1 = gcn_conv(x, g_W1, g_b1, src, dst, N)
    embed_2 = gcn_conv(embed_1, g_W2, g_b2, src, dst, N) + embed_1
    # use_thought: external LLM pipeline replaced by precomputed emb1/emb3
    thought = jnp.concatenate([emb1, emb3], axis=1)
    # ConditionNet with num_layers=1: hidden_fc is empty -> output_fc(input_fc(thought))
    prompt = (thought @ cond_Wi + cond_bi) @ cond_Wo + cond_bo
    thought_emb = prompt * origin_x
    x = origin_x + thought_emb
    # post-loop: x is overwritten (loop x only feeds cached thoughts in original)
    x = learnable_x * origin_x
    # gcn(x, edge_index): 2-layer GCN with ReLU between
    h1 = jax.nn.relu(gcn_conv(x, g_W1, g_b1, src, dst, N))
    embed = gcn_conv(h1, g_W2, g_b2, src, dst, N)
    # classifier (dropout is identity in eval)
    hidden = jax.nn.relu(embed @ c_W1 + c_b1)
    logits = hidden @ c_W2 + c_b2
    return (x, logits)

if __name__ == "__main__":
    import jax
    _d = setup_inputs()
    print(jax.jit(kernel)(*tuple(_d.values())))

</pallas_src>

<mosaic_0001>
#map = affine_map<(d0, d1) -> (0)>
#map1 = affine_map<(d0, d1) -> (0, 0, 0)>
module attributes {stable_mosaic.version = 14 : i64} {
  func.func @_deg_kernel(%arg0: i32, %arg1: i32, %arg2: memref<320000xi32, #tpu.memory_space<hbm>>, %arg3: memref<2x10000x16xf32, #tpu.memory_space<hbm>>, %arg4: memref<128xi32, #tpu.memory_space<vmem>>, %arg5: memref<128xi32, #tpu.memory_space<vmem>>, %arg6: memref<128xi32, #tpu.memory_space<vmem>>, %arg7: memref<128xi32, #tpu.memory_space<vmem>>, %arg8: memref<128x16xf32, #tpu.memory_space<vmem>>, %arg9: memref<48x16xf32, #tpu.memory_space<vmem>>, %arg10: memref<10000x16xf32, #tpu.memory_space<vmem_shared>>, %arg11: memref<!tpu.dma_semaphore, #tpu.memory_space<semaphore_mem>>, %arg12: memref<!tpu.dma_semaphore, #tpu.memory_space<semaphore_mem>>, %arg13: memref<!tpu.dma_semaphore, #tpu.memory_space<semaphore_mem>>, %arg14: memref<!tpu.dma_semaphore, #tpu.memory_space<semaphore_mem>>, %arg15: memref<!tpu.dma_semaphore, #tpu.memory_space<semaphore_mem>>, %arg16: memref<!tpu.dma_semaphore, #tpu.memory_space<semaphore_mem>>, %arg17: memref<!tpu.dma_semaphore, #tpu.memory_space<semaphore_mem>>, %arg18: memref<!tpu.dma_semaphore, #tpu.memory_space<semaphore_mem>>) attributes {dimension_semantics = [#tpu.dimension_semantics<core_parallel>, #tpu.dimension_semantics<subcore_parallel>], iteration_bounds = array<i64: 2, 16>, scalar_prefetch = 0 : i64, scratch_operands = 15 : i64, tpu.core_type = #tpu.core_type<sc_vector_subcore>, window_params = [{transform_indices = #map}, {transform_indices = #map1}]} {
    %mul3A = arith.constant 2 : i32
    %mul3A_0 = arith.muli %arg1, %mul3A : i32
    %add3A = arith.addi %mul3A_0, %arg0 : i32
    %mul3A_1 = arith.constant 78 : i32
    %mul3A_2 = arith.muli %add3A, %mul3A_1 : i32
    %mul3A_3 = arith.constant 128 : i32
    %mul3A_4 = arith.muli %mul3A_2, %mul3A_3 : i32
    %dma_start3A = tpu.memref_slice %arg2[%mul3A_4] : memref<320000xi32, #tpu.memory_space<hbm>> -> memref<128xi32, #tpu.memory_space<hbm>>
    %dma_start3A_5 = tpu.memref_slice %arg2[%mul3A_4] : memref<320000xi32, #tpu.memory_space<hbm>> -> memref<128xi32, #tpu.memory_space<hbm>>
    tpu.enqueue_dma source(%dma_start3A_5 : memref<128xi32, #tpu.memory_space<hbm>>) target(%arg4 : memref<128xi32, #tpu.memory_space<vmem>>) target_semaphore(%arg11 : memref<!tpu.dma_semaphore, #tpu.memory_space<semaphore_mem>>)
    %add3A_6 = arith.constant 1 : i32
    %add3A_7 = arith.addi %mul3A_2, %add3A_6 : i32
    %mul3A_8 = arith.constant 128 : i32
    %mul3A_9 = arith.muli %add3A_7, %mul3A_8 : i32
    %dma_start3A_10 = tpu.memref_slice %arg2[%mul3A_9] : memref<320000xi32, #tpu.memory_space<hbm>> -> memref<128xi32, #tpu.memory_space<hbm>>
    %dma_start3A_11 = tpu.memref_slice %arg2[%mul3A_9] : memref<320000xi32, #tpu.memory_space<hbm>> -> memref<128xi32, #tpu.memory_space<hbm>>
    tpu.enqueue_dma source(%dma_start3A_11 : memref<128xi32, #tpu.memory_space<hbm>>) target(%arg5 : memref<128xi32, #tpu.memory_space<vmem>>) target_semaphore(%arg12 : memref<!tpu.dma_semaphore, #tpu.memory_space<semaphore_mem>>)
    %scan3A = arith.constant 0 : i32
    %scan3A_12 = arith.constant 48 : i32
    %scan3A_13 = arith.addi %scan3A, %scan3A_12 : i32
    %scan3A_14 = arith.constant 1 : i32
    scf.for %scan3A_391 = %scan3A to %scan3A_13 step %scan3A_14  : i32 {
      %mul3A_392 = arith.constant 1 : i32
      %mul3A_393 = arith.muli %scan3A_391, %mul3A_392 : i32
      %add3A_394 = arith.constant 0 : i32
      %add3A_395 = arith.addi %add3A_394, %mul3A_393 : i32
      %broadcast_in_dim3A = arith.constant 0.000000e+00 : f32
      %broadcast_in_dim3A_396 = vector.broadcast %broadcast_in_dim3A : f32 to vector<16xf32>
      %swap3A = arith.index_cast %add3A_395 : i32 to index
      %swap3A_397 = arith.constant 0 : index
      %swap3A_398 = tpu.vector_load %arg9[%swap3A, %swap3A_397] {strides = array<i32>} : memref<48x16xf32, #tpu.memory_space<vmem>>, vector<1x16xf32>,
      %swap3A_399 = vector.shape_cast %swap3A_398 : vector<1x16xf32> to vector<16xf32>
      %swap3A_400 = vector.shape_cast %broadcast_in_dim3A_396 : vector<16xf32> to vector<1x16xf32>
      tpu.vector_store %arg9[%swap3A, %swap3A_397], %swap3A_400 {strides = array<i32>} : memref<48x16xf32, #tpu.memory_space<vmem>>, vector<1x16xf32>,
    }
    %scan3A_15 = arith.constant 48 : i32
    %scan3A_16 = arith.constant 0 : i32
    %scan3A_17 = arith.constant 128 : i32
    %scan3A_18 = arith.addi %scan3A_16, %scan3A_17 : i32
    %scan3A_19 = arith.constant 1 : i32
    scf.for %scan3A_391 = %scan3A_16 to %scan3A_18 step %scan3A_19  : i32 {
      %mul3A_392 = arith.constant 1 : i32
      %mul3A_393 = arith.muli %scan3A_391, %mul3A_392 : i32
      %add3A_394 = arith.constant 0 : i32
      %add3A_395 = arith.addi %add3A_394, %mul3A_393 : i32
      %broadcast_in_dim3A = arith.constant 1.000000e+00 : f32
      %broadcast_in_dim3A_396 = vector.broadcast %broadcast_in_dim3A : f32 to vector<16xf32>
      %swap3A = arith.index_cast %add3A_395 : i32 to index
      %swap3A_397 = arith.constant 0 : index
      %swap3A_398 = tpu.vector_load %arg8[%swap3A, %swap3A_397] {strides = array<i32>} : memref<128x16xf32, #tpu.memory_space<vmem>>, vector<1x16xf32>,
      %swap3A_399 = vector.shape_cast %swap3A_398 : vector<1x16xf32> to vector<16xf32>
      %swap3A_400 = vector.shape_cast %broadcast_in_dim3A_396 : vector<16xf32> to vector<1x16xf32>
      tpu.vector_store %arg8[%swap3A, %swap3A_397], %swap3A_400 {strides = array<i32>} : memref<128x16xf32, #tpu.memory_space<vmem>>, vector<1x16xf32>,
    }
    %scan3A_20 = arith.constant 128 : i32
    %mul3A_21 = arith.constant 624 : i32
    %mul3A_22 = arith.muli %arg1, %mul3A_21 : i32
    %add3A_23 = arith.constant 0 : i32
    %add3A_24 = arith.addi %mul3A_22, %add3A_23 : i32
    %add3A_25 = arith.constant 48 : i32
    %add3A_26 = arith.addi %mul3A_22, %add3A_25 : i32
    %add3A_27 = arith.constant 96 : i32
    %add3A_28 = arith.addi %mul3A_22, %add3A_27 : i32
    %add3A_29 = arith.constant 144 : i32
    %add3A_30 = arith.addi %mul3A_22, %add3A_29 : i32
    %add3A_31 = arith.constant 192 : i32
    %add3A_32 = arith.addi %mul3A_22, %add3A_31 : i32
    %add3A_33 = arith.constant 240 : i32
    %add3A_34 = arith.addi %mul3A_22, %add3A_33 : i32
    %add3A_35 = arith.constant 288 : i32
    %add3A_36 = arith.addi %mul3A_22, %add3A_35 : i32
    %add3A_37 = arith.constant 336 : i32
    %add3A_38 = arith.addi %mul3A_22, %add3A_37 : i32
    %add3A_39 = arith.constant 384 : i32
    %add3A_40 = arith.addi %mul3A_22, %add3A_39 : i32
    %add3A_41 = arith.constant 432 : i32
    %add3A_42 = arith.addi %mul3A_22, %add3A_41 : i32
    %add3A_43 = arith.constant 480 : i32
    %add3A_44 = arith.addi %mul3A_22, %add3A_43 : i32
    %add3A_45 = arith.constant 528 : i32
    %add3A_46 = arith.addi %mul3A_22, %add3A_45 : i32
    %add3A_47 = arith.constant 576 : i32
    %add3A_48 = arith.addi %mul3A_22, %add3A_47 : i32
    %dma_start3A_49 = arith.constant 0 : i32
    %dma_start3A_50 = tpu.memref_slice %arg10[%add3A_24, %dma_start3A_49] : memref<10000x16xf32, #tpu.memory_space<vmem_shared>> -> memref<48x16xf32, #tpu.memory_space<vmem_shared>>
    %dma_start3A_51 = arith.constant 0 : i32
    %dma_start3A_52 = tpu.memref_slice %arg10[%add3A_24, %dma_start3A_51] : memref<10000x16xf32, #tpu.memory_space<vmem_shared>> -> memref<48x16xf32, #tpu.memory_space<vmem_shared>>
    tpu.enqueue_dma source(%arg9 : memref<48x16xf32, #tpu.memory_space<vmem>>) target(%dma_start3A_52 : memref<48x16xf32, #tpu.memory_space<vmem_shared>>) target_semaphore(%arg18 : memref<!tpu.dma_semaphore, #tpu.memory_space<semaphore_mem>>)
    %dma_start3A_53 = arith.constant 0 : i32
    %dma_start3A_54 = tpu.memref_slice %arg10[%add3A_26, %dma_start3A_53] : memref<10000x16xf32, #tpu.memory_space<vmem_shared>> -> memref<48x16xf32, #tpu.memory_space<vmem_shared>>
    %dma_start3A_55 = arith.constant 0 : i32
    %dma_start3A_56 = tpu.memref_slice %arg10[%add3A_26, %dma_start3A_55] : memref<10000x16xf32, #tpu.memory_space<vmem_shared>> -> memref<48x16xf32, #tpu.memory_space<vmem_shared>>
    tpu.enqueue_dma source(%arg9 : memref<48x16xf32, #tpu.memory_space<vmem>>) target(%dma_start3A_56 : memref<48x16xf32, #tpu.memory_space<vmem_shared>>) target_semaphore(%arg18 : memref<!tpu.dma_semaphore, #tpu.memory_space<semaphore_mem>>)
    %dma_start3A_57 = arith.constant 0 : i32
    %dma_start3A_58 = tpu.memref_slice %arg10[%add3A_28, %dma_start3A_57] : memref<10000x16xf32, #tpu.memory_space<vmem_shared>> -> memref<48x16xf32, #tpu.memory_space<vmem_shared>>
    %dma_start3A_59 = arith.constant 0 : i32
    %dma_start3A_60 = tpu.memref_slice %arg10[%add3A_28, %dma_start3A_59] : memref<10000x16xf32, #tpu.memory_space<vmem_shared>> -> memref<48x16xf32, #tpu.memory_space<vmem_shared>>
    tpu.enqueue_dma source(%arg9 : memref<48x16xf32, #tpu.memory_space<vmem>>) target(%dma_start3A_60 : memref<48x16xf32, #tpu.memory_space<vmem_shared>>) target_semaphore(%arg18 : memref<!tpu.dma_semaphore, #tpu.memory_space<semaphore_mem>>)
    %dma_start3A_61 = arith.constant 0 : i32
    %dma_start3A_62 = tpu.memref_slice %arg10[%add3A_30, %dma_start3A_61] : memref<10000x16xf32, #tpu.memory_space<vmem_shared>> -> memref<48x16xf32, #tpu.memory_space<vmem_shared>>
    %dma_start3A_63 = arith.constant 0 : i32
    %dma_start3A_64 = tpu.memref_slice %arg10[%add3A_30, %dma_start3A_63] : memref<10000x16xf32, #tpu.memory_space<vmem_shared>> -> memref<48x16xf32, #tpu.memory_space<vmem_shared>>
    tpu.enqueue_dma source(%arg9 : memref<48x16xf32, #tpu.memory_space<vmem>>) target(%dma_start3A_64 : memref<48x16xf32, #tpu.memory_space<vmem_shared>>) target_semaphore(%arg18 : memref<!tpu.dma_semaphore, #tpu.memory_space<semaphore_mem>>)
    %dma_start3A_65 = arith.constant 0 : i32
    %dma_start3A_66 = tpu.memref_slice %arg10[%add3A_32, %dma_start3A_65] : memref<10000x16xf32, #tpu.memory_space<vmem_shared>> -> memref<48x16xf32, #tpu.memory_space<vmem_shared>>
    %dma_start3A_67 = arith.constant 0 : i32
    %dma_start3A_68 = tpu.memref_slice %arg10[%add3A_32, %dma_start3A_67] : memref<10000x16xf32, #tpu.memory_space<vmem_shared>> -> memref<48x16xf32, #tpu.memory_space<vmem_shared>>
    tpu.enqueue_dma source(%arg9 : memref<48x16xf32, #tpu.memory_space<vmem>>) target(%dma_start3A_68 : memref<48x16xf32, #tpu.memory_space<vmem_shared>>) target_semaphore(%arg18 : memref<!tpu.dma_semaphore, #tpu.memory_space<semaphore_mem>>)
    %dma_start3A_69 = arith.constant 0 : i32
    %dma_start3A_70 = tpu.memref_slice %arg10[%add3A_34, %dma_start3A_69] : memref<10000x16xf32, #tpu.memory_space<vmem_shared>> -> memref<48x16xf32, #tpu.memory_space<vmem_shared>>
    %dma_start3A_71 = arith.constant 0 : i32
    %dma_start3A_72 = tpu.memref_slice %arg10[%add3A_34, %dma_start3A_71] : memref<10000x16xf32, #tpu.memory_space<vmem_shared>> -> memref<48x16xf32, #tpu.memory_space<vmem_shared>>
    tpu.enqueue_dma source(%arg9 : memref<48x16xf32, #tpu.memory_space<vmem>>) target(%dma_start3A_72 : memref<48x16xf32, #tpu.memory_space<vmem_shared>>) target_semaphore(%arg18 : memref<!tpu.dma_semaphore, #tpu.memory_space<semaphore_mem>>)
    %dma_start3A_73 = arith.constant 0 : i32
    %dma_start3A_74 = tpu.memref_slice %arg10[%add3A_36, %dma_start3A_73] : memref<10000x16xf32, #tpu.memory_space<vmem_shared>> -> memref<48x16xf32, #tpu.memory_space<vmem_shared>>
    %dma_start3A_75 = arith.constant 0 : i32
    %dma_start3A_76 = tpu.memref_slice %arg10[%add3A_36, %dma_start3A_75] : memref<10000x16xf32, #tpu.memory_space<vmem_shared>> -> memref<48x16xf32, #tpu.memory_space<vmem_shared>>
    tpu.enqueue_dma source(%arg9 : memref<48x16xf32, #tpu.memory_space<vmem>>) target(%dma_start3A_76 : memref<48x16xf32, #tpu.memory_space<vmem_shared>>) target_semaphore(%arg18 : memref<!tpu.dma_semaphore, #tpu.memory_space<semaphore_mem>>)
    %dma_start3A_77 = arith.constant 0 : i32
    %dma_start3A_78 = tpu.memref_slice %arg10[%add3A_38, %dma_start3A_77] : memref<10000x16xf32, #tpu.memory_space<vmem_shared>> -> memref<48x16xf32, #tpu.memory_space<vmem_shared>>
    %dma_start3A_79 = arith.constant 0 : i32
    %dma_start3A_80 = tpu.memref_slice %arg10[%add3A_38, %dma_start3A_79] : memref<10000x16xf32, #tpu.memory_space<vmem_shared>> -> memref<48x16xf32, #tpu.memory_space<vmem_shared>>
    tpu.enqueue_dma source(%arg9 : memref<48x16xf32, #tpu.memory_space<vmem>>) target(%dma_start3A_80 : memref<48x16xf32, #tpu.memory_space<vmem_shared>>) target_semaphore(%arg18 : memref<!tpu.dma_semaphore, #tpu.memory_space<semaphore_mem>>)
    %dma_start3A_81 = arith.constant 0 : i32
    %dma_start3A_82 = tpu.memref_slice %arg10[%add3A_40, %dma_start3A_81] : memref<10000x16xf32, #tpu.memory_space<vmem_shared>> -> memref<48x16xf32, #tpu.memory_space<vmem_shared>>
    %dma_start3A_83 = arith.constant 0 : i32
    %dma_start3A_84 = tpu.memref_slice %arg10[%add3A_40, %dma_start3A_83] : memref<10000x16xf32, #tpu.memory_space<vmem_shared>> -> memref<48x16xf32, #tpu.memory_space<vmem_shared>>
    tpu.enqueue_dma source(%arg9 : memref<48x16xf32, #tpu.memory_space<vmem>>) target(%dma_start3A_84 : memref<48x16xf32, #tpu.memory_space<vmem_shared>>) target_semaphore(%arg18 : memref<!tpu.dma_semaphore, #tpu.memory_space<semaphore_mem>>)
    %dma_start3A_85 = arith.constant 0 : i32
    %dma_start3A_86 = tpu.memref_slice %arg10[%add3A_42, %dma_start3A_85] : memref<10000x16xf32, #tpu.memory_space<vmem_shared>> -> memref<48x16xf32, #tpu.memory_space<vmem_shared>>
    %dma_start3A_87 = arith.constant 0 : i32
    %dma_start3A_88 = tpu.memref_slice %arg10[%add3A_42, %dma_start3A_87] : memref<10000x16xf32, #tpu.memory_space<vmem_shared>> -> memref<48x16xf32, #tpu.memory_space<vmem_shared>>
    tpu.enqueue_dma source(%arg9 : memref<48x16xf32, #tpu.memory_space<vmem>>) target(%dma_start3A_88 : memref<48x16xf32, #tpu.memory_space<vmem_shared>>) target_semaphore(%arg18 : memref<!tpu.dma_semaphore, #tpu.memory_space<semaphore_mem>>)
    %dma_start3A_89 = arith.constant 0 : i32
    %dma_start3A_90 = tpu.memref_slice %arg10[%add3A_44, %dma_start3A_89] : memref<10000x16xf32, #tpu.memory_space<vmem_shared>> -> memref<48x16xf32, #tpu.memory_space<vmem_shared>>
    %dma_start3A_91 = arith.constant 0 : i32
    %dma_start3A_92 = tpu.memref_slice %arg10[%add3A_44, %dma_start3A_91] : memref<10000x16xf32, #tpu.memory_space<vmem_shared>> -> memref<48x16xf32, #tpu.memory_space<vmem_shared>>
    tpu.enqueue_dma source(%arg9 : memref<48x16xf32, #tpu.memory_space<vmem>>) target(%dma_start3A_92 : memref<48x16xf32, #tpu.memory_space<vmem_shared>>) target_semaphore(%arg18 : memref<!tpu.dma_semaphore, #tpu.memory_space<semaphore_mem>>)
    %dma_start3A_93 = arith.constant 0 : i32
    %dma_start3A_94 = tpu.memref_slice %arg10[%add3A_46, %dma_start3A_93] : memref<10000x16xf32, #tpu.memory_space<vmem_shared>> -> memref<48x16xf32, #tpu.memory_space<vmem_shared>>
    %dma_start3A_95 = arith.constant 0 : i32
    %dma_start3A_96 = tpu.memref_slice %arg10[%add3A_46, %dma_start3A_95] : memref<10000x16xf32, #tpu.memory_space<vmem_shared>> -> memref<48x16xf32, #tpu.memory_space<vmem_shared>>
    tpu.enqueue_dma source(%arg9 : memref<48x16xf32, #tpu.memory_space<vmem>>) target(%dma_start3A_96 : memref<48x16xf32, #tpu.memory_space<vmem_shared>>) target_semaphore(%arg18 : memref<!tpu.dma_semaphore, #tpu.memory_space<semaphore_mem>>)
    %dma_start3A_97 = arith.constant 0 : i32
    %dma_start3A_98 = tpu.memref_slice %arg10[%add3A_48, %dma_start3A_97] : memref<10000x16xf32, #tpu.memory_space<vmem_shared>> -> memref<48x16xf32, #tpu.memory_space<vmem_shared>>
    %dma_start3A_99 = arith.constant 0 : i32
    %dma_start3A_100 = tpu.memref_slice %arg10[%add3A_48, %dma_start3A_99] : memref<10000x16xf32, #tpu.memory_space<vmem_shared>> -> memref<48x16xf32, #tpu.memory_space<vmem_shared>>
    tpu.enqueue_dma source(%arg9 : memref<48x16xf32, #tpu.memory_space<vmem>>) target(%dma_start3A_100 : memref<48x16xf32, #tpu.memory_space<vmem_shared>>) target_semaphore(%arg18 : memref<!tpu.dma_semaphore, #tpu.memory_space<semaphore_mem>>)
    %eq3A = arith.constant 15 : i32
    %eq3A_101 = arith.cmpi eq, %arg1, %eq3A : i32
    %convert_element_type3A = arith.extui %eq3A_101 : i1 to i32
    %cond3A = arith.constant 0 : i32
    %cond3A_102 = arith.cmpi ne, %convert_element_type3A, %cond3A : i32
    scf.if %cond3A_102 {
      "tpu.region"() ({
        %run_scoped3A = tpu.sem_alloc : memref<!tpu.dma_semaphore, #tpu.memory_space<semaphore_mem>>
        %dma_start3A_391 = arith.constant 0 : i32
        %dma_start3A_392 = arith.constant 0 : i32
        %dma_start3A_393 = tpu.memref_slice %arg9[%dma_start3A_391, %dma_start3A_392] : memref<48x16xf32, #tpu.memory_space<vmem>> -> memref<16x16xf32, #tpu.memory_space<vmem>>
        %dma_start3A_394 = arith.constant 9984 : i32
        %dma_start3A_395 = arith.constant 0 : i32
        %dma_start3A_396 = tpu.memref_slice %arg10[%dma_start3A_394, %dma_start3A_395] : memref<10000x16xf32, #tpu.memory_space<vmem_shared>> -> memref<16x16xf32, #tpu.memory_space<vmem_shared>>
        %dma_start3A_397 = arith.constant 9984 : i32
        %dma_start3A_398 = arith.constant 0 : i32
        %dma_start3A_399 = tpu.memref_slice %arg10[%dma_start3A_397, %dma_start3A_398] : memref<10000x16xf32, #tpu.memory_space<vmem_shared>> -> memref<16x16xf32, #tpu.memory_space<vmem_shared>>
        %dma_start3A_400 = arith.constant 0 : i32
        %dma_start3A_401 = arith.constant 0 : i32
        %dma_start3A_402 = tpu.memref_slice %arg9[%dma_start3A_400, %dma_start3A_401] : memref<48x16xf32, #tpu.memory_space<vmem>> -> memref<16x16xf32, #tpu.memory_space<vmem>>
        tpu.enqueue_dma source(%dma_start3A_402 : memref<16x16xf32, #tpu.memory_space<vmem>>) target(%dma_start3A_399 : memref<16x16xf32, #tpu.memory_space<vmem_shared>>) target_semaphore(%run_scoped3A : memref<!tpu.dma_semaphore, #tpu.memory_space<semaphore_mem>>)
        %dma_wait3A_403 = arith.constant 0 : i32
        %dma_wait3A_404 = arith.constant 0 : i32
        %dma_wait3A_405 = tpu.memref_slice %arg9[%dma_wait3A_403, %dma_wait3A_404] : memref<48x16xf32, #tpu.memory_space<vmem>> -> memref<16x16xf32, #tpu.memory_space<vmem>>
        %dma_wait3A_406 = arith.constant 9984 : i32
        %dma_wait3A_407 = arith.constant 0 : i32
        %dma_wait3A_408 = tpu.memref_slice %arg10[%dma_wait3A_406, %dma_wait3A_407] : memref<10000x16xf32, #tpu.memory_space<vmem_shared>> -> memref<16x16xf32, #tpu.memory_space<vmem_shared>>
        %dma_wait3A_409 = arith.constant 9984 : i32
        %dma_wait3A_410 = arith.constant 0 : i32
        %dma_wait3A_411 = tpu.memref_slice %arg10[%dma_wait3A_409, %dma_wait3A_410] : memref<10000x16xf32, #tpu.memory_space<vmem_shared>> -> memref<16x16xf32, #tpu.memory_space<vmem_shared>>
        %dma_wait3A_412 = arith.constant 0 : i32
        %dma_wait3A_413 = arith.constant 0 : i32
        %dma_wait3A_414 = tpu.memref_slice %arg9[%dma_wait3A_412, %dma_wait3A_413] : memref<48x16xf32, #tpu.memory_space<vmem>> -> memref<16x16xf32, #tpu.memory_space<vmem>>
        tpu.wait_dma2 semaphore(%run_scoped3A : memref<!tpu.dma_semaphore, #tpu.memory_space<semaphore_mem>>) src(%dma_wait3A_414 : memref<16x16xf32, #tpu.memory_space<vmem>>) dst(%dma_wait3A_411 : memref<16x16xf32, #tpu.memory_space<vmem_shared>>)
        tpu.yield
      }) : () -> ()
    } else {
    }
    %dma_wait3A = arith.constant 0 : i32
    %dma_wait3A_103 = tpu.memref_slice %arg10[%add3A_24, %dma_wait3A] : memref<10000x16xf32, #tpu.memory_space<vmem_shared>> -> memref<48x16xf32, #tpu.memory_space<vmem_shared>>
    %dma_wait3A_104 = arith.constant 0 : i32
    %dma_wait3A_105 = tpu.memref_slice %arg10[%add3A_24, %dma_wait3A_104] : memref<10000x16xf32, #tpu.memory_space<vmem_shared>> -> memref<48x16xf32, #tpu.memory_space<vmem_shared>>
    tpu.wait_dma2 semaphore(%arg18 : memref<!tpu.dma_semaphore, #tpu.memory_space<semaphore_mem>>) src(%arg9 : memref<48x16xf32, #tpu.memory_space<vmem>>) dst(%dma_wait3A_105 : memref<48x16xf32, #tpu.memory_space<vmem_shared>>)
    %dma_wait3A_106 = arith.constant 0 : i32
    %dma_wait3A_107 = tpu.memref_slice %arg10[%add3A_26, %dma_wait3A_106] : memref<10000x16xf32, #tpu.memory_space<vmem_shared>> -> memref<48x16xf32, #tpu.memory_space<vmem_shared>>
    %dma_wait3A_108 = arith.constant 0 : i32
    %dma_wait3A_109 = tpu.memref_slice %arg10[%add3A_26, %dma_wait3A_108] : memref<10000x16xf32, #tpu.memory_space<vmem_shared>> -> memref<48x16xf32, #tpu.memory_space<vmem_shared>>
    tpu.wait_dma2 semaphore(%arg18 : memref<!tpu.dma_semaphore, #tpu.memory_space<semaphore_mem>>) src(%arg9 : memref<48x16xf32, #tpu.memory_space<vmem>>) dst(%dma_wait3A_109 : memref<48x16xf32, #tpu.memory_space<vmem_shared>>)
    %dma_wait3A_110 = arith.constant 0 : i32
    %dma_wait3A_111 = tpu.memref_slice %arg10[%add3A_28, %dma_wait3A_110] : memref<10000x16xf32, #tpu.memory_space<vmem_shared>> -> memref<48x16xf32, #tpu.memory_space<vmem_shared>>
    %dma_wait3A_112 = arith.constant 0 : i32
    %dma_wait3A_113 = tpu.memref_slice %arg10[%add3A_28, %dma_wait3A_112] : memref<10000x16xf32, #tpu.memory_space<vmem_shared>> -> memref<48x16xf32, #tpu.memory_space<vmem_shared>>
    tpu.wait_dma2 semaphore(%arg18 : memref<!tpu.dma_semaphore, #tpu.memory_space<semaphore_mem>>) src(%arg9 : memref<48x16xf32, #tpu.memory_space<vmem>>) dst(%dma_wait3A_113 : memref<48x16xf32, #tpu.memory_space<vmem_shared>>)
    %dma_wait3A_114 = arith.constant 0 : i32
    %dma_wait3A_115 = tpu.memref_slice %arg10[%add3A_30, %dma_wait3A_114] : memref<10000x16xf32, #tpu.memory_space<vmem_shared>> -> memref<48x16xf32, #tpu.memory_space<vmem_shared>>
    %dma_wait3A_116 = arith.constant 0 : i32
    %dma_wait3A_117 = tpu.memref_slice %arg10[%add3A_30, %dma_wait3A_116] : memref<10000x16xf32, #tpu.memory_space<vmem_shared>> -> memref<48x16xf32, #tpu.memory_space<vmem_shared>>
    tpu.wait_dma2 semaphore(%arg18 : memref<!tpu.dma_semaphore, #tpu.memory_space<semaphore_mem>>) src(%arg9 : memref<48x16xf32, #tpu.memory_space<vmem>>) dst(%dma_wait3A_117 : memref<48x16xf32, #tpu.memory_space<vmem_shared>>)
    %dma_wait3A_118 = arith.constant 0 : i32
    %dma_wait3A_119 = tpu.memref_slice %arg10[%add3A_32, %dma_wait3A_118] : memref<10000x16xf32, #tpu.memory_space<vmem_shared>> -> memref<48x16xf32, #tpu.memory_space<vmem_shared>>
    %dma_wait3A_120 = arith.constant 0 : i32
    %dma_wait3A_121 = tpu.memref_slice %arg10[%add3A_32, %dma_wait3A_120] : memref<10000x16xf32, #tpu.memory_space<vmem_shared>> -> memref<48x16xf32, #tpu.memory_space<vmem_shared>>
    tpu.wait_dma2 semaphore(%arg18 : memref<!tpu.dma_semaphore, #tpu.memory_space<semaphore_mem>>) src(%arg9 : memref<48x16xf32, #tpu.memory_space<vmem>>) dst(%dma_wait3A_121 : memref<48x16xf32, #tpu.memory_space<vmem_shared>>)
    %dma_wait3A_122 = arith.constant 0 : i32
    %dma_wait3A_123 = tpu.memref_slice %arg10[%add3A_34, %dma_wait3A_122] : memref<10000x16xf32, #tpu.memory_space<vmem_shared>> -> memref<48x16xf32, #tpu.memory_space<vmem_shared>>
    %dma_wait3A_124 = arith.constant 0 : i32
    %dma_wait3A_125 = tpu.memref_slice %arg10[%add3A_34, %dma_wait3A_124] : memref<10000x16xf32, #tpu.memory_space<vmem_shared>> -> memref<48x16xf32, #tpu.memory_space<vmem_shared>>
    tpu.wait_dma2 semaphore(%arg18 : memref<!tpu.dma_semaphore, #tpu.memory_space<semaphore_mem>>) src(%arg9 : memref<48x16xf32, #tpu.memory_space<vmem>>) dst(%dma_wait3A_125 : memref<48x16xf32, #tpu.memory_space<vmem_shared>>)
    %dma_wait3A_126 = arith.constant 0 : i32
    %dma_wait3A_127 = tpu.memref_slice %arg10[%add3A_36, %dma_wait3A_126] : memref<10000x16xf32, #tpu.memory_space<vmem_shared>> -> memref<48x16xf32, #tpu.memory_space<vmem_shared>>
    %dma_wait3A_128 = arith.constant 0 : i32
    %dma_wait3A_129 = tpu.memref_slice %arg10[%add3A_36, %dma_wait3A_128] : memref<10000x16xf32, #tpu.memory_space<vmem_shared>> -> memref<48x16xf32, #tpu.memory_space<vmem_shared>>
    tpu.wait_dma2 semaphore(%arg18 : memref<!tpu.dma_semaphore, #tpu.memory_space<semaphore_mem>>) src(%arg9 : memref<48x16xf32, #tpu.memory_space<vmem>>) dst(%dma_wait3A_129 : memref<48x16xf32, #tpu.memory_space<vmem_shared>>)
    %dma_wait3A_130 = arith.constant 0 : i32
    %dma_wait3A_131 = tpu.memref_slice %arg10[%add3A_38, %dma_wait3A_130] : memref<10000x16xf32, #tpu.memory_space<vmem_shared>> -> memref<48x16xf32, #tpu.memory_space<vmem_shared>>
    %dma_wait3A_132 = arith.constant 0 : i32
    %dma_wait3A_133 = tpu.memref_slice %arg10[%add3A_38, %dma_wait3A_132] : memref<10000x16xf32, #tpu.memory_space<vmem_shared>> -> memref<48x16xf32, #tpu.memory_space<vmem_shared>>
    tpu.wait_dma2 semaphore(%arg18 : memref<!tpu.dma_semaphore, #tpu.memory_space<semaphore_mem>>) src(%arg9 : memref<48x16xf32, #tpu.memory_space<vmem>>) dst(%dma_wait3A_133 : memref<48x16xf32, #tpu.memory_space<vmem_shared>>)
    %dma_wait3A_134 = arith.constant 0 : i32
    %dma_wait3A_135 = tpu.memref_slice %arg10[%add3A_40, %dma_wait3A_134] : memref<10000x16xf32, #tpu.memory_space<vmem_shared>> -> memref<48x16xf32, #tpu.memory_space<vmem_shared>>
    %dma_wait3A_136 = arith.constant 0 : i32
    %dma_wait3A_137 = tpu.memref_slice %arg10[%add3A_40, %dma_wait3A_136] : memref<10000x16xf32, #tpu.memory_space<vmem_shared>> -> memref<48x16xf32, #tpu.memory_space<vmem_shared>>
    tpu.wait_dma2 semaphore(%arg18 : memref<!tpu.dma_semaphore, #tpu.memory_space<semaphore_mem>>) src(%arg9 : memref<48x16xf32, #tpu.memory_space<vmem>>) dst(%dma_wait3A_137 : memref<48x16xf32, #tpu.memory_space<vmem_shared>>)
    %dma_wait3A_138 = arith.constant 0 : i32
    %dma_wait3A_139 = tpu.memref_slice %arg10[%add3A_42, %dma_wait3A_138] : memref<10000x16xf32, #tpu.memory_space<vmem_shared>> -> memref<48x16xf32, #tpu.memory_space<vmem_shared>>
    %dma_wait3A_140 = arith.constant 0 : i32
    %dma_wait3A_141 = tpu.memref_slice %arg10[%add3A_42, %dma_wait3A_140] : memref<10000x16xf32, #tpu.memory_space<vmem_shared>> -> memref<48x16xf32, #tpu.memory_space<vmem_shared>>
    tpu.wait_dma2 semaphore(%arg18 : memref<!tpu.dma_semaphore, #tpu.memory_space<semaphore_mem>>) src(%arg9 : memref<48x16xf32, #tpu.memory_space<vmem>>) dst(%dma_wait3A_141 : memref<48x16xf32, #tpu.memory_space<vmem_shared>>)
    %dma_wait3A_142 = arith.constant 0 : i32
    %dma_wait3A_143 = tpu.memref_slice %arg10[%add3A_44, %dma_wait3A_142] : memref<10000x16xf32, #tpu.memory_space<vmem_shared>> -> memref<48x16xf32, #tpu.memory_space<vmem_shared>>
    %dma_wait3A_144 = arith.constant 0 : i32
    %dma_wait3A_145 = tpu.memref_slice %arg10[%add3A_44, %dma_wait3A_144] : memref<10000x16xf32, #tpu.memory_space<vmem_shared>> -> memref<48x16xf32, #tpu.memory_space<vmem_shared>>
    tpu.wait_dma2 semaphore(%arg18 : memref<!tpu.dma_semaphore, #tpu.memory_space<semaphore_mem>>) src(%arg9 : memref<48x16xf32, #tpu.memory_space<vmem>>) dst(%dma_wait3A_145 : memref<48x16xf32, #tpu.memory_space<vmem_shared>>)
    %dma_wait3A_146 = arith.constant 0 : i32
    %dma_wait3A_147 = tpu.memref_slice %arg10[%add3A_46, %dma_wait3A_146] : memref<10000x16xf32, #tpu.memory_space<vmem_shared>> -> memref<48x16xf32, #tpu.memory_space<vmem_shared>>
    %dma_wait3A_148 = arith.constant 0 : i32
    %dma_wait3A_149 = tpu.memref_slice %arg10[%add3A_46, %dma_wait3A_148] : memref<10000x16xf32, #tpu.memory_space<vmem_shared>> -> memref<48x16xf32, #tpu.memory_space<vmem_shared>>
    tpu.wait_dma2 semaphore(%arg18 : memref<!tpu.dma_semaphore, #tpu.memory_space<semaphore_mem>>) src(%arg9 : memref<48x16xf32, #tpu.memory_space<vmem>>) dst(%dma_wait3A_149 : memref<48x16xf32, #tpu.memory_space<vmem_shared>>)
    %dma_wait3A_150 = arith.constant 0 : i32
    %dma_wait3A_151 = tpu.memref_slice %arg10[%add3A_48, %dma_wait3A_150] : memref<10000x16xf32, #tpu.memory_space<vmem_shared>> -> memref<48x16xf32, #tpu.memory_space<vmem_shared>>
    %dma_wait3A_152 = arith.constant 0 : i32
    %dma_wait3A_153 = tpu.memref_slice %arg10[%add3A_48, %dma_wait3A_152] : memref<10000x16xf32, #tpu.memory_space<vmem_shared>> -> memref<48x16xf32, #tpu.memory_space<vmem_shared>>
    tpu.wait_dma2 semaphore(%arg18 : memref<!tpu.dma_semaphore, #tpu.memory_space<semaphore_mem>>) src(%arg9 : memref<48x16xf32, #tpu.memory_space<vmem>>) dst(%dma_wait3A_153 : memref<48x16xf32, #tpu.memory_space<vmem_shared>>)
    %barrier3A = arith.constant 0 : index
    tpu.barrier barrier_id(%barrier3A)
    %mul3A_154 = arith.constant 128 : i32
    %mul3A_155 = arith.muli %mul3A_2, %mul3A_154 : i32
    %dma_wait3A_156 = tpu.memref_slice %arg2[%mul3A_155] : memref<320000xi32, #tpu.memory_space<hbm>> -> memref<128xi32, #tpu.memory_space<hbm>>
    %dma_wait3A_157 = tpu.memref_slice %arg2[%mul3A_155] : memref<320000xi32, #tpu.memory_space<hbm>> -> memref<128xi32, #tpu.memory_space<hbm>>
    tpu.wait_dma2 semaphore(%arg11 : memref<!tpu.dma_semaphore, #tpu.memory_space<semaphore_mem>>) src(%dma_wait3A_157 : memref<128xi32, #tpu.memory_space<hbm>>) dst(%arg4 : memref<128xi32, #tpu.memory_space<vmem>>)
    %dma_start3A_158 = arith.constant 0 : i32
    %dma_start3A_159 = arith.constant 0 : i32
    %dma_start3A_160 = tpu.memref_slice %arg10[%dma_start3A_158, %dma_start3A_159] : memref<10000x16xf32, #tpu.memory_space<vmem_shared>> -> memref<10000x16xf32, #tpu.memory_space<vmem_shared>>
    tpu.enqueue_indirect_dma source(%arg8 : memref<128x16xf32, #tpu.memory_space<vmem>>) target(%dma_start3A_160 : memref<10000x16xf32, #tpu.memory_space<vmem_shared>>) offsets(%arg4 : memref<128xi32, #tpu.memory_space<vmem>>) semaphore(%arg15 : memref<!tpu.dma_semaphore, #tpu.memory_space<semaphore_mem>>) {add = true}
    %add3A_161 = arith.constant 2 : i32
    %add3A_162 = arith.addi %mul3A_2, %add3A_161 : i32
    %add3A_163 = arith.constant 78 : i32
    %add3A_164 = arith.addi %mul3A_2, %add3A_163 : i32
    %lt3A = arith.cmpi slt, %add3A_162, %add3A_164 : i32
    %convert_element_type3A_165 = arith.extui %lt3A : i1 to i32
    %cond3A_166 = arith.constant 0 : i32
    %cond3A_167 = arith.cmpi ne, %convert_element_type3A_165, %cond3A_166 : i32
    scf.if %cond3A_167 {
      %add3A_391 = arith.constant 2 : i32
      %add3A_392 = arith.addi %mul3A_2, %add3A_391 : i32
      %mul3A_393 = arith.constant 128 : i32
      %mul3A_394 = arith.muli %add3A_392, %mul3A_393 : i32
      %dma_start3A_395 = tpu.memref_slice %arg2[%mul3A_394] : memref<320000xi32, #tpu.memory_space<hbm>> -> memref<128xi32, #tpu.memory_space<hbm>>
      %dma_start3A_396 = tpu.memref_slice %arg2[%mul3A_394] : memref<320000xi32, #tpu.memory_space<hbm>> -> memref<128xi32, #tpu.memory_space<hbm>>
      tpu.enqueue_dma source(%dma_start3A_396 : memref<128xi32, #tpu.memory_space<hbm>>) target(%arg6 : memref<128xi32, #tpu.memory_space<vmem>>) target_semaphore(%arg13 : memref<!tpu.dma_semaphore, #tpu.memory_space<semaphore_mem>>)
    } else {
    }
    %add3A_168 = arith.constant 1 : i32
    %add3A_169 = arith.addi %mul3A_2, %add3A_168 : i32
    %mul3A_170 = arith.constant 128 : i32
    %mul3A_171 = arith.muli %add3A_169, %mul3A_170 : i32
    %dma_wait3A_172 = tpu.memref_slice %arg2[%mul3A_171] : memref<320000xi32, #tpu.memory_space<hbm>> -> memref<128xi32, #tpu.memory_space<hbm>>
    %dma_wait3A_173 = tpu.memref_slice %arg2[%mul3A_171] : memref<320000xi32, #tpu.memory_space<hbm>> -> memref<128xi32, #tpu.memory_space<hbm>>
    tpu.wait_dma2 semaphore(%arg12 : memref<!tpu.dma_semaphore, #tpu.memory_space<semaphore_mem>>) src(%dma_wait3A_173 : memref<128xi32, #tpu.memory_space<hbm>>) dst(%arg5 : memref<128xi32, #tpu.memory_space<vmem>>)
    %dma_start3A_174 = arith.constant 0 : i32
    %dma_start3A_175 = arith.constant 0 : i32
    %dma_start3A_176 = tpu.memref_slice %arg10[%dma_start3A_174, %dma_start3A_175] : memref<10000x16xf32, #tpu.memory_space<vmem_shared>> -> memref<10000x16xf32, #tpu.memory_space<vmem_shared>>
    tpu.enqueue_indirect_dma source(%arg8 : memref<128x16xf32, #tpu.memory_space<vmem>>) target(%dma_start3A_176 : memref<10000x16xf32, #tpu.memory_space<vmem_shared>>) offsets(%arg5 : memref<128xi32, #tpu.memory_space<vmem>>) semaphore(%arg16 : memref<!tpu.dma_semaphore, #tpu.memory_space<semaphore_mem>>) {add = true}
    %add3A_177 = arith.constant 2 : i32
    %add3A_178 = arith.addi %add3A_169, %add3A_177 : i32
    %add3A_179 = arith.constant 78 : i32
    %add3A_180 = arith.addi %mul3A_2, %add3A_179 : i32
    %lt3A_181 = arith.cmpi slt, %add3A_178, %add3A_180 : i32
    %convert_element_type3A_182 = arith.extui %lt3A_181 : i1 to i32
    %cond3A_183 = arith.constant 0 : i32
    %cond3A_184 = arith.cmpi ne, %convert_element_type3A_182, %cond3A_183 : i32
    scf.if %cond3A_184 {
      %add3A_391 = arith.constant 2 : i32
      %add3A_392 = arith.addi %add3A_169, %add3A_391 : i32
      %mul3A_393 = arith.constant 128 : i32
      %mul3A_394 = arith.muli %add3A_392, %mul3A_393 : i32
      %dma_start3A_395 = tpu.memref_slice %arg2[%mul3A_394] : memref<320000xi32, #tpu.memory_space<hbm>> -> memref<128xi32, #tpu.memory_space<hbm>>
      %dma_start3A_396 = tpu.memref_slice %arg2[%mul3A_394] : memref<320000xi32, #tpu.memory_space<hbm>> -> memref<128xi32, #tpu.memory_space<hbm>>
      tpu.enqueue_dma source(%dma_start3A_396 : memref<128xi32, #tpu.memory_space<hbm>>) target(%arg7 : memref<128xi32, #tpu.memory_space<vmem>>) target_semaphore(%arg14 : memref<!tpu.dma_semaphore, #tpu.memory_space<semaphore_mem>>)
    } else {
    }
    %scan3A_185 = arith.constant 0 : i32
    %scan3A_186 = arith.constant 19 : i32
    %scan3A_187 = arith.addi %scan3A_185, %scan3A_186 : i32
    %scan3A_188 = arith.constant 1 : i32
    scf.for %scan3A_391 = %scan3A_185 to %scan3A_187 step %scan3A_188  : i32 {
      %mul3A_392 = arith.constant 1 : i32
      %mul3A_393 = arith.muli %scan3A_391, %mul3A_392 : i32
      %add3A_394 = arith.constant 0 : i32
      %add3A_395 = arith.addi %add3A_394, %mul3A_393 : i32
      %add3A_396 = arith.constant 2 : i32
      %add3A_397 = arith.addi %mul3A_2, %add3A_396 : i32
      %mul3A_398 = arith.constant 4 : i32
      %mul3A_399 = arith.muli %add3A_395, %mul3A_398 : i32
      %add3A_400 = arith.addi %add3A_397, %mul3A_399 : i32
      %mul3A_401 = arith.constant 128 : i32
      %mul3A_402 = arith.muli %add3A_400, %mul3A_401 : i32
      %dma_wait3A_403 = tpu.memref_slice %arg2[%mul3A_402] : memref<320000xi32, #tpu.memory_space<hbm>> -> memref<128xi32, #tpu.memory_space<hbm>>
      %dma_wait3A_404 = tpu.memref_slice %arg2[%mul3A_402] : memref<320000xi32, #tpu.memory_space<hbm>> -> memref<128xi32, #tpu.memory_space<hbm>>
      tpu.wait_dma2 semaphore(%arg13 : memref<!tpu.dma_semaphore, #tpu.memory_space<semaphore_mem>>) src(%dma_wait3A_404 : memref<128xi32, #tpu.memory_space<hbm>>) dst(%arg6 : memref<128xi32, #tpu.memory_space<vmem>>)
      %dma_start3A_405 = arith.constant 0 : i32
      %dma_start3A_406 = arith.constant 0 : i32
      %dma_start3A_407 = tpu.memref_slice %arg10[%dma_start3A_405, %dma_start3A_406] : memref<10000x16xf32, #tpu.memory_space<vmem_shared>> -> memref<10000x16xf32, #tpu.memory_space<vmem_shared>>
      tpu.enqueue_indirect_dma source(%arg8 : memref<128x16xf32, #tpu.memory_space<vmem>>) target(%dma_start3A_407 : memref<10000x16xf32, #tpu.memory_space<vmem_shared>>) offsets(%arg6 : memref<128xi32, #tpu.memory_space<vmem>>) semaphore(%arg17 : memref<!tpu.dma_semaphore, #tpu.memory_space<semaphore_mem>>) {add = true}
      %dma_wait3A_408 = arith.constant 0 : i32
      %dma_wait3A_409 = arith.constant 0 : i32
      %dma_wait3A_410 = tpu.memref_slice %arg10[%dma_wait3A_408, %dma_wait3A_409] : memref<10000x16xf32, #tpu.memory_space<vmem_shared>> -> memref<10000x16xf32, #tpu.memory_space<vmem_shared>>
      tpu.wait_indirect_dma semaphore(%arg15 : memref<!tpu.dma_semaphore, #tpu.memory_space<semaphore_mem>>) src(%arg8 : memref<128x16xf32, #tpu.memory_space<vmem>>) dst(%dma_wait3A_410 : memref<10000x16xf32, #tpu.memory_space<vmem_shared>>)
      %add3A_411 = arith.constant 2 : i32
      %add3A_412 = arith.addi %add3A_400, %add3A_411 : i32
      %add3A_413 = arith.constant 78 : i32
      %add3A_414 = arith.addi %mul3A_2, %add3A_413 : i32
      %lt3A_415 = arith.cmpi slt, %add3A_412, %add3A_414 : i32
      %convert_element_type3A_416 = arith.extui %lt3A_415 : i1 to i32
      %cond3A_417 = arith.constant 0 : i32
      %cond3A_418 = arith.cmpi ne, %convert_element_type3A_416, %cond3A_417 : i32
      scf.if %cond3A_418 {
        %add3A_479 = arith.constant 2 : i32
        %add3A_480 = arith.addi %add3A_400, %add3A_479 : i32
        %mul3A_481 = arith.constant 128 : i32
        %mul3A_482 = arith.muli %add3A_480, %mul3A_481 : i32
        %dma_start3A_483 = tpu.memref_slice %arg2[%mul3A_482] : memref<320000xi32, #tpu.memory_space<hbm>> -> memref<128xi32, #tpu.memory_space<hbm>>
        %dma_start3A_484 = tpu.memref_slice %arg2[%mul3A_482] : memref<320000xi32, #tpu.memory_space<hbm>> -> memref<128xi32, #tpu.memory_space<hbm>>
        tpu.enqueue_dma source(%dma_start3A_484 : memref<128xi32, #tpu.memory_space<hbm>>) target(%arg4 : memref<128xi32, #tpu.memory_space<vmem>>) target_semaphore(%arg11 : memref<!tpu.dma_semaphore, #tpu.memory_space<semaphore_mem>>)
      } else {
      }
      %add3A_419 = arith.constant 1 : i32
      %add3A_420 = arith.addi %add3A_400, %add3A_419 : i32
      %mul3A_421 = arith.constant 128 : i32
      %mul3A_422 = arith.muli %add3A_420, %mul3A_421 : i32
      %dma_wait3A_423 = tpu.memref_slice %arg2[%mul3A_422] : memref<320000xi32, #tpu.memory_space<hbm>> -> memref<128xi32, #tpu.memory_space<hbm>>
      %dma_wait3A_424 = tpu.memref_slice %arg2[%mul3A_422] : memref<320000xi32, #tpu.memory_space<hbm>> -> memref<128xi32, #tpu.memory_space<hbm>>
      tpu.wait_dma2 semaphore(%arg14 : memref<!tpu.dma_semaphore, #tpu.memory_space<semaphore_mem>>) src(%dma_wait3A_424 : memref<128xi32, #tpu.memory_space<hbm>>) dst(%arg7 : memref<128xi32, #tpu.memory_space<vmem>>)
      %dma_start3A_425 = arith.constant 0 : i32
      %dma_start3A_426 = arith.constant 0 : i32
      %dma_start3A_427 = tpu.memref_slice %arg10[%dma_start3A_425, %dma_start3A_426] : memref<10000x16xf32, #tpu.memory_space<vmem_shared>> -> memref<10000x16xf32, #tpu.memory_space<vmem_shared>>
      tpu.enqueue_indirect_dma source(%arg8 : memref<128x16xf32, #tpu.memory_space<vmem>>) target(%dma_start3A_427 : memref<10000x16xf32, #tpu.memory_space<vmem_shared>>) offsets(%arg7 : memref<128xi32, #tpu.memory_space<vmem>>) semaphore(%arg18 : memref<!tpu.dma_semaphore, #tpu.memory_space<semaphore_mem>>) {add = true}
      %dma_wait3A_428 = arith.constant 0 : i32
      %dma_wait3A_429 = arith.constant 0 : i32
      %dma_wait3A_430 = tpu.memref_slice %arg10[%dma_wait3A_428, %dma_wait3A_429] : memref<10000x16xf32, #tpu.memory_space<vmem_shared>> -> memref<10000x16xf32, #tpu.memory_space<vmem_shared>>
      tpu.wait_indirect_dma semaphore(%arg16 : memref<!tpu.dma_semaphore, #tpu.memory_space<semaphore_mem>>) src(%arg8 : memref<128x16xf32, #tpu.memory_space<vmem>>) dst(%dma_wait3A_430 : memref<10000x16xf32, #tpu.memory_space<vmem_shared>>)
      %add3A_431 = arith.constant 2 : i32
      %add3A_432 = arith.addi %add3A_420, %add3A_431 : i32
      %add3A_433 = arith.constant 78 : i32
      %add3A_434 = arith.addi %mul3A_2, %add3A_433 : i32
      %lt3A_435 = arith.cmpi slt, %add3A_432, %add3A_434 : i32
      %convert_element_type3A_436 = arith.extui %lt3A_435 : i1 to i32
      %cond3A_437 = arith.constant 0 : i32
      %cond3A_438 = arith.cmpi ne, %convert_element_type3A_436, %cond3A_437 : i32
      scf.if %cond3A_438 {
        %add3A_479 = arith.constant 2 : i32
        %add3A_480 = arith.addi %add3A_420, %add3A_479 : i32
        %mul3A_481 = arith.constant 128 : i32
        %mul3A_482 = arith.muli %add3A_480, %mul3A_481 : i32
        %dma_start3A_483 = tpu.memref_slice %arg2[%mul3A_482] : memref<320000xi32, #tpu.memory_space<hbm>> -> memref<128xi32, #tpu.memory_space<hbm>>
        %dma_start3A_484 = tpu.memref_slice %arg2[%mul3A_482] : memref<320000xi32, #tpu.memory_space<hbm>> -> memref<128xi32, #tpu.memory_space<hbm>>
        tpu.enqueue_dma source(%dma_start3A_484 : memref<128xi32, #tpu.memory_space<hbm>>) target(%arg5 : memref<128xi32, #tpu.memory_space<vmem>>) target_semaphore(%arg12 : memref<!tpu.dma_semaphore, #tpu.memory_space<semaphore_mem>>)
      } else {
      }
      %add3A_439 = arith.constant 2 : i32
      %add3A_440 = arith.addi %add3A_400, %add3A_439 : i32
      %mul3A_441 = arith.constant 128 : i32
      %mul3A_442 = arith.muli %add3A_440, %mul3A_441 : i32
      %dma_wait3A_443 = tpu.memref_slice %arg2[%mul3A_442] : memref<320000xi32, #tpu.memory_space<hbm>> -> memref<128xi32, #tpu.memory_space<hbm>>
      %dma_wait3A_444 = tpu.memref_slice %arg2[%mul3A_442] : memref<320000xi32, #tpu.memory_space<hbm>> -> memref<128xi32, #tpu.memory_space<hbm>>
      tpu.wait_dma2 semaphore(%arg11 : memref<!tpu.dma_semaphore, #tpu.memory_space<semaphore_mem>>) src(%dma_wait3A_444 : memref<128xi32, #tpu.memory_space<hbm>>) dst(%arg4 : memref<128xi32, #tpu.memory_space<vmem>>)
      %dma_start3A_445 = arith.constant 0 : i32
      %dma_start3A_446 = arith.constant 0 : i32
      %dma_start3A_447 = tpu.memref_slice %arg10[%dma_start3A_445, %dma_start3A_446] : memref<10000x16xf32, #tpu.memory_space<vmem_shared>> -> memref<10000x16xf32, #tpu.memory_space<vmem_shared>>
      tpu.enqueue_indirect_dma source(%arg8 : memref<128x16xf32, #tpu.memory_space<vmem>>) target(%dma_start3A_447 : memref<10000x16xf32, #tpu.memory_space<vmem_shared>>) offsets(%arg4 : memref<128xi32, #tpu.memory_space<vmem>>) semaphore(%arg15 : memref<!tpu.dma_semaphore, #tpu.memory_space<semaphore_mem>>) {add = true}
      %dma_wait3A_448 = arith.constant 0 : i32
      %dma_wait3A_449 = arith.constant 0 : i32
      %dma_wait3A_450 = tpu.memref_slice %arg10[%dma_wait3A_448, %dma_wait3A_449] : memref<10000x16xf32, #tpu.memory_space<vmem_shared>> -> memref<10000x16xf32, #tpu.memory_space<vmem_shared>>
      tpu.wait_indirect_dma semaphore(%arg17 : memref<!tpu.dma_semaphore, #tpu.memory_space<semaphore_mem>>) src(%arg8 : memref<128x16xf32, #tpu.memory_space<vmem>>) dst(%dma_wait3A_450 : memref<10000x16xf32, #tpu.memory_space<vmem_shared>>)
      %add3A_451 = arith.constant 2 : i32
      %add3A_452 = arith.addi %add3A_440, %add3A_451 : i32
      %add3A_453 = arith.constant 78 : i32
      %add3A_454 = arith.addi %mul3A_2, %add3A_453 : i32
      %lt3A_455 = arith.cmpi slt, %add3A_452, %add3A_454 : i32
      %convert_element_type3A_456 = arith.extui %lt3A_455 : i1 to i32
      %cond3A_457 = arith.constant 0 : i32
      %cond3A_458 = arith.cmpi ne, %convert_element_type3A_456, %cond3A_457 : i32
      scf.if %cond3A_458 {
        %add3A_479 = arith.constant 2 : i32
        %add3A_480 = arith.addi %add3A_440, %add3A_479 : i32
        %mul3A_481 = arith.constant 128 : i32
        %mul3A_482 = arith.muli %add3A_480, %mul3A_481 : i32
        %dma_start3A_483 = tpu.memref_slice %arg2[%mul3A_482] : memref<320000xi32, #tpu.memory_space<hbm>> -> memref<128xi32, #tpu.memory_space<hbm>>
        %dma_start3A_484 = tpu.memref_slice %arg2[%mul3A_482] : memref<320000xi32, #tpu.memory_space<hbm>> -> memref<128xi32, #tpu.memory_space<hbm>>
        tpu.enqueue_dma source(%dma_start3A_484 : memref<128xi32, #tpu.memory_space<hbm>>) target(%arg6 : memref<128xi32, #tpu.memory_space<vmem>>) target_semaphore(%arg13 : memref<!tpu.dma_semaphore, #tpu.memory_space<semaphore_mem>>)
      } else {
      }
      %add3A_459 = arith.constant 3 : i32
      %add3A_460 = arith.addi %add3A_400, %add3A_459 : i32
      %mul3A_461 = arith.constant 128 : i32
      %mul3A_462 = arith.muli %add3A_460, %mul3A_461 : i32
      %dma_wait3A_463 = tpu.memref_slice %arg2[%mul3A_462] : memref<320000xi32, #tpu.memory_space<hbm>> -> memref<128xi32, #tpu.memory_space<hbm>>
      %dma_wait3A_464 = tpu.memref_slice %arg2[%mul3A_462] : memref<320000xi32, #tpu.memory_space<hbm>> -> memref<128xi32, #tpu.memory_space<hbm>>
      tpu.wait_dma2 semaphore(%arg12 : memref<!tpu.dma_semaphore, #tpu.memory_space<semaphore_mem>>) src(%dma_wait3A_464 : memref<128xi32, #tpu.memory_space<hbm>>) dst(%arg5 : memref<128xi32, #tpu.memory_space<vmem>>)
      %dma_start3A_465 = arith.constant 0 : i32
      %dma_start3A_466 = arith.constant 0 : i32
      %dma_start3A_467 = tpu.memref_slice %arg10[%dma_start3A_465, %dma_start3A_466] : memref<10000x16xf32, #tpu.memory_space<vmem_shared>> -> memref<10000x16xf32, #tpu.memory_space<vmem_shared>>
      tpu.enqueue_indirect_dma source(%arg8 : memref<128x16xf32, #tpu.memory_space<vmem>>) target(%dma_start3A_467 : memref<10000x16xf32, #tpu.memory_space<vmem_shared>>) offsets(%arg5 : memref<128xi32, #tpu.memory_space<vmem>>) semaphore(%arg16 : memref<!tpu.dma_semaphore, #tpu.memory_space<semaphore_mem>>) {add = true}
      %dma_wait3A_468 = arith.constant 0 : i32
      %dma_wait3A_469 = arith.constant 0 : i32
      %dma_wait3A_470 = tpu.memref_slice %arg10[%dma_wait3A_468, %dma_wait3A_469] : memref<10000x16xf32, #tpu.memory_space<vmem_shared>> -> memref<10000x16xf32, #tpu.memory_space<vmem_shared>>
      tpu.wait_indirect_dma semaphore(%arg18 : memref<!tpu.dma_semaphore, #tpu.memory_space<semaphore_mem>>) src(%arg8 : memref<128x16xf32, #tpu.memory_space<vmem>>) dst(%dma_wait3A_470 : memref<10000x16xf32, #tpu.memory_space<vmem_shared>>)
      %add3A_471 = arith.constant 2 : i32
      %add3A_472 = arith.addi %add3A_460, %add3A_471 : i32
      %add3A_473 = arith.constant 78 : i32
      %add3A_474 = arith.addi %mul3A_2, %add3A_473 : i32
      %lt3A_475 = arith.cmpi slt, %add3A_472, %add3A_474 : i32
      %convert_element_type3A_476 = arith.extui %lt3A_475 : i1 to i32
      %cond3A_477 = arith.constant 0 : i32
      %cond3A_478 = arith.cmpi ne, %convert_element_type3A_476, %cond3A_477 : i32
      scf.if %cond3A_478 {
        %add3A_479 = arith.constant 2 : i32
        %add3A_480 = arith.addi %add3A_460, %add3A_479 : i32
        %mul3A_481 = arith.constant 128 : i32
        %mul3A_482 = arith.muli %add3A_480, %mul3A_481 : i32
        %dma_start3A_483 = tpu.memref_slice %arg2[%mul3A_482] : memref<320000xi32, #tpu.memory_space<hbm>> -> memref<128xi32, #tpu.memory_space<hbm>>
        %dma_start3A_484 = tpu.memref_slice %arg2[%mul3A_482] : memref<320000xi32, #tpu.memory_space<hbm>> -> memref<128xi32, #tpu.memory_space<hbm>>
        tpu.enqueue_dma source(%dma_start3A_484 : memref<128xi32, #tpu.memory_space<hbm>>) target(%arg7 : memref<128xi32, #tpu.memory_space<vmem>>) target_semaphore(%arg14 : memref<!tpu.dma_semaphore, #tpu.memory_space<semaphore_mem>>)
      } else {
      }
    }
    %scan3A_189 = arith.constant 19 : i32
    %dma_wait3A_190 = arith.constant 0 : i32
    %dma_wait3A_191 = arith.constant 0 : i32
    %dma_wait3A_192 = tpu.memref_slice %arg10[%dma_wait3A_190, %dma_wait3A_191] : memref<10000x16xf32, #tpu.memory_space<vmem_shared>> -> memref<10000x16xf32, #tpu.memory_space<vmem_shared>>
    tpu.wait_indirect_dma semaphore(%arg15 : memref<!tpu.dma_semaphore, #tpu.memory_space<semaphore_mem>>) src(%arg8 : memref<128x16xf32, #tpu.memory_space<vmem>>) dst(%dma_wait3A_192 : memref<10000x16xf32, #tpu.memory_space<vmem_shared>>)
    %dma_wait3A_193 = arith.constant 0 : i32
    %dma_wait3A_194 = arith.constant 0 : i32
    %dma_wait3A_195 = tpu.memref_slice %arg10[%dma_wait3A_193, %dma_wait3A_194] : memref<10000x16xf32, #tpu.memory_space<vmem_shared>> -> memref<10000x16xf32, #tpu.memory_space<vmem_shared>>
    tpu.wait_indirect_dma semaphore(%arg16 : memref<!tpu.dma_semaphore, #tpu.memory_space<semaphore_mem>>) src(%arg8 : memref<128x16xf32, #tpu.memory_space<vmem>>) dst(%dma_wait3A_195 : memref<10000x16xf32, #tpu.memory_space<vmem_shared>>)
    %lt3A_196 = arith.constant 4 : i32
    %lt3A_197 = arith.cmpi slt, %add3A, %lt3A_196 : i32
    %convert_element_type3A_198 = arith.extui %lt3A_197 : i1 to i32
    %cond3A_199 = arith.constant 0 : i32
    %cond3A_200 = arith.cmpi ne, %convert_element_type3A_198, %cond3A_199 : i32
    scf.if %cond3A_200 {
      %add3A_391 = arith.constant 2496 : i32
      %add3A_392 = arith.addi %add3A_391, %add3A : i32
      %mul3A_393 = arith.constant 128 : i32
      %mul3A_394 = arith.muli %add3A_392, %mul3A_393 : i32
      %dma_start3A_395 = tpu.memref_slice %arg2[%mul3A_394] : memref<320000xi32, #tpu.memory_space<hbm>> -> memref<128xi32, #tpu.memory_space<hbm>>
      %dma_start3A_396 = tpu.memref_slice %arg2[%mul3A_394] : memref<320000xi32, #tpu.memory_space<hbm>> -> memref<128xi32, #tpu.memory_space<hbm>>
      tpu.enqueue_dma source(%dma_start3A_396 : memref<128xi32, #tpu.memory_space<hbm>>) target(%arg4 : memref<128xi32, #tpu.memory_space<vmem>>) target_semaphore(%arg11 : memref<!tpu.dma_semaphore, #tpu.memory_space<semaphore_mem>>)
      %mul3A_397 = arith.constant 128 : i32
      %mul3A_398 = arith.muli %add3A_392, %mul3A_397 : i32
      %dma_wait3A_399 = tpu.memref_slice %arg2[%mul3A_398] : memref<320000xi32, #tpu.memory_space<hbm>> -> memref<128xi32, #tpu.memory_space<hbm>>
      %dma_wait3A_400 = tpu.memref_slice %arg2[%mul3A_398] : memref<320000xi32, #tpu.memory_space<hbm>> -> memref<128xi32, #tpu.memory_space<hbm>>
      tpu.wait_dma2 semaphore(%arg11 : memref<!tpu.dma_semaphore, #tpu.memory_space<semaphore_mem>>) src(%dma_wait3A_400 : memref<128xi32, #tpu.memory_space<hbm>>) dst(%arg4 : memref<128xi32, #tpu.memory_space<vmem>>)
      %dma_start3A_401 = arith.constant 0 : i32
      %dma_start3A_402 = arith.constant 0 : i32
      %dma_start3A_403 = tpu.memref_slice %arg10[%dma_start3A_401, %dma_start3A_402] : memref<10000x16xf32, #tpu.memory_space<vmem_shared>> -> memref<10000x16xf32, #tpu.memory_space<vmem_shared>>
      tpu.enqueue_indirect_dma source(%arg8 : memref<128x16xf32, #tpu.memory_space<vmem>>) target(%dma_start3A_403 : memref<10000x16xf32, #tpu.memory_space<vmem_shared>>) offsets(%arg4 : memref<128xi32, #tpu.memory_space<vmem>>) semaphore(%arg15 : memref<!tpu.dma_semaphore, #tpu.memory_space<semaphore_mem>>) {add = true}
      %dma_wait3A_404 = arith.constant 0 : i32
      %dma_wait3A_405 = arith.constant 0 : i32
      %dma_wait3A_406 = tpu.memref_slice %arg10[%dma_wait3A_404, %dma_wait3A_405] : memref<10000x16xf32, #tpu.memory_space<vmem_shared>> -> memref<10000x16xf32, #tpu.memory_space<vmem_shared>>
      tpu.wait_indirect_dma semaphore(%arg15 : memref<!tpu.dma_semaphore, #tpu.memory_space<semaphore_mem>>) src(%arg8 : memref<128x16xf32, #tpu.memory_space<vmem>>) dst(%dma_wait3A_406 : memref<10000x16xf32, #tpu.memory_space<vmem_shared>>)
    } else {
    }
    %barrier3A_201 = arith.constant 0 : index
    tpu.barrier barrier_id(%barrier3A_201)
    %mul3A_202 = arith.constant 624 : i32
    %mul3A_203 = arith.muli %arg1, %mul3A_202 : i32
    %add3A_204 = arith.constant 0 : i32
    %add3A_205 = arith.addi %mul3A_203, %add3A_204 : i32
    %add3A_206 = arith.constant 0 : i32
    %add3A_207 = arith.addi %mul3A_203, %add3A_206 : i32
    %add3A_208 = arith.constant 48 : i32
    %add3A_209 = arith.addi %mul3A_203, %add3A_208 : i32
    %add3A_210 = arith.constant 48 : i32
    %add3A_211 = arith.addi %mul3A_203, %add3A_210 : i32
    %add3A_212 = arith.constant 96 : i32
    %add3A_213 = arith.addi %mul3A_203, %add3A_212 : i32
    %add3A_214 = arith.constant 96 : i32
    %add3A_215 = arith.addi %mul3A_203, %add3A_214 : i32
    %add3A_216 = arith.constant 144 : i32
    %add3A_217 = arith.addi %mul3A_203, %add3A_216 : i32
    %add3A_218 = arith.constant 144 : i32
    %add3A_219 = arith.addi %mul3A_203, %add3A_218 : i32
    %add3A_220 = arith.constant 192 : i32
    %add3A_221 = arith.addi %mul3A_203, %add3A_220 : i32
    %add3A_222 = arith.constant 192 : i32
    %add3A_223 = arith.addi %mul3A_203, %add3A_222 : i32
    %add3A_224 = arith.constant 240 : i32
    %add3A_225 = arith.addi %mul3A_203, %add3A_224 : i32
    %add3A_226 = arith.constant 240 : i32
    %add3A_227 = arith.addi %mul3A_203, %add3A_226 : i32
    %add3A_228 = arith.constant 288 : i32
    %add3A_229 = arith.addi %mul3A_203, %add3A_228 : i32
    %add3A_230 = arith.constant 288 : i32
    %add3A_231 = arith.addi %mul3A_203, %add3A_230 : i32
    %add3A_232 = arith.constant 336 : i32
    %add3A_233 = arith.addi %mul3A_203, %add3A_232 : i32
    %add3A_234 = arith.constant 336 : i32
    %add3A_235 = arith.addi %mul3A_203, %add3A_234 : i32
    %add3A_236 = arith.constant 384 : i32
    %add3A_237 = arith.addi %mul3A_203, %add3A_236 : i32
    %add3A_238 = arith.constant 384 : i32
    %add3A_239 = arith.addi %mul3A_203, %add3A_238 : i32
    %add3A_240 = arith.constant 432 : i32
    %add3A_241 = arith.addi %mul3A_203, %add3A_240 : i32
    %add3A_242 = arith.constant 432 : i32
    %add3A_243 = arith.addi %mul3A_203, %add3A_242 : i32
    %add3A_244 = arith.constant 480 : i32
    %add3A_245 = arith.addi %mul3A_203, %add3A_244 : i32
    %add3A_246 = arith.constant 480 : i32
    %add3A_247 = arith.addi %mul3A_203, %add3A_246 : i32
    %add3A_248 = arith.constant 528 : i32
    %add3A_249 = arith.addi %mul3A_203, %add3A_248 : i32
    %add3A_250 = arith.constant 528 : i32
    %add3A_251 = arith.addi %mul3A_203, %add3A_250 : i32
    %add3A_252 = arith.constant 576 : i32
    %add3A_253 = arith.addi %mul3A_203, %add3A_252 : i32
    %add3A_254 = arith.constant 576 : i32
    %add3A_255 = arith.addi %mul3A_203, %add3A_254 : i32
    %dma_start3A_256 = arith.constant 0 : i32
    %dma_start3A_257 = tpu.memref_slice %arg3[%arg0, %add3A_207, %dma_start3A_256] : memref<2x10000x16xf32, #tpu.memory_space<hbm>> -> memref<1x48x16xf32, #tpu.memory_space<hbm>>
    %dma_start3A_258 = tpu.memref_squeeze %dma_start3A_257 : memref<1x48x16xf32, #tpu.memory_space<hbm>> -> memref<48x16xf32, #tpu.memory_space<hbm>>
    %dma_start3A_259 = arith.constant 0 : i32
    %dma_start3A_260 = tpu.memref_slice %arg10[%add3A_205, %dma_start3A_259] : memref<10000x16xf32, #tpu.memory_space<vmem_shared>> -> memref<48x16xf32, #tpu.memory_space<vmem_shared>>
    tpu.enqueue_dma source(%dma_start3A_260 : memref<48x16xf32, #tpu.memory_space<vmem_shared>>) target(%dma_start3A_258 : memref<48x16xf32, #tpu.memory_space<hbm>>) target_semaphore(%arg18 : memref<!tpu.dma_semaphore, #tpu.memory_space<semaphore_mem>>)
    %dma_start3A_261 = arith.constant 0 : i32
    %dma_start3A_262 = tpu.memref_slice %arg3[%arg0, %add3A_211, %dma_start3A_261] : memref<2x10000x16xf32, #tpu.memory_space<hbm>> -> memref<1x48x16xf32, #tpu.memory_space<hbm>>
    %dma_start3A_263 = tpu.memref_squeeze %dma_start3A_262 : memref<1x48x16xf32, #tpu.memory_space<hbm>> -> memref<48x16xf32, #tpu.memory_space<hbm>>
    %dma_start3A_264 = arith.constant 0 : i32
    %dma_start3A_265 = tpu.memref_slice %arg10[%add3A_209, %dma_start3A_264] : memref<10000x16xf32, #tpu.memory_space<vmem_shared>> -> memref<48x16xf32, #tpu.memory_space<vmem_shared>>
    tpu.enqueue_dma source(%dma_start3A_265 : memref<48x16xf32, #tpu.memory_space<vmem_shared>>) target(%dma_start3A_263 : memref<48x16xf32, #tpu.memory_space<hbm>>) target_semaphore(%arg18 : memref<!tpu.dma_semaphore, #tpu.memory_space<semaphore_mem>>)
    %dma_start3A_266 = arith.constant 0 : i32
    %dma_start3A_267 = tpu.memref_slice %arg3[%arg0, %add3A_215, %dma_start3A_266] : memref<2x10000x16xf32, #tpu.memory_space<hbm>> -> memref<1x48x16xf32, #tpu.memory_space<hbm>>
    %dma_start3A_268 = tpu.memref_squeeze %dma_start3A_267 : memref<1x48x16xf32, #tpu.memory_space<hbm>> -> memref<48x16xf32, #tpu.memory_space<hbm>>
    %dma_start3A_269 = arith.constant 0 : i32
    %dma_start3A_270 = tpu.memref_slice %arg10[%add3A_213, %dma_start3A_269] : memref<10000x16xf32, #tpu.memory_space<vmem_shared>> -> memref<48x16xf32, #tpu.memory_space<vmem_shared>>
    tpu.enqueue_dma source(%dma_start3A_270 : memref<48x16xf32, #tpu.memory_space<vmem_shared>>) target(%dma_start3A_268 : memref<48x16xf32, #tpu.memory_space<hbm>>) target_semaphore(%arg18 : memref<!tpu.dma_semaphore, #tpu.memory_space<semaphore_mem>>)
    %dma_start3A_271 = arith.constant 0 : i32
    %dma_start3A_272 = tpu.memref_slice %arg3[%arg0, %add3A_219, %dma_start3A_271] : memref<2x10000x16xf32, #tpu.memory_space<hbm>> -> memref<1x48x16xf32, #tpu.memory_space<hbm>>
    %dma_start3A_273 = tpu.memref_squeeze %dma_start3A_272 : memref<1x48x16xf32, #tpu.memory_space<hbm>> -> memref<48x16xf32, #tpu.memory_space<hbm>>
    %dma_start3A_274 = arith.constant 0 : i32
    %dma_start3A_275 = tpu.memref_slice %arg10[%add3A_217, %dma_start3A_274] : memref<10000x16xf32, #tpu.memory_space<vmem_shared>> -> memref<48x16xf32, #tpu.memory_space<vmem_shared>>
    tpu.enqueue_dma source(%dma_start3A_275 : memref<48x16xf32, #tpu.memory_space<vmem_shared>>) target(%dma_start3A_273 : memref<48x16xf32, #tpu.memory_space<hbm>>) target_semaphore(%arg18 : memref<!tpu.dma_semaphore, #tpu.memory_space<semaphore_mem>>)
    %dma_start3A_276 = arith.constant 0 : i32
    %dma_start3A_277 = tpu.memref_slice %arg3[%arg0, %add3A_223, %dma_start3A_276] : memref<2x10000x16xf32, #tpu.memory_space<hbm>> -> memref<1x48x16xf32, #tpu.memory_space<hbm>>
    %dma_start3A_278 = tpu.memref_squeeze %dma_start3A_277 : memref<1x48x16xf32, #tpu.memory_space<hbm>> -> memref<48x16xf32, #tpu.memory_space<hbm>>
    %dma_start3A_279 = arith.constant 0 : i32
    %dma_start3A_280 = tpu.memref_slice %arg10[%add3A_221, %dma_start3A_279] : memref<10000x16xf32, #tpu.memory_space<vmem_shared>> -> memref<48x16xf32, #tpu.memory_space<vmem_shared>>
    tpu.enqueue_dma source(%dma_start3A_280 : memref<48x16xf32, #tpu.memory_space<vmem_shared>>) target(%dma_start3A_278 : memref<48x16xf32, #tpu.memory_space<hbm>>) target_semaphore(%arg18 : memref<!tpu.dma_semaphore, #tpu.memory_space<semaphore_mem>>)
    %dma_start3A_281 = arith.constant 0 : i32
    %dma_start3A_282 = tpu.memref_slice %arg3[%arg0, %add3A_227, %dma_start3A_281] : memref<2x10000x16xf32, #tpu.memory_space<hbm>> -> memref<1x48x16xf32, #tpu.memory_space<hbm>>
    %dma_start3A_283 = tpu.memref_squeeze %dma_start3A_282 : memref<1x48x16xf32, #tpu.memory_space<hbm>> -> memref<48x16xf32, #tpu.memory_space<hbm>>
    %dma_start3A_284 = arith.constant 0 : i32
    %dma_start3A_285 = tpu.memref_slice %arg10[%add3A_225, %dma_start3A_284] : memref<10000x16xf32, #tpu.memory_space<vmem_shared>> -> memref<48x16xf32, #tpu.memory_space<vmem_shared>>
    tpu.enqueue_dma source(%dma_start3A_285 : memref<48x16xf32, #tpu.memory_space<vmem_shared>>) target(%dma_start3A_283 : memref<48x16xf32, #tpu.memory_space<hbm>>) target_semaphore(%arg18 : memref<!tpu.dma_semaphore, #tpu.memory_space<semaphore_mem>>)
    %dma_start3A_286 = arith.constant 0 : i32
    %dma_start3A_287 = tpu.memref_slice %arg3[%arg0, %add3A_231, %dma_start3A_286] : memref<2x10000x16xf32, #tpu.memory_space<hbm>> -> memref<1x48x16xf32, #tpu.memory_space<hbm>>
    %dma_start3A_288 = tpu.memref_squeeze %dma_start3A_287 : memref<1x48x16xf32, #tpu.memory_space<hbm>> -> memref<48x16xf32, #tpu.memory_space<hbm>>
    %dma_start3A_289 = arith.constant 0 : i32
    %dma_start3A_290 = tpu.memref_slice %arg10[%add3A_229, %dma_start3A_289] : memref<10000x16xf32, #tpu.memory_space<vmem_shared>> -> memref<48x16xf32, #tpu.memory_space<vmem_shared>>
    tpu.enqueue_dma source(%dma_start3A_290 : memref<48x16xf32, #tpu.memory_space<vmem_shared>>) target(%dma_start3A_288 : memref<48x16xf32, #tpu.memory_space<hbm>>) target_semaphore(%arg18 : memref<!tpu.dma_semaphore, #tpu.memory_space<semaphore_mem>>)
    %dma_start3A_291 = arith.constant 0 : i32
    %dma_start3A_292 = tpu.memref_slice %arg3[%arg0, %add3A_235, %dma_start3A_291] : memref<2x10000x16xf32, #tpu.memory_space<hbm>> -> memref<1x48x16xf32, #tpu.memory_space<hbm>>
    %dma_start3A_293 = tpu.memref_squeeze %dma_start3A_292 : memref<1x48x16xf32, #tpu.memory_space<hbm>> -> memref<48x16xf32, #tpu.memory_space<hbm>>
    %dma_start3A_294 = arith.constant 0 : i32
    %dma_start3A_295 = tpu.memref_slice %arg10[%add3A_233, %dma_start3A_294] : memref<10000x16xf32, #tpu.memory_space<vmem_shared>> -> memref<48x16xf32, #tpu.memory_space<vmem_shared>>
    tpu.enqueue_dma source(%dma_start3A_295 : memref<48x16xf32, #tpu.memory_space<vmem_shared>>) target(%dma_start3A_293 : memref<48x16xf32, #tpu.memory_space<hbm>>) target_semaphore(%arg18 : memref<!tpu.dma_semaphore, #tpu.memory_space<semaphore_mem>>)
    %dma_start3A_296 = arith.constant 0 : i32
    %dma_start3A_297 = tpu.memref_slice %arg3[%arg0, %add3A_239, %dma_start3A_296] : memref<2x10000x16xf32, #tpu.memory_space<hbm>> -> memref<1x48x16xf32, #tpu.memory_space<hbm>>
    %dma_start3A_298 = tpu.memref_squeeze %dma_start3A_297 : memref<1x48x16xf32, #tpu.memory_space<hbm>> -> memref<48x16xf32, #tpu.memory_space<hbm>>
    %dma_start3A_299 = arith.constant 0 : i32
    %dma_start3A_300 = tpu.memref_slice %arg10[%add3A_237, %dma_start3A_299] : memref<10000x16xf32, #tpu.memory_space<vmem_shared>> -> memref<48x16xf32, #tpu.memory_space<vmem_shared>>
    tpu.enqueue_dma source(%dma_start3A_300 : memref<48x16xf32, #tpu.memory_space<vmem_shared>>) target(%dma_start3A_298 : memref<48x16xf32, #tpu.memory_space<hbm>>) target_semaphore(%arg18 : memref<!tpu.dma_semaphore, #tpu.memory_space<semaphore_mem>>)
    %dma_start3A_301 = arith.constant 0 : i32
    %dma_start3A_302 = tpu.memref_slice %arg3[%arg0, %add3A_243, %dma_start3A_301] : memref<2x10000x16xf32, #tpu.memory_space<hbm>> -> memref<1x48x16xf32, #tpu.memory_space<hbm>>
    %dma_start3A_303 = tpu.memref_squeeze %dma_start3A_302 : memref<1x48x16xf32, #tpu.memory_space<hbm>> -> memref<48x16xf32, #tpu.memory_space<hbm>>
    %dma_start3A_304 = arith.constant 0 : i32
    %dma_start3A_305 = tpu.memref_slice %arg10[%add3A_241, %dma_start3A_304] : memref<10000x16xf32, #tpu.memory_space<vmem_shared>> -> memref<48x16xf32, #tpu.memory_space<vmem_shared>>
    tpu.enqueue_dma source(%dma_start3A_305 : memref<48x16xf32, #tpu.memory_space<vmem_shared>>) target(%dma_start3A_303 : memref<48x16xf32, #tpu.memory_space<hbm>>) target_semaphore(%arg18 : memref<!tpu.dma_semaphore, #tpu.memory_space<semaphore_mem>>)
    %dma_start3A_306 = arith.constant 0 : i32
    %dma_start3A_307 = tpu.memref_slice %arg3[%arg0, %add3A_247, %dma_start3A_306] : memref<2x10000x16xf32, #tpu.memory_space<hbm>> -> memref<1x48x16xf32, #tpu.memory_space<hbm>>
    %dma_start3A_308 = tpu.memref_squeeze %dma_start3A_307 : memref<1x48x16xf32, #tpu.memory_space<hbm>> -> memref<48x16xf32, #tpu.memory_space<hbm>>
    %dma_start3A_309 = arith.constant 0 : i32
    %dma_start3A_310 = tpu.memref_slice %arg10[%add3A_245, %dma_start3A_309] : memref<10000x16xf32, #tpu.memory_space<vmem_shared>> -> memref<48x16xf32, #tpu.memory_space<vmem_shared>>
    tpu.enqueue_dma source(%dma_start3A_310 : memref<48x16xf32, #tpu.memory_space<vmem_shared>>) target(%dma_start3A_308 : memref<48x16xf32, #tpu.memory_space<hbm>>) target_semaphore(%arg18 : memref<!tpu.dma_semaphore, #tpu.memory_space<semaphore_mem>>)
    %dma_start3A_311 = arith.constant 0 : i32
    %dma_start3A_312 = tpu.memref_slice %arg3[%arg0, %add3A_251, %dma_start3A_311] : memref<2x10000x16xf32, #tpu.memory_space<hbm>> -> memref<1x48x16xf32, #tpu.memory_space<hbm>>
    %dma_start3A_313 = tpu.memref_squeeze %dma_start3A_312 : memref<1x48x16xf32, #tpu.memory_space<hbm>> -> memref<48x16xf32, #tpu.memory_space<hbm>>
    %dma_start3A_314 = arith.constant 0 : i32
    %dma_start3A_315 = tpu.memref_slice %arg10[%add3A_249, %dma_start3A_314] : memref<10000x16xf32, #tpu.memory_space<vmem_shared>> -> memref<48x16xf32, #tpu.memory_space<vmem_shared>>
    tpu.enqueue_dma source(%dma_start3A_315 : memref<48x16xf32, #tpu.memory_space<vmem_shared>>) target(%dma_start3A_313 : memref<48x16xf32, #tpu.memory_space<hbm>>) target_semaphore(%arg18 : memref<!tpu.dma_semaphore, #tpu.memory_space<semaphore_mem>>)
    %dma_start3A_316 = arith.constant 0 : i32
    %dma_start3A_317 = tpu.memref_slice %arg3[%arg0, %add3A_255, %dma_start3A_316] : memref<2x10000x16xf32, #tpu.memory_space<hbm>> -> memref<1x48x16xf32, #tpu.memory_space<hbm>>
    %dma_start3A_318 = tpu.memref_squeeze %dma_start3A_317 : memref<1x48x16xf32, #tpu.memory_space<hbm>> -> memref<48x16xf32, #tpu.memory_space<hbm>>
    %dma_start3A_319 = arith.constant 0 : i32
    %dma_start3A_320 = tpu.memref_slice %arg10[%add3A_253, %dma_start3A_319] : memref<10000x16xf32, #tpu.memory_space<vmem_shared>> -> memref<48x16xf32, #tpu.memory_space<vmem_shared>>
    tpu.enqueue_dma source(%dma_start3A_320 : memref<48x16xf32, #tpu.memory_space<vmem_shared>>) target(%dma_start3A_318 : memref<48x16xf32, #tpu.memory_space<hbm>>) target_semaphore(%arg18 : memref<!tpu.dma_semaphore, #tpu.memory_space<semaphore_mem>>)
    %eq3A_321 = arith.constant 15 : i32
    %eq3A_322 = arith.cmpi eq, %arg1, %eq3A_321 : i32
    %convert_element_type3A_323 = arith.extui %eq3A_322 : i1 to i32
    %cond3A_324 = arith.constant 0 : i32
    %cond3A_325 = arith.cmpi ne, %convert_element_type3A_323, %cond3A_324 : i32
    scf.if %cond3A_325 {
      "tpu.region"() ({
        %run_scoped3A = tpu.sem_alloc : memref<!tpu.dma_semaphore, #tpu.memory_space<semaphore_mem>>
        %dma_start3A_391 = arith.constant 9984 : i32
        %dma_start3A_392 = arith.constant 0 : i32
        %dma_start3A_393 = tpu.memref_slice %arg3[%arg0, %dma_start3A_391, %dma_start3A_392] : memref<2x10000x16xf32, #tpu.memory_space<hbm>> -> memref<1x16x16xf32, #tpu.memory_space<hbm>>
        %dma_start3A_394 = tpu.memref_squeeze %dma_start3A_393 : memref<1x16x16xf32, #tpu.memory_space<hbm>> -> memref<16x16xf32, #tpu.memory_space<hbm>>
        %dma_start3A_395 = arith.constant 9984 : i32
        %dma_start3A_396 = arith.constant 0 : i32
        %dma_start3A_397 = tpu.memref_slice %arg10[%dma_start3A_395, %dma_start3A_396] : memref<10000x16xf32, #tpu.memory_space<vmem_shared>> -> memref<16x16xf32, #tpu.memory_space<vmem_shared>>
        tpu.enqueue_dma source(%dma_start3A_397 : memref<16x16xf32, #tpu.memory_space<vmem_shared>>) target(%dma_start3A_394 : memref<16x16xf32, #tpu.memory_space<hbm>>) target_semaphore(%run_scoped3A : memref<!tpu.dma_semaphore, #tpu.memory_space<semaphore_mem>>)
        %dma_wait3A_398 = arith.constant 9984 : i32
        %dma_wait3A_399 = arith.constant 0 : i32
        %dma_wait3A_400 = tpu.memref_slice %arg3[%arg0, %dma_wait3A_398, %dma_wait3A_399] : memref<2x10000x16xf32, #tpu.memory_space<hbm>> -> memref<1x16x16xf32, #tpu.memory_space<hbm>>
        %dma_wait3A_401 = tpu.memref_squeeze %dma_wait3A_400 : memref<1x16x16xf32, #tpu.memory_space<hbm>> -> memref<16x16xf32, #tpu.memory_space<hbm>>
        %dma_wait3A_402 = arith.constant 9984 : i32
        %dma_wait3A_403 = arith.constant 0 : i32
        %dma_wait3A_404 = tpu.memref_slice %arg10[%dma_wait3A_402, %dma_wait3A_403] : memref<10000x16xf32, #tpu.memory_space<vmem_shared>> -> memref<16x16xf32, #tpu.memory_space<vmem_shared>>
        tpu.wait_dma2 semaphore(%run_scoped3A : memref<!tpu.dma_semaphore, #tpu.memory_space<semaphore_mem>>) src(%dma_wait3A_404 : memref<16x16xf32, #tpu.memory_space<vmem_shared>>) dst(%dma_wait3A_401 : memref<16x16xf32, #tpu.memory_space<hbm>>)
        tpu.yield
      }) : () -> ()
    } else {
    }
    %dma_wait3A_326 = arith.constant 0 : i32
    %dma_wait3A_327 = tpu.memref_slice %arg3[%arg0, %add3A_207, %dma_wait3A_326] : memref<2x10000x16xf32, #tpu.memory_space<hbm>> -> memref<1x48x16xf32, #tpu.memory_space<hbm>>
    %dma_wait3A_328 = tpu.memref_squeeze %dma_wait3A_327 : memref<1x48x16xf32, #tpu.memory_space<hbm>> -> memref<48x16xf32, #tpu.memory_space<hbm>>
    %dma_wait3A_329 = arith.constant 0 : i32
    %dma_wait3A_330 = tpu.memref_slice %arg10[%add3A_205, %dma_wait3A_329] : memref<10000x16xf32, #tpu.memory_space<vmem_shared>> -> memref<48x16xf32, #tpu.memory_space<vmem_shared>>
    tpu.wait_dma2 semaphore(%arg18 : memref<!tpu.dma_semaphore, #tpu.memory_space<semaphore_mem>>) src(%dma_wait3A_330 : memref<48x16xf32, #tpu.memory_space<vmem_shared>>) dst(%dma_wait3A_328 : memref<48x16xf32, #tpu.memory_space<hbm>>)
    %dma_wait3A_331 = arith.constant 0 : i32
    %dma_wait3A_332 = tpu.memref_slice %arg3[%arg0, %add3A_211, %dma_wait3A_331] : memref<2x10000x16xf32, #tpu.memory_space<hbm>> -> memref<1x48x16xf32, #tpu.memory_space<hbm>>
    %dma_wait3A_333 = tpu.memref_squeeze %dma_wait3A_332 : memref<1x48x16xf32, #tpu.memory_space<hbm>> -> memref<48x16xf32, #tpu.memory_space<hbm>>
    %dma_wait3A_334 = arith.constant 0 : i32
    %dma_wait3A_335 = tpu.memref_slice %arg10[%add3A_209, %dma_wait3A_334] : memref<10000x16xf32, #tpu.memory_space<vmem_shared>> -> memref<48x16xf32, #tpu.memory_space<vmem_shared>>
    tpu.wait_dma2 semaphore(%arg18 : memref<!tpu.dma_semaphore, #tpu.memory_space<semaphore_mem>>) src(%dma_wait3A_335 : memref<48x16xf32, #tpu.memory_space<vmem_shared>>) dst(%dma_wait3A_333 : memref<48x16xf32, #tpu.memory_space<hbm>>)
    %dma_wait3A_336 = arith.constant 0 : i32
    %dma_wait3A_337 = tpu.memref_slice %arg3[%arg0, %add3A_215, %dma_wait3A_336] : memref<2x10000x16xf32, #tpu.memory_space<hbm>> -> memref<1x48x16xf32, #tpu.memory_space<hbm>>
    %dma_wait3A_338 = tpu.memref_squeeze %dma_wait3A_337 : memref<1x48x16xf32, #tpu.memory_space<hbm>> -> memref<48x16xf32, #tpu.memory_space<hbm>>
    %dma_wait3A_339 = arith.constant 0 : i32
    %dma_wait3A_340 = tpu.memref_slice %arg10[%add3A_213, %dma_wait3A_339] : memref<10000x16xf32, #tpu.memory_space<vmem_shared>> -> memref<48x16xf32, #tpu.memory_space<vmem_shared>>
    tpu.wait_dma2 semaphore(%arg18 : memref<!tpu.dma_semaphore, #tpu.memory_space<semaphore_mem>>) src(%dma_wait3A_340 : memref<48x16xf32, #tpu.memory_space<vmem_shared>>) dst(%dma_wait3A_338 : memref<48x16xf32, #tpu.memory_space<hbm>>)
    %dma_wait3A_341 = arith.constant 0 : i32
    %dma_wait3A_342 = tpu.memref_slice %arg3[%arg0, %add3A_219, %dma_wait3A_341] : memref<2x10000x16xf32, #tpu.memory_space<hbm>> -> memref<1x48x16xf32, #tpu.memory_space<hbm>>
    %dma_wait3A_343 = tpu.memref_squeeze %dma_wait3A_342 : memref<1x48x16xf32, #tpu.memory_space<hbm>> -> memref<48x16xf32, #tpu.memory_space<hbm>>
    %dma_wait3A_344 = arith.constant 0 : i32
    %dma_wait3A_345 = tpu.memref_slice %arg10[%add3A_217, %dma_wait3A_344] : memref<10000x16xf32, #tpu.memory_space<vmem_shared>> -> memref<48x16xf32, #tpu.memory_space<vmem_shared>>
    tpu.wait_dma2 semaphore(%arg18 : memref<!tpu.dma_semaphore, #tpu.memory_space<semaphore_mem>>) src(%dma_wait3A_345 : memref<48x16xf32, #tpu.memory_space<vmem_shared>>) dst(%dma_wait3A_343 : memref<48x16xf32, #tpu.memory_space<hbm>>)
    %dma_wait3A_346 = arith.constant 0 : i32
    %dma_wait3A_347 = tpu.memref_slice %arg3[%arg0, %add3A_223, %dma_wait3A_346] : memref<2x10000x16xf32, #tpu.memory_space<hbm>> -> memref<1x48x16xf32, #tpu.memory_space<hbm>>
    %dma_wait3A_348 = tpu.memref_squeeze %dma_wait3A_347 : memref<1x48x16xf32, #tpu.memory_space<hbm>> -> memref<48x16xf32, #tpu.memory_space<hbm>>
    %dma_wait3A_349 = arith.constant 0 : i32
    %dma_wait3A_350 = tpu.memref_slice %arg10[%add3A_221, %dma_wait3A_349] : memref<10000x16xf32, #tpu.memory_space<vmem_shared>> -> memref<48x16xf32, #tpu.memory_space<vmem_shared>>
    tpu.wait_dma2 semaphore(%arg18 : memref<!tpu.dma_semaphore, #tpu.memory_space<semaphore_mem>>) src(%dma_wait3A_350 : memref<48x16xf32, #tpu.memory_space<vmem_shared>>) dst(%dma_wait3A_348 : memref<48x16xf32, #tpu.memory_space<hbm>>)
    %dma_wait3A_351 = arith.constant 0 : i32
    %dma_wait3A_352 = tpu.memref_slice %arg3[%arg0, %add3A_227, %dma_wait3A_351] : memref<2x10000x16xf32, #tpu.memory_space<hbm>> -> memref<1x48x16xf32, #tpu.memory_space<hbm>>
    %dma_wait3A_353 = tpu.memref_squeeze %dma_wait3A_352 : memref<1x48x16xf32, #tpu.memory_space<hbm>> -> memref<48x16xf32, #tpu.memory_space<hbm>>
    %dma_wait3A_354 = arith.constant 0 : i32
    %dma_wait3A_355 = tpu.memref_slice %arg10[%add3A_225, %dma_wait3A_354] : memref<10000x16xf32, #tpu.memory_space<vmem_shared>> -> memref<48x16xf32, #tpu.memory_space<vmem_shared>>
    tpu.wait_dma2 semaphore(%arg18 : memref<!tpu.dma_semaphore, #tpu.memory_space<semaphore_mem>>) src(%dma_wait3A_355 : memref<48x16xf32, #tpu.memory_space<vmem_shared>>) dst(%dma_wait3A_353 : memref<48x16xf32, #tpu.memory_space<hbm>>)
    %dma_wait3A_356 = arith.constant 0 : i32
    %dma_wait3A_357 = tpu.memref_slice %arg3[%arg0, %add3A_231, %dma_wait3A_356] : memref<2x10000x16xf32, #tpu.memory_space<hbm>> -> memref<1x48x16xf32, #tpu.memory_space<hbm>>
    %dma_wait3A_358 = tpu.memref_squeeze %dma_wait3A_357 : memref<1x48x16xf32, #tpu.memory_space<hbm>> -> memref<48x16xf32, #tpu.memory_space<hbm>>
    %dma_wait3A_359 = arith.constant 0 : i32
    %dma_wait3A_360 = tpu.memref_slice %arg10[%add3A_229, %dma_wait3A_359] : memref<10000x16xf32, #tpu.memory_space<vmem_shared>> -> memref<48x16xf32, #tpu.memory_space<vmem_shared>>
    tpu.wait_dma2 semaphore(%arg18 : memref<!tpu.dma_semaphore, #tpu.memory_space<semaphore_mem>>) src(%dma_wait3A_360 : memref<48x16xf32, #tpu.memory_space<vmem_shared>>) dst(%dma_wait3A_358 : memref<48x16xf32, #tpu.memory_space<hbm>>)
    %dma_wait3A_361 = arith.constant 0 : i32
    %dma_wait3A_362 = tpu.memref_slice %arg3[%arg0, %add3A_235, %dma_wait3A_361] : memref<2x10000x16xf32, #tpu.memory_space<hbm>> -> memref<1x48x16xf32, #tpu.memory_space<hbm>>
    %dma_wait3A_363 = tpu.memref_squeeze %dma_wait3A_362 : memref<1x48x16xf32, #tpu.memory_space<hbm>> -> memref<48x16xf32, #tpu.memory_space<hbm>>
    %dma_wait3A_364 = arith.constant 0 : i32
    %dma_wait3A_365 = tpu.memref_slice %arg10[%add3A_233, %dma_wait3A_364] : memref<10000x16xf32, #tpu.memory_space<vmem_shared>> -> memref<48x16xf32, #tpu.memory_space<vmem_shared>>
    tpu.wait_dma2 semaphore(%arg18 : memref<!tpu.dma_semaphore, #tpu.memory_space<semaphore_mem>>) src(%dma_wait3A_365 : memref<48x16xf32, #tpu.memory_space<vmem_shared>>) dst(%dma_wait3A_363 : memref<48x16xf32, #tpu.memory_space<hbm>>)
    %dma_wait3A_366 = arith.constant 0 : i32
    %dma_wait3A_367 = tpu.memref_slice %arg3[%arg0, %add3A_239, %dma_wait3A_366] : memref<2x10000x16xf32, #tpu.memory_space<hbm>> -> memref<1x48x16xf32, #tpu.memory_space<hbm>>
    %dma_wait3A_368 = tpu.memref_squeeze %dma_wait3A_367 : memref<1x48x16xf32, #tpu.memory_space<hbm>> -> memref<48x16xf32, #tpu.memory_space<hbm>>
    %dma_wait3A_369 = arith.constant 0 : i32
    %dma_wait3A_370 = tpu.memref_slice %arg10[%add3A_237, %dma_wait3A_369] : memref<10000x16xf32, #tpu.memory_space<vmem_shared>> -> memref<48x16xf32, #tpu.memory_space<vmem_shared>>
    tpu.wait_dma2 semaphore(%arg18 : memref<!tpu.dma_semaphore, #tpu.memory_space<semaphore_mem>>) src(%dma_wait3A_370 : memref<48x16xf32, #tpu.memory_space<vmem_shared>>) dst(%dma_wait3A_368 : memref<48x16xf32, #tpu.memory_space<hbm>>)
    %dma_wait3A_371 = arith.constant 0 : i32
    %dma_wait3A_372 = tpu.memref_slice %arg3[%arg0, %add3A_243, %dma_wait3A_371] : memref<2x10000x16xf32, #tpu.memory_space<hbm>> -> memref<1x48x16xf32, #tpu.memory_space<hbm>>
    %dma_wait3A_373 = tpu.memref_squeeze %dma_wait3A_372 : memref<1x48x16xf32, #tpu.memory_space<hbm>> -> memref<48x16xf32, #tpu.memory_space<hbm>>
    %dma_wait3A_374 = arith.constant 0 : i32
    %dma_wait3A_375 = tpu.memref_slice %arg10[%add3A_241, %dma_wait3A_374] : memref<10000x16xf32, #tpu.memory_space<vmem_shared>> -> memref<48x16xf32, #tpu.memory_space<vmem_shared>>
    tpu.wait_dma2 semaphore(%arg18 : memref<!tpu.dma_semaphore, #tpu.memory_space<semaphore_mem>>) src(%dma_wait3A_375 : memref<48x16xf32, #tpu.memory_space<vmem_shared>>) dst(%dma_wait3A_373 : memref<48x16xf32, #tpu.memory_space<hbm>>)
    %dma_wait3A_376 = arith.constant 0 : i32
    %dma_wait3A_377 = tpu.memref_slice %arg3[%arg0, %add3A_247, %dma_wait3A_376] : memref<2x10000x16xf32, #tpu.memory_space<hbm>> -> memref<1x48x16xf32, #tpu.memory_space<hbm>>
    %dma_wait3A_378 = tpu.memref_squeeze %dma_wait3A_377 : memref<1x48x16xf32, #tpu.memory_space<hbm>> -> memref<48x16xf32, #tpu.memory_space<hbm>>
    %dma_wait3A_379 = arith.constant 0 : i32
    %dma_wait3A_380 = tpu.memref_slice %arg10[%add3A_245, %dma_wait3A_379] : memref<10000x16xf32, #tpu.memory_space<vmem_shared>> -> memref<48x16xf32, #tpu.memory_space<vmem_shared>>
    tpu.wait_dma2 semaphore(%arg18 : memref<!tpu.dma_semaphore, #tpu.memory_space<semaphore_mem>>) src(%dma_wait3A_380 : memref<48x16xf32, #tpu.memory_space<vmem_shared>>) dst(%dma_wait3A_378 : memref<48x16xf32, #tpu.memory_space<hbm>>)
    %dma_wait3A_381 = arith.constant 0 : i32
    %dma_wait3A_382 = tpu.memref_slice %arg3[%arg0, %add3A_251, %dma_wait3A_381] : memref<2x10000x16xf32, #tpu.memory_space<hbm>> -> memref<1x48x16xf32, #tpu.memory_space<hbm>>
    %dma_wait3A_383 = tpu.memref_squeeze %dma_wait3A_382 : memref<1x48x16xf32, #tpu.memory_space<hbm>> -> memref<48x16xf32, #tpu.memory_space<hbm>>
    %dma_wait3A_384 = arith.constant 0 : i32
    %dma_wait3A_385 = tpu.memref_slice %arg10[%add3A_249, %dma_wait3A_384] : memref<10000x16xf32, #tpu.memory_space<vmem_shared>> -> memref<48x16xf32, #tpu.memory_space<vmem_shared>>
    tpu.wait_dma2 semaphore(%arg18 : memref<!tpu.dma_semaphore, #tpu.memory_space<semaphore_mem>>) src(%dma_wait3A_385 : memref<48x16xf32, #tpu.memory_space<vmem_shared>>) dst(%dma_wait3A_383 : memref<48x16xf32, #tpu.memory_space<hbm>>)
    %dma_wait3A_386 = arith.constant 0 : i32
    %dma_wait3A_387 = tpu.memref_slice %arg3[%arg0, %add3A_255, %dma_wait3A_386] : memref<2x10000x16xf32, #tpu.memory_space<hbm>> -> memref<1x48x16xf32, #tpu.memory_space<hbm>>
    %dma_wait3A_388 = tpu.memref_squeeze %dma_wait3A_387 : memref<1x48x16xf32, #tpu.memory_space<hbm>> -> memref<48x16xf32, #tpu.memory_space<hbm>>
    %dma_wait3A_389 = arith.constant 0 : i32
    %dma_wait3A_390 = tpu.memref_slice %arg10[%add3A_253, %dma_wait3A_389] : memref<10000x16xf32, #tpu.memory_space<vmem_shared>> -> memref<48x16xf32, #tpu.memory_space<vmem_shared>>
    tpu.wait_dma2 semaphore(%arg18 : memref<!tpu.dma_semaphore, #tpu.memory_space<semaphore_mem>>) src(%dma_wait3A_390 : memref<48x16xf32, #tpu.memory_space<vmem_shared>>) dst(%dma_wait3A_388 : memref<48x16xf32, #tpu.memory_space<hbm>>)
    return
  }
}

#map = affine_map<(d0, d1) -> (0, 0)>
#map1 = affine_map<(d0, d1) -> (0)>
#map2 = affine_map<(d0, d1) -> (0, 0, 0)>
module attributes {stable_mosaic.version = 14 : i64} {
  func.func @_segsum_kernel(%arg0: i32, %arg1: i32, %arg2: memref<10000x128xf32, #tpu.memory_space<hbm>>, %arg3: memref<320000xi32, #tpu.memory_space<hbm>>, %arg4: memref<320000xi32, #tpu.memory_space<hbm>>, %arg5: memref<2x10000x128xf32, #tpu.memory_space<hbm>>, %arg6: memref<80xi32, #tpu.memory_space<vmem>>, %arg7: memref<80xi32, #tpu.memory_space<vmem>>, %arg8: memref<80xi32, #tpu.memory_space<vmem>>, %arg9: memref<80xi32, #tpu.memory_space<vmem>>, %arg10: memref<80xi32, #tpu.memory_space<vmem>>, %arg11: memref<80xi32, #tpu.memory_space<vmem>>, %arg12: memref<80xi32, #tpu.memory_space<vmem>>, %arg13: memref<80xi32, #tpu.memory_space<vmem>>, %arg14: memref<80x128xf32, #tpu.memory_space<vmem>>, %arg15: memref<80x128xf32, #tpu.memory_space<vmem>>, %arg16: memref<80x128xf32, #tpu.memory_space<vmem>>, %arg17: memref<80x128xf32, #tpu.memory_space<vmem>>, %arg18: memref<10000x128xf32, #tpu.memory_space<vmem_shared>>, %arg19: memref<!tpu.dma_semaphore, #tpu.memory_space<semaphore_mem>>, %arg20: memref<!tpu.dma_semaphore, #tpu.memory_space<semaphore_mem>>, %arg21: memref<!tpu.dma_semaphore, #tpu.memory_space<semaphore_mem>>, %arg22: memref<!tpu.dma_semaphore, #tpu.memory_space<semaphore_mem>>, %arg23: memref<!tpu.dma_semaphore, #tpu.memory_space<semaphore_mem>>, %arg24: memref<!tpu.dma_semaphore, #tpu.memory_space<semaphore_mem>>, %arg25: memref<!tpu.dma_semaphore, #tpu.memory_space<semaphore_mem>>, %arg26: memref<!tpu.dma_semaphore, #tpu.memory_space<semaphore_mem>>, %arg27: memref<!tpu.dma_semaphore, #tpu.memory_space<semaphore_mem>>, %arg28: memref<!tpu.dma_semaphore, #tpu.memory_space<semaphore_mem>>, %arg29: memref<!tpu.dma_semaphore, #tpu.memory_space<semaphore_mem>>, %arg30: memref<!tpu.dma_semaphore, #tpu.memory_space<semaphore_mem>>, %arg31: memref<!tpu.dma_semaphore, #tpu.memory_space<semaphore_mem>>, %arg32: memref<!tpu.dma_semaphore, #tpu.memory_space<semaphore_mem>>, %arg33: memref<!tpu.dma_semaphore, #tpu.memory_space<semaphore_mem>>, %arg34: memref<!tpu.dma_semaphore, #tpu.memory_space<semaphore_mem>>) attributes {dimension_semantics = [#tpu.dimension_semantics<core_parallel>, #tpu.dimension_semantics<subcore_parallel>], iteration_bounds = array<i64: 2, 16>, scalar_prefetch = 0 : i64, scratch_operands = 29 : i64, tpu.core_type = #tpu.core_type<sc_vector_subcore>, window_params = [{transform_indices = #map}, {transform_indices = #map1}, {transform_indices = #map1}, {transform_indices = #map2}]} {
    %mul3A = arith.constant 2 : i32
    %mul3A_0 = arith.muli %arg1, %mul3A : i32
    %add3A = arith.addi %mul3A_0, %arg0 : i32
    %mul3A_1 = arith.constant 125 : i32
    %mul3A_2 = arith.muli %add3A, %mul3A_1 : i32
    %add3A_3 = arith.constant 125 : i32
    %add3A_4 = arith.addi %mul3A_2, %add3A_3 : i32
    %mul3A_5 = arith.constant 80 : i32
    %mul3A_6 = arith.muli %mul3A_2, %mul3A_5 : i32
    %dma_start3A = tpu.memref_slice %arg3[%mul3A_6] : memref<320000xi32, #tpu.memory_space<hbm>> -> memref<80xi32, #tpu.memory_space<hbm>>
    %dma_start3A_7 = tpu.memref_slice %arg3[%mul3A_6] : memref<320000xi32, #tpu.memory_space<hbm>> -> memref<80xi32, #tpu.memory_space<hbm>>
    tpu.enqueue_dma source(%dma_start3A_7 : memref<80xi32, #tpu.memory_space<hbm>>) target(%arg6 : memref<80xi32, #tpu.memory_space<vmem>>) target_semaphore(%arg19 : memref<!tpu.dma_semaphore, #tpu.memory_space<semaphore_mem>>)
    %mul3A_8 = arith.constant 80 : i32
    %mul3A_9 = arith.muli %mul3A_2, %mul3A_8 : i32
    %dma_start3A_10 = tpu.memref_slice %arg4[%mul3A_9] : memref<320000xi32, #tpu.memory_space<hbm>> -> memref<80xi32, #tpu.memory_space<hbm>>
    %dma_start3A_11 = tpu.memref_slice %arg4[%mul3A_9] : memref<320000xi32, #tpu.memory_space<hbm>> -> memref<80xi32, #tpu.memory_space<hbm>>
    tpu.enqueue_dma source(%dma_start3A_11 : memref<80xi32, #tpu.memory_space<hbm>>) target(%arg10 : memref<80xi32, #tpu.memory_space<vmem>>) target_semaphore(%arg23 : memref<!tpu.dma_semaphore, #tpu.memory_space<semaphore_mem>>)
    %add3A_12 = arith.constant 1 : i32
    %add3A_13 = arith.addi %mul3A_2, %add3A_12 : i32
    %mul3A_14 = arith.constant 80 : i32
    %mul3A_15 = arith.muli %add3A_13, %mul3A_14 : i32
    %dma_start3A_16 = tpu.memref_slice %arg3[%mul3A_15] : memref<320000xi32, #tpu.memory_space<hbm>> -> memref<80xi32, #tpu.memory_space<hbm>>
    %dma_start3A_17 = tpu.memref_slice %arg3[%mul3A_15] : memref<320000xi32, #tpu.memory_space<hbm>> -> memref<80xi32, #tpu.memory_space<hbm>>
    tpu.enqueue_dma source(%dma_start3A_17 : memref<80xi32, #tpu.memory_space<hbm>>) target(%arg7 : memref<80xi32, #tpu.memory_space<vmem>>) target_semaphore(%arg20 : memref<!tpu.dma_semaphore, #tpu.memory_space<semaphore_mem>>)
    %add3A_18 = arith.constant 1 : i32
    %add3A_19 = arith.addi %mul3A_2, %add3A_18 : i32
    %mul3A_20 = arith.constant 80 : i32
    %mul3A_21 = arith.muli %add3A_19, %mul3A_20 : i32
    %dma_start3A_22 = tpu.memref_slice %arg4[%mul3A_21] : memref<320000xi32, #tpu.memory_space<hbm>> -> memref<80xi32, #tpu.memory_space<hbm>>
    %dma_start3A_23 = tpu.memref_slice %arg4[%mul3A_21] : memref<320000xi32, #tpu.memory_space<hbm>> -> memref<80xi32, #tpu.memory_space<hbm>>
    tpu.enqueue_dma source(%dma_start3A_23 : memref<80xi32, #tpu.memory_space<hbm>>) target(%arg11 : memref<80xi32, #tpu.memory_space<vmem>>) target_semaphore(%arg24 : memref<!tpu.dma_semaphore, #tpu.memory_space<semaphore_mem>>)
    %scan3A = arith.constant 0 : i32
    %scan3A_24 = arith.constant 80 : i32
    %scan3A_25 = arith.addi %scan3A, %scan3A_24 : i32
    %scan3A_26 = arith.constant 1 : i32
    scf.for %scan3A_449 = %scan3A to %scan3A_25 step %scan3A_26  : i32 {
      %mul3A_450 = arith.constant 1 : i32
      %mul3A_451 = arith.muli %scan3A_449, %mul3A_450 : i32
      %add3A_452 = arith.constant 0 : i32
      %add3A_453 = arith.addi %add3A_452, %mul3A_451 : i32
      %scan3A_454 = arith.constant 0 : i32
      %scan3A_455 = arith.constant 8 : i32
      %scan3A_456 = arith.addi %scan3A_454, %scan3A_455 : i32
      %scan3A_457 = arith.constant 1 : i32
      scf.for %scan3A_459 = %scan3A_454 to %scan3A_456 step %scan3A_457  : i32 {
        %mul3A_460 = arith.constant 1 : i32
        %mul3A_461 = arith.muli %scan3A_459, %mul3A_460 : i32
        %add3A_462 = arith.constant 0 : i32
        %add3A_463 = arith.addi %add3A_462, %mul3A_461 : i32
        %broadcast_in_dim3A = arith.constant 0.000000e+00 : f32
        %broadcast_in_dim3A_464 = vector.broadcast %broadcast_in_dim3A : f32 to vector<16xf32>
        %mul3A_465 = arith.constant 16 : i32
        %mul3A_466 = arith.muli %add3A_463, %mul3A_465 : i32
        %swap3A = arith.index_cast %add3A_453 : i32 to index
        %swap3A_467 = arith.index_cast %mul3A_466 : i32 to index
        %swap3A_468 = tpu.vector_load %arg17[%swap3A, %swap3A_467] {strides = array<i32>} : memref<80x128xf32, #tpu.memory_space<vmem>>, vector<1x16xf32>,
        %swap3A_469 = vector.shape_cast %swap3A_468 : vector<1x16xf32> to vector<16xf32>
        %swap3A_470 = vector.shape_cast %broadcast_in_dim3A_464 : vector<16xf32> to vector<1x16xf32>
        tpu.vector_store %arg17[%swap3A, %swap3A_467], %swap3A_470 {strides = array<i32>} : memref<80x128xf32, #tpu.memory_space<vmem>>, vector<1x16xf32>,
      }
      %scan3A_458 = arith.constant 8 : i32
    }
    %scan3A_27 = arith.constant 80 : i32
    %mul3A_28 = arith.constant 624 : i32
    %mul3A_29 = arith.muli %arg1, %mul3A_28 : i32
    %add3A_30 = arith.constant 0 : i32
    %add3A_31 = arith.addi %mul3A_29, %add3A_30 : i32
    %add3A_32 = arith.constant 80 : i32
    %add3A_33 = arith.addi %mul3A_29, %add3A_32 : i32
    %add3A_34 = arith.constant 160 : i32
    %add3A_35 = arith.addi %mul3A_29, %add3A_34 : i32
    %add3A_36 = arith.constant 240 : i32
    %add3A_37 = arith.addi %mul3A_29, %add3A_36 : i32
    %add3A_38 = arith.constant 320 : i32
    %add3A_39 = arith.addi %mul3A_29, %add3A_38 : i32
    %add3A_40 = arith.constant 400 : i32
    %add3A_41 = arith.addi %mul3A_29, %add3A_40 : i32
    %add3A_42 = arith.constant 480 : i32
    %add3A_43 = arith.addi %mul3A_29, %add3A_42 : i32
    %add3A_44 = arith.constant 560 : i32
    %add3A_45 = arith.addi %mul3A_29, %add3A_44 : i32
    %dma_start3A_46 = arith.constant 0 : i32
    %dma_start3A_47 = tpu.memref_slice %arg18[%add3A_31, %dma_start3A_46] : memref<10000x128xf32, #tpu.memory_space<vmem_shared>> -> memref<80x128xf32, #tpu.memory_space<vmem_shared>>
    %dma_start3A_48 = arith.constant 0 : i32
    %dma_start3A_49 = tpu.memref_slice %arg18[%add3A_31, %dma_start3A_48] : memref<10000x128xf32, #tpu.memory_space<vmem_shared>> -> memref<80x128xf32, #tpu.memory_space<vmem_shared>>
    tpu.enqueue_dma source(%arg17 : memref<80x128xf32, #tpu.memory_space<vmem>>) target(%dma_start3A_49 : memref<80x128xf32, #tpu.memory_space<vmem_shared>>) target_semaphore(%arg34 : memref<!tpu.dma_semaphore, #tpu.memory_space<semaphore_mem>>)
    %dma_start3A_50 = arith.constant 0 : i32
    %dma_start3A_51 = tpu.memref_slice %arg18[%add3A_33, %dma_start3A_50] : memref<10000x128xf32, #tpu.memory_space<vmem_shared>> -> memref<80x128xf32, #tpu.memory_space<vmem_shared>>
    %dma_start3A_52 = arith.constant 0 : i32
    %dma_start3A_53 = tpu.memref_slice %arg18[%add3A_33, %dma_start3A_52] : memref<10000x128xf32, #tpu.memory_space<vmem_shared>> -> memref<80x128xf32, #tpu.memory_space<vmem_shared>>
    tpu.enqueue_dma source(%arg17 : memref<80x128xf32, #tpu.memory_space<vmem>>) target(%dma_start3A_53 : memref<80x128xf32, #tpu.memory_space<vmem_shared>>) target_semaphore(%arg34 : memref<!tpu.dma_semaphore, #tpu.memory_space<semaphore_mem>>)
    %dma_start3A_54 = arith.constant 0 : i32
    %dma_start3A_55 = tpu.memref_slice %arg18[%add3A_35, %dma_start3A_54] : memref<10000x128xf32, #tpu.memory_space<vmem_shared>> -> memref<80x128xf32, #tpu.memory_space<vmem_shared>>
    %dma_start3A_56 = arith.constant 0 : i32
    %dma_start3A_57 = tpu.memref_slice %arg18[%add3A_35, %dma_start3A_56] : memref<10000x128xf32, #tpu.memory_space<vmem_shared>> -> memref<80x128xf32, #tpu.memory_space<vmem_shared>>
    tpu.enqueue_dma source(%arg17 : memref<80x128xf32, #tpu.memory_space<vmem>>) target(%dma_start3A_57 : memref<80x128xf32, #tpu.memory_space<vmem_shared>>) target_semaphore(%arg34 : memref<!tpu.dma_semaphore, #tpu.memory_space<semaphore_mem>>)
    %dma_start3A_58 = arith.constant 0 : i32
    %dma_start3A_59 = tpu.memref_slice %arg18[%add3A_37, %dma_start3A_58] : memref<10000x128xf32, #tpu.memory_space<vmem_shared>> -> memref<80x128xf32, #tpu.memory_space<vmem_shared>>
    %dma_start3A_60 = arith.constant 0 : i32
    %dma_start3A_61 = tpu.memref_slice %arg18[%add3A_37, %dma_start3A_60] : memref<10000x128xf32, #tpu.memory_space<vmem_shared>> -> memref<80x128xf32, #tpu.memory_space<vmem_shared>>
    tpu.enqueue_dma source(%arg17 : memref<80x128xf32, #tpu.memory_space<vmem>>) target(%dma_start3A_61 : memref<80x128xf32, #tpu.memory_space<vmem_shared>>) target_semaphore(%arg34 : memref<!tpu.dma_semaphore, #tpu.memory_space<semaphore_mem>>)
    %dma_start3A_62 = arith.constant 0 : i32
    %dma_start3A_63 = tpu.memref_slice %arg18[%add3A_39, %dma_start3A_62] : memref<10000x128xf32, #tpu.memory_space<vmem_shared>> -> memref<80x128xf32, #tpu.memory_space<vmem_shared>>
    %dma_start3A_64 = arith.constant 0 : i32
    %dma_start3A_65 = tpu.memref_slice %arg18[%add3A_39, %dma_start3A_64] : memref<10000x128xf32, #tpu.memory_space<vmem_shared>> -> memref<80x128xf32, #tpu.memory_space<vmem_shared>>
    tpu.enqueue_dma source(%arg17 : memref<80x128xf32, #tpu.memory_space<vmem>>) target(%dma_start3A_65 : memref<80x128xf32, #tpu.memory_space<vmem_shared>>) target_semaphore(%arg34 : memref<!tpu.dma_semaphore, #tpu.memory_space<semaphore_mem>>)
    %dma_start3A_66 = arith.constant 0 : i32
    %dma_start3A_67 = tpu.memref_slice %arg18[%add3A_41, %dma_start3A_66] : memref<10000x128xf32, #tpu.memory_space<vmem_shared>> -> memref<80x128xf32, #tpu.memory_space<vmem_shared>>
    %dma_start3A_68 = arith.constant 0 : i32
    %dma_start3A_69 = tpu.memref_slice %arg18[%add3A_41, %dma_start3A_68] : memref<10000x128xf32, #tpu.memory_space<vmem_shared>> -> memref<80x128xf32, #tpu.memory_space<vmem_shared>>
    tpu.enqueue_dma source(%arg17 : memref<80x128xf32, #tpu.memory_space<vmem>>) target(%dma_start3A_69 : memref<80x128xf32, #tpu.memory_space<vmem_shared>>) target_semaphore(%arg34 : memref<!tpu.dma_semaphore, #tpu.memory_space<semaphore_mem>>)
    %dma_start3A_70 = arith.constant 0 : i32
    %dma_start3A_71 = tpu.memref_slice %arg18[%add3A_43, %dma_start3A_70] : memref<10000x128xf32, #tpu.memory_space<vmem_shared>> -> memref<80x128xf32, #tpu.memory_space<vmem_shared>>
    %dma_start3A_72 = arith.constant 0 : i32
    %dma_start3A_73 = tpu.memref_slice %arg18[%add3A_43, %dma_start3A_72] : memref<10000x128xf32, #tpu.memory_space<vmem_shared>> -> memref<80x128xf32, #tpu.memory_space<vmem_shared>>
    tpu.enqueue_dma source(%arg17 : memref<80x128xf32, #tpu.memory_space<vmem>>) target(%dma_start3A_73 : memref<80x128xf32, #tpu.memory_space<vmem_shared>>) target_semaphore(%arg34 : memref<!tpu.dma_semaphore, #tpu.memory_space<semaphore_mem>>)
    %dma_start3A_74 = arith.constant 0 : i32
    %dma_start3A_75 = arith.constant 0 : i32
    %dma_start3A_76 = tpu.memref_slice %arg17[%dma_start3A_74, %dma_start3A_75] : memref<80x128xf32, #tpu.memory_space<vmem>> -> memref<64x128xf32, #tpu.memory_space<vmem>>
    %dma_start3A_77 = arith.constant 0 : i32
    %dma_start3A_78 = tpu.memref_slice %arg18[%add3A_45, %dma_start3A_77] : memref<10000x128xf32, #tpu.memory_space<vmem_shared>> -> memref<64x128xf32, #tpu.memory_space<vmem_shared>>
    %dma_start3A_79 = arith.constant 0 : i32
    %dma_start3A_80 = tpu.memref_slice %arg18[%add3A_45, %dma_start3A_79] : memref<10000x128xf32, #tpu.memory_space<vmem_shared>> -> memref<64x128xf32, #tpu.memory_space<vmem_shared>>
    %dma_start3A_81 = arith.constant 0 : i32
    %dma_start3A_82 = arith.constant 0 : i32
    %dma_start3A_83 = tpu.memref_slice %arg17[%dma_start3A_81, %dma_start3A_82] : memref<80x128xf32, #tpu.memory_space<vmem>> -> memref<64x128xf32, #tpu.memory_space<vmem>>
    tpu.enqueue_dma source(%dma_start3A_83 : memref<64x128xf32, #tpu.memory_space<vmem>>) target(%dma_start3A_80 : memref<64x128xf32, #tpu.memory_space<vmem_shared>>) target_semaphore(%arg34 : memref<!tpu.dma_semaphore, #tpu.memory_space<semaphore_mem>>)
    %eq3A = arith.constant 15 : i32
    %eq3A_84 = arith.cmpi eq, %arg1, %eq3A : i32
    %convert_element_type3A = arith.extui %eq3A_84 : i1 to i32
    %cond3A = arith.constant 0 : i32
    %cond3A_85 = arith.cmpi ne, %convert_element_type3A, %cond3A : i32
    scf.if %cond3A_85 {
      "tpu.region"() ({
        %run_scoped3A = tpu.sem_alloc : memref<!tpu.dma_semaphore, #tpu.memory_space<semaphore_mem>>
        %dma_start3A_449 = arith.constant 0 : i32
        %dma_start3A_450 = arith.constant 0 : i32
        %dma_start3A_451 = tpu.memref_slice %arg17[%dma_start3A_449, %dma_start3A_450] : memref<80x128xf32, #tpu.memory_space<vmem>> -> memref<16x128xf32, #tpu.memory_space<vmem>>
        %dma_start3A_452 = arith.constant 9984 : i32
        %dma_start3A_453 = arith.constant 0 : i32
        %dma_start3A_454 = tpu.memref_slice %arg18[%dma_start3A_452, %dma_start3A_453] : memref<10000x128xf32, #tpu.memory_space<vmem_shared>> -> memref<16x128xf32, #tpu.memory_space<vmem_shared>>
        %dma_start3A_455 = arith.constant 9984 : i32
        %dma_start3A_456 = arith.constant 0 : i32
        %dma_start3A_457 = tpu.memref_slice %arg18[%dma_start3A_455, %dma_start3A_456] : memref<10000x128xf32, #tpu.memory_space<vmem_shared>> -> memref<16x128xf32, #tpu.memory_space<vmem_shared>>
        %dma_start3A_458 = arith.constant 0 : i32
        %dma_start3A_459 = arith.constant 0 : i32
        %dma_start3A_460 = tpu.memref_slice %arg17[%dma_start3A_458, %dma_start3A_459] : memref<80x128xf32, #tpu.memory_space<vmem>> -> memref<16x128xf32, #tpu.memory_space<vmem>>
        tpu.enqueue_dma source(%dma_start3A_460 : memref<16x128xf32, #tpu.memory_space<vmem>>) target(%dma_start3A_457 : memref<16x128xf32, #tpu.memory_space<vmem_shared>>) target_semaphore(%run_scoped3A : memref<!tpu.dma_semaphore, #tpu.memory_space<semaphore_mem>>)
        %dma_wait3A_461 = arith.constant 0 : i32
        %dma_wait3A_462 = arith.constant 0 : i32
        %dma_wait3A_463 = tpu.memref_slice %arg17[%dma_wait3A_461, %dma_wait3A_462] : memref<80x128xf32, #tpu.memory_space<vmem>> -> memref<16x128xf32, #tpu.memory_space<vmem>>
        %dma_wait3A_464 = arith.constant 9984 : i32
        %dma_wait3A_465 = arith.constant 0 : i32
        %dma_wait3A_466 = tpu.memref_slice %arg18[%dma_wait3A_464, %dma_wait3A_465] : memref<10000x128xf32, #tpu.memory_space<vmem_shared>> -> memref<16x128xf32, #tpu.memory_space<vmem_shared>>
        %dma_wait3A_467 = arith.constant 9984 : i32
        %dma_wait3A_468 = arith.constant 0 : i32
        %dma_wait3A_469 = tpu.memref_slice %arg18[%dma_wait3A_467, %dma_wait3A_468] : memref<10000x128xf32, #tpu.memory_space<vmem_shared>> -> memref<16x128xf32, #tpu.memory_space<vmem_shared>>
        %dma_wait3A_470 = arith.constant 0 : i32
        %dma_wait3A_471 = arith.constant 0 : i32
        %dma_wait3A_472 = tpu.memref_slice %arg17[%dma_wait3A_470, %dma_wait3A_471] : memref<80x128xf32, #tpu.memory_space<vmem>> -> memref<16x128xf32, #tpu.memory_space<vmem>>
        tpu.wait_dma2 semaphore(%run_scoped3A : memref<!tpu.dma_semaphore, #tpu.memory_space<semaphore_mem>>) src(%dma_wait3A_472 : memref<16x128xf32, #tpu.memory_space<vmem>>) dst(%dma_wait3A_469 : memref<16x128xf32, #tpu.memory_space<vmem_shared>>)
        tpu.yield
      }) : () -> ()
    } else {
    }
    %dma_wait3A = arith.constant 0 : i32
    %dma_wait3A_86 = tpu.memref_slice %arg18[%add3A_31, %dma_wait3A] : memref<10000x128xf32, #tpu.memory_space<vmem_shared>> -> memref<80x128xf32, #tpu.memory_space<vmem_shared>>
    %dma_wait3A_87 = arith.constant 0 : i32
    %dma_wait3A_88 = tpu.memref_slice %arg18[%add3A_31, %dma_wait3A_87] : memref<10000x128xf32, #tpu.memory_space<vmem_shared>> -> memref<80x128xf32, #tpu.memory_space<vmem_shared>>
    tpu.wait_dma2 semaphore(%arg34 : memref<!tpu.dma_semaphore, #tpu.memory_space<semaphore_mem>>) src(%arg17 : memref<80x128xf32, #tpu.memory_space<vmem>>) dst(%dma_wait3A_88 : memref<80x128xf32, #tpu.memory_space<vmem_shared>>)
    %dma_wait3A_89 = arith.constant 0 : i32
    %dma_wait3A_90 = tpu.memref_slice %arg18[%add3A_33, %dma_wait3A_89] : memref<10000x128xf32, #tpu.memory_space<vmem_shared>> -> memref<80x128xf32, #tpu.memory_space<vmem_shared>>
    %dma_wait3A_91 = arith.constant 0 : i32
    %dma_wait3A_92 = tpu.memref_slice %arg18[%add3A_33, %dma_wait3A_91] : memref<10000x128xf32, #tpu.memory_space<vmem_shared>> -> memref<80x128xf32, #tpu.memory_space<vmem_shared>>
    tpu.wait_dma2 semaphore(%arg34 : memref<!tpu.dma_semaphore, #tpu.memory_space<semaphore_mem>>) src(%arg17 : memref<80x128xf32, #tpu.memory_space<vmem>>) dst(%dma_wait3A_92 : memref<80x128xf32, #tpu.memory_space<vmem_shared>>)
    %dma_wait3A_93 = arith.constant 0 : i32
    %dma_wait3A_94 = tpu.memref_slice %arg18[%add3A_35, %dma_wait3A_93] : memref<10000x128xf32, #tpu.memory_space<vmem_shared>> -> memref<80x128xf32, #tpu.memory_space<vmem_shared>>
    %dma_wait3A_95 = arith.constant 0 : i32
    %dma_wait3A_96 = tpu.memref_slice %arg18[%add3A_35, %dma_wait3A_95] : memref<10000x128xf32, #tpu.memory_space<vmem_shared>> -> memref<80x128xf32, #tpu.memory_space<vmem_shared>>
    tpu.wait_dma2 semaphore(%arg34 : memref<!tpu.dma_semaphore, #tpu.memory_space<semaphore_mem>>) src(%arg17 : memref<80x128xf32, #tpu.memory_space<vmem>>) dst(%dma_wait3A_96 : memref<80x128xf32, #tpu.memory_space<vmem_shared>>)
    %dma_wait3A_97 = arith.constant 0 : i32
    %dma_wait3A_98 = tpu.memref_slice %arg18[%add3A_37, %dma_wait3A_97] : memref<10000x128xf32, #tpu.memory_space<vmem_shared>> -> memref<80x128xf32, #tpu.memory_space<vmem_shared>>
    %dma_wait3A_99 = arith.constant 0 : i32
    %dma_wait3A_100 = tpu.memref_slice %arg18[%add3A_37, %dma_wait3A_99] : memref<10000x128xf32, #tpu.memory_space<vmem_shared>> -> memref<80x128xf32, #tpu.memory_space<vmem_shared>>
    tpu.wait_dma2 semaphore(%arg34 : memref<!tpu.dma_semaphore, #tpu.memory_space<semaphore_mem>>) src(%arg17 : memref<80x128xf32, #tpu.memory_space<vmem>>) dst(%dma_wait3A_100 : memref<80x128xf32, #tpu.memory_space<vmem_shared>>)
    %dma_wait3A_101 = arith.constant 0 : i32
    %dma_wait3A_102 = tpu.memref_slice %arg18[%add3A_39, %dma_wait3A_101] : memref<10000x128xf32, #tpu.memory_space<vmem_shared>> -> memref<80x128xf32, #tpu.memory_space<vmem_shared>>
    %dma_wait3A_103 = arith.constant 0 : i32
    %dma_wait3A_104 = tpu.memref_slice %arg18[%add3A_39, %dma_wait3A_103] : memref<10000x128xf32, #tpu.memory_space<vmem_shared>> -> memref<80x128xf32, #tpu.memory_space<vmem_shared>>
    tpu.wait_dma2 semaphore(%arg34 : memref<!tpu.dma_semaphore, #tpu.memory_space<semaphore_mem>>) src(%arg17 : memref<80x128xf32, #tpu.memory_space<vmem>>) dst(%dma_wait3A_104 : memref<80x128xf32, #tpu.memory_space<vmem_shared>>)
    %dma_wait3A_105 = arith.constant 0 : i32
    %dma_wait3A_106 = tpu.memref_slice %arg18[%add3A_41, %dma_wait3A_105] : memref<10000x128xf32, #tpu.memory_space<vmem_shared>> -> memref<80x128xf32, #tpu.memory_space<vmem_shared>>
    %dma_wait3A_107 = arith.constant 0 : i32
    %dma_wait3A_108 = tpu.memref_slice %arg18[%add3A_41, %dma_wait3A_107] : memref<10000x128xf32, #tpu.memory_space<vmem_shared>> -> memref<80x128xf32, #tpu.memory_space<vmem_shared>>
    tpu.wait_dma2 semaphore(%arg34 : memref<!tpu.dma_semaphore, #tpu.memory_space<semaphore_mem>>) src(%arg17 : memref<80x128xf32, #tpu.memory_space<vmem>>) dst(%dma_wait3A_108 : memref<80x128xf32, #tpu.memory_space<vmem_shared>>)
    %dma_wait3A_109 = arith.constant 0 : i32
    %dma_wait3A_110 = tpu.memref_slice %arg18[%add3A_43, %dma_wait3A_109] : memref<10000x128xf32, #tpu.memory_space<vmem_shared>> -> memref<80x128xf32, #tpu.memory_space<vmem_shared>>
    %dma_wait3A_111 = arith.constant 0 : i32
    %dma_wait3A_112 = tpu.memref_slice %arg18[%add3A_43, %dma_wait3A_111] : memref<10000x128xf32, #tpu.memory_space<vmem_shared>> -> memref<80x128xf32, #tpu.memory_space<vmem_shared>>
    tpu.wait_dma2 semaphore(%arg34 : memref<!tpu.dma_semaphore, #tpu.memory_space<semaphore_mem>>) src(%arg17 : memref<80x128xf32, #tpu.memory_space<vmem>>) dst(%dma_wait3A_112 : memref<80x128xf32, #tpu.memory_space<vmem_shared>>)
    %dma_wait3A_113 = arith.constant 0 : i32
    %dma_wait3A_114 = arith.constant 0 : i32
    %dma_wait3A_115 = tpu.memref_slice %arg17[%dma_wait3A_113, %dma_wait3A_114] : memref<80x128xf32, #tpu.memory_space<vmem>> -> memref<64x128xf32, #tpu.memory_space<vmem>>
    %dma_wait3A_116 = arith.constant 0 : i32
    %dma_wait3A_117 = tpu.memref_slice %arg18[%add3A_45, %dma_wait3A_116] : memref<10000x128xf32, #tpu.memory_space<vmem_shared>> -> memref<64x128xf32, #tpu.memory_space<vmem_shared>>
    %dma_wait3A_118 = arith.constant 0 : i32
    %dma_wait3A_119 = tpu.memref_slice %arg18[%add3A_45, %dma_wait3A_118] : memref<10000x128xf32, #tpu.memory_space<vmem_shared>> -> memref<64x128xf32, #tpu.memory_space<vmem_shared>>
    %dma_wait3A_120 = arith.constant 0 : i32
    %dma_wait3A_121 = arith.constant 0 : i32
    %dma_wait3A_122 = tpu.memref_slice %arg17[%dma_wait3A_120, %dma_wait3A_121] : memref<80x128xf32, #tpu.memory_space<vmem>> -> memref<64x128xf32, #tpu.memory_space<vmem>>
    tpu.wait_dma2 semaphore(%arg34 : memref<!tpu.dma_semaphore, #tpu.memory_space<semaphore_mem>>) src(%dma_wait3A_122 : memref<64x128xf32, #tpu.memory_space<vmem>>) dst(%dma_wait3A_119 : memref<64x128xf32, #tpu.memory_space<vmem_shared>>)
    %mul3A_123 = arith.constant 80 : i32
    %mul3A_124 = arith.muli %mul3A_2, %mul3A_123 : i32
    %dma_wait3A_125 = tpu.memref_slice %arg3[%mul3A_124] : memref<320000xi32, #tpu.memory_space<hbm>> -> memref<80xi32, #tpu.memory_space<hbm>>
    %dma_wait3A_126 = tpu.memref_slice %arg3[%mul3A_124] : memref<320000xi32, #tpu.memory_space<hbm>> -> memref<80xi32, #tpu.memory_space<hbm>>
    tpu.wait_dma2 semaphore(%arg19 : memref<!tpu.dma_semaphore, #tpu.memory_space<semaphore_mem>>) src(%dma_wait3A_126 : memref<80xi32, #tpu.memory_space<hbm>>) dst(%arg6 : memref<80xi32, #tpu.memory_space<vmem>>)
    %dma_start3A_127 = arith.constant 0 : i32
    %dma_start3A_128 = arith.constant 0 : i32
    %dma_start3A_129 = tpu.memref_slice %arg2[%dma_start3A_127, %dma_start3A_128] : memref<10000x128xf32, #tpu.memory_space<hbm>> -> memref<10000x128xf32, #tpu.memory_space<hbm>>
    tpu.enqueue_indirect_dma source(%dma_start3A_129 : memref<10000x128xf32, #tpu.memory_space<hbm>>) target(%arg14 : memref<80x128xf32, #tpu.memory_space<vmem>>) offsets(%arg6 : memref<80xi32, #tpu.memory_space<vmem>>) semaphore(%arg27 : memref<!tpu.dma_semaphore, #tpu.memory_space<semaphore_mem>>)
    %add3A_130 = arith.constant 1 : i32
    %add3A_131 = arith.addi %mul3A_2, %add3A_130 : i32
    %mul3A_132 = arith.constant 80 : i32
    %mul3A_133 = arith.muli %add3A_131, %mul3A_132 : i32
    %dma_wait3A_134 = tpu.memref_slice %arg3[%mul3A_133] : memref<320000xi32, #tpu.memory_space<hbm>> -> memref<80xi32, #tpu.memory_space<hbm>>
    %dma_wait3A_135 = tpu.memref_slice %arg3[%mul3A_133] : memref<320000xi32, #tpu.memory_space<hbm>> -> memref<80xi32, #tpu.memory_space<hbm>>
    tpu.wait_dma2 semaphore(%arg20 : memref<!tpu.dma_semaphore, #tpu.memory_space<semaphore_mem>>) src(%dma_wait3A_135 : memref<80xi32, #tpu.memory_space<hbm>>) dst(%arg7 : memref<80xi32, #tpu.memory_space<vmem>>)
    %dma_start3A_136 = arith.constant 0 : i32
    %dma_start3A_137 = arith.constant 0 : i32
    %dma_start3A_138 = tpu.memref_slice %arg2[%dma_start3A_136, %dma_start3A_137] : memref<10000x128xf32, #tpu.memory_space<hbm>> -> memref<10000x128xf32, #tpu.memory_space<hbm>>
    tpu.enqueue_indirect_dma source(%dma_start3A_138 : memref<10000x128xf32, #tpu.memory_space<hbm>>) target(%arg15 : memref<80x128xf32, #tpu.memory_space<vmem>>) offsets(%arg7 : memref<80xi32, #tpu.memory_space<vmem>>) semaphore(%arg28 : memref<!tpu.dma_semaphore, #tpu.memory_space<semaphore_mem>>)
    %add3A_139 = arith.constant 2 : i32
    %add3A_140 = arith.addi %mul3A_2, %add3A_139 : i32
    %mul3A_141 = arith.constant 80 : i32
    %mul3A_142 = arith.muli %add3A_140, %mul3A_141 : i32
    %dma_start3A_143 = tpu.memref_slice %arg3[%mul3A_142] : memref<320000xi32, #tpu.memory_space<hbm>> -> memref<80xi32, #tpu.memory_space<hbm>>
    %dma_start3A_144 = tpu.memref_slice %arg3[%mul3A_142] : memref<320000xi32, #tpu.memory_space<hbm>> -> memref<80xi32, #tpu.memory_space<hbm>>
    tpu.enqueue_dma source(%dma_start3A_144 : memref<80xi32, #tpu.memory_space<hbm>>) target(%arg8 : memref<80xi32, #tpu.memory_space<vmem>>) target_semaphore(%arg21 : memref<!tpu.dma_semaphore, #tpu.memory_space<semaphore_mem>>)
    %add3A_145 = arith.constant 3 : i32
    %add3A_146 = arith.addi %mul3A_2, %add3A_145 : i32
    %mul3A_147 = arith.constant 80 : i32
    %mul3A_148 = arith.muli %add3A_146, %mul3A_147 : i32
    %dma_start3A_149 = tpu.memref_slice %arg3[%mul3A_148] : memref<320000xi32, #tpu.memory_space<hbm>> -> memref<80xi32, #tpu.memory_space<hbm>>
    %dma_start3A_150 = tpu.memref_slice %arg3[%mul3A_148] : memref<320000xi32, #tpu.memory_space<hbm>> -> memref<80xi32, #tpu.memory_space<hbm>>
    tpu.enqueue_dma source(%dma_start3A_150 : memref<80xi32, #tpu.memory_space<hbm>>) target(%arg9 : memref<80xi32, #tpu.memory_space<vmem>>) target_semaphore(%arg22 : memref<!tpu.dma_semaphore, #tpu.memory_space<semaphore_mem>>)
    %barrier3A = arith.constant 0 : index
    tpu.barrier barrier_id(%barrier3A)
    %add3A_151 = arith.constant 0 : i32
    %add3A_152 = arith.addi %mul3A_2, %add3A_151 : i32
    %dma_wait3A_153 = arith.constant 0 : i32
    %dma_wait3A_154 = arith.constant 0 : i32
    %dma_wait3A_155 = tpu.memref_slice %arg2[%dma_wait3A_153, %dma_wait3A_154] : memref<10000x128xf32, #tpu.memory_space<hbm>> -> memref<10000x128xf32, #tpu.memory_space<hbm>>
    tpu.wait_indirect_dma semaphore(%arg27 : memref<!tpu.dma_semaphore, #tpu.memory_space<semaphore_mem>>) src(%dma_wait3A_155 : memref<10000x128xf32, #tpu.memory_space<hbm>>) dst(%arg14 : memref<80x128xf32, #tpu.memory_space<vmem>>)
    %add3A_156 = arith.constant 2 : i32
    %add3A_157 = arith.addi %add3A_152, %add3A_156 : i32
    %lt3A = arith.cmpi slt, %add3A_157, %add3A_4 : i32
    %convert_element_type3A_158 = arith.extui %lt3A : i1 to i32
    %cond3A_159 = arith.constant 0 : i32
    %cond3A_160 = arith.cmpi ne, %convert_element_type3A_158, %cond3A_159 : i32
    scf.if %cond3A_160 {
      %add3A_449 = arith.constant 2 : i32
      %add3A_450 = arith.addi %add3A_152, %add3A_449 : i32
      %mul3A_451 = arith.constant 80 : i32
      %mul3A_452 = arith.muli %add3A_450, %mul3A_451 : i32
      %dma_start3A_453 = tpu.memref_slice %arg4[%mul3A_452] : memref<320000xi32, #tpu.memory_space<hbm>> -> memref<80xi32, #tpu.memory_space<hbm>>
      %dma_start3A_454 = tpu.memref_slice %arg4[%mul3A_452] : memref<320000xi32, #tpu.memory_space<hbm>> -> memref<80xi32, #tpu.memory_space<hbm>>
      tpu.enqueue_dma source(%dma_start3A_454 : memref<80xi32, #tpu.memory_space<hbm>>) target(%arg12 : memref<80xi32, #tpu.memory_space<vmem>>) target_semaphore(%arg25 : memref<!tpu.dma_semaphore, #tpu.memory_space<semaphore_mem>>)
      %add3A_455 = arith.constant 2 : i32
      %add3A_456 = arith.addi %add3A_152, %add3A_455 : i32
      %mul3A_457 = arith.constant 80 : i32
      %mul3A_458 = arith.muli %add3A_456, %mul3A_457 : i32
      %dma_wait3A_459 = tpu.memref_slice %arg3[%mul3A_458] : memref<320000xi32, #tpu.memory_space<hbm>> -> memref<80xi32, #tpu.memory_space<hbm>>
      %dma_wait3A_460 = tpu.memref_slice %arg3[%mul3A_458] : memref<320000xi32, #tpu.memory_space<hbm>> -> memref<80xi32, #tpu.memory_space<hbm>>
      tpu.wait_dma2 semaphore(%arg21 : memref<!tpu.dma_semaphore, #tpu.memory_space<semaphore_mem>>) src(%dma_wait3A_460 : memref<80xi32, #tpu.memory_space<hbm>>) dst(%arg8 : memref<80xi32, #tpu.memory_space<vmem>>)
      %dma_start3A_461 = arith.constant 0 : i32
      %dma_start3A_462 = arith.constant 0 : i32
      %dma_start3A_463 = tpu.memref_slice %arg2[%dma_start3A_461, %dma_start3A_462] : memref<10000x128xf32, #tpu.memory_space<hbm>> -> memref<10000x128xf32, #tpu.memory_space<hbm>>
      tpu.enqueue_indirect_dma source(%dma_start3A_463 : memref<10000x128xf32, #tpu.memory_space<hbm>>) target(%arg16 : memref<80x128xf32, #tpu.memory_space<vmem>>) offsets(%arg8 : memref<80xi32, #tpu.memory_space<vmem>>) semaphore(%arg29 : memref<!tpu.dma_semaphore, #tpu.memory_space<semaphore_mem>>)
    } else {
    }
    %add3A_161 = arith.constant 4 : i32
    %add3A_162 = arith.addi %add3A_152, %add3A_161 : i32
    %lt3A_163 = arith.cmpi slt, %add3A_162, %add3A_4 : i32
    %convert_element_type3A_164 = arith.extui %lt3A_163 : i1 to i32
    %cond3A_165 = arith.constant 0 : i32
    %cond3A_166 = arith.cmpi ne, %convert_element_type3A_164, %cond3A_165 : i32
    scf.if %cond3A_166 {
      %add3A_449 = arith.constant 4 : i32
      %add3A_450 = arith.addi %add3A_152, %add3A_449 : i32
      %mul3A_451 = arith.constant 80 : i32
      %mul3A_452 = arith.muli %add3A_450, %mul3A_451 : i32
      %dma_start3A_453 = tpu.memref_slice %arg3[%mul3A_452] : memref<320000xi32, #tpu.memory_space<hbm>> -> memref<80xi32, #tpu.memory_space<hbm>>
      %dma_start3A_454 = tpu.memref_slice %arg3[%mul3A_452] : memref<320000xi32, #tpu.memory_space<hbm>> -> memref<80xi32, #tpu.memory_space<hbm>>
      tpu.enqueue_dma source(%dma_start3A_454 : memref<80xi32, #tpu.memory_space<hbm>>) target(%arg6 : memref<80xi32, #tpu.memory_space<vmem>>) target_semaphore(%arg19 : memref<!tpu.dma_semaphore, #tpu.memory_space<semaphore_mem>>)
    } else {
    }
    %mul3A_167 = arith.constant 80 : i32
    %mul3A_168 = arith.muli %add3A_152, %mul3A_167 : i32
    %dma_wait3A_169 = tpu.memref_slice %arg4[%mul3A_168] : memref<320000xi32, #tpu.memory_space<hbm>> -> memref<80xi32, #tpu.memory_space<hbm>>
    %dma_wait3A_170 = tpu.memref_slice %arg4[%mul3A_168] : memref<320000xi32, #tpu.memory_space<hbm>> -> memref<80xi32, #tpu.memory_space<hbm>>
    tpu.wait_dma2 semaphore(%arg23 : memref<!tpu.dma_semaphore, #tpu.memory_space<semaphore_mem>>) src(%dma_wait3A_170 : memref<80xi32, #tpu.memory_space<hbm>>) dst(%arg10 : memref<80xi32, #tpu.memory_space<vmem>>)
    %dma_start3A_171 = arith.constant 0 : i32
    %dma_start3A_172 = arith.constant 0 : i32
    %dma_start3A_173 = tpu.memref_slice %arg18[%dma_start3A_171, %dma_start3A_172] : memref<10000x128xf32, #tpu.memory_space<vmem_shared>> -> memref<10000x128xf32, #tpu.memory_space<vmem_shared>>
    tpu.enqueue_indirect_dma source(%arg14 : memref<80x128xf32, #tpu.memory_space<vmem>>) target(%dma_start3A_173 : memref<10000x128xf32, #tpu.memory_space<vmem_shared>>) offsets(%arg10 : memref<80xi32, #tpu.memory_space<vmem>>) semaphore(%arg31 : memref<!tpu.dma_semaphore, #tpu.memory_space<semaphore_mem>>) {add = true}
    %add3A_174 = arith.constant 1 : i32
    %add3A_175 = arith.addi %mul3A_2, %add3A_174 : i32
    %dma_wait3A_176 = arith.constant 0 : i32
    %dma_wait3A_177 = arith.constant 0 : i32
    %dma_wait3A_178 = tpu.memref_slice %arg2[%dma_wait3A_176, %dma_wait3A_177] : memref<10000x128xf32, #tpu.memory_space<hbm>> -> memref<10000x128xf32, #tpu.memory_space<hbm>>
    tpu.wait_indirect_dma semaphore(%arg28 : memref<!tpu.dma_semaphore, #tpu.memory_space<semaphore_mem>>) src(%dma_wait3A_178 : memref<10000x128xf32, #tpu.memory_space<hbm>>) dst(%arg15 : memref<80x128xf32, #tpu.memory_space<vmem>>)
    %add3A_179 = arith.constant 2 : i32
    %add3A_180 = arith.addi %add3A_175, %add3A_179 : i32
    %lt3A_181 = arith.cmpi slt, %add3A_180, %add3A_4 : i32
    %convert_element_type3A_182 = arith.extui %lt3A_181 : i1 to i32
    %cond3A_183 = arith.constant 0 : i32
    %cond3A_184 = arith.cmpi ne, %convert_element_type3A_182, %cond3A_183 : i32
    scf.if %cond3A_184 {
      %add3A_449 = arith.constant 2 : i32
      %add3A_450 = arith.addi %add3A_175, %add3A_449 : i32
      %mul3A_451 = arith.constant 80 : i32
      %mul3A_452 = arith.muli %add3A_450, %mul3A_451 : i32
      %dma_start3A_453 = tpu.memref_slice %arg4[%mul3A_452] : memref<320000xi32, #tpu.memory_space<hbm>> -> memref<80xi32, #tpu.memory_space<hbm>>
      %dma_start3A_454 = tpu.memref_slice %arg4[%mul3A_452] : memref<320000xi32, #tpu.memory_space<hbm>> -> memref<80xi32, #tpu.memory_space<hbm>>
      tpu.enqueue_dma source(%dma_start3A_454 : memref<80xi32, #tpu.memory_space<hbm>>) target(%arg13 : memref<80xi32, #tpu.memory_space<vmem>>) target_semaphore(%arg26 : memref<!tpu.dma_semaphore, #tpu.memory_space<semaphore_mem>>)
      %add3A_455 = arith.constant 2 : i32
      %add3A_456 = arith.addi %add3A_175, %add3A_455 : i32
      %mul3A_457 = arith.constant 80 : i32
      %mul3A_458 = arith.muli %add3A_456, %mul3A_457 : i32
      %dma_wait3A_459 = tpu.memref_slice %arg3[%mul3A_458] : memref<320000xi32, #tpu.memory_space<hbm>> -> memref<80xi32, #tpu.memory_space<hbm>>
      %dma_wait3A_460 = tpu.memref_slice %arg3[%mul3A_458] : memref<320000xi32, #tpu.memory_space<hbm>> -> memref<80xi32, #tpu.memory_space<hbm>>
      tpu.wait_dma2 semaphore(%arg22 : memref<!tpu.dma_semaphore, #tpu.memory_space<semaphore_mem>>) src(%dma_wait3A_460 : memref<80xi32, #tpu.memory_space<hbm>>) dst(%arg9 : memref<80xi32, #tpu.memory_space<vmem>>)
      %dma_start3A_461 = arith.constant 0 : i32
      %dma_start3A_462 = arith.constant 0 : i32
      %dma_start3A_463 = tpu.memref_slice %arg2[%dma_start3A_461, %dma_start3A_462] : memref<10000x128xf32, #tpu.memory_space<hbm>> -> memref<10000x128xf32, #tpu.memory_space<hbm>>
      tpu.enqueue_indirect_dma source(%dma_start3A_463 : memref<10000x128xf32, #tpu.memory_space<hbm>>) target(%arg17 : memref<80x128xf32, #tpu.memory_space<vmem>>) offsets(%arg9 : memref<80xi32, #tpu.memory_space<vmem>>) semaphore(%arg30 : memref<!tpu.dma_semaphore, #tpu.memory_space<semaphore_mem>>)
    } else {
    }
    %add3A_185 = arith.constant 4 : i32
    %add3A_186 = arith.addi %add3A_175, %add3A_185 : i32
    %lt3A_187 = arith.cmpi slt, %add3A_186, %add3A_4 : i32
    %convert_element_type3A_188 = arith.extui %lt3A_187 : i1 to i32
    %cond3A_189 = arith.constant 0 : i32
    %cond3A_190 = arith.cmpi ne, %convert_element_type3A_188, %cond3A_189 : i32
    scf.if %cond3A_190 {
      %add3A_449 = arith.constant 4 : i32
      %add3A_450 = arith.addi %add3A_175, %add3A_449 : i32
      %mul3A_451 = arith.constant 80 : i32
      %mul3A_452 = arith.muli %add3A_450, %mul3A_451 : i32
      %dma_start3A_453 = tpu.memref_slice %arg3[%mul3A_452] : memref<320000xi32, #tpu.memory_space<hbm>> -> memref<80xi32, #tpu.memory_space<hbm>>
      %dma_start3A_454 = tpu.memref_slice %arg3[%mul3A_452] : memref<320000xi32, #tpu.memory_space<hbm>> -> memref<80xi32, #tpu.memory_space<hbm>>
      tpu.enqueue_dma source(%dma_start3A_454 : memref<80xi32, #tpu.memory_space<hbm>>) target(%arg7 : memref<80xi32, #tpu.memory_space<vmem>>) target_semaphore(%arg20 : memref<!tpu.dma_semaphore, #tpu.memory_space<semaphore_mem>>)
    } else {
    }
    %mul3A_191 = arith.constant 80 : i32
    %mul3A_192 = arith.muli %add3A_175, %mul3A_191 : i32
    %dma_wait3A_193 = tpu.memref_slice %arg4[%mul3A_192] : memref<320000xi32, #tpu.memory_space<hbm>> -> memref<80xi32, #tpu.memory_space<hbm>>
    %dma_wait3A_194 = tpu.memref_slice %arg4[%mul3A_192] : memref<320000xi32, #tpu.memory_space<hbm>> -> memref<80xi32, #tpu.memory_space<hbm>>
    tpu.wait_dma2 semaphore(%arg24 : memref<!tpu.dma_semaphore, #tpu.memory_space<semaphore_mem>>) src(%dma_wait3A_194 : memref<80xi32, #tpu.memory_space<hbm>>) dst(%arg11 : memref<80xi32, #tpu.memory_space<vmem>>)
    %dma_start3A_195 = arith.constant 0 : i32
    %dma_start3A_196 = arith.constant 0 : i32
    %dma_start3A_197 = tpu.memref_slice %arg18[%dma_start3A_195, %dma_start3A_196] : memref<10000x128xf32, #tpu.memory_space<vmem_shared>> -> memref<10000x128xf32, #tpu.memory_space<vmem_shared>>
    tpu.enqueue_indirect_dma source(%arg15 : memref<80x128xf32, #tpu.memory_space<vmem>>) target(%dma_start3A_197 : memref<10000x128xf32, #tpu.memory_space<vmem_shared>>) offsets(%arg11 : memref<80xi32, #tpu.memory_space<vmem>>) semaphore(%arg32 : memref<!tpu.dma_semaphore, #tpu.memory_space<semaphore_mem>>) {add = true}
    %scan3A_198 = arith.constant 0 : i32
    %scan3A_199 = arith.constant 30 : i32
    %scan3A_200 = arith.addi %scan3A_198, %scan3A_199 : i32
    %scan3A_201 = arith.constant 1 : i32
    scf.for %scan3A_449 = %scan3A_198 to %scan3A_200 step %scan3A_201  : i32 {
      %mul3A_450 = arith.constant 1 : i32
      %mul3A_451 = arith.muli %scan3A_449, %mul3A_450 : i32
      %add3A_452 = arith.constant 0 : i32
      %add3A_453 = arith.addi %add3A_452, %mul3A_451 : i32
      %add3A_454 = arith.constant 2 : i32
      %add3A_455 = arith.addi %mul3A_2, %add3A_454 : i32
      %mul3A_456 = arith.constant 4 : i32
      %mul3A_457 = arith.muli %add3A_453, %mul3A_456 : i32
      %add3A_458 = arith.addi %add3A_455, %mul3A_457 : i32
      %dma_wait3A_459 = arith.constant 0 : i32
      %dma_wait3A_460 = arith.constant 0 : i32
      %dma_wait3A_461 = tpu.memref_slice %arg2[%dma_wait3A_459, %dma_wait3A_460] : memref<10000x128xf32, #tpu.memory_space<hbm>> -> memref<10000x128xf32, #tpu.memory_space<hbm>>
      tpu.wait_indirect_dma semaphore(%arg29 : memref<!tpu.dma_semaphore, #tpu.memory_space<semaphore_mem>>) src(%dma_wait3A_461 : memref<10000x128xf32, #tpu.memory_space<hbm>>) dst(%arg16 : memref<80x128xf32, #tpu.memory_space<vmem>>)
      %dma_wait3A_462 = arith.constant 0 : i32
      %dma_wait3A_463 = arith.constant 0 : i32
      %dma_wait3A_464 = tpu.memref_slice %arg18[%dma_wait3A_462, %dma_wait3A_463] : memref<10000x128xf32, #tpu.memory_space<vmem_shared>> -> memref<10000x128xf32, #tpu.memory_space<vmem_shared>>
      tpu.wait_indirect_dma semaphore(%arg31 : memref<!tpu.dma_semaphore, #tpu.memory_space<semaphore_mem>>) src(%arg14 : memref<80x128xf32, #tpu.memory_space<vmem>>) dst(%dma_wait3A_464 : memref<10000x128xf32, #tpu.memory_space<vmem_shared>>)
      %add3A_465 = arith.constant 2 : i32
      %add3A_466 = arith.addi %add3A_458, %add3A_465 : i32
      %lt3A_467 = arith.cmpi slt, %add3A_466, %add3A_4 : i32
      %convert_element_type3A_468 = arith.extui %lt3A_467 : i1 to i32
      %cond3A_469 = arith.constant 0 : i32
      %cond3A_470 = arith.cmpi ne, %convert_element_type3A_468, %cond3A_469 : i32
      scf.if %cond3A_470 {
        %add3A_565 = arith.constant 2 : i32
        %add3A_566 = arith.addi %add3A_458, %add3A_565 : i32
        %mul3A_567 = arith.constant 80 : i32
        %mul3A_568 = arith.muli %add3A_566, %mul3A_567 : i32
        %dma_start3A_569 = tpu.memref_slice %arg4[%mul3A_568] : memref<320000xi32, #tpu.memory_space<hbm>> -> memref<80xi32, #tpu.memory_space<hbm>>
        %dma_start3A_570 = tpu.memref_slice %arg4[%mul3A_568] : memref<320000xi32, #tpu.memory_space<hbm>> -> memref<80xi32, #tpu.memory_space<hbm>>
        tpu.enqueue_dma source(%dma_start3A_570 : memref<80xi32, #tpu.memory_space<hbm>>) target(%arg10 : memref<80xi32, #tpu.memory_space<vmem>>) target_semaphore(%arg23 : memref<!tpu.dma_semaphore, #tpu.memory_space<semaphore_mem>>)
        %add3A_571 = arith.constant 2 : i32
        %add3A_572 = arith.addi %add3A_458, %add3A_571 : i32
        %mul3A_573 = arith.constant 80 : i32
        %mul3A_574 = arith.muli %add3A_572, %mul3A_573 : i32
        %dma_wait3A_575 = tpu.memref_slice %arg3[%mul3A_574] : memref<320000xi32, #tpu.memory_space<hbm>> -> memref<80xi32, #tpu.memory_space<hbm>>
        %dma_wait3A_576 = tpu.memref_slice %arg3[%mul3A_574] : memref<320000xi32, #tpu.memory_space<hbm>> -> memref<80xi32, #tpu.memory_space<hbm>>
        tpu.wait_dma2 semaphore(%arg19 : memref<!tpu.dma_semaphore, #tpu.memory_space<semaphore_mem>>) src(%dma_wait3A_576 : memref<80xi32, #tpu.memory_space<hbm>>) dst(%arg6 : memref<80xi32, #tpu.memory_space<vmem>>)
        %dma_start3A_577 = arith.constant 0 : i32
        %dma_start3A_578 = arith.constant 0 : i32
        %dma_start3A_579 = tpu.memref_slice %arg2[%dma_start3A_577, %dma_start3A_578] : memref<10000x128xf32, #tpu.memory_space<hbm>> -> memref<10000x128xf32, #tpu.memory_space<hbm>>
        tpu.enqueue_indirect_dma source(%dma_start3A_579 : memref<10000x128xf32, #tpu.memory_space<hbm>>) target(%arg14 : memref<80x128xf32, #tpu.memory_space<vmem>>) offsets(%arg6 : memref<80xi32, #tpu.memory_space<vmem>>) semaphore(%arg27 : memref<!tpu.dma_semaphore, #tpu.memory_space<semaphore_mem>>)
      } else {
      }
      %add3A_471 = arith.constant 4 : i32
      %add3A_472 = arith.addi %add3A_458, %add3A_471 : i32
      %lt3A_473 = arith.cmpi slt, %add3A_472, %add3A_4 : i32
      %convert_element_type3A_474 = arith.extui %lt3A_473 : i1 to i32
      %cond3A_475 = arith.constant 0 : i32
      %cond3A_476 = arith.cmpi ne, %convert_element_type3A_474, %cond3A_475 : i32
      scf.if %cond3A_476 {
        %add3A_565 = arith.constant 4 : i32
        %add3A_566 = arith.addi %add3A_458, %add3A_565 : i32
        %mul3A_567 = arith.constant 80 : i32
        %mul3A_568 = arith.muli %add3A_566, %mul3A_567 : i32
        %dma_start3A_569 = tpu.memref_slice %arg3[%mul3A_568] : memref<320000xi32, #tpu.memory_space<hbm>> -> memref<80xi32, #tpu.memory_space<hbm>>
        %dma_start3A_570 = tpu.memref_slice %arg3[%mul3A_568] : memref<320000xi32, #tpu.memory_space<hbm>> -> memref<80xi32, #tpu.memory_space<hbm>>
        tpu.enqueue_dma source(%dma_start3A_570 : memref<80xi32, #tpu.memory_space<hbm>>) target(%arg8 : memref<80xi32, #tpu.memory_space<vmem>>) target_semaphore(%arg21 : memref<!tpu.dma_semaphore, #tpu.memory_space<semaphore_mem>>)
      } else {
      }
      %mul3A_477 = arith.constant 80 : i32
      %mul3A_478 = arith.muli %add3A_458, %mul3A_477 : i32
      %dma_wait3A_479 = tpu.memref_slice %arg4[%mul3A_478] : memref<320000xi32, #tpu.memory_space<hbm>> -> memref<80xi32, #tpu.memory_space<hbm>>
      %dma_wait3A_480 = tpu.memref_slice %arg4[%mul3A_478] : memref<320000xi32, #tpu.memory_space<hbm>> -> memref<80xi32, #tpu.memory_space<hbm>>
      tpu.wait_dma2 semaphore(%arg25 : memref<!tpu.dma_semaphore, #tpu.memory_space<semaphore_mem>>) src(%dma_wait3A_480 : memref<80xi32, #tpu.memory_space<hbm>>) dst(%arg12 : memref<80xi32, #tpu.memory_space<vmem>>)
      %dma_start3A_481 = arith.constant 0 : i32
      %dma_start3A_482 = arith.constant 0 : i32
      %dma_start3A_483 = tpu.memref_slice %arg18[%dma_start3A_481, %dma_start3A_482] : memref<10000x128xf32, #tpu.memory_space<vmem_shared>> -> memref<10000x128xf32, #tpu.memory_space<vmem_shared>>
      tpu.enqueue_indirect_dma source(%arg16 : memref<80x128xf32, #tpu.memory_space<vmem>>) target(%dma_start3A_483 : memref<10000x128xf32, #tpu.memory_space<vmem_shared>>) offsets(%arg12 : memref<80xi32, #tpu.memory_space<vmem>>) semaphore(%arg33 : memref<!tpu.dma_semaphore, #tpu.memory_space<semaphore_mem>>) {add = true}
      %add3A_484 = arith.constant 1 : i32
      %add3A_485 = arith.addi %add3A_458, %add3A_484 : i32
      %dma_wait3A_486 = arith.constant 0 : i32
      %dma_wait3A_487 = arith.constant 0 : i32
      %dma_wait3A_488 = tpu.memref_slice %arg2[%dma_wait3A_486, %dma_wait3A_487] : memref<10000x128xf32, #tpu.memory_space<hbm>> -> memref<10000x128xf32, #tpu.memory_space<hbm>>
      tpu.wait_indirect_dma semaphore(%arg30 : memref<!tpu.dma_semaphore, #tpu.memory_space<semaphore_mem>>) src(%dma_wait3A_488 : memref<10000x128xf32, #tpu.memory_space<hbm>>) dst(%arg17 : memref<80x128xf32, #tpu.memory_space<vmem>>)
      %dma_wait3A_489 = arith.constant 0 : i32
      %dma_wait3A_490 = arith.constant 0 : i32
      %dma_wait3A_491 = tpu.memref_slice %arg18[%dma_wait3A_489, %dma_wait3A_490] : memref<10000x128xf32, #tpu.memory_space<vmem_shared>> -> memref<10000x128xf32, #tpu.memory_space<vmem_shared>>
      tpu.wait_indirect_dma semaphore(%arg32 : memref<!tpu.dma_semaphore, #tpu.memory_space<semaphore_mem>>) src(%arg15 : memref<80x128xf32, #tpu.memory_space<vmem>>) dst(%dma_wait3A_491 : memref<10000x128xf32, #tpu.memory_space<vmem_shared>>)
      %add3A_492 = arith.constant 2 : i32
      %add3A_493 = arith.addi %add3A_485, %add3A_492 : i32
      %lt3A_494 = arith.cmpi slt, %add3A_493, %add3A_4 : i32
      %convert_element_type3A_495 = arith.extui %lt3A_494 : i1 to i32
      %cond3A_496 = arith.constant 0 : i32
      %cond3A_497 = arith.cmpi ne, %convert_element_type3A_495, %cond3A_496 : i32
      scf.if %cond3A_497 {
        %add3A_565 = arith.constant 2 : i32
        %add3A_566 = arith.addi %add3A_485, %add3A_565 : i32
        %mul3A_567 = arith.constant 80 : i32
        %mul3A_568 = arith.muli %add3A_566, %mul3A_567 : i32
        %dma_start3A_569 = tpu.memref_slice %arg4[%mul3A_568] : memref<320000xi32, #tpu.memory_space<hbm>> -> memref<80xi32, #tpu.memory_space<hbm>>
        %dma_start3A_570 = tpu.memref_slice %arg4[%mul3A_568] : memref<320000xi32, #tpu.memory_space<hbm>> -> memref<80xi32, #tpu.memory_space<hbm>>
        tpu.enqueue_dma source(%dma_start3A_570 : memref<80xi32, #tpu.memory_space<hbm>>) target(%arg11 : memref<80xi32, #tpu.memory_space<vmem>>) target_semaphore(%arg24 : memref<!tpu.dma_semaphore, #tpu.memory_space<semaphore_mem>>)
        %add3A_571 = arith.constant 2 : i32
        %add3A_572 = arith.addi %add3A_485, %add3A_571 : i32
        %mul3A_573 = arith.constant 80 : i32
        %mul3A_574 = arith.muli %add3A_572, %mul3A_573 : i32
        %dma_wait3A_575 = tpu.memref_slice %arg3[%mul3A_574] : memref<320000xi32, #tpu.memory_space<hbm>> -> memref<80xi32, #tpu.memory_space<hbm>>
        %dma_wait3A_576 = tpu.memref_slice %arg3[%mul3A_574] : memref<320000xi32, #tpu.memory_space<hbm>> -> memref<80xi32, #tpu.memory_space<hbm>>
        tpu.wait_dma2 semaphore(%arg20 : memref<!tpu.dma_semaphore, #tpu.memory_space<semaphore_mem>>) src(%dma_wait3A_576 : memref<80xi32, #tpu.memory_space<hbm>>) dst(%arg7 : memref<80xi32, #tpu.memory_space<vmem>>)
        %dma_start3A_577 = arith.constant 0 : i32
        %dma_start3A_578 = arith.constant 0 : i32
        %dma_start3A_579 = tpu.memref_slice %arg2[%dma_start3A_577, %dma_start3A_578] : memref<10000x128xf32, #tpu.memory_space<hbm>> -> memref<10000x128xf32, #tpu.memory_space<hbm>>
        tpu.enqueue_indirect_dma source(%dma_start3A_579 : memref<10000x128xf32, #tpu.memory_space<hbm>>) target(%arg15 : memref<80x128xf32, #tpu.memory_space<vmem>>) offsets(%arg7 : memref<80xi32, #tpu.memory_space<vmem>>) semaphore(%arg28 : memref<!tpu.dma_semaphore, #tpu.memory_space<semaphore_mem>>)
      } else {
      }
      %add3A_498 = arith.constant 4 : i32
      %add3A_499 = arith.addi %add3A_485, %add3A_498 : i32
      %lt3A_500 = arith.cmpi slt, %add3A_499, %add3A_4 : i32
      %convert_element_type3A_501 = arith.extui %lt3A_500 : i1 to i32
      %cond3A_502 = arith.constant 0 : i32
      %cond3A_503 = arith.cmpi ne, %convert_element_type3A_501, %cond3A_502 : i32
      scf.if %cond3A_503 {
        %add3A_565 = arith.constant 4 : i32
        %add3A_566 = arith.addi %add3A_485, %add3A_565 : i32
        %mul3A_567 = arith.constant 80 : i32
        %mul3A_568 = arith.muli %add3A_566, %mul3A_567 : i32
        %dma_start3A_569 = tpu.memref_slice %arg3[%mul3A_568] : memref<320000xi32, #tpu.memory_space<hbm>> -> memref<80xi32, #tpu.memory_space<hbm>>
        %dma_start3A_570 = tpu.memref_slice %arg3[%mul3A_568] : memref<320000xi32, #tpu.memory_space<hbm>> -> memref<80xi32, #tpu.memory_space<hbm>>
        tpu.enqueue_dma source(%dma_start3A_570 : memref<80xi32, #tpu.memory_space<hbm>>) target(%arg9 : memref<80xi32, #tpu.memory_space<vmem>>) target_semaphore(%arg22 : memref<!tpu.dma_semaphore, #tpu.memory_space<semaphore_mem>>)
      } else {
      }
      %mul3A_504 = arith.constant 80 : i32
      %mul3A_505 = arith.muli %add3A_485, %mul3A_504 : i32
      %dma_wait3A_506 = tpu.memref_slice %arg4[%mul3A_505] : memref<320000xi32, #tpu.memory_space<hbm>> -> memref<80xi32, #tpu.memory_space<hbm>>
      %dma_wait3A_507 = tpu.memref_slice %arg4[%mul3A_505] : memref<320000xi32, #tpu.memory_space<hbm>> -> memref<80xi32, #tpu.memory_space<hbm>>
      tpu.wait_dma2 semaphore(%arg26 : memref<!tpu.dma_semaphore, #tpu.memory_space<semaphore_mem>>) src(%dma_wait3A_507 : memref<80xi32, #tpu.memory_space<hbm>>) dst(%arg13 : memref<80xi32, #tpu.memory_space<vmem>>)
      %dma_start3A_508 = arith.constant 0 : i32
      %dma_start3A_509 = arith.constant 0 : i32
      %dma_start3A_510 = tpu.memref_slice %arg18[%dma_start3A_508, %dma_start3A_509] : memref<10000x128xf32, #tpu.memory_space<vmem_shared>> -> memref<10000x128xf32, #tpu.memory_space<vmem_shared>>
      tpu.enqueue_indirect_dma source(%arg17 : memref<80x128xf32, #tpu.memory_space<vmem>>) target(%dma_start3A_510 : memref<10000x128xf32, #tpu.memory_space<vmem_shared>>) offsets(%arg13 : memref<80xi32, #tpu.memory_space<vmem>>) semaphore(%arg34 : memref<!tpu.dma_semaphore, #tpu.memory_space<semaphore_mem>>) {add = true}
      %add3A_511 = arith.constant 2 : i32
      %add3A_512 = arith.addi %add3A_458, %add3A_511 : i32
      %dma_wait3A_513 = arith.constant 0 : i32
      %dma_wait3A_514 = arith.constant 0 : i32
      %dma_wait3A_515 = tpu.memref_slice %arg2[%dma_wait3A_513, %dma_wait3A_514] : memref<10000x128xf32, #tpu.memory_space<hbm>> -> memref<10000x128xf32, #tpu.memory_space<hbm>>
      tpu.wait_indirect_dma semaphore(%arg27 : memref<!tpu.dma_semaphore, #tpu.memory_space<semaphore_mem>>) src(%dma_wait3A_515 : memref<10000x128xf32, #tpu.memory_space<hbm>>) dst(%arg14 : memref<80x128xf32, #tpu.memory_space<vmem>>)
      %dma_wait3A_516 = arith.constant 0 : i32
      %dma_wait3A_517 = arith.constant 0 : i32
      %dma_wait3A_518 = tpu.memref_slice %arg18[%dma_wait3A_516, %dma_wait3A_517] : memref<10000x128xf32, #tpu.memory_space<vmem_shared>> -> memref<10000x128xf32, #tpu.memory_space<vmem_shared>>
      tpu.wait_indirect_dma semaphore(%arg33 : memref<!tpu.dma_semaphore, #tpu.memory_space<semaphore_mem>>) src(%arg16 : memref<80x128xf32, #tpu.memory_space<vmem>>) dst(%dma_wait3A_518 : memref<10000x128xf32, #tpu.memory_space<vmem_shared>>)
      %add3A_519 = arith.constant 2 : i32
      %add3A_520 = arith.addi %add3A_512, %add3A_519 : i32
      %lt3A_521 = arith.cmpi slt, %add3A_520, %add3A_4 : i32
      %convert_element_type3A_522 = arith.extui %lt3A_521 : i1 to i32
      %cond3A_523 = arith.constant 0 : i32
      %cond3A_524 = arith.cmpi ne, %convert_element_type3A_522, %cond3A_523 : i32
      scf.if %cond3A_524 {
        %add3A_565 = arith.constant 2 : i32
        %add3A_566 = arith.addi %add3A_512, %add3A_565 : i32
        %mul3A_567 = arith.constant 80 : i32
        %mul3A_568 = arith.muli %add3A_566, %mul3A_567 : i32
        %dma_start3A_569 = tpu.memref_slice %arg4[%mul3A_568] : memref<320000xi32, #tpu.memory_space<hbm>> -> memref<80xi32, #tpu.memory_space<hbm>>
        %dma_start3A_570 = tpu.memref_slice %arg4[%mul3A_568] : memref<320000xi32, #tpu.memory_space<hbm>> -> memref<80xi32, #tpu.memory_space<hbm>>
        tpu.enqueue_dma source(%dma_start3A_570 : memref<80xi32, #tpu.memory_space<hbm>>) target(%arg12 : memref<80xi32, #tpu.memory_space<vmem>>) target_semaphore(%arg25 : memref<!tpu.dma_semaphore, #tpu.memory_space<semaphore_mem>>)
        %add3A_571 = arith.constant 2 : i32
        %add3A_572 = arith.addi %add3A_512, %add3A_571 : i32
        %mul3A_573 = arith.constant 80 : i32
        %mul3A_574 = arith.muli %add3A_572, %mul3A_573 : i32
        %dma_wait3A_575 = tpu.memref_slice %arg3[%mul3A_574] : memref<320000xi32, #tpu.memory_space<hbm>> -> memref<80xi32, #tpu.memory_space<hbm>>
        %dma_wait3A_576 = tpu.memref_slice %arg3[%mul3A_574] : memref<320000xi32, #tpu.memory_space<hbm>> -> memref<80xi32, #tpu.memory_space<hbm>>
        tpu.wait_dma2 semaphore(%arg21 : memref<!tpu.dma_semaphore, #tpu.memory_space<semaphore_mem>>) src(%dma_wait3A_576 : memref<80xi32, #tpu.memory_space<hbm>>) dst(%arg8 : memref<80xi32, #tpu.memory_space<vmem>>)
        %dma_start3A_577 = arith.constant 0 : i32
        %dma_start3A_578 = arith.constant 0 : i32
        %dma_start3A_579 = tpu.memref_slice %arg2[%dma_start3A_577, %dma_start3A_578] : memref<10000x128xf32, #tpu.memory_space<hbm>> -> memref<10000x128xf32, #tpu.memory_space<hbm>>
        tpu.enqueue_indirect_dma source(%dma_start3A_579 : memref<10000x128xf32, #tpu.memory_space<hbm>>) target(%arg16 : memref<80x128xf32, #tpu.memory_space<vmem>>) offsets(%arg8 : memref<80xi32, #tpu.memory_space<vmem>>) semaphore(%arg29 : memref<!tpu.dma_semaphore, #tpu.memory_space<semaphore_mem>>)
      } else {
      }
      %add3A_525 = arith.constant 4 : i32
      %add3A_526 = arith.addi %add3A_512, %add3A_525 : i32
      %lt3A_527 = arith.cmpi slt, %add3A_526, %add3A_4 : i32
      %convert_element_type3A_528 = arith.extui %lt3A_527 : i1 to i32
      %cond3A_529 = arith.constant 0 : i32
      %cond3A_530 = arith.cmpi ne, %convert_element_type3A_528, %cond3A_529 : i32
      scf.if %cond3A_530 {
        %add3A_565 = arith.constant 4 : i32
        %add3A_566 = arith.addi %add3A_512, %add3A_565 : i32
        %mul3A_567 = arith.constant 80 : i32
        %mul3A_568 = arith.muli %add3A_566, %mul3A_567 : i32
        %dma_start3A_569 = tpu.memref_slice %arg3[%mul3A_568] : memref<320000xi32, #tpu.memory_space<hbm>> -> memref<80xi32, #tpu.memory_space<hbm>>
        %dma_start3A_570 = tpu.memref_slice %arg3[%mul3A_568] : memref<320000xi32, #tpu.memory_space<hbm>> -> memref<80xi32, #tpu.memory_space<hbm>>
        tpu.enqueue_dma source(%dma_start3A_570 : memref<80xi32, #tpu.memory_space<hbm>>) target(%arg6 : memref<80xi32, #tpu.memory_space<vmem>>) target_semaphore(%arg19 : memref<!tpu.dma_semaphore, #tpu.memory_space<semaphore_mem>>)
      } else {
      }
      %mul3A_531 = arith.constant 80 : i32
      %mul3A_532 = arith.muli %add3A_512, %mul3A_531 : i32
      %dma_wait3A_533 = tpu.memref_slice %arg4[%mul3A_532] : memref<320000xi32, #tpu.memory_space<hbm>> -> memref<80xi32, #tpu.memory_space<hbm>>
      %dma_wait3A_534 = tpu.memref_slice %arg4[%mul3A_532] : memref<320000xi32, #tpu.memory_space<hbm>> -> memref<80xi32, #tpu.memory_space<hbm>>
      tpu.wait_dma2 semaphore(%arg23 : memref<!tpu.dma_semaphore, #tpu.memory_space<semaphore_mem>>) src(%dma_wait3A_534 : memref<80xi32, #tpu.memory_space<hbm>>) dst(%arg10 : memref<80xi32, #tpu.memory_space<vmem>>)
      %dma_start3A_535 = arith.constant 0 : i32
      %dma_start3A_536 = arith.constant 0 : i32
      %dma_start3A_537 = tpu.memref_slice %arg18[%dma_start3A_535, %dma_start3A_536] : memref<10000x128xf32, #tpu.memory_space<vmem_shared>> -> memref<10000x128xf32, #tpu.memory_space<vmem_shared>>
      tpu.enqueue_indirect_dma source(%arg14 : memref<80x128xf32, #tpu.memory_space<vmem>>) target(%dma_start3A_537 : memref<10000x128xf32, #tpu.memory_space<vmem_shared>>) offsets(%arg10 : memref<80xi32, #tpu.memory_space<vmem>>) semaphore(%arg31 : memref<!tpu.dma_semaphore, #tpu.memory_space<semaphore_mem>>) {add = true}
      %add3A_538 = arith.constant 3 : i32
      %add3A_539 = arith.addi %add3A_458, %add3A_538 : i32
      %dma_wait3A_540 = arith.constant 0 : i32
      %dma_wait3A_541 = arith.constant 0 : i32
      %dma_wait3A_542 = tpu.memref_slice %arg2[%dma_wait3A_540, %dma_wait3A_541] : memref<10000x128xf32, #tpu.memory_space<hbm>> -> memref<10000x128xf32, #tpu.memory_space<hbm>>
      tpu.wait_indirect_dma semaphore(%arg28 : memref<!tpu.dma_semaphore, #tpu.memory_space<semaphore_mem>>) src(%dma_wait3A_542 : memref<10000x128xf32, #tpu.memory_space<hbm>>) dst(%arg15 : memref<80x128xf32, #tpu.memory_space<vmem>>)
      %dma_wait3A_543 = arith.constant 0 : i32
      %dma_wait3A_544 = arith.constant 0 : i32
      %dma_wait3A_545 = tpu.memref_slice %arg18[%dma_wait3A_543, %dma_wait3A_544] : memref<10000x128xf32, #tpu.memory_space<vmem_shared>> -> memref<10000x128xf32, #tpu.memory_space<vmem_shared>>
      tpu.wait_indirect_dma semaphore(%arg34 : memref<!tpu.dma_semaphore, #tpu.memory_space<semaphore_mem>>) src(%arg17 : memref<80x128xf32, #tpu.memory_space<vmem>>) dst(%dma_wait3A_545 : memref<10000x128xf32, #tpu.memory_space<vmem_shared>>)
      %add3A_546 = arith.constant 2 : i32
      %add3A_547 = arith.addi %add3A_539, %add3A_546 : i32
      %lt3A_548 = arith.cmpi slt, %add3A_547, %add3A_4 : i32
      %convert_element_type3A_549 = arith.extui %lt3A_548 : i1 to i32
      %cond3A_550 = arith.constant 0 : i32
      %cond3A_551 = arith.cmpi ne, %convert_element_type3A_549, %cond3A_550 : i32
      scf.if %cond3A_551 {
        %add3A_565 = arith.constant 2 : i32
        %add3A_566 = arith.addi %add3A_539, %add3A_565 : i32
        %mul3A_567 = arith.constant 80 : i32
        %mul3A_568 = arith.muli %add3A_566, %mul3A_567 : i32
        %dma_start3A_569 = tpu.memref_slice %arg4[%mul3A_568] : memref<320000xi32, #tpu.memory_space<hbm>> -> memref<80xi32, #tpu.memory_space<hbm>>
        %dma_start3A_570 = tpu.memref_slice %arg4[%mul3A_568] : memref<320000xi32, #tpu.memory_space<hbm>> -> memref<80xi32, #tpu.memory_space<hbm>>
        tpu.enqueue_dma source(%dma_start3A_570 : memref<80xi32, #tpu.memory_space<hbm>>) target(%arg13 : memref<80xi32, #tpu.memory_space<vmem>>) target_semaphore(%arg26 : memref<!tpu.dma_semaphore, #tpu.memory_space<semaphore_mem>>)
        %add3A_571 = arith.constant 2 : i32
        %add3A_572 = arith.addi %add3A_539, %add3A_571 : i32
        %mul3A_573 = arith.constant 80 : i32
        %mul3A_574 = arith.muli %add3A_572, %mul3A_573 : i32
        %dma_wait3A_575 = tpu.memref_slice %arg3[%mul3A_574] : memref<320000xi32, #tpu.memory_space<hbm>> -> memref<80xi32, #tpu.memory_space<hbm>>
        %dma_wait3A_576 = tpu.memref_slice %arg3[%mul3A_574] : memref<320000xi32, #tpu.memory_space<hbm>> -> memref<80xi32, #tpu.memory_space<hbm>>
        tpu.wait_dma2 semaphore(%arg22 : memref<!tpu.dma_semaphore, #tpu.memory_space<semaphore_mem>>) src(%dma_wait3A_576 : memref<80xi32, #tpu.memory_space<hbm>>) dst(%arg9 : memref<80xi32, #tpu.memory_space<vmem>>)
        %dma_start3A_577 = arith.constant 0 : i32
        %dma_start3A_578 = arith.constant 0 : i32
        %dma_start3A_579 = tpu.memref_slice %arg2[%dma_start3A_577, %dma_start3A_578] : memref<10000x128xf32, #tpu.memory_space<hbm>> -> memref<10000x128xf32, #tpu.memory_space<hbm>>
        tpu.enqueue_indirect_dma source(%dma_start3A_579 : memref<10000x128xf32, #tpu.memory_space<hbm>>) target(%arg17 : memref<80x128xf32, #tpu.memory_space<vmem>>) offsets(%arg9 : memref<80xi32, #tpu.memory_space<vmem>>) semaphore(%arg30 : memref<!tpu.dma_semaphore, #tpu.memory_space<semaphore_mem>>)
      } else {
      }
      %add3A_552 = arith.constant 4 : i32
      %add3A_553 = arith.addi %add3A_539, %add3A_552 : i32
      %lt3A_554 = arith.cmpi slt, %add3A_553, %add3A_4 : i32
      %convert_element_type3A_555 = arith.extui %lt3A_554 : i1 to i32
      %cond3A_556 = arith.constant 0 : i32
      %cond3A_557 = arith.cmpi ne, %convert_element_type3A_555, %cond3A_556 : i32
      scf.if %cond3A_557 {
        %add3A_565 = arith.constant 4 : i32
        %add3A_566 = arith.addi %add3A_539, %add3A_565 : i32
        %mul3A_567 = arith.constant 80 : i32
        %mul3A_568 = arith.muli %add3A_566, %mul3A_567 : i32
        %dma_start3A_569 = tpu.memref_slice %arg3[%mul3A_568] : memref<320000xi32, #tpu.memory_space<hbm>> -> memref<80xi32, #tpu.memory_space<hbm>>
        %dma_start3A_570 = tpu.memref_slice %arg3[%mul3A_568] : memref<320000xi32, #tpu.memory_space<hbm>> -> memref<80xi32, #tpu.memory_space<hbm>>
        tpu.enqueue_dma source(%dma_start3A_570 : memref<80xi32, #tpu.memory_space<hbm>>) target(%arg7 : memref<80xi32, #tpu.memory_space<vmem>>) target_semaphore(%arg20 : memref<!tpu.dma_semaphore, #tpu.memory_space<semaphore_mem>>)
      } else {
      }
      %mul3A_558 = arith.constant 80 : i32
      %mul3A_559 = arith.muli %add3A_539, %mul3A_558 : i32
      %dma_wait3A_560 = tpu.memref_slice %arg4[%mul3A_559] : memref<320000xi32, #tpu.memory_space<hbm>> -> memref<80xi32, #tpu.memory_space<hbm>>
      %dma_wait3A_561 = tpu.memref_slice %arg4[%mul3A_559] : memref<320000xi32, #tpu.memory_space<hbm>> -> memref<80xi32, #tpu.memory_space<hbm>>
      tpu.wait_dma2 semaphore(%arg24 : memref<!tpu.dma_semaphore, #tpu.memory_space<semaphore_mem>>) src(%dma_wait3A_561 : memref<80xi32, #tpu.memory_space<hbm>>) dst(%arg11 : memref<80xi32, #tpu.memory_space<vmem>>)
      %dma_start3A_562 = arith.constant 0 : i32
      %dma_start3A_563 = arith.constant 0 : i32
      %dma_start3A_564 = tpu.memref_slice %arg18[%dma_start3A_562, %dma_start3A_563] : memref<10000x128xf32, #tpu.memory_space<vmem_shared>> -> memref<10000x128xf32, #tpu.memory_space<vmem_shared>>
      tpu.enqueue_indirect_dma source(%arg15 : memref<80x128xf32, #tpu.memory_space<vmem>>) target(%dma_start3A_564 : memref<10000x128xf32, #tpu.memory_space<vmem_shared>>) offsets(%arg11 : memref<80xi32, #tpu.memory_space<vmem>>) semaphore(%arg32 : memref<!tpu.dma_semaphore, #tpu.memory_space<semaphore_mem>>) {add = true}
    }
    %scan3A_202 = arith.constant 30 : i32
    %sub3A = arith.constant 3 : i32
    %sub3A_203 = arith.subi %add3A_4, %sub3A : i32
    %dma_wait3A_204 = arith.constant 0 : i32
    %dma_wait3A_205 = arith.constant 0 : i32
    %dma_wait3A_206 = tpu.memref_slice %arg2[%dma_wait3A_204, %dma_wait3A_205] : memref<10000x128xf32, #tpu.memory_space<hbm>> -> memref<10000x128xf32, #tpu.memory_space<hbm>>
    tpu.wait_indirect_dma semaphore(%arg29 : memref<!tpu.dma_semaphore, #tpu.memory_space<semaphore_mem>>) src(%dma_wait3A_206 : memref<10000x128xf32, #tpu.memory_space<hbm>>) dst(%arg16 : memref<80x128xf32, #tpu.memory_space<vmem>>)
    %dma_wait3A_207 = arith.constant 0 : i32
    %dma_wait3A_208 = arith.constant 0 : i32
    %dma_wait3A_209 = tpu.memref_slice %arg18[%dma_wait3A_207, %dma_wait3A_208] : memref<10000x128xf32, #tpu.memory_space<vmem_shared>> -> memref<10000x128xf32, #tpu.memory_space<vmem_shared>>
    tpu.wait_indirect_dma semaphore(%arg31 : memref<!tpu.dma_semaphore, #tpu.memory_space<semaphore_mem>>) src(%arg14 : memref<80x128xf32, #tpu.memory_space<vmem>>) dst(%dma_wait3A_209 : memref<10000x128xf32, #tpu.memory_space<vmem_shared>>)
    %add3A_210 = arith.constant 2 : i32
    %add3A_211 = arith.addi %sub3A_203, %add3A_210 : i32
    %lt3A_212 = arith.cmpi slt, %add3A_211, %add3A_4 : i32
    %convert_element_type3A_213 = arith.extui %lt3A_212 : i1 to i32
    %cond3A_214 = arith.constant 0 : i32
    %cond3A_215 = arith.cmpi ne, %convert_element_type3A_213, %cond3A_214 : i32
    scf.if %cond3A_215 {
      %add3A_449 = arith.constant 2 : i32
      %add3A_450 = arith.addi %sub3A_203, %add3A_449 : i32
      %mul3A_451 = arith.constant 80 : i32
      %mul3A_452 = arith.muli %add3A_450, %mul3A_451 : i32
      %dma_start3A_453 = tpu.memref_slice %arg4[%mul3A_452] : memref<320000xi32, #tpu.memory_space<hbm>> -> memref<80xi32, #tpu.memory_space<hbm>>
      %dma_start3A_454 = tpu.memref_slice %arg4[%mul3A_452] : memref<320000xi32, #tpu.memory_space<hbm>> -> memref<80xi32, #tpu.memory_space<hbm>>
      tpu.enqueue_dma source(%dma_start3A_454 : memref<80xi32, #tpu.memory_space<hbm>>) target(%arg10 : memref<80xi32, #tpu.memory_space<vmem>>) target_semaphore(%arg23 : memref<!tpu.dma_semaphore, #tpu.memory_space<semaphore_mem>>)
      %add3A_455 = arith.constant 2 : i32
      %add3A_456 = arith.addi %sub3A_203, %add3A_455 : i32
      %mul3A_457 = arith.constant 80 : i32
      %mul3A_458 = arith.muli %add3A_456, %mul3A_457 : i32
      %dma_wait3A_459 = tpu.memref_slice %arg3[%mul3A_458] : memref<320000xi32, #tpu.memory_space<hbm>> -> memref<80xi32, #tpu.memory_space<hbm>>
      %dma_wait3A_460 = tpu.memref_slice %arg3[%mul3A_458] : memref<320000xi32, #tpu.memory_space<hbm>> -> memref<80xi32, #tpu.memory_space<hbm>>
      tpu.wait_dma2 semaphore(%arg19 : memref<!tpu.dma_semaphore, #tpu.memory_space<semaphore_mem>>) src(%dma_wait3A_460 : memref<80xi32, #tpu.memory_space<hbm>>) dst(%arg6 : memref<80xi32, #tpu.memory_space<vmem>>)
      %dma_start3A_461 = arith.constant 0 : i32
      %dma_start3A_462 = arith.constant 0 : i32
      %dma_start3A_463 = tpu.memref_slice %arg2[%dma_start3A_461, %dma_start3A_462] : memref<10000x128xf32, #tpu.memory_space<hbm>> -> memref<10000x128xf32, #tpu.memory_space<hbm>>
      tpu.enqueue_indirect_dma source(%dma_start3A_463 : memref<10000x128xf32, #tpu.memory_space<hbm>>) target(%arg14 : memref<80x128xf32, #tpu.memory_space<vmem>>) offsets(%arg6 : memref<80xi32, #tpu.memory_space<vmem>>) semaphore(%arg27 : memref<!tpu.dma_semaphore, #tpu.memory_space<semaphore_mem>>)
    } else {
    }
    %mul3A_216 = arith.constant 80 : i32
    %mul3A_217 = arith.muli %sub3A_203, %mul3A_216 : i32
    %dma_wait3A_218 = tpu.memref_slice %arg4[%mul3A_217] : memref<320000xi32, #tpu.memory_space<hbm>> -> memref<80xi32, #tpu.memory_space<hbm>>
    %dma_wait3A_219 = tpu.memref_slice %arg4[%mul3A_217] : memref<320000xi32, #tpu.memory_space<hbm>> -> memref<80xi32, #tpu.memory_space<hbm>>
    tpu.wait_dma2 semaphore(%arg25 : memref<!tpu.dma_semaphore, #tpu.memory_space<semaphore_mem>>) src(%dma_wait3A_219 : memref<80xi32, #tpu.memory_space<hbm>>) dst(%arg12 : memref<80xi32, #tpu.memory_space<vmem>>)
    %dma_start3A_220 = arith.constant 0 : i32
    %dma_start3A_221 = arith.constant 0 : i32
    %dma_start3A_222 = tpu.memref_slice %arg18[%dma_start3A_220, %dma_start3A_221] : memref<10000x128xf32, #tpu.memory_space<vmem_shared>> -> memref<10000x128xf32, #tpu.memory_space<vmem_shared>>
    tpu.enqueue_indirect_dma source(%arg16 : memref<80x128xf32, #tpu.memory_space<vmem>>) target(%dma_start3A_222 : memref<10000x128xf32, #tpu.memory_space<vmem_shared>>) offsets(%arg12 : memref<80xi32, #tpu.memory_space<vmem>>) semaphore(%arg33 : memref<!tpu.dma_semaphore, #tpu.memory_space<semaphore_mem>>) {add = true}
    %sub3A_223 = arith.constant 2 : i32
    %sub3A_224 = arith.subi %add3A_4, %sub3A_223 : i32
    %dma_wait3A_225 = arith.constant 0 : i32
    %dma_wait3A_226 = arith.constant 0 : i32
    %dma_wait3A_227 = tpu.memref_slice %arg2[%dma_wait3A_225, %dma_wait3A_226] : memref<10000x128xf32, #tpu.memory_space<hbm>> -> memref<10000x128xf32, #tpu.memory_space<hbm>>
    tpu.wait_indirect_dma semaphore(%arg30 : memref<!tpu.dma_semaphore, #tpu.memory_space<semaphore_mem>>) src(%dma_wait3A_227 : memref<10000x128xf32, #tpu.memory_space<hbm>>) dst(%arg17 : memref<80x128xf32, #tpu.memory_space<vmem>>)
    %dma_wait3A_228 = arith.constant 0 : i32
    %dma_wait3A_229 = arith.constant 0 : i32
    %dma_wait3A_230 = tpu.memref_slice %arg18[%dma_wait3A_228, %dma_wait3A_229] : memref<10000x128xf32, #tpu.memory_space<vmem_shared>> -> memref<10000x128xf32, #tpu.memory_space<vmem_shared>>
    tpu.wait_indirect_dma semaphore(%arg32 : memref<!tpu.dma_semaphore, #tpu.memory_space<semaphore_mem>>) src(%arg15 : memref<80x128xf32, #tpu.memory_space<vmem>>) dst(%dma_wait3A_230 : memref<10000x128xf32, #tpu.memory_space<vmem_shared>>)
    %mul3A_231 = arith.constant 80 : i32
    %mul3A_232 = arith.muli %sub3A_224, %mul3A_231 : i32
    %dma_wait3A_233 = tpu.memref_slice %arg4[%mul3A_232] : memref<320000xi32, #tpu.memory_space<hbm>> -> memref<80xi32, #tpu.memory_space<hbm>>
    %dma_wait3A_234 = tpu.memref_slice %arg4[%mul3A_232] : memref<320000xi32, #tpu.memory_space<hbm>> -> memref<80xi32, #tpu.memory_space<hbm>>
    tpu.wait_dma2 semaphore(%arg26 : memref<!tpu.dma_semaphore, #tpu.memory_space<semaphore_mem>>) src(%dma_wait3A_234 : memref<80xi32, #tpu.memory_space<hbm>>) dst(%arg13 : memref<80xi32, #tpu.memory_space<vmem>>)
    %dma_start3A_235 = arith.constant 0 : i32
    %dma_start3A_236 = arith.constant 0 : i32
    %dma_start3A_237 = tpu.memref_slice %arg18[%dma_start3A_235, %dma_start3A_236] : memref<10000x128xf32, #tpu.memory_space<vmem_shared>> -> memref<10000x128xf32, #tpu.memory_space<vmem_shared>>
    tpu.enqueue_indirect_dma source(%arg17 : memref<80x128xf32, #tpu.memory_space<vmem>>) target(%dma_start3A_237 : memref<10000x128xf32, #tpu.memory_space<vmem_shared>>) offsets(%arg13 : memref<80xi32, #tpu.memory_space<vmem>>) semaphore(%arg34 : memref<!tpu.dma_semaphore, #tpu.memory_space<semaphore_mem>>) {add = true}
    %sub3A_238 = arith.constant 1 : i32
    %sub3A_239 = arith.subi %add3A_4, %sub3A_238 : i32
    %dma_wait3A_240 = arith.constant 0 : i32
    %dma_wait3A_241 = arith.constant 0 : i32
    %dma_wait3A_242 = tpu.memref_slice %arg2[%dma_wait3A_240, %dma_wait3A_241] : memref<10000x128xf32, #tpu.memory_space<hbm>> -> memref<10000x128xf32, #tpu.memory_space<hbm>>
    tpu.wait_indirect_dma semaphore(%arg27 : memref<!tpu.dma_semaphore, #tpu.memory_space<semaphore_mem>>) src(%dma_wait3A_242 : memref<10000x128xf32, #tpu.memory_space<hbm>>) dst(%arg14 : memref<80x128xf32, #tpu.memory_space<vmem>>)
    %dma_wait3A_243 = arith.constant 0 : i32
    %dma_wait3A_244 = arith.constant 0 : i32
    %dma_wait3A_245 = tpu.memref_slice %arg18[%dma_wait3A_243, %dma_wait3A_244] : memref<10000x128xf32, #tpu.memory_space<vmem_shared>> -> memref<10000x128xf32, #tpu.memory_space<vmem_shared>>
    tpu.wait_indirect_dma semaphore(%arg33 : memref<!tpu.dma_semaphore, #tpu.memory_space<semaphore_mem>>) src(%arg16 : memref<80x128xf32, #tpu.memory_space<vmem>>) dst(%dma_wait3A_245 : memref<10000x128xf32, #tpu.memory_space<vmem_shared>>)
    %mul3A_246 = arith.constant 80 : i32
    %mul3A_247 = arith.muli %sub3A_239, %mul3A_246 : i32
    %dma_wait3A_248 = tpu.memref_slice %arg4[%mul3A_247] : memref<320000xi32, #tpu.memory_space<hbm>> -> memref<80xi32, #tpu.memory_space<hbm>>
    %dma_wait3A_249 = tpu.memref_slice %arg4[%mul3A_247] : memref<320000xi32, #tpu.memory_space<hbm>> -> memref<80xi32, #tpu.memory_space<hbm>>
    tpu.wait_dma2 semaphore(%arg23 : memref<!tpu.dma_semaphore, #tpu.memory_space<semaphore_mem>>) src(%dma_wait3A_249 : memref<80xi32, #tpu.memory_space<hbm>>) dst(%arg10 : memref<80xi32, #tpu.memory_space<vmem>>)
    %dma_start3A_250 = arith.constant 0 : i32
    %dma_start3A_251 = arith.constant 0 : i32
    %dma_start3A_252 = tpu.memref_slice %arg18[%dma_start3A_250, %dma_start3A_251] : memref<10000x128xf32, #tpu.memory_space<vmem_shared>> -> memref<10000x128xf32, #tpu.memory_space<vmem_shared>>
    tpu.enqueue_indirect_dma source(%arg14 : memref<80x128xf32, #tpu.memory_space<vmem>>) target(%dma_start3A_252 : memref<10000x128xf32, #tpu.memory_space<vmem_shared>>) offsets(%arg10 : memref<80xi32, #tpu.memory_space<vmem>>) semaphore(%arg31 : memref<!tpu.dma_semaphore, #tpu.memory_space<semaphore_mem>>) {add = true}
    %dma_wait3A_253 = arith.constant 0 : i32
    %dma_wait3A_254 = arith.constant 0 : i32
    %dma_wait3A_255 = tpu.memref_slice %arg18[%dma_wait3A_253, %dma_wait3A_254] : memref<10000x128xf32, #tpu.memory_space<vmem_shared>> -> memref<10000x128xf32, #tpu.memory_space<vmem_shared>>
    tpu.wait_indirect_dma semaphore(%arg34 : memref<!tpu.dma_semaphore, #tpu.memory_space<semaphore_mem>>) src(%arg17 : memref<80x128xf32, #tpu.memory_space<vmem>>) dst(%dma_wait3A_255 : memref<10000x128xf32, #tpu.memory_space<vmem_shared>>)
    %dma_wait3A_256 = arith.constant 0 : i32
    %dma_wait3A_257 = arith.constant 0 : i32
    %dma_wait3A_258 = tpu.memref_slice %arg18[%dma_wait3A_256, %dma_wait3A_257] : memref<10000x128xf32, #tpu.memory_space<vmem_shared>> -> memref<10000x128xf32, #tpu.memory_space<vmem_shared>>
    tpu.wait_indirect_dma semaphore(%arg31 : memref<!tpu.dma_semaphore, #tpu.memory_space<semaphore_mem>>) src(%arg14 : memref<80x128xf32, #tpu.memory_space<vmem>>) dst(%dma_wait3A_258 : memref<10000x128xf32, #tpu.memory_space<vmem_shared>>)
    %barrier3A_259 = arith.constant 0 : index
    tpu.barrier barrier_id(%barrier3A_259)
    %mul3A_260 = arith.constant 624 : i32
    %mul3A_261 = arith.muli %arg1, %mul3A_260 : i32
    %add3A_262 = arith.constant 0 : i32
    %add3A_263 = arith.addi %mul3A_261, %add3A_262 : i32
    %add3A_264 = arith.constant 0 : i32
    %add3A_265 = arith.addi %mul3A_261, %add3A_264 : i32
    %add3A_266 = arith.constant 48 : i32
    %add3A_267 = arith.addi %mul3A_261, %add3A_266 : i32
    %add3A_268 = arith.constant 48 : i32
    %add3A_269 = arith.addi %mul3A_261, %add3A_268 : i32
    %add3A_270 = arith.constant 96 : i32
    %add3A_271 = arith.addi %mul3A_261, %add3A_270 : i32
    %add3A_272 = arith.constant 96 : i32
    %add3A_273 = arith.addi %mul3A_261, %add3A_272 : i32
    %add3A_274 = arith.constant 144 : i32
    %add3A_275 = arith.addi %mul3A_261, %add3A_274 : i32
    %add3A_276 = arith.constant 144 : i32
    %add3A_277 = arith.addi %mul3A_261, %add3A_276 : i32
    %add3A_278 = arith.constant 192 : i32
    %add3A_279 = arith.addi %mul3A_261, %add3A_278 : i32
    %add3A_280 = arith.constant 192 : i32
    %add3A_281 = arith.addi %mul3A_261, %add3A_280 : i32
    %add3A_282 = arith.constant 240 : i32
    %add3A_283 = arith.addi %mul3A_261, %add3A_282 : i32
    %add3A_284 = arith.constant 240 : i32
    %add3A_285 = arith.addi %mul3A_261, %add3A_284 : i32
    %add3A_286 = arith.constant 288 : i32
    %add3A_287 = arith.addi %mul3A_261, %add3A_286 : i32
    %add3A_288 = arith.constant 288 : i32
    %add3A_289 = arith.addi %mul3A_261, %add3A_288 : i32
    %add3A_290 = arith.constant 336 : i32
    %add3A_291 = arith.addi %mul3A_261, %add3A_290 : i32
    %add3A_292 = arith.constant 336 : i32
    %add3A_293 = arith.addi %mul3A_261, %add3A_292 : i32
    %add3A_294 = arith.constant 384 : i32
    %add3A_295 = arith.addi %mul3A_261, %add3A_294 : i32
    %add3A_296 = arith.constant 384 : i32
    %add3A_297 = arith.addi %mul3A_261, %add3A_296 : i32
    %add3A_298 = arith.constant 432 : i32
    %add3A_299 = arith.addi %mul3A_261, %add3A_298 : i32
    %add3A_300 = arith.constant 432 : i32
    %add3A_301 = arith.addi %mul3A_261, %add3A_300 : i32
    %add3A_302 = arith.constant 480 : i32
    %add3A_303 = arith.addi %mul3A_261, %add3A_302 : i32
    %add3A_304 = arith.constant 480 : i32
    %add3A_305 = arith.addi %mul3A_261, %add3A_304 : i32
    %add3A_306 = arith.constant 528 : i32
    %add3A_307 = arith.addi %mul3A_261, %add3A_306 : i32
    %add3A_308 = arith.constant 528 : i32
    %add3A_309 = arith.addi %mul3A_261, %add3A_308 : i32
    %add3A_310 = arith.constant 576 : i32
    %add3A_311 = arith.addi %mul3A_261, %add3A_310 : i32
    %add3A_312 = arith.constant 576 : i32
    %add3A_313 = arith.addi %mul3A_261, %add3A_312 : i32
    %dma_start3A_314 = arith.constant 0 : i32
    %dma_start3A_315 = tpu.memref_slice %arg5[%arg0, %add3A_265, %dma_start3A_314] : memref<2x10000x128xf32, #tpu.memory_space<hbm>> -> memref<1x48x128xf32, #tpu.memory_space<hbm>>
    %dma_start3A_316 = tpu.memref_squeeze %dma_start3A_315 : memref<1x48x128xf32, #tpu.memory_space<hbm>> -> memref<48x128xf32, #tpu.memory_space<hbm>>
    %dma_start3A_317 = arith.constant 0 : i32
    %dma_start3A_318 = tpu.memref_slice %arg18[%add3A_263, %dma_start3A_317] : memref<10000x128xf32, #tpu.memory_space<vmem_shared>> -> memref<48x128xf32, #tpu.memory_space<vmem_shared>>
    tpu.enqueue_dma source(%dma_start3A_318 : memref<48x128xf32, #tpu.memory_space<vmem_shared>>) target(%dma_start3A_316 : memref<48x128xf32, #tpu.memory_space<hbm>>) target_semaphore(%arg34 : memref<!tpu.dma_semaphore, #tpu.memory_space<semaphore_mem>>)
    %dma_start3A_319 = arith.constant 0 : i32
    %dma_start3A_320 = tpu.memref_slice %arg5[%arg0, %add3A_269, %dma_start3A_319] : memref<2x10000x128xf32, #tpu.memory_space<hbm>> -> memref<1x48x128xf32, #tpu.memory_space<hbm>>
    %dma_start3A_321 = tpu.memref_squeeze %dma_start3A_320 : memref<1x48x128xf32, #tpu.memory_space<hbm>> -> memref<48x128xf32, #tpu.memory_space<hbm>>
    %dma_start3A_322 = arith.constant 0 : i32
    %dma_start3A_323 = tpu.memref_slice %arg18[%add3A_267, %dma_start3A_322] : memref<10000x128xf32, #tpu.memory_space<vmem_shared>> -> memref<48x128xf32, #tpu.memory_space<vmem_shared>>
    tpu.enqueue_dma source(%dma_start3A_323 : memref<48x128xf32, #tpu.memory_space<vmem_shared>>) target(%dma_start3A_321 : memref<48x128xf32, #tpu.memory_space<hbm>>) target_semaphore(%arg34 : memref<!tpu.dma_semaphore, #tpu.memory_space<semaphore_mem>>)
    %dma_start3A_324 = arith.constant 0 : i32
    %dma_start3A_325 = tpu.memref_slice %arg5[%arg0, %add3A_273, %dma_start3A_324] : memref<2x10000x128xf32, #tpu.memory_space<hbm>> -> memref<1x48x128xf32, #tpu.memory_space<hbm>>
    %dma_start3A_326 = tpu.memref_squeeze %dma_start3A_325 : memref<1x48x128xf32, #tpu.memory_space<hbm>> -> memref<48x128xf32, #tpu.memory_space<hbm>>
    %dma_start3A_327 = arith.constant 0 : i32
    %dma_start3A_328 = tpu.memref_slice %arg18[%add3A_271, %dma_start3A_327] : memref<10000x128xf32, #tpu.memory_space<vmem_shared>> -> memref<48x128xf32, #tpu.memory_space<vmem_shared>>
    tpu.enqueue_dma source(%dma_start3A_328 : memref<48x128xf32, #tpu.memory_space<vmem_shared>>) target(%dma_start3A_326 : memref<48x128xf32, #tpu.memory_space<hbm>>) target_semaphore(%arg34 : memref<!tpu.dma_semaphore, #tpu.memory_space<semaphore_mem>>)
    %dma_start3A_329 = arith.constant 0 : i32
    %dma_start3A_330 = tpu.memref_slice %arg5[%arg0, %add3A_277, %dma_start3A_329] : memref<2x10000x128xf32, #tpu.memory_space<hbm>> -> memref<1x48x128xf32, #tpu.memory_space<hbm>>
    %dma_start3A_331 = tpu.memref_squeeze %dma_start3A_330 : memref<1x48x128xf32, #tpu.memory_space<hbm>> -> memref<48x128xf32, #tpu.memory_space<hbm>>
    %dma_start3A_332 = arith.constant 0 : i32
    %dma_start3A_333 = tpu.memref_slice %arg18[%add3A_275, %dma_start3A_332] : memref<10000x128xf32, #tpu.memory_space<vmem_shared>> -> memref<48x128xf32, #tpu.memory_space<vmem_shared>>
    tpu.enqueue_dma source(%dma_start3A_333 : memref<48x128xf32, #tpu.memory_space<vmem_shared>>) target(%dma_start3A_331 : memref<48x128xf32, #tpu.memory_space<hbm>>) target_semaphore(%arg34 : memref<!tpu.dma_semaphore, #tpu.memory_space<semaphore_mem>>)
    %dma_start3A_334 = arith.constant 0 : i32
    %dma_start3A_335 = tpu.memref_slice %arg5[%arg0, %add3A_281, %dma_start3A_334] : memref<2x10000x128xf32, #tpu.memory_space<hbm>> -> memref<1x48x128xf32, #tpu.memory_space<hbm>>
    %dma_start3A_336 = tpu.memref_squeeze %dma_start3A_335 : memref<1x48x128xf32, #tpu.memory_space<hbm>> -> memref<48x128xf32, #tpu.memory_space<hbm>>
    %dma_start3A_337 = arith.constant 0 : i32
    %dma_start3A_338 = tpu.memref_slice %arg18[%add3A_279, %dma_start3A_337] : memref<10000x128xf32, #tpu.memory_space<vmem_shared>> -> memref<48x128xf32, #tpu.memory_space<vmem_shared>>
    tpu.enqueue_dma source(%dma_start3A_338 : memref<48x128xf32, #tpu.memory_space<vmem_shared>>) target(%dma_start3A_336 : memref<48x128xf32, #tpu.memory_space<hbm>>) target_semaphore(%arg34 : memref<!tpu.dma_semaphore, #tpu.memory_space<semaphore_mem>>)
    %dma_start3A_339 = arith.constant 0 : i32
    %dma_start3A_340 = tpu.memref_slice %arg5[%arg0, %add3A_285, %dma_start3A_339] : memref<2x10000x128xf32, #tpu.memory_space<hbm>> -> memref<1x48x128xf32, #tpu.memory_space<hbm>>
    %dma_start3A_341 = tpu.memref_squeeze %dma_start3A_340 : memref<1x48x128xf32, #tpu.memory_space<hbm>> -> memref<48x128xf32, #tpu.memory_space<hbm>>
    %dma_start3A_342 = arith.constant 0 : i32
    %dma_start3A_343 = tpu.memref_slice %arg18[%add3A_283, %dma_start3A_342] : memref<10000x128xf32, #tpu.memory_space<vmem_shared>> -> memref<48x128xf32, #tpu.memory_space<vmem_shared>>
    tpu.enqueue_dma source(%dma_start3A_343 : memref<48x128xf32, #tpu.memory_space<vmem_shared>>) target(%dma_start3A_341 : memref<48x128xf32, #tpu.memory_space<hbm>>) target_semaphore(%arg34 : memref<!tpu.dma_semaphore, #tpu.memory_space<semaphore_mem>>)
    %dma_start3A_344 = arith.constant 0 : i32
    %dma_start3A_345 = tpu.memref_slice %arg5[%arg0, %add3A_289, %dma_start3A_344] : memref<2x10000x128xf32, #tpu.memory_space<hbm>> -> memref<1x48x128xf32, #tpu.memory_space<hbm>>
    %dma_start3A_346 = tpu.memref_squeeze %dma_start3A_345 : memref<1x48x128xf32, #tpu.memory_space<hbm>> -> memref<48x128xf32, #tpu.memory_space<hbm>>
    %dma_start3A_347 = arith.constant 0 : i32
    %dma_start3A_348 = tpu.memref_slice %arg18[%add3A_287, %dma_start3A_347] : memref<10000x128xf32, #tpu.memory_space<vmem_shared>> -> memref<48x128xf32, #tpu.memory_space<vmem_shared>>
    tpu.enqueue_dma source(%dma_start3A_348 : memref<48x128xf32, #tpu.memory_space<vmem_shared>>) target(%dma_start3A_346 : memref<48x128xf32, #tpu.memory_space<hbm>>) target_semaphore(%arg34 : memref<!tpu.dma_semaphore, #tpu.memory_space<semaphore_mem>>)
    %dma_start3A_349 = arith.constant 0 : i32
    %dma_start3A_350 = tpu.memref_slice %arg5[%arg0, %add3A_293, %dma_start3A_349] : memref<2x10000x128xf32, #tpu.memory_space<hbm>> -> memref<1x48x128xf32, #tpu.memory_space<hbm>>
    %dma_start3A_351 = tpu.memref_squeeze %dma_start3A_350 : memref<1x48x128xf32, #tpu.memory_space<hbm>> -> memref<48x128xf32, #tpu.memory_space<hbm>>
    %dma_start3A_352 = arith.constant 0 : i32
    %dma_start3A_353 = tpu.memref_slice %arg18[%add3A_291, %dma_start3A_352] : memref<10000x128xf32, #tpu.memory_space<vmem_shared>> -> memref<48x128xf32, #tpu.memory_space<vmem_shared>>
    tpu.enqueue_dma source(%dma_start3A_353 : memref<48x128xf32, #tpu.memory_space<vmem_shared>>) target(%dma_start3A_351 : memref<48x128xf32, #tpu.memory_space<hbm>>) target_semaphore(%arg34 : memref<!tpu.dma_semaphore, #tpu.memory_space<semaphore_mem>>)
    %dma_start3A_354 = arith.constant 0 : i32
    %dma_start3A_355 = tpu.memref_slice %arg5[%arg0, %add3A_297, %dma_start3A_354] : memref<2x10000x128xf32, #tpu.memory_space<hbm>> -> memref<1x48x128xf32, #tpu.memory_space<hbm>>
    %dma_start3A_356 = tpu.memref_squeeze %dma_start3A_355 : memref<1x48x128xf32, #tpu.memory_space<hbm>> -> memref<48x128xf32, #tpu.memory_space<hbm>>
    %dma_start3A_357 = arith.constant 0 : i32
    %dma_start3A_358 = tpu.memref_slice %arg18[%add3A_295, %dma_start3A_357] : memref<10000x128xf32, #tpu.memory_space<vmem_shared>> -> memref<48x128xf32, #tpu.memory_space<vmem_shared>>
    tpu.enqueue_dma source(%dma_start3A_358 : memref<48x128xf32, #tpu.memory_space<vmem_shared>>) target(%dma_start3A_356 : memref<48x128xf32, #tpu.memory_space<hbm>>) target_semaphore(%arg34 : memref<!tpu.dma_semaphore, #tpu.memory_space<semaphore_mem>>)
    %dma_start3A_359 = arith.constant 0 : i32
    %dma_start3A_360 = tpu.memref_slice %arg5[%arg0, %add3A_301, %dma_start3A_359] : memref<2x10000x128xf32, #tpu.memory_space<hbm>> -> memref<1x48x128xf32, #tpu.memory_space<hbm>>
    %dma_start3A_361 = tpu.memref_squeeze %dma_start3A_360 : memref<1x48x128xf32, #tpu.memory_space<hbm>> -> memref<48x128xf32, #tpu.memory_space<hbm>>
    %dma_start3A_362 = arith.constant 0 : i32
    %dma_start3A_363 = tpu.memref_slice %arg18[%add3A_299, %dma_start3A_362] : memref<10000x128xf32, #tpu.memory_space<vmem_shared>> -> memref<48x128xf32, #tpu.memory_space<vmem_shared>>
    tpu.enqueue_dma source(%dma_start3A_363 : memref<48x128xf32, #tpu.memory_space<vmem_shared>>) target(%dma_start3A_361 : memref<48x128xf32, #tpu.memory_space<hbm>>) target_semaphore(%arg34 : memref<!tpu.dma_semaphore, #tpu.memory_space<semaphore_mem>>)
    %dma_start3A_364 = arith.constant 0 : i32
    %dma_start3A_365 = tpu.memref_slice %arg5[%arg0, %add3A_305, %dma_start3A_364] : memref<2x10000x128xf32, #tpu.memory_space<hbm>> -> memref<1x48x128xf32, #tpu.memory_space<hbm>>
    %dma_start3A_366 = tpu.memref_squeeze %dma_start3A_365 : memref<1x48x128xf32, #tpu.memory_space<hbm>> -> memref<48x128xf32, #tpu.memory_space<hbm>>
    %dma_start3A_367 = arith.constant 0 : i32
    %dma_start3A_368 = tpu.memref_slice %arg18[%add3A_303, %dma_start3A_367] : memref<10000x128xf32, #tpu.memory_space<vmem_shared>> -> memref<48x128xf32, #tpu.memory_space<vmem_shared>>
    tpu.enqueue_dma source(%dma_start3A_368 : memref<48x128xf32, #tpu.memory_space<vmem_shared>>) target(%dma_start3A_366 : memref<48x128xf32, #tpu.memory_space<hbm>>) target_semaphore(%arg34 : memref<!tpu.dma_semaphore, #tpu.memory_space<semaphore_mem>>)
    %dma_start3A_369 = arith.constant 0 : i32
    %dma_start3A_370 = tpu.memref_slice %arg5[%arg0, %add3A_309, %dma_start3A_369] : memref<2x10000x128xf32, #tpu.memory_space<hbm>> -> memref<1x48x128xf32, #tpu.memory_space<hbm>>
    %dma_start3A_371 = tpu.memref_squeeze %dma_start3A_370 : memref<1x48x128xf32, #tpu.memory_space<hbm>> -> memref<48x128xf32, #tpu.memory_space<hbm>>
    %dma_start3A_372 = arith.constant 0 : i32
    %dma_start3A_373 = tpu.memref_slice %arg18[%add3A_307, %dma_start3A_372] : memref<10000x128xf32, #tpu.memory_space<vmem_shared>> -> memref<48x128xf32, #tpu.memory_space<vmem_shared>>
    tpu.enqueue_dma source(%dma_start3A_373 : memref<48x128xf32, #tpu.memory_space<vmem_shared>>) target(%dma_start3A_371 : memref<48x128xf32, #tpu.memory_space<hbm>>) target_semaphore(%arg34 : memref<!tpu.dma_semaphore, #tpu.memory_space<semaphore_mem>>)
    %dma_start3A_374 = arith.constant 0 : i32
    %dma_start3A_375 = tpu.memref_slice %arg5[%arg0, %add3A_313, %dma_start3A_374] : memref<2x10000x128xf32, #tpu.memory_space<hbm>> -> memref<1x48x128xf32, #tpu.memory_space<hbm>>
    %dma_start3A_376 = tpu.memref_squeeze %dma_start3A_375 : memref<1x48x128xf32, #tpu.memory_space<hbm>> -> memref<48x128xf32, #tpu.memory_space<hbm>>
    %dma_start3A_377 = arith.constant 0 : i32
    %dma_start3A_378 = tpu.memref_slice %arg18[%add3A_311, %dma_start3A_377] : memref<10000x128xf32, #tpu.memory_space<vmem_shared>> -> memref<48x128xf32, #tpu.memory_space<vmem_shared>>
    tpu.enqueue_dma source(%dma_start3A_378 : memref<48x128xf32, #tpu.memory_space<vmem_shared>>) target(%dma_start3A_376 : memref<48x128xf32, #tpu.memory_space<hbm>>) target_semaphore(%arg34 : memref<!tpu.dma_semaphore, #tpu.memory_space<semaphore_mem>>)
    %eq3A_379 = arith.constant 15 : i32
    %eq3A_380 = arith.cmpi eq, %arg1, %eq3A_379 : i32
    %convert_element_type3A_381 = arith.extui %eq3A_380 : i1 to i32
    %cond3A_382 = arith.constant 0 : i32
    %cond3A_383 = arith.cmpi ne, %convert_element_type3A_381, %cond3A_382 : i32
    scf.if %cond3A_383 {
      "tpu.region"() ({
        %run_scoped3A = tpu.sem_alloc : memref<!tpu.dma_semaphore, #tpu.memory_space<semaphore_mem>>
        %dma_start3A_449 = arith.constant 9984 : i32
        %dma_start3A_450 = arith.constant 0 : i32
        %dma_start3A_451 = tpu.memref_slice %arg5[%arg0, %dma_start3A_449, %dma_start3A_450] : memref<2x10000x128xf32, #tpu.memory_space<hbm>> -> memref<1x16x128xf32, #tpu.memory_space<hbm>>
        %dma_start3A_452 = tpu.memref_squeeze %dma_start3A_451 : memref<1x16x128xf32, #tpu.memory_space<hbm>> -> memref<16x128xf32, #tpu.memory_space<hbm>>
        %dma_start3A_453 = arith.constant 9984 : i32
        %dma_start3A_454 = arith.constant 0 : i32
        %dma_start3A_455 = tpu.memref_slice %arg18[%dma_start3A_453, %dma_start3A_454] : memref<10000x128xf32, #tpu.memory_space<vmem_shared>> -> memref<16x128xf32, #tpu.memory_space<vmem_shared>>
        tpu.enqueue_dma source(%dma_start3A_455 : memref<16x128xf32, #tpu.memory_space<vmem_shared>>) target(%dma_start3A_452 : memref<16x128xf32, #tpu.memory_space<hbm>>) target_semaphore(%run_scoped3A : memref<!tpu.dma_semaphore, #tpu.memory_space<semaphore_mem>>)
        %dma_wait3A_456 = arith.constant 9984 : i32
        %dma_wait3A_457 = arith.constant 0 : i32
        %dma_wait3A_458 = tpu.memref_slice %arg5[%arg0, %dma_wait3A_456, %dma_wait3A_457] : memref<2x10000x128xf32, #tpu.memory_space<hbm>> -> memref<1x16x128xf32, #tpu.memory_space<hbm>>
        %dma_wait3A_459 = tpu.memref_squeeze %dma_wait3A_458 : memref<1x16x128xf32, #tpu.memory_space<hbm>> -> memref<16x128xf32, #tpu.memory_space<hbm>>
        %dma_wait3A_460 = arith.constant 9984 : i32
        %dma_wait3A_461 = arith.constant 0 : i32
        %dma_wait3A_462 = tpu.memref_slice %arg18[%dma_wait3A_460, %dma_wait3A_461] : memref<10000x128xf32, #tpu.memory_space<vmem_shared>> -> memref<16x128xf32, #tpu.memory_space<vmem_shared>>
        tpu.wait_dma2 semaphore(%run_scoped3A : memref<!tpu.dma_semaphore, #tpu.memory_space<semaphore_mem>>) src(%dma_wait3A_462 : memref<16x128xf32, #tpu.memory_space<vmem_shared>>) dst(%dma_wait3A_459 : memref<16x128xf32, #tpu.memory_space<hbm>>)
        tpu.yield
      }) : () -> ()
    } else {
    }
    %dma_wait3A_384 = arith.constant 0 : i32
    %dma_wait3A_385 = tpu.memref_slice %arg5[%arg0, %add3A_265, %dma_wait3A_384] : memref<2x10000x128xf32, #tpu.memory_space<hbm>> -> memref<1x48x128xf32, #tpu.memory_space<hbm>>
    %dma_wait3A_386 = tpu.memref_squeeze %dma_wait3A_385 : memref<1x48x128xf32, #tpu.memory_space<hbm>> -> memref<48x128xf32, #tpu.memory_space<hbm>>
    %dma_wait3A_387 = arith.constant 0 : i32
    %dma_wait3A_388 = tpu.memref_slice %arg18[%add3A_263, %dma_wait3A_387] : memref<10000x128xf32, #tpu.memory_space<vmem_shared>> -> memref<48x128xf32, #tpu.memory_space<vmem_shared>>
    tpu.wait_dma2 semaphore(%arg34 : memref<!tpu.dma_semaphore, #tpu.memory_space<semaphore_mem>>) src(%dma_wait3A_388 : memref<48x128xf32, #tpu.memory_space<vmem_shared>>) dst(%dma_wait3A_386 : memref<48x128xf32, #tpu.memory_space<hbm>>)
    %dma_wait3A_389 = arith.constant 0 : i32
    %dma_wait3A_390 = tpu.memref_slice %arg5[%arg0, %add3A_269, %dma_wait3A_389] : memref<2x10000x128xf32, #tpu.memory_space<hbm>> -> memref<1x48x128xf32, #tpu.memory_space<hbm>>
    %dma_wait3A_391 = tpu.memref_squeeze %dma_wait3A_390 : memref<1x48x128xf32, #tpu.memory_space<hbm>> -> memref<48x128xf32, #tpu.memory_space<hbm>>
    %dma_wait3A_392 = arith.constant 0 : i32
    %dma_wait3A_393 = tpu.memref_slice %arg18[%add3A_267, %dma_wait3A_392] : memref<10000x128xf32, #tpu.memory_space<vmem_shared>> -> memref<48x128xf32, #tpu.memory_space<vmem_shared>>
    tpu.wait_dma2 semaphore(%arg34 : memref<!tpu.dma_semaphore, #tpu.memory_space<semaphore_mem>>) src(%dma_wait3A_393 : memref<48x128xf32, #tpu.memory_space<vmem_shared>>) dst(%dma_wait3A_391 : memref<48x128xf32, #tpu.memory_space<hbm>>)
    %dma_wait3A_394 = arith.constant 0 : i32
    %dma_wait3A_395 = tpu.memref_slice %arg5[%arg0, %add3A_273, %dma_wait3A_394] : memref<2x10000x128xf32, #tpu.memory_space<hbm>> -> memref<1x48x128xf32, #tpu.memory_space<hbm>>
    %dma_wait3A_396 = tpu.memref_squeeze %dma_wait3A_395 : memref<1x48x128xf32, #tpu.memory_space<hbm>> -> memref<48x128xf32, #tpu.memory_space<hbm>>
    %dma_wait3A_397 = arith.constant 0 : i32
    %dma_wait3A_398 = tpu.memref_slice %arg18[%add3A_271, %dma_wait3A_397] : memref<10000x128xf32, #tpu.memory_space<vmem_shared>> -> memref<48x128xf32, #tpu.memory_space<vmem_shared>>
    tpu.wait_dma2 semaphore(%arg34 : memref<!tpu.dma_semaphore, #tpu.memory_space<semaphore_mem>>) src(%dma_wait3A_398 : memref<48x128xf32, #tpu.memory_space<vmem_shared>>) dst(%dma_wait3A_396 : memref<48x128xf32, #tpu.memory_space<hbm>>)
    %dma_wait3A_399 = arith.constant 0 : i32
    %dma_wait3A_400 = tpu.memref_slice %arg5[%arg0, %add3A_277, %dma_wait3A_399] : memref<2x10000x128xf32, #tpu.memory_space<hbm>> -> memref<1x48x128xf32, #tpu.memory_space<hbm>>
    %dma_wait3A_401 = tpu.memref_squeeze %dma_wait3A_400 : memref<1x48x128xf32, #tpu.memory_space<hbm>> -> memref<48x128xf32, #tpu.memory_space<hbm>>
    %dma_wait3A_402 = arith.constant 0 : i32
    %dma_wait3A_403 = tpu.memref_slice %arg18[%add3A_275, %dma_wait3A_402] : memref<10000x128xf32, #tpu.memory_space<vmem_shared>> -> memref<48x128xf32, #tpu.memory_space<vmem_shared>>
    tpu.wait_dma2 semaphore(%arg34 : memref<!tpu.dma_semaphore, #tpu.memory_space<semaphore_mem>>) src(%dma_wait3A_403 : memref<48x128xf32, #tpu.memory_space<vmem_shared>>) dst(%dma_wait3A_401 : memref<48x128xf32, #tpu.memory_space<hbm>>)
    %dma_wait3A_404 = arith.constant 0 : i32
    %dma_wait3A_405 = tpu.memref_slice %arg5[%arg0, %add3A_281, %dma_wait3A_404] : memref<2x10000x128xf32, #tpu.memory_space<hbm>> -> memref<1x48x128xf32, #tpu.memory_space<hbm>>
    %dma_wait3A_406 = tpu.memref_squeeze %dma_wait3A_405 : memref<1x48x128xf32, #tpu.memory_space<hbm>> -> memref<48x128xf32, #tpu.memory_space<hbm>>
    %dma_wait3A_407 = arith.constant 0 : i32
    %dma_wait3A_408 = tpu.memref_slice %arg18[%add3A_279, %dma_wait3A_407] : memref<10000x128xf32, #tpu.memory_space<vmem_shared>> -> memref<48x128xf32, #tpu.memory_space<vmem_shared>>
    tpu.wait_dma2 semaphore(%arg34 : memref<!tpu.dma_semaphore, #tpu.memory_space<semaphore_mem>>) src(%dma_wait3A_408 : memref<48x128xf32, #tpu.memory_space<vmem_shared>>) dst(%dma_wait3A_406 : memref<48x128xf32, #tpu.memory_space<hbm>>)
    %dma_wait3A_409 = arith.constant 0 : i32
    %dma_wait3A_410 = tpu.memref_slice %arg5[%arg0, %add3A_285, %dma_wait3A_409] : memref<2x10000x128xf32, #tpu.memory_space<hbm>> -> memref<1x48x128xf32, #tpu.memory_space<hbm>>
    %dma_wait3A_411 = tpu.memref_squeeze %dma_wait3A_410 : memref<1x48x128xf32, #tpu.memory_space<hbm>> -> memref<48x128xf32, #tpu.memory_space<hbm>>
    %dma_wait3A_412 = arith.constant 0 : i32
    %dma_wait3A_413 = tpu.memref_slice %arg18[%add3A_283, %dma_wait3A_412] : memref<10000x128xf32, #tpu.memory_space<vmem_shared>> -> memref<48x128xf32, #tpu.memory_space<vmem_shared>>
    tpu.wait_dma2 semaphore(%arg34 : memref<!tpu.dma_semaphore, #tpu.memory_space<semaphore_mem>>) src(%dma_wait3A_413 : memref<48x128xf32, #tpu.memory_space<vmem_shared>>) dst(%dma_wait3A_411 : memref<48x128xf32, #tpu.memory_space<hbm>>)
    %dma_wait3A_414 = arith.constant 0 : i32
    %dma_wait3A_415 = tpu.memref_slice %arg5[%arg0, %add3A_289, %dma_wait3A_414] : memref<2x10000x128xf32, #tpu.memory_space<hbm>> -> memref<1x48x128xf32, #tpu.memory_space<hbm>>
    %dma_wait3A_416 = tpu.memref_squeeze %dma_wait3A_415 : memref<1x48x128xf32, #tpu.memory_space<hbm>> -> memref<48x128xf32, #tpu.memory_space<hbm>>
    %dma_wait3A_417 = arith.constant 0 : i32
    %dma_wait3A_418 = tpu.memref_slice %arg18[%add3A_287, %dma_wait3A_417] : memref<10000x128xf32, #tpu.memory_space<vmem_shared>> -> memref<48x128xf32, #tpu.memory_space<vmem_shared>>
    tpu.wait_dma2 semaphore(%arg34 : memref<!tpu.dma_semaphore, #tpu.memory_space<semaphore_mem>>) src(%dma_wait3A_418 : memref<48x128xf32, #tpu.memory_space<vmem_shared>>) dst(%dma_wait3A_416 : memref<48x128xf32, #tpu.memory_space<hbm>>)
    %dma_wait3A_419 = arith.constant 0 : i32
    %dma_wait3A_420 = tpu.memref_slice %arg5[%arg0, %add3A_293, %dma_wait3A_419] : memref<2x10000x128xf32, #tpu.memory_space<hbm>> -> memref<1x48x128xf32, #tpu.memory_space<hbm>>
    %dma_wait3A_421 = tpu.memref_squeeze %dma_wait3A_420 : memref<1x48x128xf32, #tpu.memory_space<hbm>> -> memref<48x128xf32, #tpu.memory_space<hbm>>
    %dma_wait3A_422 = arith.constant 0 : i32
    %dma_wait3A_423 = tpu.memref_slice %arg18[%add3A_291, %dma_wait3A_422] : memref<10000x128xf32, #tpu.memory_space<vmem_shared>> -> memref<48x128xf32, #tpu.memory_space<vmem_shared>>
    tpu.wait_dma2 semaphore(%arg34 : memref<!tpu.dma_semaphore, #tpu.memory_space<semaphore_mem>>) src(%dma_wait3A_423 : memref<48x128xf32, #tpu.memory_space<vmem_shared>>) dst(%dma_wait3A_421 : memref<48x128xf32, #tpu.memory_space<hbm>>)
    %dma_wait3A_424 = arith.constant 0 : i32
    %dma_wait3A_425 = tpu.memref_slice %arg5[%arg0, %add3A_297, %dma_wait3A_424] : memref<2x10000x128xf32, #tpu.memory_space<hbm>> -> memref<1x48x128xf32, #tpu.memory_space<hbm>>
    %dma_wait3A_426 = tpu.memref_squeeze %dma_wait3A_425 : memref<1x48x128xf32, #tpu.memory_space<hbm>> -> memref<48x128xf32, #tpu.memory_space<hbm>>
    %dma_wait3A_427 = arith.constant 0 : i32
    %dma_wait3A_428 = tpu.memref_slice %arg18[%add3A_295, %dma_wait3A_427] : memref<10000x128xf32, #tpu.memory_space<vmem_shared>> -> memref<48x128xf32, #tpu.memory_space<vmem_shared>>
    tpu.wait_dma2 semaphore(%arg34 : memref<!tpu.dma_semaphore, #tpu.memory_space<semaphore_mem>>) src(%dma_wait3A_428 : memref<48x128xf32, #tpu.memory_space<vmem_shared>>) dst(%dma_wait3A_426 : memref<48x128xf32, #tpu.memory_space<hbm>>)
    %dma_wait3A_429 = arith.constant 0 : i32
    %dma_wait3A_430 = tpu.memref_slice %arg5[%arg0, %add3A_301, %dma_wait3A_429] : memref<2x10000x128xf32, #tpu.memory_space<hbm>> -> memref<1x48x128xf32, #tpu.memory_space<hbm>>
    %dma_wait3A_431 = tpu.memref_squeeze %dma_wait3A_430 : memref<1x48x128xf32, #tpu.memory_space<hbm>> -> memref<48x128xf32, #tpu.memory_space<hbm>>
    %dma_wait3A_432 = arith.constant 0 : i32
    %dma_wait3A_433 = tpu.memref_slice %arg18[%add3A_299, %dma_wait3A_432] : memref<10000x128xf32, #tpu.memory_space<vmem_shared>> -> memref<48x128xf32, #tpu.memory_space<vmem_shared>>
    tpu.wait_dma2 semaphore(%arg34 : memref<!tpu.dma_semaphore, #tpu.memory_space<semaphore_mem>>) src(%dma_wait3A_433 : memref<48x128xf32, #tpu.memory_space<vmem_shared>>) dst(%dma_wait3A_431 : memref<48x128xf32, #tpu.memory_space<hbm>>)
    %dma_wait3A_434 = arith.constant 0 : i32
    %dma_wait3A_435 = tpu.memref_slice %arg5[%arg0, %add3A_305, %dma_wait3A_434] : memref<2x10000x128xf32, #tpu.memory_space<hbm>> -> memref<1x48x128xf32, #tpu.memory_space<hbm>>
    %dma_wait3A_436 = tpu.memref_squeeze %dma_wait3A_435 : memref<1x48x128xf32, #tpu.memory_space<hbm>> -> memref<48x128xf32, #tpu.memory_space<hbm>>
    %dma_wait3A_437 = arith.constant 0 : i32
    %dma_wait3A_438 = tpu.memref_slice %arg18[%add3A_303, %dma_wait3A_437] : memref<10000x128xf32, #tpu.memory_space<vmem_shared>> -> memref<48x128xf32, #tpu.memory_space<vmem_shared>>
    tpu.wait_dma2 semaphore(%arg34 : memref<!tpu.dma_semaphore, #tpu.memory_space<semaphore_mem>>) src(%dma_wait3A_438 : memref<48x128xf32, #tpu.memory_space<vmem_shared>>) dst(%dma_wait3A_436 : memref<48x128xf32, #tpu.memory_space<hbm>>)
    %dma_wait3A_439 = arith.constant 0 : i32
    %dma_wait3A_440 = tpu.memref_slice %arg5[%arg0, %add3A_309, %dma_wait3A_439] : memref<2x10000x128xf32, #tpu.memory_space<hbm>> -> memref<1x48x128xf32, #tpu.memory_space<hbm>>
    %dma_wait3A_441 = tpu.memref_squeeze %dma_wait3A_440 : memref<1x48x128xf32, #tpu.memory_space<hbm>> -> memref<48x128xf32, #tpu.memory_space<hbm>>
    %dma_wait3A_442 = arith.constant 0 : i32
    %dma_wait3A_443 = tpu.memref_slice %arg18[%add3A_307, %dma_wait3A_442] : memref<10000x128xf32, #tpu.memory_space<vmem_shared>> -> memref<48x128xf32, #tpu.memory_space<vmem_shared>>
    tpu.wait_dma2 semaphore(%arg34 : memref<!tpu.dma_semaphore, #tpu.memory_space<semaphore_mem>>) src(%dma_wait3A_443 : memref<48x128xf32, #tpu.memory_space<vmem_shared>>) dst(%dma_wait3A_441 : memref<48x128xf32, #tpu.memory_space<hbm>>)
    %dma_wait3A_444 = arith.constant 0 : i32
    %dma_wait3A_445 = tpu.memref_slice %arg5[%arg0, %add3A_313, %dma_wait3A_444] : memref<2x10000x128xf32, #tpu.memory_space<hbm>> -> memref<1x48x128xf32, #tpu.memory_space<hbm>>
    %dma_wait3A_446 = tpu.memref_squeeze %dma_wait3A_445 : memref<1x48x128xf32, #tpu.memory_space<hbm>> -> memref<48x128xf32, #tpu.memory_space<hbm>>
    %dma_wait3A_447 = arith.constant 0 : i32
    %dma_wait3A_448 = tpu.memref_slice %arg18[%add3A_311, %dma_wait3A_447] : memref<10000x128xf32, #tpu.memory_space<vmem_shared>> -> memref<48x128xf32, #tpu.memory_space<vmem_shared>>
    tpu.wait_dma2 semaphore(%arg34 : memref<!tpu.dma_semaphore, #tpu.memory_space<semaphore_mem>>) src(%dma_wait3A_448 : memref<48x128xf32, #tpu.memory_space<vmem_shared>>) dst(%dma_wait3A_446 : memref<48x128xf32, #tpu.memory_space<hbm>>)
    return
  }
}

#map = affine_map<(d0, d1) -> (0, 0)>
#map1 = affine_map<(d0, d1) -> (0)>
#map2 = affine_map<(d0, d1) -> (0, 0, 0)>
module attributes {stable_mosaic.version = 14 : i64} {
  func.func @_segsum_kernel(%arg0: i32, %arg1: i32, %arg2: memref<10000x128xf32, #tpu.memory_space<hbm>>, %arg3: memref<320000xi32, #tpu.memory_space<hbm>>, %arg4: memref<320000xi32, #tpu.memory_space<hbm>>, %arg5: memref<2x10000x128xf32, #tpu.memory_space<hbm>>, %arg6: memref<80xi32, #tpu.memory_space<vmem>>, %arg7: memref<80xi32, #tpu.memory_space<vmem>>, %arg8: memref<80xi32, #tpu.memory_space<vmem>>, %arg9: memref<80xi32, #tpu.memory_space<vmem>>, %arg10: memref<80xi32, #tpu.memory_space<vmem>>, %arg11: memref<80xi32, #tpu.memory_space<vmem>>, %arg12: memref<80xi32, #tpu.memory_space<vmem>>, %arg13: memref<80xi32, #tpu.memory_space<vmem>>, %arg14: memref<80x128xf32, #tpu.memory_space<vmem>>, %arg15: memref<80x128xf32, #tpu.memory_space<vmem>>, %arg16: memref<80x128xf32, #tpu.memory_space<vmem>>, %arg17: memref<80x128xf32, #tpu.memory_space<vmem>>, %arg18: memref<10000x128xf32, #tpu.memory_space<vmem_shared>>, %arg19: memref<!tpu.dma_semaphore, #tpu.memory_space<semaphore_mem>>, %arg20: memref<!tpu.dma_semaphore, #tpu.memory_space<semaphore_mem>>, %arg21: memref<!tpu.dma_semaphore, #tpu.memory_space<semaphore_mem>>, %arg22: memref<!tpu.dma_semaphore, #tpu.memory_space<semaphore_mem>>, %arg23: memref<!tpu.dma_semaphore, #tpu.memory_space<semaphore_mem>>, %arg24: memref<!tpu.dma_semaphore, #tpu.memory_space<semaphore_mem>>, %arg25: memref<!tpu.dma_semaphore, #tpu.memory_space<semaphore_mem>>, %arg26: memref<!tpu.dma_semaphore, #tpu.memory_space<semaphore_mem>>, %arg27: memref<!tpu.dma_semaphore, #tpu.memory_space<semaphore_mem>>, %arg28: memref<!tpu.dma_semaphore, #tpu.memory_space<semaphore_mem>>, %arg29: memref<!tpu.dma_semaphore, #tpu.memory_space<semaphore_mem>>, %arg30: memref<!tpu.dma_semaphore, #tpu.memory_space<semaphore_mem>>, %arg31: memref<!tpu.dma_semaphore, #tpu.memory_space<semaphore_mem>>, %arg32: memref<!tpu.dma_semaphore, #tpu.memory_space<semaphore_mem>>, %arg33: memref<!tpu.dma_semaphore, #tpu.memory_space<semaphore_mem>>, %arg34: memref<!tpu.dma_semaphore, #tpu.memory_space<semaphore_mem>>) attributes {dimension_semantics = [#tpu.dimension_semantics<core_parallel>, #tpu.dimension_semantics<subcore_parallel>], iteration_bounds = array<i64: 2, 16>, scalar_prefetch = 0 : i64, scratch_operands = 29 : i64, tpu.core_type = #tpu.core_type<sc_vector_subcore>, window_params = [{transform_indices = #map}, {transform_indices = #map1}, {transform_indices = #map1}, {transform_indices = #map2}]} {
    %mul3A = arith.constant 2 : i32
    %mul3A_0 = arith.muli %arg1, %mul3A : i32
    %add3A = arith.addi %mul3A_0, %arg0 : i32
    %mul3A_1 = arith.constant 125 : i32
    %mul3A_2 = arith.muli %add3A, %mul3A_1 : i32
    %add3A_3 = arith.constant 125 : i32
    %add3A_4 = arith.addi %mul3A_2, %add3A_3 : i32
    %mul3A_5 = arith.constant 80 : i32
    %mul3A_6 = arith.muli %mul3A_2, %mul3A_5 : i32
    %dma_start3A = tpu.memref_slice %arg3[%mul3A_6] : memref<320000xi32, #tpu.memory_space<hbm>> -> memref<80xi32, #tpu.memory_space<hbm>>
    %dma_start3A_7 = tpu.memref_slice %arg3[%mul3A_6] : memref<320000xi32, #tpu.memory_space<hbm>> -> memref<80xi32, #tpu.memory_space<hbm>>
    tpu.enqueue_dma source(%dma_start3A_7 : memref<80xi32, #tpu.memory_space<hbm>>) target(%arg6 : memref<80xi32, #tpu.memory_space<vmem>>) target_semaphore(%arg19 : memref<!tpu.dma_semaphore, #tpu.memory_space<semaphore_mem>>)
    %mul3A_8 = arith.constant 80 : i32
    %mul3A_9 = arith.muli %mul3A_2, %mul3A_8 : i32
    %dma_start3A_10 = tpu.memref_slice %arg4[%mul3A_9] : memref<320000xi32, #tpu.memory_space<hbm>> -> memref<80xi32, #tpu.memory_space<hbm>>
    %dma_start3A_11 = tpu.memref_slice %arg4[%mul3A_9] : memref<320000xi32, #tpu.memory_space<hbm>> -> memref<80xi32, #tpu.memory_space<hbm>>
    tpu.enqueue_dma source(%dma_start3A_11 : memref<80xi32, #tpu.memory_space<hbm>>) target(%arg10 : memref<80xi32, #tpu.memory_space<vmem>>) target_semaphore(%arg23 : memref<!tpu.dma_semaphore, #tpu.memory_space<semaphore_mem>>)
    %add3A_12 = arith.constant 1 : i32
    %add3A_13 = arith.addi %mul3A_2, %add3A_12 : i32
    %mul3A_14 = arith.constant 80 : i32
    %mul3A_15 = arith.muli %add3A_13, %mul3A_14 : i32
    %dma_start3A_16 = tpu.memref_slice %arg3[%mul3A_15] : memref<320000xi32, #tpu.memory_space<hbm>> -> memref<80xi32, #tpu.memory_space<hbm>>
    %dma_start3A_17 = tpu.memref_slice %arg3[%mul3A_15] : memref<320000xi32, #tpu.memory_space<hbm>> -> memref<80xi32, #tpu.memory_space<hbm>>
    tpu.enqueue_dma source(%dma_start3A_17 : memref<80xi32, #tpu.memory_space<hbm>>) target(%arg7 : memref<80xi32, #tpu.memory_space<vmem>>) target_semaphore(%arg20 : memref<!tpu.dma_semaphore, #tpu.memory_space<semaphore_mem>>)
    %add3A_18 = arith.constant 1 : i32
    %add3A_19 = arith.addi %mul3A_2, %add3A_18 : i32
    %mul3A_20 = arith.constant 80 : i32
    %mul3A_21 = arith.muli %add3A_19, %mul3A_20 : i32
    %dma_start3A_22 = tpu.memref_slice %arg4[%mul3A_21] : memref<320000xi32, #tpu.memory_space<hbm>> -> memref<80xi32, #tpu.memory_space<hbm>>
    %dma_start3A_23 = tpu.memref_slice %arg4[%mul3A_21] : memref<320000xi32, #tpu.memory_space<hbm>> -> memref<80xi32, #tpu.memory_space<hbm>>
    tpu.enqueue_dma source(%dma_start3A_23 : memref<80xi32, #tpu.memory_space<hbm>>) target(%arg11 : memref<80xi32, #tpu.memory_space<vmem>>) target_semaphore(%arg24 : memref<!tpu.dma_semaphore, #tpu.memory_space<semaphore_mem>>)
    %scan3A = arith.constant 0 : i32
    %scan3A_24 = arith.constant 80 : i32
    %scan3A_25 = arith.addi %scan3A, %scan3A_24 : i32
    %scan3A_26 = arith.constant 1 : i32
    scf.for %scan3A_449 = %scan3A to %scan3A_25 step %scan3A_26  : i32 {
      %mul3A_450 = arith.constant 1 : i32
      %mul3A_451 = arith.muli %scan3A_449, %mul3A_450 : i32
      %add3A_452 = arith.constant 0 : i32
      %add3A_453 = arith.addi %add3A_452, %mul3A_451 : i32
      %scan3A_454 = arith.constant 0 : i32
      %scan3A_455 = arith.constant 8 : i32
      %scan3A_456 = arith.addi %scan3A_454, %scan3A_455 : i32
      %scan3A_457 = arith.constant 1 : i32
      scf.for %scan3A_459 = %scan3A_454 to %scan3A_456 step %scan3A_457  : i32 {
        %mul3A_460 = arith.constant 1 : i32
        %mul3A_461 = arith.muli %scan3A_459, %mul3A_460 : i32
        %add3A_462 = arith.constant 0 : i32
        %add3A_463 = arith.addi %add3A_462, %mul3A_461 : i32
        %broadcast_in_dim3A = arith.constant 0.000000e+00 : f32
        %broadcast_in_dim3A_464 = vector.broadcast %broadcast_in_dim3A : f32 to vector<16xf32>
        %mul3A_465 = arith.constant 16 : i32
        %mul3A_466 = arith.muli %add3A_463, %mul3A_465 : i32
        %swap3A = arith.index_cast %add3A_453 : i32 to index
        %swap3A_467 = arith.index_cast %mul3A_466 : i32 to index
        %swap3A_468 = tpu.vector_load %arg17[%swap3A, %swap3A_467] {strides = array<i32>} : memref<80x128xf32, #tpu.memory_space<vmem>>, vector<1x16xf32>,
        %swap3A_469 = vector.shape_cast %swap3A_468 : vector<1x16xf32> to vector<16xf32>
        %swap3A_470 = vector.shape_cast %broadcast_in_dim3A_464 : vector<16xf32> to vector<1x16xf32>
        tpu.vector_store %arg17[%swap3A, %swap3A_467], %swap3A_470 {strides = array<i32>} : memref<80x128xf32, #tpu.memory_space<vmem>>, vector<1x16xf32>,
      }
      %scan3A_458 = arith.constant 8 : i32
    }
    %scan3A_27 = arith.constant 80 : i32
    %mul3A_28 = arith.constant 624 : i32
    %mul3A_29 = arith.muli %arg1, %mul3A_28 : i32
    %add3A_30 = arith.constant 0 : i32
    %add3A_31 = arith.addi %mul3A_29, %add3A_30 : i32
    %add3A_32 = arith.constant 80 : i32
    %add3A_33 = arith.addi %mul3A_29, %add3A_32 : i32
    %add3A_34 = arith.constant 160 : i32
    %add3A_35 = arith.addi %mul3A_29, %add3A_34 : i32
    %add3A_36 = arith.constant 240 : i32
    %add3A_37 = arith.addi %mul3A_29, %add3A_36 : i32
    %add3A_38 = arith.constant 320 : i32
    %add3A_39 = arith.addi %mul3A_29, %add3A_38 : i32
    %add3A_40 = arith.constant 400 : i32
    %add3A_41 = arith.addi %mul3A_29, %add3A_40 : i32
    %add3A_42 = arith.constant 480 : i32
    %add3A_43 = arith.addi %mul3A_29, %add3A_42 : i32
    %add3A_44 = arith.constant 560 : i32
    %add3A_45 = arith.addi %mul3A_29, %add3A_44 : i32
    %dma_start3A_46 = arith.constant 0 : i32
    %dma_start3A_47 = tpu.memref_slice %arg18[%add3A_31, %dma_start3A_46] : memref<10000x128xf32, #tpu.memory_space<vmem_shared>> -> memref<80x128xf32, #tpu.memory_space<vmem_shared>>
    %dma_start3A_48 = arith.constant 0 : i32
    %dma_start3A_49 = tpu.memref_slice %arg18[%add3A_31, %dma_start3A_48] : memref<10000x128xf32, #tpu.memory_space<vmem_shared>> -> memref<80x128xf32, #tpu.memory_space<vmem_shared>>
    tpu.enqueue_dma source(%arg17 : memref<80x128xf32, #tpu.memory_space<vmem>>) target(%dma_start3A_49 : memref<80x128xf32, #tpu.memory_space<vmem_shared>>) target_semaphore(%arg34 : memref<!tpu.dma_semaphore, #tpu.memory_space<semaphore_mem>>)
    %dma_start3A_50 = arith.constant 0 : i32
    %dma_start3A_51 = tpu.memref_slice %arg18[%add3A_33, %dma_start3A_50] : memref<10000x128xf32, #tpu.memory_space<vmem_shared>> -> memref<80x128xf32, #tpu.memory_space<vmem_shared>>
    %dma_start3A_52 = arith.constant 0 : i32
    %dma_start3A_53 = tpu.memref_slice %arg18[%add3A_33, %dma_start3A_52] : memref<10000x128xf32, #tpu.memory_space<vmem_shared>> -> memref<80x128xf32, #tpu.memory_space<vmem_shared>>
    tpu.enqueue_dma source(%arg17 : memref<80x128xf32, #tpu.memory_space<vmem>>) target(%dma_start3A_53 : memref<80x128xf32, #tpu.memory_space<vmem_shared>>) target_semaphore(%arg34 : memref<!tpu.dma_semaphore, #tpu.memory_space<semaphore_mem>>)
    %dma_start3A_54 = arith.constant 0 : i32
    %dma_start3A_55 = tpu.memref_slice %arg18[%add3A_35, %dma_start3A_54] : memref<10000x128xf32, #tpu.memory_space<vmem_shared>> -> memref<80x128xf32, #tpu.memory_space<vmem_shared>>
    %dma_start3A_56 = arith.constant 0 : i32
    %dma_start3A_57 = tpu.memref_slice %arg18[%add3A_35, %dma_start3A_56] : memref<10000x128xf32, #tpu.memory_space<vmem_shared>> -> memref<80x128xf32, #tpu.memory_space<vmem_shared>>
    tpu.enqueue_dma source(%arg17 : memref<80x128xf32, #tpu.memory_space<vmem>>) target(%dma_start3A_57 : memref<80x128xf32, #tpu.memory_space<vmem_shared>>) target_semaphore(%arg34 : memref<!tpu.dma_semaphore, #tpu.memory_space<semaphore_mem>>)
    %dma_start3A_58 = arith.constant 0 : i32
    %dma_start3A_59 = tpu.memref_slice %arg18[%add3A_37, %dma_start3A_58] : memref<10000x128xf32, #tpu.memory_space<vmem_shared>> -> memref<80x128xf32, #tpu.memory_space<vmem_shared>>
    %dma_start3A_60 = arith.constant 0 : i32
    %dma_start3A_61 = tpu.memref_slice %arg18[%add3A_37, %dma_start3A_60] : memref<10000x128xf32, #tpu.memory_space<vmem_shared>> -> memref<80x128xf32, #tpu.memory_space<vmem_shared>>
    tpu.enqueue_dma source(%arg17 : memref<80x128xf32, #tpu.memory_space<vmem>>) target(%dma_start3A_61 : memref<80x128xf32, #tpu.memory_space<vmem_shared>>) target_semaphore(%arg34 : memref<!tpu.dma_semaphore, #tpu.memory_space<semaphore_mem>>)
    %dma_start3A_62 = arith.constant 0 : i32
    %dma_start3A_63 = tpu.memref_slice %arg18[%add3A_39, %dma_start3A_62] : memref<10000x128xf32, #tpu.memory_space<vmem_shared>> -> memref<80x128xf32, #tpu.memory_space<vmem_shared>>
    %dma_start3A_64 = arith.constant 0 : i32
    %dma_start3A_65 = tpu.memref_slice %arg18[%add3A_39, %dma_start3A_64] : memref<10000x128xf32, #tpu.memory_space<vmem_shared>> -> memref<80x128xf32, #tpu.memory_space<vmem_shared>>
    tpu.enqueue_dma source(%arg17 : memref<80x128xf32, #tpu.memory_space<vmem>>) target(%dma_start3A_65 : memref<80x128xf32, #tpu.memory_space<vmem_shared>>) target_semaphore(%arg34 : memref<!tpu.dma_semaphore, #tpu.memory_space<semaphore_mem>>)
    %dma_start3A_66 = arith.constant 0 : i32
    %dma_start3A_67 = tpu.memref_slice %arg18[%add3A_41, %dma_start3A_66] : memref<10000x128xf32, #tpu.memory_space<vmem_shared>> -> memref<80x128xf32, #tpu.memory_space<vmem_shared>>
    %dma_start3A_68 = arith.constant 0 : i32
    %dma_start3A_69 = tpu.memref_slice %arg18[%add3A_41, %dma_start3A_68] : memref<10000x128xf32, #tpu.memory_space<vmem_shared>> -> memref<80x128xf32, #tpu.memory_space<vmem_shared>>
    tpu.enqueue_dma source(%arg17 : memref<80x128xf32, #tpu.memory_space<vmem>>) target(%dma_start3A_69 : memref<80x128xf32, #tpu.memory_space<vmem_shared>>) target_semaphore(%arg34 : memref<!tpu.dma_semaphore, #tpu.memory_space<semaphore_mem>>)
    %dma_start3A_70 = arith.constant 0 : i32
    %dma_start3A_71 = tpu.memref_slice %arg18[%add3A_43, %dma_start3A_70] : memref<10000x128xf32, #tpu.memory_space<vmem_shared>> -> memref<80x128xf32, #tpu.memory_space<vmem_shared>>
    %dma_start3A_72 = arith.constant 0 : i32
    %dma_start3A_73 = tpu.memref_slice %arg18[%add3A_43, %dma_start3A_72] : memref<10000x128xf32, #tpu.memory_space<vmem_shared>> -> memref<80x128xf32, #tpu.memory_space<vmem_shared>>
    tpu.enqueue_dma source(%arg17 : memref<80x128xf32, #tpu.memory_space<vmem>>) target(%dma_start3A_73 : memref<80x128xf32, #tpu.memory_space<vmem_shared>>) target_semaphore(%arg34 : memref<!tpu.dma_semaphore, #tpu.memory_space<semaphore_mem>>)
    %dma_start3A_74 = arith.constant 0 : i32
    %dma_start3A_75 = arith.constant 0 : i32
    %dma_start3A_76 = tpu.memref_slice %arg17[%dma_start3A_74, %dma_start3A_75] : memref<80x128xf32, #tpu.memory_space<vmem>> -> memref<64x128xf32, #tpu.memory_space<vmem>>
    %dma_start3A_77 = arith.constant 0 : i32
    %dma_start3A_78 = tpu.memref_slice %arg18[%add3A_45, %dma_start3A_77] : memref<10000x128xf32, #tpu.memory_space<vmem_shared>> -> memref<64x128xf32, #tpu.memory_space<vmem_shared>>
    %dma_start3A_79 = arith.constant 0 : i32
    %dma_start3A_80 = tpu.memref_slice %arg18[%add3A_45, %dma_start3A_79] : memref<10000x128xf32, #tpu.memory_space<vmem_shared>> -> memref<64x128xf32, #tpu.memory_space<vmem_shared>>
    %dma_start3A_81 = arith.constant 0 : i32
    %dma_start3A_82 = arith.constant 0 : i32
    %dma_start3A_83 = tpu.memref_slice %arg17[%dma_start3A_81, %dma_start3A_82] : memref<80x128xf32, #tpu.memory_space<vmem>> -> memref<64x128xf32, #tpu.memory_space<vmem>>
    tpu.enqueue_dma source(%dma_start3A_83 : memref<64x128xf32, #tpu.memory_space<vmem>>) target(%dma_start3A_80 : memref<64x128xf32, #tpu.memory_space<vmem_shared>>) target_semaphore(%arg34 : memref<!tpu.dma_semaphore, #tpu.memory_space<semaphore_mem>>)
    %eq3A = arith.constant 15 : i32
    %eq3A_84 = arith.cmpi eq, %arg1, %eq3A : i32
    %convert_element_type3A = arith.extui %eq3A_84 : i1 to i32
    %cond3A = arith.constant 0 : i32
    %cond3A_85 = arith.cmpi ne, %convert_element_type3A, %cond3A : i32
    scf.if %cond3A_85 {
      "tpu.region"() ({
        %run_scoped3A = tpu.sem_alloc : memref<!tpu.dma_semaphore, #tpu.memory_space<semaphore_mem>>
        %dma_start3A_449 = arith.constant 0 : i32
        %dma_start3A_450 = arith.constant 0 : i32
        %dma_start3A_451 = tpu.memref_slice %arg17[%dma_start3A_449, %dma_start3A_450] : memref<80x128xf32, #tpu.memory_space<vmem>> -> memref<16x128xf32, #tpu.memory_space<vmem>>
        %dma_start3A_452 = arith.constant 9984 : i32
        %dma_start3A_453 = arith.constant 0 : i32
        %dma_start3A_454 = tpu.memref_slice %arg18[%dma_start3A_452, %dma_start3A_453] : memref<10000x128xf32, #tpu.memory_space<vmem_shared>> -> memref<16x128xf32, #tpu.memory_space<vmem_shared>>
        %dma_start3A_455 = arith.constant 9984 : i32
        %dma_start3A_456 = arith.constant 0 : i32
        %dma_start3A_457 = tpu.memref_slice %arg18[%dma_start3A_455, %dma_start3A_456] : memref<10000x128xf32, #tpu.memory_space<vmem_shared>> -> memref<16x128xf32, #tpu.memory_space<vmem_shared>>
        %dma_start3A_458 = arith.constant 0 : i32
        %dma_start3A_459 = arith.constant 0 : i32
        %dma_start3A_460 = tpu.memref_slice %arg17[%dma_start3A_458, %dma_start3A_459] : memref<80x128xf32, #tpu.memory_space<vmem>> -> memref<16x128xf32, #tpu.memory_space<vmem>>
        tpu.enqueue_dma source(%dma_start3A_460 : memref<16x128xf32, #tpu.memory_space<vmem>>) target(%dma_start3A_457 : memref<16x128xf32, #tpu.memory_space<vmem_shared>>) target_semaphore(%run_scoped3A : memref<!tpu.dma_semaphore, #tpu.memory_space<semaphore_mem>>)
        %dma_wait3A_461 = arith.constant 0 : i32
        %dma_wait3A_462 = arith.constant 0 : i32
        %dma_wait3A_463 = tpu.memref_slice %arg17[%dma_wait3A_461, %dma_wait3A_462] : memref<80x128xf32, #tpu.memory_space<vmem>> -> memref<16x128xf32, #tpu.memory_space<vmem>>
        %dma_wait3A_464 = arith.constant 9984 : i32
        %dma_wait3A_465 = arith.constant 0 : i32
        %dma_wait3A_466 = tpu.memref_slice %arg18[%dma_wait3A_464, %dma_wait3A_465] : memref<10000x128xf32, #tpu.memory_space<vmem_shared>> -> memref<16x128xf32, #tpu.memory_space<vmem_shared>>
        %dma_wait3A_467 = arith.constant 9984 : i32
        %dma_wait3A_468 = arith.constant 0 : i32
        %dma_wait3A_469 = tpu.memref_slice %arg18[%dma_wait3A_467, %dma_wait3A_468] : memref<10000x128xf32, #tpu.memory_space<vmem_shared>> -> memref<16x128xf32, #tpu.memory_space<vmem_shared>>
        %dma_wait3A_470 = arith.constant 0 : i32
        %dma_wait3A_471 = arith.constant 0 : i32
        %dma_wait3A_472 = tpu.memref_slice %arg17[%dma_wait3A_470, %dma_wait3A_471] : memref<80x128xf32, #tpu.memory_space<vmem>> -> memref<16x128xf32, #tpu.memory_space<vmem>>
        tpu.wait_dma2 semaphore(%run_scoped3A : memref<!tpu.dma_semaphore, #tpu.memory_space<semaphore_mem>>) src(%dma_wait3A_472 : memref<16x128xf32, #tpu.memory_space<vmem>>) dst(%dma_wait3A_469 : memref<16x128xf32, #tpu.memory_space<vmem_shared>>)
        tpu.yield
      }) : () -> ()
    } else {
    }
    %dma_wait3A = arith.constant 0 : i32
    %dma_wait3A_86 = tpu.memref_slice %arg18[%add3A_31, %dma_wait3A] : memref<10000x128xf32, #tpu.memory_space<vmem_shared>> -> memref<80x128xf32, #tpu.memory_space<vmem_shared>>
    %dma_wait3A_87 = arith.constant 0 : i32
    %dma_wait3A_88 = tpu.memref_slice %arg18[%add3A_31, %dma_wait3A_87] : memref<10000x128xf32, #tpu.memory_space<vmem_shared>> -> memref<80x128xf32, #tpu.memory_space<vmem_shared>>
    tpu.wait_dma2 semaphore(%arg34 : memref<!tpu.dma_semaphore, #tpu.memory_space<semaphore_mem>>) src(%arg17 : memref<80x128xf32, #tpu.memory_space<vmem>>) dst(%dma_wait3A_88 : memref<80x128xf32, #tpu.memory_space<vmem_shared>>)
    %dma_wait3A_89 = arith.constant 0 : i32
    %dma_wait3A_90 = tpu.memref_slice %arg18[%add3A_33, %dma_wait3A_89] : memref<10000x128xf32, #tpu.memory_space<vmem_shared>> -> memref<80x128xf32, #tpu.memory_space<vmem_shared>>
    %dma_wait3A_91 = arith.constant 0 : i32
    %dma_wait3A_92 = tpu.memref_slice %arg18[%add3A_33, %dma_wait3A_91] : memref<10000x128xf32, #tpu.memory_space<vmem_shared>> -> memref<80x128xf32, #tpu.memory_space<vmem_shared>>
    tpu.wait_dma2 semaphore(%arg34 : memref<!tpu.dma_semaphore, #tpu.memory_space<semaphore_mem>>) src(%arg17 : memref<80x128xf32, #tpu.memory_space<vmem>>) dst(%dma_wait3A_92 : memref<80x128xf32, #tpu.memory_space<vmem_shared>>)
    %dma_wait3A_93 = arith.constant 0 : i32
    %dma_wait3A_94 = tpu.memref_slice %arg18[%add3A_35, %dma_wait3A_93] : memref<10000x128xf32, #tpu.memory_space<vmem_shared>> -> memref<80x128xf32, #tpu.memory_space<vmem_shared>>
    %dma_wait3A_95 = arith.constant 0 : i32
    %dma_wait3A_96 = tpu.memref_slice %arg18[%add3A_35, %dma_wait3A_95] : memref<10000x128xf32, #tpu.memory_space<vmem_shared>> -> memref<80x128xf32, #tpu.memory_space<vmem_shared>>
    tpu.wait_dma2 semaphore(%arg34 : memref<!tpu.dma_semaphore, #tpu.memory_space<semaphore_mem>>) src(%arg17 : memref<80x128xf32, #tpu.memory_space<vmem>>) dst(%dma_wait3A_96 : memref<80x128xf32, #tpu.memory_space<vmem_shared>>)
    %dma_wait3A_97 = arith.constant 0 : i32
    %dma_wait3A_98 = tpu.memref_slice %arg18[%add3A_37, %dma_wait3A_97] : memref<10000x128xf32, #tpu.memory_space<vmem_shared>> -> memref<80x128xf32, #tpu.memory_space<vmem_shared>>
    %dma_wait3A_99 = arith.constant 0 : i32
    %dma_wait3A_100 = tpu.memref_slice %arg18[%add3A_37, %dma_wait3A_99] : memref<10000x128xf32, #tpu.memory_space<vmem_shared>> -> memref<80x128xf32, #tpu.memory_space<vmem_shared>>
    tpu.wait_dma2 semaphore(%arg34 : memref<!tpu.dma_semaphore, #tpu.memory_space<semaphore_mem>>) src(%arg17 : memref<80x128xf32, #tpu.memory_space<vmem>>) dst(%dma_wait3A_100 : memref<80x128xf32, #tpu.memory_space<vmem_shared>>)
    %dma_wait3A_101 = arith.constant 0 : i32
    %dma_wait3A_102 = tpu.memref_slice %arg18[%add3A_39, %dma_wait3A_101] : memref<10000x128xf32, #tpu.memory_space<vmem_shared>> -> memref<80x128xf32, #tpu.memory_space<vmem_shared>>
    %dma_wait3A_103 = arith.constant 0 : i32
    %dma_wait3A_104 = tpu.memref_slice %arg18[%add3A_39, %dma_wait3A_103] : memref<10000x128xf32, #tpu.memory_space<vmem_shared>> -> memref<80x128xf32, #tpu.memory_space<vmem_shared>>
    tpu.wait_dma2 semaphore(%arg34 : memref<!tpu.dma_semaphore, #tpu.memory_space<semaphore_mem>>) src(%arg17 : memref<80x128xf32, #tpu.memory_space<vmem>>) dst(%dma_wait3A_104 : memref<80x128xf32, #tpu.memory_space<vmem_shared>>)
    %dma_wait3A_105 = arith.constant 0 : i32
    %dma_wait3A_106 = tpu.memref_slice %arg18[%add3A_41, %dma_wait3A_105] : memref<10000x128xf32, #tpu.memory_space<vmem_shared>> -> memref<80x128xf32, #tpu.memory_space<vmem_shared>>
    %dma_wait3A_107 = arith.constant 0 : i32
    %dma_wait3A_108 = tpu.memref_slice %arg18[%add3A_41, %dma_wait3A_107] : memref<10000x128xf32, #tpu.memory_space<vmem_shared>> -> memref<80x128xf32, #tpu.memory_space<vmem_shared>>
    tpu.wait_dma2 semaphore(%arg34 : memref<!tpu.dma_semaphore, #tpu.memory_space<semaphore_mem>>) src(%arg17 : memref<80x128xf32, #tpu.memory_space<vmem>>) dst(%dma_wait3A_108 : memref<80x128xf32, #tpu.memory_space<vmem_shared>>)
    %dma_wait3A_109 = arith.constant 0 : i32
    %dma_wait3A_110 = tpu.memref_slice %arg18[%add3A_43, %dma_wait3A_109] : memref<10000x128xf32, #tpu.memory_space<vmem_shared>> -> memref<80x128xf32, #tpu.memory_space<vmem_shared>>
    %dma_wait3A_111 = arith.constant 0 : i32
    %dma_wait3A_112 = tpu.memref_slice %arg18[%add3A_43, %dma_wait3A_111] : memref<10000x128xf32, #tpu.memory_space<vmem_shared>> -> memref<80x128xf32, #tpu.memory_space<vmem_shared>>
    tpu.wait_dma2 semaphore(%arg34 : memref<!tpu.dma_semaphore, #tpu.memory_space<semaphore_mem>>) src(%arg17 : memref<80x128xf32, #tpu.memory_space<vmem>>) dst(%dma_wait3A_112 : memref<80x128xf32, #tpu.memory_space<vmem_shared>>)
    %dma_wait3A_113 = arith.constant 0 : i32
    %dma_wait3A_114 = arith.constant 0 : i32
    %dma_wait3A_115 = tpu.memref_slice %arg17[%dma_wait3A_113, %dma_wait3A_114] : memref<80x128xf32, #tpu.memory_space<vmem>> -> memref<64x128xf32, #tpu.memory_space<vmem>>
    %dma_wait3A_116 = arith.constant 0 : i32
    %dma_wait3A_117 = tpu.memref_slice %arg18[%add3A_45, %dma_wait3A_116] : memref<10000x128xf32, #tpu.memory_space<vmem_shared>> -> memref<64x128xf32, #tpu.memory_space<vmem_shared>>
    %dma_wait3A_118 = arith.constant 0 : i32
    %dma_wait3A_119 = tpu.memref_slice %arg18[%add3A_45, %dma_wait3A_118] : memref<10000x128xf32, #tpu.memory_space<vmem_shared>> -> memref<64x128xf32, #tpu.memory_space<vmem_shared>>
    %dma_wait3A_120 = arith.constant 0 : i32
    %dma_wait3A_121 = arith.constant 0 : i32
    %dma_wait3A_122 = tpu.memref_slice %arg17[%dma_wait3A_120, %dma_wait3A_121] : memref<80x128xf32, #tpu.memory_space<vmem>> -> memref<64x128xf32, #tpu.memory_space<vmem>>
    tpu.wait_dma2 semaphore(%arg34 : memref<!tpu.dma_semaphore, #tpu.memory_space<semaphore_mem>>) src(%dma_wait3A_122 : memref<64x128xf32, #tpu.memory_space<vmem>>) dst(%dma_wait3A_119 : memref<64x128xf32, #tpu.memory_space<vmem_shared>>)
    %mul3A_123 = arith.constant 80 : i32
    %mul3A_124 = arith.muli %mul3A_2, %mul3A_123 : i32
    %dma_wait3A_125 = tpu.memref_slice %arg3[%mul3A_124] : memref<320000xi32, #tpu.memory_space<hbm>> -> memref<80xi32, #tpu.memory_space<hbm>>
    %dma_wait3A_126 = tpu.memref_slice %arg3[%mul3A_124] : memref<320000xi32, #tpu.memory_space<hbm>> -> memref<80xi32, #tpu.memory_space<hbm>>
    tpu.wait_dma2 semaphore(%arg19 : memref<!tpu.dma_semaphore, #tpu.memory_space<semaphore_mem>>) src(%dma_wait3A_126 : memref<80xi32, #tpu.memory_space<hbm>>) dst(%arg6 : memref<80xi32, #tpu.memory_space<vmem>>)
    %dma_start3A_127 = arith.constant 0 : i32
    %dma_start3A_128 = arith.constant 0 : i32
    %dma_start3A_129 = tpu.memref_slice %arg2[%dma_start3A_127, %dma_start3A_128] : memref<10000x128xf32, #tpu.memory_space<hbm>> -> memref<10000x128xf32, #tpu.memory_space<hbm>>
    tpu.enqueue_indirect_dma source(%dma_start3A_129 : memref<10000x128xf32, #tpu.memory_space<hbm>>) target(%arg14 : memref<80x128xf32, #tpu.memory_space<vmem>>) offsets(%arg6 : memref<80xi32, #tpu.memory_space<vmem>>) semaphore(%arg27 : memref<!tpu.dma_semaphore, #tpu.memory_space<semaphore_mem>>)
    %add3A_130 = arith.constant 1 : i32
    %add3A_131 = arith.addi %mul3A_2, %add3A_130 : i32
    %mul3A_132 = arith.constant 80 : i32
    %mul3A_133 = arith.muli %add3A_131, %mul3A_132 : i32
    %dma_wait3A_134 = tpu.memref_slice %arg3[%mul3A_133] : memref<320000xi32, #tpu.memory_space<hbm>> -> memref<80xi32, #tpu.memory_space<hbm>>
    %dma_wait3A_135 = tpu.memref_slice %arg3[%mul3A_133] : memref<320000xi32, #tpu.memory_space<hbm>> -> memref<80xi32, #tpu.memory_space<hbm>>
    tpu.wait_dma2 semaphore(%arg20 : memref<!tpu.dma_semaphore, #tpu.memory_space<semaphore_mem>>) src(%dma_wait3A_135 : memref<80xi32, #tpu.memory_space<hbm>>) dst(%arg7 : memref<80xi32, #tpu.memory_space<vmem>>)
    %dma_start3A_136 = arith.constant 0 : i32
    %dma_start3A_137 = arith.constant 0 : i32
    %dma_start3A_138 = tpu.memref_slice %arg2[%dma_start3A_136, %dma_start3A_137] : memref<10000x128xf32, #tpu.memory_space<hbm>> -> memref<10000x128xf32, #tpu.memory_space<hbm>>
    tpu.enqueue_indirect_dma source(%dma_start3A_138 : memref<10000x128xf32, #tpu.memory_space<hbm>>) target(%arg15 : memref<80x128xf32, #tpu.memory_space<vmem>>) offsets(%arg7 : memref<80xi32, #tpu.memory_space<vmem>>) semaphore(%arg28 : memref<!tpu.dma_semaphore, #tpu.memory_space<semaphore_mem>>)
    %add3A_139 = arith.constant 2 : i32
    %add3A_140 = arith.addi %mul3A_2, %add3A_139 : i32
    %mul3A_141 = arith.constant 80 : i32
    %mul3A_142 = arith.muli %add3A_140, %mul3A_141 : i32
    %dma_start3A_143 = tpu.memref_slice %arg3[%mul3A_142] : memref<320000xi32, #tpu.memory_space<hbm>> -> memref<80xi32, #tpu.memory_space<hbm>>
    %dma_start3A_144 = tpu.memref_slice %arg3[%mul3A_142] : memref<320000xi32, #tpu.memory_space<hbm>> -> memref<80xi32, #tpu.memory_space<hbm>>
    tpu.enqueue_dma source(%dma_start3A_144 : memref<80xi32, #tpu.memory_space<hbm>>) target(%arg8 : memref<80xi32, #tpu.memory_space<vmem>>) target_semaphore(%arg21 : memref<!tpu.dma_semaphore, #tpu.memory_space<semaphore_mem>>)
    %add3A_145 = arith.constant 3 : i32
    %add3A_146 = arith.addi %mul3A_2, %add3A_145 : i32
    %mul3A_147 = arith.constant 80 : i32
    %mul3A_148 = arith.muli %add3A_146, %mul3A_147 : i32
    %dma_start3A_149 = tpu.memref_slice %arg3[%mul3A_148] : memref<320000xi32, #tpu.memory_space<hbm>> -> memref<80xi32, #tpu.memory_space<hbm>>
    %dma_start3A_150 = tpu.memref_slice %arg3[%mul3A_148] : memref<320000xi32, #tpu.memory_space<hbm>> -> memref<80xi32, #tpu.memory_space<hbm>>
    tpu.enqueue_dma source(%dma_start3A_150 : memref<80xi32, #tpu.memory_space<hbm>>) target(%arg9 : memref<80xi32, #tpu.memory_space<vmem>>) target_semaphore(%arg22 : memref<!tpu.dma_semaphore, #tpu.memory_space<semaphore_mem>>)
    %barrier3A = arith.constant 0 : index
    tpu.barrier barrier_id(%barrier3A)
    %add3A_151 = arith.constant 0 : i32
    %add3A_152 = arith.addi %mul3A_2, %add3A_151 : i32
    %dma_wait3A_153 = arith.constant 0 : i32
    %dma_wait3A_154 = arith.constant 0 : i32
    %dma_wait3A_155 = tpu.memref_slice %arg2[%dma_wait3A_153, %dma_wait3A_154] : memref<10000x128xf32, #tpu.memory_space<hbm>> -> memref<10000x128xf32, #tpu.memory_space<hbm>>
    tpu.wait_indirect_dma semaphore(%arg27 : memref<!tpu.dma_semaphore, #tpu.memory_space<semaphore_mem>>) src(%dma_wait3A_155 : memref<10000x128xf32, #tpu.memory_space<hbm>>) dst(%arg14 : memref<80x128xf32, #tpu.memory_space<vmem>>)
    %add3A_156 = arith.constant 2 : i32
    %add3A_157 = arith.addi %add3A_152, %add3A_156 : i32
    %lt3A = arith.cmpi slt, %add3A_157, %add3A_4 : i32
    %convert_element_type3A_158 = arith.extui %lt3A : i1 to i32
    %cond3A_159 = arith.constant 0 : i32
    %cond3A_160 = arith.cmpi ne, %convert_element_type3A_158, %cond3A_159 : i32
    scf.if %cond3A_160 {
      %add3A_449 = arith.constant 2 : i32
      %add3A_450 = arith.addi %add3A_152, %add3A_449 : i32
      %mul3A_451 = arith.constant 80 : i32
      %mul3A_452 = arith.muli %add3A_450, %mul3A_451 : i32
      %dma_start3A_453 = tpu.memref_slice %arg4[%mul3A_452] : memref<320000xi32, #tpu.memory_space<hbm>> -> memref<80xi32, #tpu.memory_space<hbm>>
      %dma_start3A_454 = tpu.memref_slice %arg4[%mul3A_452] : memref<320000xi32, #tpu.memory_space<hbm>> -> memref<80xi32, #tpu.memory_space<hbm>>
      tpu.enqueue_dma source(%dma_start3A_454 : memref<80xi32, #tpu.memory_space<hbm>>) target(%arg12 : memref<80xi32, #tpu.memory_space<vmem>>) target_semaphore(%arg25 : memref<!tpu.dma_semaphore, #tpu.memory_space<semaphore_mem>>)
      %add3A_455 = arith.constant 2 : i32
      %add3A_456 = arith.addi %add3A_152, %add3A_455 : i32
      %mul3A_457 = arith.constant 80 : i32
      %mul3A_458 = arith.muli %add3A_456, %mul3A_457 : i32
      %dma_wait3A_459 = tpu.memref_slice %arg3[%mul3A_458] : memref<320000xi32, #tpu.memory_space<hbm>> -> memref<80xi32, #tpu.memory_space<hbm>>
      %dma_wait3A_460 = tpu.memref_slice %arg3[%mul3A_458] : memref<320000xi32, #tpu.memory_space<hbm>> -> memref<80xi32, #tpu.memory_space<hbm>>
      tpu.wait_dma2 semaphore(%arg21 : memref<!tpu.dma_semaphore, #tpu.memory_space<semaphore_mem>>) src(%dma_wait3A_460 : memref<80xi32, #tpu.memory_space<hbm>>) dst(%arg8 : memref<80xi32, #tpu.memory_space<vmem>>)
      %dma_start3A_461 = arith.constant 0 : i32
      %dma_start3A_462 = arith.constant 0 : i32
      %dma_start3A_463 = tpu.memref_slice %arg2[%dma_start3A_461, %dma_start3A_462] : memref<10000x128xf32, #tpu.memory_space<hbm>> -> memref<10000x128xf32, #tpu.memory_space<hbm>>
      tpu.enqueue_indirect_dma source(%dma_start3A_463 : memref<10000x128xf32, #tpu.memory_space<hbm>>) target(%arg16 : memref<80x128xf32, #tpu.memory_space<vmem>>) offsets(%arg8 : memref<80xi32, #tpu.memory_space<vmem>>) semaphore(%arg29 : memref<!tpu.dma_semaphore, #tpu.memory_space<semaphore_mem>>)
    } else {
    }
    %add3A_161 = arith.constant 4 : i32
    %add3A_162 = arith.addi %add3A_152, %add3A_161 : i32
    %lt3A_163 = arith.cmpi slt, %add3A_162, %add3A_4 : i32
    %convert_element_type3A_164 = arith.extui %lt3A_163 : i1 to i32
    %cond3A_165 = arith.constant 0 : i32
    %cond3A_166 = arith.cmpi ne, %convert_element_type3A_164, %cond3A_165 : i32
    scf.if %cond3A_166 {
      %add3A_449 = arith.constant 4 : i32
      %add3A_450 = arith.addi %add3A_152, %add3A_449 : i32
      %mul3A_451 = arith.constant 80 : i32
      %mul3A_452 = arith.muli %add3A_450, %mul3A_451 : i32
      %dma_start3A_453 = tpu.memref_slice %arg3[%mul3A_452] : memref<320000xi32, #tpu.memory_space<hbm>> -> memref<80xi32, #tpu.memory_space<hbm>>
      %dma_start3A_454 = tpu.memref_slice %arg3[%mul3A_452] : memref<320000xi32, #tpu.memory_space<hbm>> -> memref<80xi32, #tpu.memory_space<hbm>>
      tpu.enqueue_dma source(%dma_start3A_454 : memref<80xi32, #tpu.memory_space<hbm>>) target(%arg6 : memref<80xi32, #tpu.memory_space<vmem>>) target_semaphore(%arg19 : memref<!tpu.dma_semaphore, #tpu.memory_space<semaphore_mem>>)
    } else {
    }
    %mul3A_167 = arith.constant 80 : i32
    %mul3A_168 = arith.muli %add3A_152, %mul3A_167 : i32
    %dma_wait3A_169 = tpu.memref_slice %arg4[%mul3A_168] : memref<320000xi32, #tpu.memory_space<hbm>> -> memref<80xi32, #tpu.memory_space<hbm>>
    %dma_wait3A_170 = tpu.memref_slice %arg4[%mul3A_168] : memref<320000xi32, #tpu.memory_space<hbm>> -> memref<80xi32, #tpu.memory_space<hbm>>
    tpu.wait_dma2 semaphore(%arg23 : memref<!tpu.dma_semaphore, #tpu.memory_space<semaphore_mem>>) src(%dma_wait3A_170 : memref<80xi32, #tpu.memory_space<hbm>>) dst(%arg10 : memref<80xi32, #tpu.memory_space<vmem>>)
    %dma_start3A_171 = arith.constant 0 : i32
    %dma_start3A_172 = arith.constant 0 : i32
    %dma_start3A_173 = tpu.memref_slice %arg18[%dma_start3A_171, %dma_start3A_172] : memref<10000x128xf32, #tpu.memory_space<vmem_shared>> -> memref<10000x128xf32, #tpu.memory_space<vmem_shared>>
    tpu.enqueue_indirect_dma source(%arg14 : memref<80x128xf32, #tpu.memory_space<vmem>>) target(%dma_start3A_173 : memref<10000x128xf32, #tpu.memory_space<vmem_shared>>) offsets(%arg10 : memref<80xi32, #tpu.memory_space<vmem>>) semaphore(%arg31 : memref<!tpu.dma_semaphore, #tpu.memory_space<semaphore_mem>>) {add = true}
    %add3A_174 = arith.constant 1 : i32
    %add3A_175 = arith.addi %mul3A_2, %add3A_174 : i32
    %dma_wait3A_176 = arith.constant 0 : i32
    %dma_wait3A_177 = arith.constant 0 : i32
    %dma_wait3A_178 = tpu.memref_slice %arg2[%dma_wait3A_176, %dma_wait3A_177] : memref<10000x128xf32, #tpu.memory_space<hbm>> -> memref<10000x128xf32, #tpu.memory_space<hbm>>
    tpu.wait_indirect_dma semaphore(%arg28 : memref<!tpu.dma_semaphore, #tpu.memory_space<semaphore_mem>>) src(%dma_wait3A_178 : memref<10000x128xf32, #tpu.memory_space<hbm>>) dst(%arg15 : memref<80x128xf32, #tpu.memory_space<vmem>>)
    %add3A_179 = arith.constant 2 : i32
    %add3A_180 = arith.addi %add3A_175, %add3A_179 : i32
    %lt3A_181 = arith.cmpi slt, %add3A_180, %add3A_4 : i32
    %convert_element_type3A_182 = arith.extui %lt3A_181 : i1 to i32
    %cond3A_183 = arith.constant 0 : i32
    %cond3A_184 = arith.cmpi ne, %convert_element_type3A_182, %cond3A_183 : i32
    scf.if %cond3A_184 {
      %add3A_449 = arith.constant 2 : i32
      %add3A_450 = arith.addi %add3A_175, %add3A_449 : i32
      %mul3A_451 = arith.constant 80 : i32
      %mul3A_452 = arith.muli %add3A_450, %mul3A_451 : i32
      %dma_start3A_453 = tpu.memref_slice %arg4[%mul3A_452] : memref<320000xi32, #tpu.memory_space<hbm>> -> memref<80xi32, #tpu.memory_space<hbm>>
      %dma_start3A_454 = tpu.memref_slice %arg4[%mul3A_452] : memref<320000xi32, #tpu.memory_space<hbm>> -> memref<80xi32, #tpu.memory_space<hbm>>
      tpu.enqueue_dma source(%dma_start3A_454 : memref<80xi32, #tpu.memory_space<hbm>>) target(%arg13 : memref<80xi32, #tpu.memory_space<vmem>>) target_semaphore(%arg26 : memref<!tpu.dma_semaphore, #tpu.memory_space<semaphore_mem>>)
      %add3A_455 = arith.constant 2 : i32
      %add3A_456 = arith.addi %add3A_175, %add3A_455 : i32
      %mul3A_457 = arith.constant 80 : i32
      %mul3A_458 = arith.muli %add3A_456, %mul3A_457 : i32
      %dma_wait3A_459 = tpu.memref_slice %arg3[%mul3A_458] : memref<320000xi32, #tpu.memory_space<hbm>> -> memref<80xi32, #tpu.memory_space<hbm>>
      %dma_wait3A_460 = tpu.memref_slice %arg3[%mul3A_458] : memref<320000xi32, #tpu.memory_space<hbm>> -> memref<80xi32, #tpu.memory_space<hbm>>
      tpu.wait_dma2 semaphore(%arg22 : memref<!tpu.dma_semaphore, #tpu.memory_space<semaphore_mem>>) src(%dma_wait3A_460 : memref<80xi32, #tpu.memory_space<hbm>>) dst(%arg9 : memref<80xi32, #tpu.memory_space<vmem>>)
      %dma_start3A_461 = arith.constant 0 : i32
      %dma_start3A_462 = arith.constant 0 : i32
      %dma_start3A_463 = tpu.memref_slice %arg2[%dma_start3A_461, %dma_start3A_462] : memref<10000x128xf32, #tpu.memory_space<hbm>> -> memref<10000x128xf32, #tpu.memory_space<hbm>>
      tpu.enqueue_indirect_dma source(%dma_start3A_463 : memref<10000x128xf32, #tpu.memory_space<hbm>>) target(%arg17 : memref<80x128xf32, #tpu.memory_space<vmem>>) offsets(%arg9 : memref<80xi32, #tpu.memory_space<vmem>>) semaphore(%arg30 : memref<!tpu.dma_semaphore, #tpu.memory_space<semaphore_mem>>)
    } else {
    }
    %add3A_185 = arith.constant 4 : i32
    %add3A_186 = arith.addi %add3A_175, %add3A_185 : i32
    %lt3A_187 = arith.cmpi slt, %add3A_186, %add3A_4 : i32
    %convert_element_type3A_188 = arith.extui %lt3A_187 : i1 to i32
    %cond3A_189 = arith.constant 0 : i32
    %cond3A_190 = arith.cmpi ne, %convert_element_type3A_188, %cond3A_189 : i32
    scf.if %cond3A_190 {
      %add3A_449 = arith.constant 4 : i32
      %add3A_450 = arith.addi %add3A_175, %add3A_449 : i32
      %mul3A_451 = arith.constant 80 : i32
      %mul3A_452 = arith.muli %add3A_450, %mul3A_451 : i32
      %dma_start3A_453 = tpu.memref_slice %arg3[%mul3A_452] : memref<320000xi32, #tpu.memory_space<hbm>> -> memref<80xi32, #tpu.memory_space<hbm>>
      %dma_start3A_454 = tpu.memref_slice %arg3[%mul3A_452] : memref<320000xi32, #tpu.memory_space<hbm>> -> memref<80xi32, #tpu.memory_space<hbm>>
      tpu.enqueue_dma source(%dma_start3A_454 : memref<80xi32, #tpu.memory_space<hbm>>) target(%arg7 : memref<80xi32, #tpu.memory_space<vmem>>) target_semaphore(%arg20 : memref<!tpu.dma_semaphore, #tpu.memory_space<semaphore_mem>>)
    } else {
    }
    %mul3A_191 = arith.constant 80 : i32
    %mul3A_192 = arith.muli %add3A_175, %mul3A_191 : i32
    %dma_wait3A_193 = tpu.memref_slice %arg4[%mul3A_192] : memref<320000xi32, #tpu.memory_space<hbm>> -> memref<80xi32, #tpu.memory_space<hbm>>
    %dma_wait3A_194 = tpu.memref_slice %arg4[%mul3A_192] : memref<320000xi32, #tpu.memory_space<hbm>> -> memref<80xi32, #tpu.memory_space<hbm>>
    tpu.wait_dma2 semaphore(%arg24 : memref<!tpu.dma_semaphore, #tpu.memory_space<semaphore_mem>>) src(%dma_wait3A_194 : memref<80xi32, #tpu.memory_space<hbm>>) dst(%arg11 : memref<80xi32, #tpu.memory_space<vmem>>)
    %dma_start3A_195 = arith.constant 0 : i32
    %dma_start3A_196 = arith.constant 0 : i32
    %dma_start3A_197 = tpu.memref_slice %arg18[%dma_start3A_195, %dma_start3A_196] : memref<10000x128xf32, #tpu.memory_space<vmem_shared>> -> memref<10000x128xf32, #tpu.memory_space<vmem_shared>>
    tpu.enqueue_indirect_dma source(%arg15 : memref<80x128xf32, #tpu.memory_space<vmem>>) target(%dma_start3A_197 : memref<10000x128xf32, #tpu.memory_space<vmem_shared>>) offsets(%arg11 : memref<80xi32, #tpu.memory_space<vmem>>) semaphore(%arg32 : memref<!tpu.dma_semaphore, #tpu.memory_space<semaphore_mem>>) {add = true}
    %scan3A_198 = arith.constant 0 : i32
    %scan3A_199 = arith.constant 30 : i32
    %scan3A_200 = arith.addi %scan3A_198, %scan3A_199 : i32
    %scan3A_201 = arith.constant 1 : i32
    scf.for %scan3A_449 = %scan3A_198 to %scan3A_200 step %scan3A_201  : i32 {
      %mul3A_450 = arith.constant 1 : i32
      %mul3A_451 = arith.muli %scan3A_449, %mul3A_450 : i32
      %add3A_452 = arith.constant 0 : i32
      %add3A_453 = arith.addi %add3A_452, %mul3A_451 : i32
      %add3A_454 = arith.constant 2 : i32
      %add3A_455 = arith.addi %mul3A_2, %add3A_454 : i32
      %mul3A_456 = arith.constant 4 : i32
      %mul3A_457 = arith.muli %add3A_453, %mul3A_456 : i32
      %add3A_458 = arith.addi %add3A_455, %mul3A_457 : i32
      %dma_wait3A_459 = arith.constant 0 : i32
      %dma_wait3A_460 = arith.constant 0 : i32
      %dma_wait3A_461 = tpu.memref_slice %arg2[%dma_wait3A_459, %dma_wait3A_460] : memref<10000x128xf32, #tpu.memory_space<hbm>> -> memref<10000x128xf32, #tpu.memory_space<hbm>>
      tpu.wait_indirect_dma semaphore(%arg29 : memref<!tpu.dma_semaphore, #tpu.memory_space<semaphore_mem>>) src(%dma_wait3A_461 : memref<10000x128xf32, #tpu.memory_space<hbm>>) dst(%arg16 : memref<80x128xf32, #tpu.memory_space<vmem>>)
      %dma_wait3A_462 = arith.constant 0 : i32
      %dma_wait3A_463 = arith.constant 0 : i32
      %dma_wait3A_464 = tpu.memref_slice %arg18[%dma_wait3A_462, %dma_wait3A_463] : memref<10000x128xf32, #tpu.memory_space<vmem_shared>> -> memref<10000x128xf32, #tpu.memory_space<vmem_shared>>
      tpu.wait_indirect_dma semaphore(%arg31 : memref<!tpu.dma_semaphore, #tpu.memory_space<semaphore_mem>>) src(%arg14 : memref<80x128xf32, #tpu.memory_space<vmem>>) dst(%dma_wait3A_464 : memref<10000x128xf32, #tpu.memory_space<vmem_shared>>)
      %add3A_465 = arith.constant 2 : i32
      %add3A_466 = arith.addi %add3A_458, %add3A_465 : i32
      %lt3A_467 = arith.cmpi slt, %add3A_466, %add3A_4 : i32
      %convert_element_type3A_468 = arith.extui %lt3A_467 : i1 to i32
      %cond3A_469 = arith.constant 0 : i32
      %cond3A_470 = arith.cmpi ne, %convert_element_type3A_468, %cond3A_469 : i32
      scf.if %cond3A_470 {
        %add3A_565 = arith.constant 2 : i32
        %add3A_566 = arith.addi %add3A_458, %add3A_565 : i32
        %mul3A_567 = arith.constant 80 : i32
        %mul3A_568 = arith.muli %add3A_566, %mul3A_567 : i32
        %dma_start3A_569 = tpu.memref_slice %arg4[%mul3A_568] : memref<320000xi32, #tpu.memory_space<hbm>> -> memref<80xi32, #tpu.memory_space<hbm>>
        %dma_start3A_570 = tpu.memref_slice %arg4[%mul3A_568] : memref<320000xi32, #tpu.memory_space<hbm>> -> memref<80xi32, #tpu.memory_space<hbm>>
        tpu.enqueue_dma source(%dma_start3A_570 : memref<80xi32, #tpu.memory_space<hbm>>) target(%arg10 : memref<80xi32, #tpu.memory_space<vmem>>) target_semaphore(%arg23 : memref<!tpu.dma_semaphore, #tpu.memory_space<semaphore_mem>>)
        %add3A_571 = arith.constant 2 : i32
        %add3A_572 = arith.addi %add3A_458, %add3A_571 : i32
        %mul3A_573 = arith.constant 80 : i32
        %mul3A_574 = arith.muli %add3A_572, %mul3A_573 : i32
        %dma_wait3A_575 = tpu.memref_slice %arg3[%mul3A_574] : memref<320000xi32, #tpu.memory_space<hbm>> -> memref<80xi32, #tpu.memory_space<hbm>>
        %dma_wait3A_576 = tpu.memref_slice %arg3[%mul3A_574] : memref<320000xi32, #tpu.memory_space<hbm>> -> memref<80xi32, #tpu.memory_space<hbm>>
        tpu.wait_dma2 semaphore(%arg19 : memref<!tpu.dma_semaphore, #tpu.memory_space<semaphore_mem>>) src(%dma_wait3A_576 : memref<80xi32, #tpu.memory_space<hbm>>) dst(%arg6 : memref<80xi32, #tpu.memory_space<vmem>>)
        %dma_start3A_577 = arith.constant 0 : i32
        %dma_start3A_578 = arith.constant 0 : i32
        %dma_start3A_579 = tpu.memref_slice %arg2[%dma_start3A_577, %dma_start3A_578] : memref<10000x128xf32, #tpu.memory_space<hbm>> -> memref<10000x128xf32, #tpu.memory_space<hbm>>
        tpu.enqueue_indirect_dma source(%dma_start3A_579 : memref<10000x128xf32, #tpu.memory_space<hbm>>) target(%arg14 : memref<80x128xf32, #tpu.memory_space<vmem>>) offsets(%arg6 : memref<80xi32, #tpu.memory_space<vmem>>) semaphore(%arg27 : memref<!tpu.dma_semaphore, #tpu.memory_space<semaphore_mem>>)
      } else {
      }
      %add3A_471 = arith.constant 4 : i32
      %add3A_472 = arith.addi %add3A_458, %add3A_471 : i32
      %lt3A_473 = arith.cmpi slt, %add3A_472, %add3A_4 : i32
      %convert_element_type3A_474 = arith.extui %lt3A_473 : i1 to i32
      %cond3A_475 = arith.constant 0 : i32
      %cond3A_476 = arith.cmpi ne, %convert_element_type3A_474, %cond3A_475 : i32
      scf.if %cond3A_476 {
        %add3A_565 = arith.constant 4 : i32
        %add3A_566 = arith.addi %add3A_458, %add3A_565 : i32
        %mul3A_567 = arith.constant 80 : i32
        %mul3A_568 = arith.muli %add3A_566, %mul3A_567 : i32
        %dma_start3A_569 = tpu.memref_slice %arg3[%mul3A_568] : memref<320000xi32, #tpu.memory_space<hbm>> -> memref<80xi32, #tpu.memory_space<hbm>>
        %dma_start3A_570 = tpu.memref_slice %arg3[%mul3A_568] : memref<320000xi32, #tpu.memory_space<hbm>> -> memref<80xi32, #tpu.memory_space<hbm>>
        tpu.enqueue_dma source(%dma_start3A_570 : memref<80xi32, #tpu.memory_space<hbm>>) target(%arg8 : memref<80xi32, #tpu.memory_space<vmem>>) target_semaphore(%arg21 : memref<!tpu.dma_semaphore, #tpu.memory_space<semaphore_mem>>)
      } else {
      }
      %mul3A_477 = arith.constant 80 : i32
      %mul3A_478 = arith.muli %add3A_458, %mul3A_477 : i32
      %dma_wait3A_479 = tpu.memref_slice %arg4[%mul3A_478] : memref<320000xi32, #tpu.memory_space<hbm>> -> memref<80xi32, #tpu.memory_space<hbm>>
      %dma_wait3A_480 = tpu.memref_slice %arg4[%mul3A_478] : memref<320000xi32, #tpu.memory_space<hbm>> -> memref<80xi32, #tpu.memory_space<hbm>>
      tpu.wait_dma2 semaphore(%arg25 : memref<!tpu.dma_semaphore, #tpu.memory_space<semaphore_mem>>) src(%dma_wait3A_480 : memref<80xi32, #tpu.memory_space<hbm>>) dst(%arg12 : memref<80xi32, #tpu.memory_space<vmem>>)
      %dma_start3A_481 = arith.constant 0 : i32
      %dma_start3A_482 = arith.constant 0 : i32
      %dma_start3A_483 = tpu.memref_slice %arg18[%dma_start3A_481, %dma_start3A_482] : memref<10000x128xf32, #tpu.memory_space<vmem_shared>> -> memref<10000x128xf32, #tpu.memory_space<vmem_shared>>
      tpu.enqueue_indirect_dma source(%arg16 : memref<80x128xf32, #tpu.memory_space<vmem>>) target(%dma_start3A_483 : memref<10000x128xf32, #tpu.memory_space<vmem_shared>>) offsets(%arg12 : memref<80xi32, #tpu.memory_space<vmem>>) semaphore(%arg33 : memref<!tpu.dma_semaphore, #tpu.memory_space<semaphore_mem>>) {add = true}
      %add3A_484 = arith.constant 1 : i32
      %add3A_485 = arith.addi %add3A_458, %add3A_484 : i32
      %dma_wait3A_486 = arith.constant 0 : i32
      %dma_wait3A_487 = arith.constant 0 : i32
      %dma_wait3A_488 = tpu.memref_slice %arg2[%dma_wait3A_486, %dma_wait3A_487] : memref<10000x128xf32, #tpu.memory_space<hbm>> -> memref<10000x128xf32, #tpu.memory_space<hbm>>
      tpu.wait_indirect_dma semaphore(%arg30 : memref<!tpu.dma_semaphore, #tpu.memory_space<semaphore_mem>>) src(%dma_wait3A_488 : memref<10000x128xf32, #tpu.memory_space<hbm>>) dst(%arg17 : memref<80x128xf32, #tpu.memory_space<vmem>>)
      %dma_wait3A_489 = arith.constant 0 : i32
      %dma_wait3A_490 = arith.constant 0 : i32
      %dma_wait3A_491 = tpu.memref_slice %arg18[%dma_wait3A_489, %dma_wait3A_490] : memref<10000x128xf32, #tpu.memory_space<vmem_shared>> -> memref<10000x128xf32, #tpu.memory_space<vmem_shared>>
      tpu.wait_indirect_dma semaphore(%arg32 : memref<!tpu.dma_semaphore, #tpu.memory_space<semaphore_mem>>) src(%arg15 : memref<80x128xf32, #tpu.memory_space<vmem>>) dst(%dma_wait3A_491 : memref<10000x128xf32, #tpu.memory_space<vmem_shared>>)
      %add3A_492 = arith.constant 2 : i32
      %add3A_493 = arith.addi %add3A_485, %add3A_492 : i32
      %lt3A_494 = arith.cmpi slt, %add3A_493, %add3A_4 : i32
      %convert_element_type3A_495 = arith.extui %lt3A_494 : i1 to i32
      %cond3A_496 = arith.constant 0 : i32
      %cond3A_497 = arith.cmpi ne, %convert_element_type3A_495, %cond3A_496 : i32
      scf.if %cond3A_497 {
        %add3A_565 = arith.constant 2 : i32
        %add3A_566 = arith.addi %add3A_485, %add3A_565 : i32
        %mul3A_567 = arith.constant 80 : i32
        %mul3A_568 = arith.muli %add3A_566, %mul3A_567 : i32
        %dma_start3A_569 = tpu.memref_slice %arg4[%mul3A_568] : memref<320000xi32, #tpu.memory_space<hbm>> -> memref<80xi32, #tpu.memory_space<hbm>>
        %dma_start3A_570 = tpu.memref_slice %arg4[%mul3A_568] : memref<320000xi32, #tpu.memory_space<hbm>> -> memref<80xi32, #tpu.memory_space<hbm>>
        tpu.enqueue_dma source(%dma_start3A_570 : memref<80xi32, #tpu.memory_space<hbm>>) target(%arg11 : memref<80xi32, #tpu.memory_space<vmem>>) target_semaphore(%arg24 : memref<!tpu.dma_semaphore, #tpu.memory_space<semaphore_mem>>)
        %add3A_571 = arith.constant 2 : i32
        %add3A_572 = arith.addi %add3A_485, %add3A_571 : i32
        %mul3A_573 = arith.constant 80 : i32
        %mul3A_574 = arith.muli %add3A_572, %mul3A_573 : i32
        %dma_wait3A_575 = tpu.memref_slice %arg3[%mul3A_574] : memref<320000xi32, #tpu.memory_space<hbm>> -> memref<80xi32, #tpu.memory_space<hbm>>
        %dma_wait3A_576 = tpu.memref_slice %arg3[%mul3A_574] : memref<320000xi32, #tpu.memory_space<hbm>> -> memref<80xi32, #tpu.memory_space<hbm>>
        tpu.wait_dma2 semaphore(%arg20 : memref<!tpu.dma_semaphore, #tpu.memory_space<semaphore_mem>>) src(%dma_wait3A_576 : memref<80xi32, #tpu.memory_space<hbm>>) dst(%arg7 : memref<80xi32, #tpu.memory_space<vmem>>)
        %dma_start3A_577 = arith.constant 0 : i32
        %dma_start3A_578 = arith.constant 0 : i32
        %dma_start3A_579 = tpu.memref_slice %arg2[%dma_start3A_577, %dma_start3A_578] : memref<10000x128xf32, #tpu.memory_space<hbm>> -> memref<10000x128xf32, #tpu.memory_space<hbm>>
        tpu.enqueue_indirect_dma source(%dma_start3A_579 : memref<10000x128xf32, #tpu.memory_space<hbm>>) target(%arg15 : memref<80x128xf32, #tpu.memory_space<vmem>>) offsets(%arg7 : memref<80xi32, #tpu.memory_space<vmem>>) semaphore(%arg28 : memref<!tpu.dma_semaphore, #tpu.memory_space<semaphore_mem>>)
      } else {
      }
      %add3A_498 = arith.constant 4 : i32
      %add3A_499 = arith.addi %add3A_485, %add3A_498 : i32
      %lt3A_500 = arith.cmpi slt, %add3A_499, %add3A_4 : i32
      %convert_element_type3A_501 = arith.extui %lt3A_500 : i1 to i32
      %cond3A_502 = arith.constant 0 : i32
      %cond3A_503 = arith.cmpi ne, %convert_element_type3A_501, %cond3A_502 : i32
      scf.if %cond3A_503 {
        %add3A_565 = arith.constant 4 : i32
        %add3A_566 = arith.addi %add3A_485, %add3A_565 : i32
        %mul3A_567 = arith.constant 80 : i32
        %mul3A_568 = arith.muli %add3A_566, %mul3A_567 : i32
        %dma_start3A_569 = tpu.memref_slice %arg3[%mul3A_568] : memref<320000xi32, #tpu.memory_space<hbm>> -> memref<80xi32, #tpu.memory_space<hbm>>
        %dma_start3A_570 = tpu.memref_slice %arg3[%mul3A_568] : memref<320000xi32, #tpu.memory_space<hbm>> -> memref<80xi32, #tpu.memory_space<hbm>>
        tpu.enqueue_dma source(%dma_start3A_570 : memref<80xi32, #tpu.memory_space<hbm>>) target(%arg9 : memref<80xi32, #tpu.memory_space<vmem>>) target_semaphore(%arg22 : memref<!tpu.dma_semaphore, #tpu.memory_space<semaphore_mem>>)
      } else {
      }
      %mul3A_504 = arith.constant 80 : i32
      %mul3A_505 = arith.muli %add3A_485, %mul3A_504 : i32
      %dma_wait3A_506 = tpu.memref_slice %arg4[%mul3A_505] : memref<320000xi32, #tpu.memory_space<hbm>> -> memref<80xi32, #tpu.memory_space<hbm>>
      %dma_wait3A_507 = tpu.memref_slice %arg4[%mul3A_505] : memref<320000xi32, #tpu.memory_space<hbm>> -> memref<80xi32, #tpu.memory_space<hbm>>
      tpu.wait_dma2 semaphore(%arg26 : memref<!tpu.dma_semaphore, #tpu.memory_space<semaphore_mem>>) src(%dma_wait3A_507 : memref<80xi32, #tpu.memory_space<hbm>>) dst(%arg13 : memref<80xi32, #tpu.memory_space<vmem>>)
      %dma_start3A_508 = arith.constant 0 : i32
      %dma_start3A_509 = arith.constant 0 : i32
      %dma_start3A_510 = tpu.memref_slice %arg18[%dma_start3A_508, %dma_start3A_509] : memref<10000x128xf32, #tpu.memory_space<vmem_shared>> -> memref<10000x128xf32, #tpu.memory_space<vmem_shared>>
      tpu.enqueue_indirect_dma source(%arg17 : memref<80x128xf32, #tpu.memory_space<vmem>>) target(%dma_start3A_510 : memref<10000x128xf32, #tpu.memory_space<vmem_shared>>) offsets(%arg13 : memref<80xi32, #tpu.memory_space<vmem>>) semaphore(%arg34 : memref<!tpu.dma_semaphore, #tpu.memory_space<semaphore_mem>>) {add = true}
      %add3A_511 = arith.constant 2 : i32
      %add3A_512 = arith.addi %add3A_458, %add3A_511 : i32
      %dma_wait3A_513 = arith.constant 0 : i32
      %dma_wait3A_514 = arith.constant 0 : i32
      %dma_wait3A_515 = tpu.memref_slice %arg2[%dma_wait3A_513, %dma_wait3A_514] : memref<10000x128xf32, #tpu.memory_space<hbm>> -> memref<10000x128xf32, #tpu.memory_space<hbm>>
      tpu.wait_indirect_dma semaphore(%arg27 : memref<!tpu.dma_semaphore, #tpu.memory_space<semaphore_mem>>) src(%dma_wait3A_515 : memref<10000x128xf32, #tpu.memory_space<hbm>>) dst(%arg14 : memref<80x128xf32, #tpu.memory_space<vmem>>)
      %dma_wait3A_516 = arith.constant 0 : i32
      %dma_wait3A_517 = arith.constant 0 : i32
      %dma_wait3A_518 = tpu.memref_slice %arg18[%dma_wait3A_516, %dma_wait3A_517] : memref<10000x128xf32, #tpu.memory_space<vmem_shared>> -> memref<10000x128xf32, #tpu.memory_space<vmem_shared>>
      tpu.wait_indirect_dma semaphore(%arg33 : memref<!tpu.dma_semaphore, #tpu.memory_space<semaphore_mem>>) src(%arg16 : memref<80x128xf32, #tpu.memory_space<vmem>>) dst(%dma_wait3A_518 : memref<10000x128xf32, #tpu.memory_space<vmem_shared>>)
      %add3A_519 = arith.constant 2 : i32
      %add3A_520 = arith.addi %add3A_512, %add3A_519 : i32
      %lt3A_521 = arith.cmpi slt, %add3A_520, %add3A_4 : i32
      %convert_element_type3A_522 = arith.extui %lt3A_521 : i1 to i32
      %cond3A_523 = arith.constant 0 : i32
      %cond3A_524 = arith.cmpi ne, %convert_element_type3A_522, %cond3A_523 : i32
      scf.if %cond3A_524 {
        %add3A_565 = arith.constant 2 : i32
        %add3A_566 = arith.addi %add3A_512, %add3A_565 : i32
        %mul3A_567 = arith.constant 80 : i32
        %mul3A_568 = arith.muli %add3A_566, %mul3A_567 : i32
        %dma_start3A_569 = tpu.memref_slice %arg4[%mul3A_568] : memref<320000xi32, #tpu.memory_space<hbm>> -> memref<80xi32, #tpu.memory_space<hbm>>
        %dma_start3A_570 = tpu.memref_slice %arg4[%mul3A_568] : memref<320000xi32, #tpu.memory_space<hbm>> -> memref<80xi32, #tpu.memory_space<hbm>>
        tpu.enqueue_dma source(%dma_start3A_570 : memref<80xi32, #tpu.memory_space<hbm>>) target(%arg12 : memref<80xi32, #tpu.memory_space<vmem>>) target_semaphore(%arg25 : memref<!tpu.dma_semaphore, #tpu.memory_space<semaphore_mem>>)
        %add3A_571 = arith.constant 2 : i32
        %add3A_572 = arith.addi %add3A_512, %add3A_571 : i32
        %mul3A_573 = arith.constant 80 : i32
        %mul3A_574 = arith.muli %add3A_572, %mul3A_573 : i32
        %dma_wait3A_575 = tpu.memref_slice %arg3[%mul3A_574] : memref<320000xi32, #tpu.memory_space<hbm>> -> memref<80xi32, #tpu.memory_space<hbm>>
        %dma_wait3A_576 = tpu.memref_slice %arg3[%mul3A_574] : memref<320000xi32, #tpu.memory_space<hbm>> -> memref<80xi32, #tpu.memory_space<hbm>>
        tpu.wait_dma2 semaphore(%arg21 : memref<!tpu.dma_semaphore, #tpu.memory_space<semaphore_mem>>) src(%dma_wait3A_576 : memref<80xi32, #tpu.memory_space<hbm>>) dst(%arg8 : memref<80xi32, #tpu.memory_space<vmem>>)
        %dma_start3A_577 = arith.constant 0 : i32
        %dma_start3A_578 = arith.constant 0 : i32
        %dma_start3A_579 = tpu.memref_slice %arg2[%dma_start3A_577, %dma_start3A_578] : memref<10000x128xf32, #tpu.memory_space<hbm>> -> memref<10000x128xf32, #tpu.memory_space<hbm>>
        tpu.enqueue_indirect_dma source(%dma_start3A_579 : memref<10000x128xf32, #tpu.memory_space<hbm>>) target(%arg16 : memref<80x128xf32, #tpu.memory_space<vmem>>) offsets(%arg8 : memref<80xi32, #tpu.memory_space<vmem>>) semaphore(%arg29 : memref<!tpu.dma_semaphore, #tpu.memory_space<semaphore_mem>>)
      } else {
      }
      %add3A_525 = arith.constant 4 : i32
      %add3A_526 = arith.addi %add3A_512, %add3A_525 : i32
      %lt3A_527 = arith.cmpi slt, %add3A_526, %add3A_4 : i32
      %convert_element_type3A_528 = arith.extui %lt3A_527 : i1 to i32
      %cond3A_529 = arith.constant 0 : i32
      %cond3A_530 = arith.cmpi ne, %convert_element_type3A_528, %cond3A_529 : i32
      scf.if %cond3A_530 {
        %add3A_565 = arith.constant 4 : i32
        %add3A_566 = arith.addi %add3A_512, %add3A_565 : i32
        %mul3A_567 = arith.constant 80 : i32
        %mul3A_568 = arith.muli %add3A_566, %mul3A_567 : i32
        %dma_start3A_569 = tpu.memref_slice %arg3[%mul3A_568] : memref<320000xi32, #tpu.memory_space<hbm>> -> memref<80xi32, #tpu.memory_space<hbm>>
        %dma_start3A_570 = tpu.memref_slice %arg3[%mul3A_568] : memref<320000xi32, #tpu.memory_space<hbm>> -> memref<80xi32, #tpu.memory_space<hbm>>
        tpu.enqueue_dma source(%dma_start3A_570 : memref<80xi32, #tpu.memory_space<hbm>>) target(%arg6 : memref<80xi32, #tpu.memory_space<vmem>>) target_semaphore(%arg19 : memref<!tpu.dma_semaphore, #tpu.memory_space<semaphore_mem>>)
      } else {
      }
      %mul3A_531 = arith.constant 80 : i32
      %mul3A_532 = arith.muli %add3A_512, %mul3A_531 : i32
      %dma_wait3A_533 = tpu.memref_slice %arg4[%mul3A_532] : memref<320000xi32, #tpu.memory_space<hbm>> -> memref<80xi32, #tpu.memory_space<hbm>>
      %dma_wait3A_534 = tpu.memref_slice %arg4[%mul3A_532] : memref<320000xi32, #tpu.memory_space<hbm>> -> memref<80xi32, #tpu.memory_space<hbm>>
      tpu.wait_dma2 semaphore(%arg23 : memref<!tpu.dma_semaphore, #tpu.memory_space<semaphore_mem>>) src(%dma_wait3A_534 : memref<80xi32, #tpu.memory_space<hbm>>) dst(%arg10 : memref<80xi32, #tpu.memory_space<vmem>>)
      %dma_start3A_535 = arith.constant 0 : i32
      %dma_start3A_536 = arith.constant 0 : i32
      %dma_start3A_537 = tpu.memref_slice %arg18[%dma_start3A_535, %dma_start3A_536] : memref<10000x128xf32, #tpu.memory_space<vmem_shared>> -> memref<10000x128xf32, #tpu.memory_space<vmem_shared>>
      tpu.enqueue_indirect_dma source(%arg14 : memref<80x128xf32, #tpu.memory_space<vmem>>) target(%dma_start3A_537 : memref<10000x128xf32, #tpu.memory_space<vmem_shared>>) offsets(%arg10 : memref<80xi32, #tpu.memory_space<vmem>>) semaphore(%arg31 : memref<!tpu.dma_semaphore, #tpu.memory_space<semaphore_mem>>) {add = true}
      %add3A_538 = arith.constant 3 : i32
      %add3A_539 = arith.addi %add3A_458, %add3A_538 : i32
      %dma_wait3A_540 = arith.constant 0 : i32
      %dma_wait3A_541 = arith.constant 0 : i32
      %dma_wait3A_542 = tpu.memref_slice %arg2[%dma_wait3A_540, %dma_wait3A_541] : memref<10000x128xf32, #tpu.memory_space<hbm>> -> memref<10000x128xf32, #tpu.memory_space<hbm>>
      tpu.wait_indirect_dma semaphore(%arg28 : memref<!tpu.dma_semaphore, #tpu.memory_space<semaphore_mem>>) src(%dma_wait3A_542 : memref<10000x128xf32, #tpu.memory_space<hbm>>) dst(%arg15 : memref<80x128xf32, #tpu.memory_space<vmem>>)
      %dma_wait3A_543 = arith.constant 0 : i32
      %dma_wait3A_544 = arith.constant 0 : i32
      %dma_wait3A_545 = tpu.memref_slice %arg18[%dma_wait3A_543, %dma_wait3A_544] : memref<10000x128xf32, #tpu.memory_space<vmem_shared>> -> memref<10000x128xf32, #tpu.memory_space<vmem_shared>>
      tpu.wait_indirect_dma semaphore(%arg34 : memref<!tpu.dma_semaphore, #tpu.memory_space<semaphore_mem>>) src(%arg17 : memref<80x128xf32, #tpu.memory_space<vmem>>) dst(%dma_wait3A_545 : memref<10000x128xf32, #tpu.memory_space<vmem_shared>>)
      %add3A_546 = arith.constant 2 : i32
      %add3A_547 = arith.addi %add3A_539, %add3A_546 : i32
      %lt3A_548 = arith.cmpi slt, %add3A_547, %add3A_4 : i32
      %convert_element_type3A_549 = arith.extui %lt3A_548 : i1 to i32
      %cond3A_550 = arith.constant 0 : i32
      %cond3A_551 = arith.cmpi ne, %convert_element_type3A_549, %cond3A_550 : i32
      scf.if %cond3A_551 {
        %add3A_565 = arith.constant 2 : i32
        %add3A_566 = arith.addi %add3A_539, %add3A_565 : i32
        %mul3A_567 = arith.constant 80 : i32
        %mul3A_568 = arith.muli %add3A_566, %mul3A_567 : i32
        %dma_start3A_569 = tpu.memref_slice %arg4[%mul3A_568] : memref<320000xi32, #tpu.memory_space<hbm>> -> memref<80xi32, #tpu.memory_space<hbm>>
        %dma_start3A_570 = tpu.memref_slice %arg4[%mul3A_568] : memref<320000xi32, #tpu.memory_space<hbm>> -> memref<80xi32, #tpu.memory_space<hbm>>
        tpu.enqueue_dma source(%dma_start3A_570 : memref<80xi32, #tpu.memory_space<hbm>>) target(%arg13 : memref<80xi32, #tpu.memory_space<vmem>>) target_semaphore(%arg26 : memref<!tpu.dma_semaphore, #tpu.memory_space<semaphore_mem>>)
        %add3A_571 = arith.constant 2 : i32
        %add3A_572 = arith.addi %add3A_539, %add3A_571 : i32
        %mul3A_573 = arith.constant 80 : i32
        %mul3A_574 = arith.muli %add3A_572, %mul3A_573 : i32
        %dma_wait3A_575 = tpu.memref_slice %arg3[%mul3A_574] : memref<320000xi32, #tpu.memory_space<hbm>> -> memref<80xi32, #tpu.memory_space<hbm>>
        %dma_wait3A_576 = tpu.memref_slice %arg3[%mul3A_574] : memref<320000xi32, #tpu.memory_space<hbm>> -> memref<80xi32, #tpu.memory_space<hbm>>
        tpu.wait_dma2 semaphore(%arg22 : memref<!tpu.dma_semaphore, #tpu.memory_space<semaphore_mem>>) src(%dma_wait3A_576 : memref<80xi32, #tpu.memory_space<hbm>>) dst(%arg9 : memref<80xi32, #tpu.memory_space<vmem>>)
        %dma_start3A_577 = arith.constant 0 : i32
        %dma_start3A_578 = arith.constant 0 : i32
        %dma_start3A_579 = tpu.memref_slice %arg2[%dma_start3A_577, %dma_start3A_578] : memref<10000x128xf32, #tpu.memory_space<hbm>> -> memref<10000x128xf32, #tpu.memory_space<hbm>>
        tpu.enqueue_indirect_dma source(%dma_start3A_579 : memref<10000x128xf32, #tpu.memory_space<hbm>>) target(%arg17 : memref<80x128xf32, #tpu.memory_space<vmem>>) offsets(%arg9 : memref<80xi32, #tpu.memory_space<vmem>>) semaphore(%arg30 : memref<!tpu.dma_semaphore, #tpu.memory_space<semaphore_mem>>)
      } else {
      }
      %add3A_552 = arith.constant 4 : i32
      %add3A_553 = arith.addi %add3A_539, %add3A_552 : i32
      %lt3A_554 = arith.cmpi slt, %add3A_553, %add3A_4 : i32
      %convert_element_type3A_555 = arith.extui %lt3A_554 : i1 to i32
      %cond3A_556 = arith.constant 0 : i32
      %cond3A_557 = arith.cmpi ne, %convert_element_type3A_555, %cond3A_556 : i32
      scf.if %cond3A_557 {
        %add3A_565 = arith.constant 4 : i32
        %add3A_566 = arith.addi %add3A_539, %add3A_565 : i32
        %mul3A_567 = arith.constant 80 : i32
        %mul3A_568 = arith.muli %add3A_566, %mul3A_567 : i32
        %dma_start3A_569 = tpu.memref_slice %arg3[%mul3A_568] : memref<320000xi32, #tpu.memory_space<hbm>> -> memref<80xi32, #tpu.memory_space<hbm>>
        %dma_start3A_570 = tpu.memref_slice %arg3[%mul3A_568] : memref<320000xi32, #tpu.memory_space<hbm>> -> memref<80xi32, #tpu.memory_space<hbm>>
        tpu.enqueue_dma source(%dma_start3A_570 : memref<80xi32, #tpu.memory_space<hbm>>) target(%arg7 : memref<80xi32, #tpu.memory_space<vmem>>) target_semaphore(%arg20 : memref<!tpu.dma_semaphore, #tpu.memory_space<semaphore_mem>>)
      } else {
      }
      %mul3A_558 = arith.constant 80 : i32
      %mul3A_559 = arith.muli %add3A_539, %mul3A_558 : i32
      %dma_wait3A_560 = tpu.memref_slice %arg4[%mul3A_559] : memref<320000xi32, #tpu.memory_space<hbm>> -> memref<80xi32, #tpu.memory_space<hbm>>
      %dma_wait3A_561 = tpu.memref_slice %arg4[%mul3A_559] : memref<320000xi32, #tpu.memory_space<hbm>> -> memref<80xi32, #tpu.memory_space<hbm>>
      tpu.wait_dma2 semaphore(%arg24 : memref<!tpu.dma_semaphore, #tpu.memory_space<semaphore_mem>>) src(%dma_wait3A_561 : memref<80xi32, #tpu.memory_space<hbm>>) dst(%arg11 : memref<80xi32, #tpu.memory_space<vmem>>)
      %dma_start3A_562 = arith.constant 0 : i32
      %dma_start3A_563 = arith.constant 0 : i32
      %dma_start3A_564 = tpu.memref_slice %arg18[%dma_start3A_562, %dma_start3A_563] : memref<10000x128xf32, #tpu.memory_space<vmem_shared>> -> memref<10000x128xf32, #tpu.memory_space<vmem_shared>>
      tpu.enqueue_indirect_dma source(%arg15 : memref<80x128xf32, #tpu.memory_space<vmem>>) target(%dma_start3A_564 : memref<10000x128xf32, #tpu.memory_space<vmem_shared>>) offsets(%arg11 : memref<80xi32, #tpu.memory_space<vmem>>) semaphore(%arg32 : memref<!tpu.dma_semaphore, #tpu.memory_space<semaphore_mem>>) {add = true}
    }
    %scan3A_202 = arith.constant 30 : i32
    %sub3A = arith.constant 3 : i32
    %sub3A_203 = arith.subi %add3A_4, %sub3A : i32
    %dma_wait3A_204 = arith.constant 0 : i32
    %dma_wait3A_205 = arith.constant 0 : i32
    %dma_wait3A_206 = tpu.memref_slice %arg2[%dma_wait3A_204, %dma_wait3A_205] : memref<10000x128xf32, #tpu.memory_space<hbm>> -> memref<10000x128xf32, #tpu.memory_space<hbm>>
    tpu.wait_indirect_dma semaphore(%arg29 : memref<!tpu.dma_semaphore, #tpu.memory_space<semaphore_mem>>) src(%dma_wait3A_206 : memref<10000x128xf32, #tpu.memory_space<hbm>>) dst(%arg16 : memref<80x128xf32, #tpu.memory_space<vmem>>)
    %dma_wait3A_207 = arith.constant 0 : i32
    %dma_wait3A_208 = arith.constant 0 : i32
    %dma_wait3A_209 = tpu.memref_slice %arg18[%dma_wait3A_207, %dma_wait3A_208] : memref<10000x128xf32, #tpu.memory_space<vmem_shared>> -> memref<10000x128xf32, #tpu.memory_space<vmem_shared>>
    tpu.wait_indirect_dma semaphore(%arg31 : memref<!tpu.dma_semaphore, #tpu.memory_space<semaphore_mem>>) src(%arg14 : memref<80x128xf32, #tpu.memory_space<vmem>>) dst(%dma_wait3A_209 : memref<10000x128xf32, #tpu.memory_space<vmem_shared>>)
    %add3A_210 = arith.constant 2 : i32
    %add3A_211 = arith.addi %sub3A_203, %add3A_210 : i32
    %lt3A_212 = arith.cmpi slt, %add3A_211, %add3A_4 : i32
    %convert_element_type3A_213 = arith.extui %lt3A_212 : i1 to i32
    %cond3A_214 = arith.constant 0 : i32
    %cond3A_215 = arith.cmpi ne, %convert_element_type3A_213, %cond3A_214 : i32
    scf.if %cond3A_215 {
      %add3A_449 = arith.constant 2 : i32
      %add3A_450 = arith.addi %sub3A_203, %add3A_449 : i32
      %mul3A_451 = arith.constant 80 : i32
      %mul3A_452 = arith.muli %add3A_450, %mul3A_451 : i32
      %dma_start3A_453 = tpu.memref_slice %arg4[%mul3A_452] : memref<320000xi32, #tpu.memory_space<hbm>> -> memref<80xi32, #tpu.memory_space<hbm>>
      %dma_start3A_454 = tpu.memref_slice %arg4[%mul3A_452] : memref<320000xi32, #tpu.memory_space<hbm>> -> memref<80xi32, #tpu.memory_space<hbm>>
      tpu.enqueue_dma source(%dma_start3A_454 : memref<80xi32, #tpu.memory_space<hbm>>) target(%arg10 : memref<80xi32, #tpu.memory_space<vmem>>) target_semaphore(%arg23 : memref<!tpu.dma_semaphore, #tpu.memory_space<semaphore_mem>>)
      %add3A_455 = arith.constant 2 : i32
      %add3A_456 = arith.addi %sub3A_203, %add3A_455 : i32
      %mul3A_457 = arith.constant 80 : i32
      %mul3A_458 = arith.muli %add3A_456, %mul3A_457 : i32
      %dma_wait3A_459 = tpu.memref_slice %arg3[%mul3A_458] : memref<320000xi32, #tpu.memory_space<hbm>> -> memref<80xi32, #tpu.memory_space<hbm>>
      %dma_wait3A_460 = tpu.memref_slice %arg3[%mul3A_458] : memref<320000xi32, #tpu.memory_space<hbm>> -> memref<80xi32, #tpu.memory_space<hbm>>
      tpu.wait_dma2 semaphore(%arg19 : memref<!tpu.dma_semaphore, #tpu.memory_space<semaphore_mem>>) src(%dma_wait3A_460 : memref<80xi32, #tpu.memory_space<hbm>>) dst(%arg6 : memref<80xi32, #tpu.memory_space<vmem>>)
      %dma_start3A_461 = arith.constant 0 : i32
      %dma_start3A_462 = arith.constant 0 : i32
      %dma_start3A_463 = tpu.memref_slice %arg2[%dma_start3A_461, %dma_start3A_462] : memref<10000x128xf32, #tpu.memory_space<hbm>> -> memref<10000x128xf32, #tpu.memory_space<hbm>>
      tpu.enqueue_indirect_dma source(%dma_start3A_463 : memref<10000x128xf32, #tpu.memory_space<hbm>>) target(%arg14 : memref<80x128xf32, #tpu.memory_space<vmem>>) offsets(%arg6 : memref<80xi32, #tpu.memory_space<vmem>>) semaphore(%arg27 : memref<!tpu.dma_semaphore, #tpu.memory_space<semaphore_mem>>)
    } else {
    }
    %mul3A_216 = arith.constant 80 : i32
    %mul3A_217 = arith.muli %sub3A_203, %mul3A_216 : i32
    %dma_wait3A_218 = tpu.memref_slice %arg4[%mul3A_217] : memref<320000xi32, #tpu.memory_space<hbm>> -> memref<80xi32, #tpu.memory_space<hbm>>
    %dma_wait3A_219 = tpu.memref_slice %arg4[%mul3A_217] : memref<320000xi32, #tpu.memory_space<hbm>> -> memref<80xi32, #tpu.memory_space<hbm>>
    tpu.wait_dma2 semaphore(%arg25 : memref<!tpu.dma_semaphore, #tpu.memory_space<semaphore_mem>>) src(%dma_wait3A_219 : memref<80xi32, #tpu.memory_space<hbm>>) dst(%arg12 : memref<80xi32, #tpu.memory_space<vmem>>)
    %dma_start3A_220 = arith.constant 0 : i32
    %dma_start3A_221 = arith.constant 0 : i32
    %dma_start3A_222 = tpu.memref_slice %arg18[%dma_start3A_220, %dma_start3A_221] : memref<10000x128xf32, #tpu.memory_space<vmem_shared>> -> memref<10000x128xf32, #tpu.memory_space<vmem_shared>>
    tpu.enqueue_indirect_dma source(%arg16 : memref<80x128xf32, #tpu.memory_space<vmem>>) target(%dma_start3A_222 : memref<10000x128xf32, #tpu.memory_space<vmem_shared>>) offsets(%arg12 : memref<80xi32, #tpu.memory_space<vmem>>) semaphore(%arg33 : memref<!tpu.dma_semaphore, #tpu.memory_space<semaphore_mem>>) {add = true}
    %sub3A_223 = arith.constant 2 : i32
    %sub3A_224 = arith.subi %add3A_4, %sub3A_223 : i32
    %dma_wait3A_225 = arith.constant 0 : i32
    %dma_wait3A_226 = arith.constant 0 : i32
    %dma_wait3A_227 = tpu.memref_slice %arg2[%dma_wait3A_225, %dma_wait3A_226] : memref<10000x128xf32, #tpu.memory_space<hbm>> -> memref<10000x128xf32, #tpu.memory_space<hbm>>
    tpu.wait_indirect_dma semaphore(%arg30 : memref<!tpu.dma_semaphore, #tpu.memory_space<semaphore_mem>>) src(%dma_wait3A_227 : memref<10000x128xf32, #tpu.memory_space<hbm>>) dst(%arg17 : memref<80x128xf32, #tpu.memory_space<vmem>>)
    %dma_wait3A_228 = arith.constant 0 : i32
    %dma_wait3A_229 = arith.constant 0 : i32
    %dma_wait3A_230 = tpu.memref_slice %arg18[%dma_wait3A_228, %dma_wait3A_229] : memref<10000x128xf32, #tpu.memory_space<vmem_shared>> -> memref<10000x128xf32, #tpu.memory_space<vmem_shared>>
    tpu.wait_indirect_dma semaphore(%arg32 : memref<!tpu.dma_semaphore, #tpu.memory_space<semaphore_mem>>) src(%arg15 : memref<80x128xf32, #tpu.memory_space<vmem>>) dst(%dma_wait3A_230 : memref<10000x128xf32, #tpu.memory_space<vmem_shared>>)
    %mul3A_231 = arith.constant 80 : i32
    %mul3A_232 = arith.muli %sub3A_224, %mul3A_231 : i32
    %dma_wait3A_233 = tpu.memref_slice %arg4[%mul3A_232] : memref<320000xi32, #tpu.memory_space<hbm>> -> memref<80xi32, #tpu.memory_space<hbm>>
    %dma_wait3A_234 = tpu.memref_slice %arg4[%mul3A_232] : memref<320000xi32, #tpu.memory_space<hbm>> -> memref<80xi32, #tpu.memory_space<hbm>>
    tpu.wait_dma2 semaphore(%arg26 : memref<!tpu.dma_semaphore, #tpu.memory_space<semaphore_mem>>) src(%dma_wait3A_234 : memref<80xi32, #tpu.memory_space<hbm>>) dst(%arg13 : memref<80xi32, #tpu.memory_space<vmem>>)
    %dma_start3A_235 = arith.constant 0 : i32
    %dma_start3A_236 = arith.constant 0 : i32
    %dma_start3A_237 = tpu.memref_slice %arg18[%dma_start3A_235, %dma_start3A_236] : memref<10000x128xf32, #tpu.memory_space<vmem_shared>> -> memref<10000x128xf32, #tpu.memory_space<vmem_shared>>
    tpu.enqueue_indirect_dma source(%arg17 : memref<80x128xf32, #tpu.memory_space<vmem>>) target(%dma_start3A_237 : memref<10000x128xf32, #tpu.memory_space<vmem_shared>>) offsets(%arg13 : memref<80xi32, #tpu.memory_space<vmem>>) semaphore(%arg34 : memref<!tpu.dma_semaphore, #tpu.memory_space<semaphore_mem>>) {add = true}
    %sub3A_238 = arith.constant 1 : i32
    %sub3A_239 = arith.subi %add3A_4, %sub3A_238 : i32
    %dma_wait3A_240 = arith.constant 0 : i32
    %dma_wait3A_241 = arith.constant 0 : i32
    %dma_wait3A_242 = tpu.memref_slice %arg2[%dma_wait3A_240, %dma_wait3A_241] : memref<10000x128xf32, #tpu.memory_space<hbm>> -> memref<10000x128xf32, #tpu.memory_space<hbm>>
    tpu.wait_indirect_dma semaphore(%arg27 : memref<!tpu.dma_semaphore, #tpu.memory_space<semaphore_mem>>) src(%dma_wait3A_242 : memref<10000x128xf32, #tpu.memory_space<hbm>>) dst(%arg14 : memref<80x128xf32, #tpu.memory_space<vmem>>)
    %dma_wait3A_243 = arith.constant 0 : i32
    %dma_wait3A_244 = arith.constant 0 : i32
    %dma_wait3A_245 = tpu.memref_slice %arg18[%dma_wait3A_243, %dma_wait3A_244] : memref<10000x128xf32, #tpu.memory_space<vmem_shared>> -> memref<10000x128xf32, #tpu.memory_space<vmem_shared>>
    tpu.wait_indirect_dma semaphore(%arg33 : memref<!tpu.dma_semaphore, #tpu.memory_space<semaphore_mem>>) src(%arg16 : memref<80x128xf32, #tpu.memory_space<vmem>>) dst(%dma_wait3A_245 : memref<10000x128xf32, #tpu.memory_space<vmem_shared>>)
    %mul3A_246 = arith.constant 80 : i32
    %mul3A_247 = arith.muli %sub3A_239, %mul3A_246 : i32
    %dma_wait3A_248 = tpu.memref_slice %arg4[%mul3A_247] : memref<320000xi32, #tpu.memory_space<hbm>> -> memref<80xi32, #tpu.memory_space<hbm>>
    %dma_wait3A_249 = tpu.memref_slice %arg4[%mul3A_247] : memref<320000xi32, #tpu.memory_space<hbm>> -> memref<80xi32, #tpu.memory_space<hbm>>
    tpu.wait_dma2 semaphore(%arg23 : memref<!tpu.dma_semaphore, #tpu.memory_space<semaphore_mem>>) src(%dma_wait3A_249 : memref<80xi32, #tpu.memory_space<hbm>>) dst(%arg10 : memref<80xi32, #tpu.memory_space<vmem>>)
    %dma_start3A_250 = arith.constant 0 : i32
    %dma_start3A_251 = arith.constant 0 : i32
    %dma_start3A_252 = tpu.memref_slice %arg18[%dma_start3A_250, %dma_start3A_251] : memref<10000x128xf32, #tpu.memory_space<vmem_shared>> -> memref<10000x128xf32, #tpu.memory_space<vmem_shared>>
    tpu.enqueue_indirect_dma source(%arg14 : memref<80x128xf32, #tpu.memory_space<vmem>>) target(%dma_start3A_252 : memref<10000x128xf32, #tpu.memory_space<vmem_shared>>) offsets(%arg10 : memref<80xi32, #tpu.memory_space<vmem>>) semaphore(%arg31 : memref<!tpu.dma_semaphore, #tpu.memory_space<semaphore_mem>>) {add = true}
    %dma_wait3A_253 = arith.constant 0 : i32
    %dma_wait3A_254 = arith.constant 0 : i32
    %dma_wait3A_255 = tpu.memref_slice %arg18[%dma_wait3A_253, %dma_wait3A_254] : memref<10000x128xf32, #tpu.memory_space<vmem_shared>> -> memref<10000x128xf32, #tpu.memory_space<vmem_shared>>
    tpu.wait_indirect_dma semaphore(%arg34 : memref<!tpu.dma_semaphore, #tpu.memory_space<semaphore_mem>>) src(%arg17 : memref<80x128xf32, #tpu.memory_space<vmem>>) dst(%dma_wait3A_255 : memref<10000x128xf32, #tpu.memory_space<vmem_shared>>)
    %dma_wait3A_256 = arith.constant 0 : i32
    %dma_wait3A_257 = arith.constant 0 : i32
    %dma_wait3A_258 = tpu.memref_slice %arg18[%dma_wait3A_256, %dma_wait3A_257] : memref<10000x128xf32, #tpu.memory_space<vmem_shared>> -> memref<10000x128xf32, #tpu.memory_space<vmem_shared>>
    tpu.wait_indirect_dma semaphore(%arg31 : memref<!tpu.dma_semaphore, #tpu.memory_space<semaphore_mem>>) src(%arg14 : memref<80x128xf32, #tpu.memory_space<vmem>>) dst(%dma_wait3A_258 : memref<10000x128xf32, #tpu.memory_space<vmem_shared>>)
    %barrier3A_259 = arith.constant 0 : index
    tpu.barrier barrier_id(%barrier3A_259)
    %mul3A_260 = arith.constant 624 : i32
    %mul3A_261 = arith.muli %arg1, %mul3A_260 : i32
    %add3A_262 = arith.constant 0 : i32
    %add3A_263 = arith.addi %mul3A_261, %add3A_262 : i32
    %add3A_264 = arith.constant 0 : i32
    %add3A_265 = arith.addi %mul3A_261, %add3A_264 : i32
    %add3A_266 = arith.constant 48 : i32
    %add3A_267 = arith.addi %mul3A_261, %add3A_266 : i32
    %add3A_268 = arith.constant 48 : i32
    %add3A_269 = arith.addi %mul3A_261, %add3A_268 : i32
    %add3A_270 = arith.constant 96 : i32
    %add3A_271 = arith.addi %mul3A_261, %add3A_270 : i32
    %add3A_272 = arith.constant 96 : i32
    %add3A_273 = arith.addi %mul3A_261, %add3A_272 : i32
    %add3A_274 = arith.constant 144 : i32
    %add3A_275 = arith.addi %mul3A_261, %add3A_274 : i32
    %add3A_276 = arith.constant 144 : i32
    %add3A_277 = arith.addi %mul3A_261, %add3A_276 : i32
    %add3A_278 = arith.constant 192 : i32
    %add3A_279 = arith.addi %mul3A_261, %add3A_278 : i32
    %add3A_280 = arith.constant 192 : i32
    %add3A_281 = arith.addi %mul3A_261, %add3A_280 : i32
    %add3A_282 = arith.constant 240 : i32
    %add3A_283 = arith.addi %mul3A_261, %add3A_282 : i32
    %add3A_284 = arith.constant 240 : i32
    %add3A_285 = arith.addi %mul3A_261, %add3A_284 : i32
    %add3A_286 = arith.constant 288 : i32
    %add3A_287 = arith.addi %mul3A_261, %add3A_286 : i32
    %add3A_288 = arith.constant 288 : i32
    %add3A_289 = arith.addi %mul3A_261, %add3A_288 : i32
    %add3A_290 = arith.constant 336 : i32
    %add3A_291 = arith.addi %mul3A_261, %add3A_290 : i32
    %add3A_292 = arith.constant 336 : i32
    %add3A_293 = arith.addi %mul3A_261, %add3A_292 : i32
    %add3A_294 = arith.constant 384 : i32
    %add3A_295 = arith.addi %mul3A_261, %add3A_294 : i32
    %add3A_296 = arith.constant 384 : i32
    %add3A_297 = arith.addi %mul3A_261, %add3A_296 : i32
    %add3A_298 = arith.constant 432 : i32
    %add3A_299 = arith.addi %mul3A_261, %add3A_298 : i32
    %add3A_300 = arith.constant 432 : i32
    %add3A_301 = arith.addi %mul3A_261, %add3A_300 : i32
    %add3A_302 = arith.constant 480 : i32
    %add3A_303 = arith.addi %mul3A_261, %add3A_302 : i32
    %add3A_304 = arith.constant 480 : i32
    %add3A_305 = arith.addi %mul3A_261, %add3A_304 : i32
    %add3A_306 = arith.constant 528 : i32
    %add3A_307 = arith.addi %mul3A_261, %add3A_306 : i32
    %add3A_308 = arith.constant 528 : i32
    %add3A_309 = arith.addi %mul3A_261, %add3A_308 : i32
    %add3A_310 = arith.constant 576 : i32
    %add3A_311 = arith.addi %mul3A_261, %add3A_310 : i32
    %add3A_312 = arith.constant 576 : i32
    %add3A_313 = arith.addi %mul3A_261, %add3A_312 : i32
    %dma_start3A_314 = arith.constant 0 : i32
    %dma_start3A_315 = tpu.memref_slice %arg5[%arg0, %add3A_265, %dma_start3A_314] : memref<2x10000x128xf32, #tpu.memory_space<hbm>> -> memref<1x48x128xf32, #tpu.memory_space<hbm>>
    %dma_start3A_316 = tpu.memref_squeeze %dma_start3A_315 : memref<1x48x128xf32, #tpu.memory_space<hbm>> -> memref<48x128xf32, #tpu.memory_space<hbm>>
    %dma_start3A_317 = arith.constant 0 : i32
    %dma_start3A_318 = tpu.memref_slice %arg18[%add3A_263, %dma_start3A_317] : memref<10000x128xf32, #tpu.memory_space<vmem_shared>> -> memref<48x128xf32, #tpu.memory_space<vmem_shared>>
    tpu.enqueue_dma source(%dma_start3A_318 : memref<48x128xf32, #tpu.memory_space<vmem_shared>>) target(%dma_start3A_316 : memref<48x128xf32, #tpu.memory_space<hbm>>) target_semaphore(%arg34 : memref<!tpu.dma_semaphore, #tpu.memory_space<semaphore_mem>>)
    %dma_start3A_319 = arith.constant 0 : i32
    %dma_start3A_320 = tpu.memref_slice %arg5[%arg0, %add3A_269, %dma_start3A_319] : memref<2x10000x128xf32, #tpu.memory_space<hbm>> -> memref<1x48x128xf32, #tpu.memory_space<hbm>>
    %dma_start3A_321 = tpu.memref_squeeze %dma_start3A_320 : memref<1x48x128xf32, #tpu.memory_space<hbm>> -> memref<48x128xf32, #tpu.memory_space<hbm>>
    %dma_start3A_322 = arith.constant 0 : i32
    %dma_start3A_323 = tpu.memref_slice %arg18[%add3A_267, %dma_start3A_322] : memref<10000x128xf32, #tpu.memory_space<vmem_shared>> -> memref<48x128xf32, #tpu.memory_space<vmem_shared>>
    tpu.enqueue_dma source(%dma_start3A_323 : memref<48x128xf32, #tpu.memory_space<vmem_shared>>) target(%dma_start3A_321 : memref<48x128xf32, #tpu.memory_space<hbm>>) target_semaphore(%arg34 : memref<!tpu.dma_semaphore, #tpu.memory_space<semaphore_mem>>)
    %dma_start3A_324 = arith.constant 0 : i32
    %dma_start3A_325 = tpu.memref_slice %arg5[%arg0, %add3A_273, %dma_start3A_324] : memref<2x10000x128xf32, #tpu.memory_space<hbm>> -> memref<1x48x128xf32, #tpu.memory_space<hbm>>
    %dma_start3A_326 = tpu.memref_squeeze %dma_start3A_325 : memref<1x48x128xf32, #tpu.memory_space<hbm>> -> memref<48x128xf32, #tpu.memory_space<hbm>>
    %dma_start3A_327 = arith.constant 0 : i32
    %dma_start3A_328 = tpu.memref_slice %arg18[%add3A_271, %dma_start3A_327] : memref<10000x128xf32, #tpu.memory_space<vmem_shared>> -> memref<48x128xf32, #tpu.memory_space<vmem_shared>>
    tpu.enqueue_dma source(%dma_start3A_328 : memref<48x128xf32, #tpu.memory_space<vmem_shared>>) target(%dma_start3A_326 : memref<48x128xf32, #tpu.memory_space<hbm>>) target_semaphore(%arg34 : memref<!tpu.dma_semaphore, #tpu.memory_space<semaphore_mem>>)
    %dma_start3A_329 = arith.constant 0 : i32
    %dma_start3A_330 = tpu.memref_slice %arg5[%arg0, %add3A_277, %dma_start3A_329] : memref<2x10000x128xf32, #tpu.memory_space<hbm>> -> memref<1x48x128xf32, #tpu.memory_space<hbm>>
    %dma_start3A_331 = tpu.memref_squeeze %dma_start3A_330 : memref<1x48x128xf32, #tpu.memory_space<hbm>> -> memref<48x128xf32, #tpu.memory_space<hbm>>
    %dma_start3A_332 = arith.constant 0 : i32
    %dma_start3A_333 = tpu.memref_slice %arg18[%add3A_275, %dma_start3A_332] : memref<10000x128xf32, #tpu.memory_space<vmem_shared>> -> memref<48x128xf32, #tpu.memory_space<vmem_shared>>
    tpu.enqueue_dma source(%dma_start3A_333 : memref<48x128xf32, #tpu.memory_space<vmem_shared>>) target(%dma_start3A_331 : memref<48x128xf32, #tpu.memory_space<hbm>>) target_semaphore(%arg34 : memref<!tpu.dma_semaphore, #tpu.memory_space<semaphore_mem>>)
    %dma_start3A_334 = arith.constant 0 : i32
    %dma_start3A_335 = tpu.memref_slice %arg5[%arg0, %add3A_281, %dma_start3A_334] : memref<2x10000x128xf32, #tpu.memory_space<hbm>> -> memref<1x48x128xf32, #tpu.memory_space<hbm>>
    %dma_start3A_336 = tpu.memref_squeeze %dma_start3A_335 : memref<1x48x128xf32, #tpu.memory_space<hbm>> -> memref<48x128xf32, #tpu.memory_space<hbm>>
    %dma_start3A_337 = arith.constant 0 : i32
    %dma_start3A_338 = tpu.memref_slice %arg18[%add3A_279, %dma_start3A_337] : memref<10000x128xf32, #tpu.memory_space<vmem_shared>> -> memref<48x128xf32, #tpu.memory_space<vmem_shared>>
    tpu.enqueue_dma source(%dma_start3A_338 : memref<48x128xf32, #tpu.memory_space<vmem_shared>>) target(%dma_start3A_336 : memref<48x128xf32, #tpu.memory_space<hbm>>) target_semaphore(%arg34 : memref<!tpu.dma_semaphore, #tpu.memory_space<semaphore_mem>>)
    %dma_start3A_339 = arith.constant 0 : i32
    %dma_start3A_340 = tpu.memref_slice %arg5[%arg0, %add3A_285, %dma_start3A_339] : memref<2x10000x128xf32, #tpu.memory_space<hbm>> -> memref<1x48x128xf32, #tpu.memory_space<hbm>>
    %dma_start3A_341 = tpu.memref_squeeze %dma_start3A_340 : memref<1x48x128xf32, #tpu.memory_space<hbm>> -> memref<48x128xf32, #tpu.memory_space<hbm>>
    %dma_start3A_342 = arith.constant 0 : i32
    %dma_start3A_343 = tpu.memref_slice %arg18[%add3A_283, %dma_start3A_342] : memref<10000x128xf32, #tpu.memory_space<vmem_shared>> -> memref<48x128xf32, #tpu.memory_space<vmem_shared>>
    tpu.enqueue_dma source(%dma_start3A_343 : memref<48x128xf32, #tpu.memory_space<vmem_shared>>) target(%dma_start3A_341 : memref<48x128xf32, #tpu.memory_space<hbm>>) target_semaphore(%arg34 : memref<!tpu.dma_semaphore, #tpu.memory_space<semaphore_mem>>)
    %dma_start3A_344 = arith.constant 0 : i32
    %dma_start3A_345 = tpu.memref_slice %arg5[%arg0, %add3A_289, %dma_start3A_344] : memref<2x10000x128xf32, #tpu.memory_space<hbm>> -> memref<1x48x128xf32, #tpu.memory_space<hbm>>
    %dma_start3A_346 = tpu.memref_squeeze %dma_start3A_345 : memref<1x48x128xf32, #tpu.memory_space<hbm>> -> memref<48x128xf32, #tpu.memory_space<hbm>>
    %dma_start3A_347 = arith.constant 0 : i32
    %dma_start3A_348 = tpu.memref_slice %arg18[%add3A_287, %dma_start3A_347] : memref<10000x128xf32, #tpu.memory_space<vmem_shared>> -> memref<48x128xf32, #tpu.memory_space<vmem_shared>>
    tpu.enqueue_dma source(%dma_start3A_348 : memref<48x128xf32, #tpu.memory_space<vmem_shared>>) target(%dma_start3A_346 : memref<48x128xf32, #tpu.memory_space<hbm>>) target_semaphore(%arg34 : memref<!tpu.dma_semaphore, #tpu.memory_space<semaphore_mem>>)
    %dma_start3A_349 = arith.constant 0 : i32
    %dma_start3A_350 = tpu.memref_slice %arg5[%arg0, %add3A_293, %dma_start3A_349] : memref<2x10000x128xf32, #tpu.memory_space<hbm>> -> memref<1x48x128xf32, #tpu.memory_space<hbm>>
    %dma_start3A_351 = tpu.memref_squeeze %dma_start3A_350 : memref<1x48x128xf32, #tpu.memory_space<hbm>> -> memref<48x128xf32, #tpu.memory_space<hbm>>
    %dma_start3A_352 = arith.constant 0 : i32
    %dma_start3A_353 = tpu.memref_slice %arg18[%add3A_291, %dma_start3A_352] : memref<10000x128xf32, #tpu.memory_space<vmem_shared>> -> memref<48x128xf32, #tpu.memory_space<vmem_shared>>
    tpu.enqueue_dma source(%dma_start3A_353 : memref<48x128xf32, #tpu.memory_space<vmem_shared>>) target(%dma_start3A_351 : memref<48x128xf32, #tpu.memory_space<hbm>>) target_semaphore(%arg34 : memref<!tpu.dma_semaphore, #tpu.memory_space<semaphore_mem>>)
    %dma_start3A_354 = arith.constant 0 : i32
    %dma_start3A_355 = tpu.memref_slice %arg5[%arg0, %add3A_297, %dma_start3A_354] : memref<2x10000x128xf32, #tpu.memory_space<hbm>> -> memref<1x48x128xf32, #tpu.memory_space<hbm>>
    %dma_start3A_356 = tpu.memref_squeeze %dma_start3A_355 : memref<1x48x128xf32, #tpu.memory_space<hbm>> -> memref<48x128xf32, #tpu.memory_space<hbm>>
    %dma_start3A_357 = arith.constant 0 : i32
    %dma_start3A_358 = tpu.memref_slice %arg18[%add3A_295, %dma_start3A_357] : memref<10000x128xf32, #tpu.memory_space<vmem_shared>> -> memref<48x128xf32, #tpu.memory_space<vmem_shared>>
    tpu.enqueue_dma source(%dma_start3A_358 : memref<48x128xf32, #tpu.memory_space<vmem_shared>>) target(%dma_start3A_356 : memref<48x128xf32, #tpu.memory_space<hbm>>) target_semaphore(%arg34 : memref<!tpu.dma_semaphore, #tpu.memory_space<semaphore_mem>>)
    %dma_start3A_359 = arith.constant 0 : i32
    %dma_start3A_360 = tpu.memref_slice %arg5[%arg0, %add3A_301, %dma_start3A_359] : memref<2x10000x128xf32, #tpu.memory_space<hbm>> -> memref<1x48x128xf32, #tpu.memory_space<hbm>>
    %dma_start3A_361 = tpu.memref_squeeze %dma_start3A_360 : memref<1x48x128xf32, #tpu.memory_space<hbm>> -> memref<48x128xf32, #tpu.memory_space<hbm>>
    %dma_start3A_362 = arith.constant 0 : i32
    %dma_start3A_363 = tpu.memref_slice %arg18[%add3A_299, %dma_start3A_362] : memref<10000x128xf32, #tpu.memory_space<vmem_shared>> -> memref<48x128xf32, #tpu.memory_space<vmem_shared>>
    tpu.enqueue_dma source(%dma_start3A_363 : memref<48x128xf32, #tpu.memory_space<vmem_shared>>) target(%dma_start3A_361 : memref<48x128xf32, #tpu.memory_space<hbm>>) target_semaphore(%arg34 : memref<!tpu.dma_semaphore, #tpu.memory_space<semaphore_mem>>)
    %dma_start3A_364 = arith.constant 0 : i32
    %dma_start3A_365 = tpu.memref_slice %arg5[%arg0, %add3A_305, %dma_start3A_364] : memref<2x10000x128xf32, #tpu.memory_space<hbm>> -> memref<1x48x128xf32, #tpu.memory_space<hbm>>
    %dma_start3A_366 = tpu.memref_squeeze %dma_start3A_365 : memref<1x48x128xf32, #tpu.memory_space<hbm>> -> memref<48x128xf32, #tpu.memory_space<hbm>>
    %dma_start3A_367 = arith.constant 0 : i32
    %dma_start3A_368 = tpu.memref_slice %arg18[%add3A_303, %dma_start3A_367] : memref<10000x128xf32, #tpu.memory_space<vmem_shared>> -> memref<48x128xf32, #tpu.memory_space<vmem_shared>>
    tpu.enqueue_dma source(%dma_start3A_368 : memref<48x128xf32, #tpu.memory_space<vmem_shared>>) target(%dma_start3A_366 : memref<48x128xf32, #tpu.memory_space<hbm>>) target_semaphore(%arg34 : memref<!tpu.dma_semaphore, #tpu.memory_space<semaphore_mem>>)
    %dma_start3A_369 = arith.constant 0 : i32
    %dma_start3A_370 = tpu.memref_slice %arg5[%arg0, %add3A_309, %dma_start3A_369] : memref<2x10000x128xf32, #tpu.memory_space<hbm>> -> memref<1x48x128xf32, #tpu.memory_space<hbm>>
    %dma_start3A_371 = tpu.memref_squeeze %dma_start3A_370 : memref<1x48x128xf32, #tpu.memory_space<hbm>> -> memref<48x128xf32, #tpu.memory_space<hbm>>
    %dma_start3A_372 = arith.constant 0 : i32
    %dma_start3A_373 = tpu.memref_slice %arg18[%add3A_307, %dma_start3A_372] : memref<10000x128xf32, #tpu.memory_space<vmem_shared>> -> memref<48x128xf32, #tpu.memory_space<vmem_shared>>
    tpu.enqueue_dma source(%dma_start3A_373 : memref<48x128xf32, #tpu.memory_space<vmem_shared>>) target(%dma_start3A_371 : memref<48x128xf32, #tpu.memory_space<hbm>>) target_semaphore(%arg34 : memref<!tpu.dma_semaphore, #tpu.memory_space<semaphore_mem>>)
    %dma_start3A_374 = arith.constant 0 : i32
    %dma_start3A_375 = tpu.memref_slice %arg5[%arg0, %add3A_313, %dma_start3A_374] : memref<2x10000x128xf32, #tpu.memory_space<hbm>> -> memref<1x48x128xf32, #tpu.memory_space<hbm>>
    %dma_start3A_376 = tpu.memref_squeeze %dma_start3A_375 : memref<1x48x128xf32, #tpu.memory_space<hbm>> -> memref<48x128xf32, #tpu.memory_space<hbm>>
    %dma_start3A_377 = arith.constant 0 : i32
    %dma_start3A_378 = tpu.memref_slice %arg18[%add3A_311, %dma_start3A_377] : memref<10000x128xf32, #tpu.memory_space<vmem_shared>> -> memref<48x128xf32, #tpu.memory_space<vmem_shared>>
    tpu.enqueue_dma source(%dma_start3A_378 : memref<48x128xf32, #tpu.memory_space<vmem_shared>>) target(%dma_start3A_376 : memref<48x128xf32, #tpu.memory_space<hbm>>) target_semaphore(%arg34 : memref<!tpu.dma_semaphore, #tpu.memory_space<semaphore_mem>>)
    %eq3A_379 = arith.constant 15 : i32
    %eq3A_380 = arith.cmpi eq, %arg1, %eq3A_379 : i32
    %convert_element_type3A_381 = arith.extui %eq3A_380 : i1 to i32
    %cond3A_382 = arith.constant 0 : i32
    %cond3A_383 = arith.cmpi ne, %convert_element_type3A_381, %cond3A_382 : i32
    scf.if %cond3A_383 {
      "tpu.region"() ({
        %run_scoped3A = tpu.sem_alloc : memref<!tpu.dma_semaphore, #tpu.memory_space<semaphore_mem>>
        %dma_start3A_449 = arith.constant 9984 : i32
        %dma_start3A_450 = arith.constant 0 : i32
        %dma_start3A_451 = tpu.memref_slice %arg5[%arg0, %dma_start3A_449, %dma_start3A_450] : memref<2x10000x128xf32, #tpu.memory_space<hbm>> -> memref<1x16x128xf32, #tpu.memory_space<hbm>>
        %dma_start3A_452 = tpu.memref_squeeze %dma_start3A_451 : memref<1x16x128xf32, #tpu.memory_space<hbm>> -> memref<16x128xf32, #tpu.memory_space<hbm>>
        %dma_start3A_453 = arith.constant 9984 : i32
        %dma_start3A_454 = arith.constant 0 : i32
        %dma_start3A_455 = tpu.memref_slice %arg18[%dma_start3A_453, %dma_start3A_454] : memref<10000x128xf32, #tpu.memory_space<vmem_shared>> -> memref<16x128xf32, #tpu.memory_space<vmem_shared>>
        tpu.enqueue_dma source(%dma_start3A_455 : memref<16x128xf32, #tpu.memory_space<vmem_shared>>) target(%dma_start3A_452 : memref<16x128xf32, #tpu.memory_space<hbm>>) target_semaphore(%run_scoped3A : memref<!tpu.dma_semaphore, #tpu.memory_space<semaphore_mem>>)
        %dma_wait3A_456 = arith.constant 9984 : i32
        %dma_wait3A_457 = arith.constant 0 : i32
        %dma_wait3A_458 = tpu.memref_slice %arg5[%arg0, %dma_wait3A_456, %dma_wait3A_457] : memref<2x10000x128xf32, #tpu.memory_space<hbm>> -> memref<1x16x128xf32, #tpu.memory_space<hbm>>
        %dma_wait3A_459 = tpu.memref_squeeze %dma_wait3A_458 : memref<1x16x128xf32, #tpu.memory_space<hbm>> -> memref<16x128xf32, #tpu.memory_space<hbm>>
        %dma_wait3A_460 = arith.constant 9984 : i32
        %dma_wait3A_461 = arith.constant 0 : i32
        %dma_wait3A_462 = tpu.memref_slice %arg18[%dma_wait3A_460, %dma_wait3A_461] : memref<10000x128xf32, #tpu.memory_space<vmem_shared>> -> memref<16x128xf32, #tpu.memory_space<vmem_shared>>
        tpu.wait_dma2 semaphore(%run_scoped3A : memref<!tpu.dma_semaphore, #tpu.memory_space<semaphore_mem>>) src(%dma_wait3A_462 : memref<16x128xf32, #tpu.memory_space<vmem_shared>>) dst(%dma_wait3A_459 : memref<16x128xf32, #tpu.memory_space<hbm>>)
        tpu.yield
      }) : () -> ()
    } else {
    }
    %dma_wait3A_384 = arith.constant 0 : i32
    %dma_wait3A_385 = tpu.memref_slice %arg5[%arg0, %add3A_265, %dma_wait3A_384] : memref<2x10000x128xf32, #tpu.memory_space<hbm>> -> memref<1x48x128xf32, #tpu.memory_space<hbm>>
    %dma_wait3A_386 = tpu.memref_squeeze %dma_wait3A_385 : memref<1x48x128xf32, #tpu.memory_space<hbm>> -> memref<48x128xf32, #tpu.memory_space<hbm>>
    %dma_wait3A_387 = arith.constant 0 : i32
    %dma_wait3A_388 = tpu.memref_slice %arg18[%add3A_263, %dma_wait3A_387] : memref<10000x128xf32, #tpu.memory_space<vmem_shared>> -> memref<48x128xf32, #tpu.memory_space<vmem_shared>>
    tpu.wait_dma2 semaphore(%arg34 : memref<!tpu.dma_semaphore, #tpu.memory_space<semaphore_mem>>) src(%dma_wait3A_388 : memref<48x128xf32, #tpu.memory_space<vmem_shared>>) dst(%dma_wait3A_386 : memref<48x128xf32, #tpu.memory_space<hbm>>)
    %dma_wait3A_389 = arith.constant 0 : i32
    %dma_wait3A_390 = tpu.memref_slice %arg5[%arg0, %add3A_269, %dma_wait3A_389] : memref<2x10000x128xf32, #tpu.memory_space<hbm>> -> memref<1x48x128xf32, #tpu.memory_space<hbm>>
    %dma_wait3A_391 = tpu.memref_squeeze %dma_wait3A_390 : memref<1x48x128xf32, #tpu.memory_space<hbm>> -> memref<48x128xf32, #tpu.memory_space<hbm>>
    %dma_wait3A_392 = arith.constant 0 : i32
    %dma_wait3A_393 = tpu.memref_slice %arg18[%add3A_267, %dma_wait3A_392] : memref<10000x128xf32, #tpu.memory_space<vmem_shared>> -> memref<48x128xf32, #tpu.memory_space<vmem_shared>>
    tpu.wait_dma2 semaphore(%arg34 : memref<!tpu.dma_semaphore, #tpu.memory_space<semaphore_mem>>) src(%dma_wait3A_393 : memref<48x128xf32, #tpu.memory_space<vmem_shared>>) dst(%dma_wait3A_391 : memref<48x128xf32, #tpu.memory_space<hbm>>)
    %dma_wait3A_394 = arith.constant 0 : i32
    %dma_wait3A_395 = tpu.memref_slice %arg5[%arg0, %add3A_273, %dma_wait3A_394] : memref<2x10000x128xf32, #tpu.memory_space<hbm>> -> memref<1x48x128xf32, #tpu.memory_space<hbm>>
    %dma_wait3A_396 = tpu.memref_squeeze %dma_wait3A_395 : memref<1x48x128xf32, #tpu.memory_space<hbm>> -> memref<48x128xf32, #tpu.memory_space<hbm>>
    %dma_wait3A_397 = arith.constant 0 : i32
    %dma_wait3A_398 = tpu.memref_slice %arg18[%add3A_271, %dma_wait3A_397] : memref<10000x128xf32, #tpu.memory_space<vmem_shared>> -> memref<48x128xf32, #tpu.memory_space<vmem_shared>>
    tpu.wait_dma2 semaphore(%arg34 : memref<!tpu.dma_semaphore, #tpu.memory_space<semaphore_mem>>) src(%dma_wait3A_398 : memref<48x128xf32, #tpu.memory_space<vmem_shared>>) dst(%dma_wait3A_396 : memref<48x128xf32, #tpu.memory_space<hbm>>)
    %dma_wait3A_399 = arith.constant 0 : i32
    %dma_wait3A_400 = tpu.memref_slice %arg5[%arg0, %add3A_277, %dma_wait3A_399] : memref<2x10000x128xf32, #tpu.memory_space<hbm>> -> memref<1x48x128xf32, #tpu.memory_space<hbm>>
    %dma_wait3A_401 = tpu.memref_squeeze %dma_wait3A_400 : memref<1x48x128xf32, #tpu.memory_space<hbm>> -> memref<48x128xf32, #tpu.memory_space<hbm>>
    %dma_wait3A_402 = arith.constant 0 : i32
    %dma_wait3A_403 = tpu.memref_slice %arg18[%add3A_275, %dma_wait3A_402] : memref<10000x128xf32, #tpu.memory_space<vmem_shared>> -> memref<48x128xf32, #tpu.memory_space<vmem_shared>>
    tpu.wait_dma2 semaphore(%arg34 : memref<!tpu.dma_semaphore, #tpu.memory_space<semaphore_mem>>) src(%dma_wait3A_403 : memref<48x128xf32, #tpu.memory_space<vmem_shared>>) dst(%dma_wait3A_401 : memref<48x128xf32, #tpu.memory_space<hbm>>)
    %dma_wait3A_404 = arith.constant 0 : i32
    %dma_wait3A_405 = tpu.memref_slice %arg5[%arg0, %add3A_281, %dma_wait3A_404] : memref<2x10000x128xf32, #tpu.memory_space<hbm>> -> memref<1x48x128xf32, #tpu.memory_space<hbm>>
    %dma_wait3A_406 = tpu.memref_squeeze %dma_wait3A_405 : memref<1x48x128xf32, #tpu.memory_space<hbm>> -> memref<48x128xf32, #tpu.memory_space<hbm>>
    %dma_wait3A_407 = arith.constant 0 : i32
    %dma_wait3A_408 = tpu.memref_slice %arg18[%add3A_279, %dma_wait3A_407] : memref<10000x128xf32, #tpu.memory_space<vmem_shared>> -> memref<48x128xf32, #tpu.memory_space<vmem_shared>>
    tpu.wait_dma2 semaphore(%arg34 : memref<!tpu.dma_semaphore, #tpu.memory_space<semaphore_mem>>) src(%dma_wait3A_408 : memref<48x128xf32, #tpu.memory_space<vmem_shared>>) dst(%dma_wait3A_406 : memref<48x128xf32, #tpu.memory_space<hbm>>)
    %dma_wait3A_409 = arith.constant 0 : i32
    %dma_wait3A_410 = tpu.memref_slice %arg5[%arg0, %add3A_285, %dma_wait3A_409] : memref<2x10000x128xf32, #tpu.memory_space<hbm>> -> memref<1x48x128xf32, #tpu.memory_space<hbm>>
    %dma_wait3A_411 = tpu.memref_squeeze %dma_wait3A_410 : memref<1x48x128xf32, #tpu.memory_space<hbm>> -> memref<48x128xf32, #tpu.memory_space<hbm>>
    %dma_wait3A_412 = arith.constant 0 : i32
    %dma_wait3A_413 = tpu.memref_slice %arg18[%add3A_283, %dma_wait3A_412] : memref<10000x128xf32, #tpu.memory_space<vmem_shared>> -> memref<48x128xf32, #tpu.memory_space<vmem_shared>>
    tpu.wait_dma2 semaphore(%arg34 : memref<!tpu.dma_semaphore, #tpu.memory_space<semaphore_mem>>) src(%dma_wait3A_413 : memref<48x128xf32, #tpu.memory_space<vmem_shared>>) dst(%dma_wait3A_411 : memref<48x128xf32, #tpu.memory_space<hbm>>)
    %dma_wait3A_414 = arith.constant 0 : i32
    %dma_wait3A_415 = tpu.memref_slice %arg5[%arg0, %add3A_289, %dma_wait3A_414] : memref<2x10000x128xf32, #tpu.memory_space<hbm>> -> memref<1x48x128xf32, #tpu.memory_space<hbm>>
    %dma_wait3A_416 = tpu.memref_squeeze %dma_wait3A_415 : memref<1x48x128xf32, #tpu.memory_space<hbm>> -> memref<48x128xf32, #tpu.memory_space<hbm>>
    %dma_wait3A_417 = arith.constant 0 : i32
    %dma_wait3A_418 = tpu.memref_slice %arg18[%add3A_287, %dma_wait3A_417] : memref<10000x128xf32, #tpu.memory_space<vmem_shared>> -> memref<48x128xf32, #tpu.memory_space<vmem_shared>>
    tpu.wait_dma2 semaphore(%arg34 : memref<!tpu.dma_semaphore, #tpu.memory_space<semaphore_mem>>) src(%dma_wait3A_418 : memref<48x128xf32, #tpu.memory_space<vmem_shared>>) dst(%dma_wait3A_416 : memref<48x128xf32, #tpu.memory_space<hbm>>)
    %dma_wait3A_419 = arith.constant 0 : i32
    %dma_wait3A_420 = tpu.memref_slice %arg5[%arg0, %add3A_293, %dma_wait3A_419] : memref<2x10000x128xf32, #tpu.memory_space<hbm>> -> memref<1x48x128xf32, #tpu.memory_space<hbm>>
    %dma_wait3A_421 = tpu.memref_squeeze %dma_wait3A_420 : memref<1x48x128xf32, #tpu.memory_space<hbm>> -> memref<48x128xf32, #tpu.memory_space<hbm>>
    %dma_wait3A_422 = arith.constant 0 : i32
    %dma_wait3A_423 = tpu.memref_slice %arg18[%add3A_291, %dma_wait3A_422] : memref<10000x128xf32, #tpu.memory_space<vmem_shared>> -> memref<48x128xf32, #tpu.memory_space<vmem_shared>>
    tpu.wait_dma2 semaphore(%arg34 : memref<!tpu.dma_semaphore, #tpu.memory_space<semaphore_mem>>) src(%dma_wait3A_423 : memref<48x128xf32, #tpu.memory_space<vmem_shared>>) dst(%dma_wait3A_421 : memref<48x128xf32, #tpu.memory_space<hbm>>)
    %dma_wait3A_424 = arith.constant 0 : i32
    %dma_wait3A_425 = tpu.memref_slice %arg5[%arg0, %add3A_297, %dma_wait3A_424] : memref<2x10000x128xf32, #tpu.memory_space<hbm>> -> memref<1x48x128xf32, #tpu.memory_space<hbm>>
    %dma_wait3A_426 = tpu.memref_squeeze %dma_wait3A_425 : memref<1x48x128xf32, #tpu.memory_space<hbm>> -> memref<48x128xf32, #tpu.memory_space<hbm>>
    %dma_wait3A_427 = arith.constant 0 : i32
    %dma_wait3A_428 = tpu.memref_slice %arg18[%add3A_295, %dma_wait3A_427] : memref<10000x128xf32, #tpu.memory_space<vmem_shared>> -> memref<48x128xf32, #tpu.memory_space<vmem_shared>>
    tpu.wait_dma2 semaphore(%arg34 : memref<!tpu.dma_semaphore, #tpu.memory_space<semaphore_mem>>) src(%dma_wait3A_428 : memref<48x128xf32, #tpu.memory_space<vmem_shared>>) dst(%dma_wait3A_426 : memref<48x128xf32, #tpu.memory_space<hbm>>)
    %dma_wait3A_429 = arith.constant 0 : i32
    %dma_wait3A_430 = tpu.memref_slice %arg5[%arg0, %add3A_301, %dma_wait3A_429] : memref<2x10000x128xf32, #tpu.memory_space<hbm>> -> memref<1x48x128xf32, #tpu.memory_space<hbm>>
    %dma_wait3A_431 = tpu.memref_squeeze %dma_wait3A_430 : memref<1x48x128xf32, #tpu.memory_space<hbm>> -> memref<48x128xf32, #tpu.memory_space<hbm>>
    %dma_wait3A_432 = arith.constant 0 : i32
    %dma_wait3A_433 = tpu.memref_slice %arg18[%add3A_299, %dma_wait3A_432] : memref<10000x128xf32, #tpu.memory_space<vmem_shared>> -> memref<48x128xf32, #tpu.memory_space<vmem_shared>>
    tpu.wait_dma2 semaphore(%arg34 : memref<!tpu.dma_semaphore, #tpu.memory_space<semaphore_mem>>) src(%dma_wait3A_433 : memref<48x128xf32, #tpu.memory_space<vmem_shared>>) dst(%dma_wait3A_431 : memref<48x128xf32, #tpu.memory_space<hbm>>)
    %dma_wait3A_434 = arith.constant 0 : i32
    %dma_wait3A_435 = tpu.memref_slice %arg5[%arg0, %add3A_305, %dma_wait3A_434] : memref<2x10000x128xf32, #tpu.memory_space<hbm>> -> memref<1x48x128xf32, #tpu.memory_space<hbm>>
    %dma_wait3A_436 = tpu.memref_squeeze %dma_wait3A_435 : memref<1x48x128xf32, #tpu.memory_space<hbm>> -> memref<48x128xf32, #tpu.memory_space<hbm>>
    %dma_wait3A_437 = arith.constant 0 : i32
    %dma_wait3A_438 = tpu.memref_slice %arg18[%add3A_303, %dma_wait3A_437] : memref<10000x128xf32, #tpu.memory_space<vmem_shared>> -> memref<48x128xf32, #tpu.memory_space<vmem_shared>>
    tpu.wait_dma2 semaphore(%arg34 : memref<!tpu.dma_semaphore, #tpu.memory_space<semaphore_mem>>) src(%dma_wait3A_438 : memref<48x128xf32, #tpu.memory_space<vmem_shared>>) dst(%dma_wait3A_436 : memref<48x128xf32, #tpu.memory_space<hbm>>)
    %dma_wait3A_439 = arith.constant 0 : i32
    %dma_wait3A_440 = tpu.memref_slice %arg5[%arg0, %add3A_309, %dma_wait3A_439] : memref<2x10000x128xf32, #tpu.memory_space<hbm>> -> memref<1x48x128xf32, #tpu.memory_space<hbm>>
    %dma_wait3A_441 = tpu.memref_squeeze %dma_wait3A_440 : memref<1x48x128xf32, #tpu.memory_space<hbm>> -> memref<48x128xf32, #tpu.memory_space<hbm>>
    %dma_wait3A_442 = arith.constant 0 : i32
    %dma_wait3A_443 = tpu.memref_slice %arg18[%add3A_307, %dma_wait3A_442] : memref<10000x128xf32, #tpu.memory_space<vmem_shared>> -> memref<48x128xf32, #tpu.memory_space<vmem_shared>>
    tpu.wait_dma2 semaphore(%arg34 : memref<!tpu.dma_semaphore, #tpu.memory_space<semaphore_mem>>) src(%dma_wait3A_443 : memref<48x128xf32, #tpu.memory_space<vmem_shared>>) dst(%dma_wait3A_441 : memref<48x128xf32, #tpu.memory_space<hbm>>)
    %dma_wait3A_444 = arith.constant 0 : i32
    %dma_wait3A_445 = tpu.memref_slice %arg5[%arg0, %add3A_313, %dma_wait3A_444] : memref<2x10000x128xf32, #tpu.memory_space<hbm>> -> memref<1x48x128xf32, #tpu.memory_space<hbm>>
    %dma_wait3A_446 = tpu.memref_squeeze %dma_wait3A_445 : memref<1x48x128xf32, #tpu.memory_space<hbm>> -> memref<48x128xf32, #tpu.memory_space<hbm>>
    %dma_wait3A_447 = arith.constant 0 : i32
    %dma_wait3A_448 = tpu.memref_slice %arg18[%add3A_311, %dma_wait3A_447] : memref<10000x128xf32, #tpu.memory_space<vmem_shared>> -> memref<48x128xf32, #tpu.memory_space<vmem_shared>>
    tpu.wait_dma2 semaphore(%arg34 : memref<!tpu.dma_semaphore, #tpu.memory_space<semaphore_mem>>) src(%dma_wait3A_448 : memref<48x128xf32, #tpu.memory_space<vmem_shared>>) dst(%dma_wait3A_446 : memref<48x128xf32, #tpu.memory_space<hbm>>)
    return
  }
}

module attributes {stable_mosaic.version = 14 : i64} {
  func.func @_tc1_body(%arg0: i32, %arg1: memref<1000x128xf32, #tpu.memory_space<vmem>>, %arg2: memref<1000x128xf32, #tpu.memory_space<vmem>>, %arg3: memref<128x128xf32, #tpu.memory_space<vmem>>, %arg4: memref<1x128xf32, #tpu.memory_space<vmem>>, %arg5: memref<1000x128xf32, #tpu.memory_space<vmem>>, %arg6: memref<1000x128xf32, #tpu.memory_space<vmem>>) attributes {dimension_semantics = [#tpu.dimension_semantics<arbitrary>], iteration_bounds = array<i64: 10>, scalar_prefetch = 0 : i64, scratch_operands = 0 : i64, tpu.core_type = #tpu.core_type<tc>, window_params = [{transform_indices = @transform_0, window_bounds = array<i64: 1000, 128>}, {transform_indices = @transform_1, window_bounds = array<i64: 1000, 128>}, {pipeline_mode = #tpu.pipeline_mode<synchronous>, transform_indices = @transform_2, window_bounds = array<i64: 128, 128>}, {pipeline_mode = #tpu.pipeline_mode<synchronous>, transform_indices = @transform_3, window_bounds = array<i64: 1, 128>}, {transform_indices = @transform_4, window_bounds = array<i64: 1000, 128>}, {transform_indices = @transform_5, window_bounds = array<i64: 1000, 128>}]} {
    %get3A = arith.constant 0 : index
    %get3A_0 = arith.constant 0 : index
    %get3A_1 = vector.load %arg1[%get3A, %get3A_0] : memref<1000x128xf32, #tpu.memory_space<vmem>>, vector<1000x128xf32>
    %get3A_2 = arith.constant 0 : index
    %get3A_3 = arith.constant 0 : index
    %get3A_4 = vector.load %arg2[%get3A_2, %get3A_3] : memref<1000x128xf32, #tpu.memory_space<vmem>>, vector<1000x128xf32>
    %mul3A = arith.mulf %get3A_1, %get3A_4 : vector<1000x128xf32>
    %swap3A = arith.constant 0 : index
    %swap3A_5 = arith.constant 0 : index
    %swap3A_6 = vector.load %arg5[%swap3A, %swap3A_5] : memref<1000x128xf32, #tpu.memory_space<vmem>>, vector<1000x128xf32>
    tpu.vector_store %arg5[%swap3A, %swap3A_5], %mul3A {strides = array<i32>} : memref<1000x128xf32, #tpu.memory_space<vmem>>, vector<1000x128xf32>,
    %get3A_7 = arith.constant 0 : index
    %get3A_8 = arith.constant 0 : index
    %get3A_9 = vector.load %arg3[%get3A_7, %get3A_8] : memref<128x128xf32, #tpu.memory_space<vmem>>, vector<128x128xf32>
    %dot_general3A = arith.constant dense<0.000000e+00> : vector<1000x128xf32>
    %dot_general3A_10 = tpu.matmul %mul3A, %get3A_9, %dot_general3A {dimension_numbers = #tpu.dot_dimension_numbers<[1], [0], [0], [1], [0, 0, 1, 1], [], []>, transpose_lhs_hint = false} : vector<1000x128xf32>, vector<128x128xf32>, vector<1000x128xf32> -> vector<1000x128xf32>
    %get3A_11 = arith.constant 0 : index
    %get3A_12 = arith.constant 0 : index
    %get3A_13 = vector.load %arg4[%get3A_11, %get3A_12] : memref<1x128xf32, #tpu.memory_space<vmem>>, vector<1x128xf32>
    %add3A = vector.broadcast %get3A_13 : vector<1x128xf32> to vector<1000x128xf32>
    %add3A_14 = arith.addf %dot_general3A_10, %add3A : vector<1000x128xf32>
    %swap3A_15 = arith.constant 0 : index
    %swap3A_16 = arith.constant 0 : index
    %swap3A_17 = vector.load %arg6[%swap3A_15, %swap3A_16] : memref<1000x128xf32, #tpu.memory_space<vmem>>, vector<1000x128xf32>
    tpu.vector_store %arg6[%swap3A_15, %swap3A_16], %add3A_14 {strides = array<i32>} : memref<1000x128xf32, #tpu.memory_space<vmem>>, vector<1000x128xf32>,
    return
  }
  func.func @transform_0(%arg0: i32) -> (i32, i32) {
    %c0_i32 = arith.constant 0 : i32
    %c0_i32_0 = arith.constant 0 : i32
    return %arg0, %c0_i32 : i32, i32
  }
  func.func @transform_1(%arg0: i32) -> (i32, i32) {
    %c0_i32 = arith.constant 0 : i32
    %c0_i32_0 = arith.constant 0 : i32
    return %arg0, %c0_i32 : i32, i32
  }
  func.func @transform_2(%arg0: i32) -> (i32, i32) {
    %c0_i32 = arith.constant 0 : i32
    %c0_i32_0 = arith.constant 0 : i32
    %c0_i32_1 = arith.constant 0 : i32
    return %c0_i32, %c0_i32_0 : i32, i32
  }
  func.func @transform_3(%arg0: i32) -> (i32, i32) {
    %c0_i32 = arith.constant 0 : i32
    %c0_i32_0 = arith.constant 0 : i32
    %c0_i32_1 = arith.constant 0 : i32
    return %c0_i32, %c0_i32_0 : i32, i32
  }
  func.func @transform_4(%arg0: i32) -> (i32, i32) {
    %c0_i32 = arith.constant 0 : i32
    %c0_i32_0 = arith.constant 0 : i32
    return %arg0, %c0_i32 : i32, i32
  }
  func.func @transform_5(%arg0: i32) -> (i32, i32) {
    %c0_i32 = arith.constant 0 : i32
    %c0_i32_0 = arith.constant 0 : i32
    return %arg0, %c0_i32 : i32, i32
  }
}

module attributes {stable_mosaic.version = 14 : i64} {
  func.func @_tc2_body(%arg0: i32, %arg1: memref<1000x1xf32, #tpu.memory_space<vmem>>, %arg2: memref<1000x1xf32, #tpu.memory_space<vmem>>, %arg3: memref<1000x128xf32, #tpu.memory_space<vmem>>, %arg4: memref<1000x128xf32, #tpu.memory_space<vmem>>) attributes {dimension_semantics = [#tpu.dimension_semantics<arbitrary>], iteration_bounds = array<i64: 10>, scalar_prefetch = 0 : i64, scratch_operands = 0 : i64, tpu.core_type = #tpu.core_type<tc>, window_params = [{transform_indices = @transform_0, window_bounds = array<i64: 1000, 1>}, {transform_indices = @transform_1, window_bounds = array<i64: 1000, 1>}, {transform_indices = @transform_2, window_bounds = array<i64: 1000, 128>}, {transform_indices = @transform_3, window_bounds = array<i64: 1000, 128>}]} {
    %get3A = arith.constant 0 : index
    %get3A_0 = arith.constant 0 : index
    %get3A_1 = vector.load %arg1[%get3A, %get3A_0] : memref<1000x1xf32, #tpu.memory_space<vmem>>, vector<1000x1xf32>
    %get3A_2 = arith.constant 0 : index
    %get3A_3 = arith.constant 0 : index
    %get3A_4 = vector.load %arg2[%get3A_2, %get3A_3] : memref<1000x1xf32, #tpu.memory_space<vmem>>, vector<1000x1xf32>
    %add3A = arith.addf %get3A_1, %get3A_4 : vector<1000x1xf32>
    %add3A_5 = arith.constant 1.000000e+00 : f32
    %add3A_6 = vector.broadcast %add3A_5 : f32 to vector<1000x1xf32>
    %add3A_7 = arith.addf %add3A, %add3A_6 : vector<1000x1xf32>
    %rsqrt3A = math.rsqrt %add3A_7 : vector<1000x1xf32>
    %get3A_8 = arith.constant 0 : index
    %get3A_9 = arith.constant 0 : index
    %get3A_10 = vector.load %arg3[%get3A_8, %get3A_9] : memref<1000x128xf32, #tpu.memory_space<vmem>>, vector<1000x128xf32>
    %mul3A = vector.broadcast %rsqrt3A : vector<1000x1xf32> to vector<1000x128xf32>
    %mul3A_11 = arith.mulf %get3A_10, %mul3A : vector<1000x128xf32>
    %swap3A = arith.constant 0 : index
    %swap3A_12 = arith.constant 0 : index
    %swap3A_13 = vector.load %arg4[%swap3A, %swap3A_12] : memref<1000x128xf32, #tpu.memory_space<vmem>>, vector<1000x128xf32>
    tpu.vector_store %arg4[%swap3A, %swap3A_12], %mul3A_11 {strides = array<i32>} : memref<1000x128xf32, #tpu.memory_space<vmem>>, vector<1000x128xf32>,
    return
  }
  func.func @transform_0(%arg0: i32) -> (i32, i32) {
    %c0_i32 = arith.constant 0 : i32
    %c0_i32_0 = arith.constant 0 : i32
    return %arg0, %c0_i32 : i32, i32
  }
  func.func @transform_1(%arg0: i32) -> (i32, i32) {
    %c0_i32 = arith.constant 0 : i32
    %c0_i32_0 = arith.constant 0 : i32
    return %arg0, %c0_i32 : i32, i32
  }
  func.func @transform_2(%arg0: i32) -> (i32, i32) {
    %c0_i32 = arith.constant 0 : i32
    %c0_i32_0 = arith.constant 0 : i32
    return %arg0, %c0_i32 : i32, i32
  }
  func.func @transform_3(%arg0: i32) -> (i32, i32) {
    %c0_i32 = arith.constant 0 : i32
    %c0_i32_0 = arith.constant 0 : i32
    return %arg0, %c0_i32 : i32, i32
  }
}

module attributes {stable_mosaic.version = 14 : i64} {
  func.func @_tc3_body(%arg0: i32, %arg1: memref<1000x1xf32, #tpu.memory_space<vmem>>, %arg2: memref<1000x1xf32, #tpu.memory_space<vmem>>, %arg3: memref<1000x128xf32, #tpu.memory_space<vmem>>, %arg4: memref<1000x128xf32, #tpu.memory_space<vmem>>, %arg5: memref<1000x128xf32, #tpu.memory_space<vmem>>, %arg6: memref<128x128xf32, #tpu.memory_space<vmem>>, %arg7: memref<1x128xf32, #tpu.memory_space<vmem>>, %arg8: memref<1000x128xf32, #tpu.memory_space<vmem>>) attributes {dimension_semantics = [#tpu.dimension_semantics<arbitrary>], iteration_bounds = array<i64: 10>, scalar_prefetch = 0 : i64, scratch_operands = 0 : i64, tpu.core_type = #tpu.core_type<tc>, window_params = [{transform_indices = @transform_0, window_bounds = array<i64: 1000, 1>}, {transform_indices = @transform_1, window_bounds = array<i64: 1000, 1>}, {transform_indices = @transform_2, window_bounds = array<i64: 1000, 128>}, {transform_indices = @transform_3, window_bounds = array<i64: 1000, 128>}, {transform_indices = @transform_4, window_bounds = array<i64: 1000, 128>}, {pipeline_mode = #tpu.pipeline_mode<synchronous>, transform_indices = @transform_5, window_bounds = array<i64: 128, 128>}, {pipeline_mode = #tpu.pipeline_mode<synchronous>, transform_indices = @transform_6, window_bounds = array<i64: 1, 128>}, {transform_indices = @transform_7, window_bounds = array<i64: 1000, 128>}]} {
    %get3A = arith.constant 0 : index
    %get3A_0 = arith.constant 0 : index
    %get3A_1 = vector.load %arg1[%get3A, %get3A_0] : memref<1000x1xf32, #tpu.memory_space<vmem>>, vector<1000x1xf32>
    %get3A_2 = arith.constant 0 : index
    %get3A_3 = arith.constant 0 : index
    %get3A_4 = vector.load %arg2[%get3A_2, %get3A_3] : memref<1000x1xf32, #tpu.memory_space<vmem>>, vector<1000x1xf32>
    %add3A = arith.addf %get3A_1, %get3A_4 : vector<1000x1xf32>
    %add3A_5 = arith.constant 1.000000e+00 : f32
    %add3A_6 = vector.broadcast %add3A_5 : f32 to vector<1000x1xf32>
    %add3A_7 = arith.addf %add3A, %add3A_6 : vector<1000x1xf32>
    %rsqrt3A = math.rsqrt %add3A_7 : vector<1000x1xf32>
    %get3A_8 = arith.constant 0 : index
    %get3A_9 = arith.constant 0 : index
    %get3A_10 = vector.load %arg3[%get3A_8, %get3A_9] : memref<1000x128xf32, #tpu.memory_space<vmem>>, vector<1000x128xf32>
    %get3A_11 = arith.constant 0 : index
    %get3A_12 = arith.constant 0 : index
    %get3A_13 = vector.load %arg4[%get3A_11, %get3A_12] : memref<1000x128xf32, #tpu.memory_space<vmem>>, vector<1000x128xf32>
    %add3A_14 = arith.addf %get3A_10, %get3A_13 : vector<1000x128xf32>
    %get3A_15 = arith.constant 0 : index
    %get3A_16 = arith.constant 0 : index
    %get3A_17 = vector.load %arg5[%get3A_15, %get3A_16] : memref<1000x128xf32, #tpu.memory_space<vmem>>, vector<1000x128xf32>
    %add3A_18 = arith.addf %add3A_14, %get3A_17 : vector<1000x128xf32>
    %mul3A = vector.broadcast %rsqrt3A : vector<1000x1xf32> to vector<1000x128xf32>
    %mul3A_19 = arith.mulf %add3A_18, %mul3A : vector<1000x128xf32>
    %max3A = arith.constant 0.000000e+00 : f32
    %max3A_20 = vector.broadcast %max3A : f32 to vector<1000x128xf32>
    %max3A_21 = arith.maximumf %mul3A_19, %max3A_20 : vector<1000x128xf32>
    %get3A_22 = arith.constant 0 : index
    %get3A_23 = arith.constant 0 : index
    %get3A_24 = vector.load %arg6[%get3A_22, %get3A_23] : memref<128x128xf32, #tpu.memory_space<vmem>>, vector<128x128xf32>
    %dot_general3A = arith.constant dense<0.000000e+00> : vector<1000x128xf32>
    %dot_general3A_25 = tpu.matmul %max3A_21, %get3A_24, %dot_general3A {dimension_numbers = #tpu.dot_dimension_numbers<[1], [0], [0], [1], [0, 0, 1, 1], [], []>, transpose_lhs_hint = false} : vector<1000x128xf32>, vector<128x128xf32>, vector<1000x128xf32> -> vector<1000x128xf32>
    %get3A_26 = arith.constant 0 : index
    %get3A_27 = arith.constant 0 : index
    %get3A_28 = vector.load %arg7[%get3A_26, %get3A_27] : memref<1x128xf32, #tpu.memory_space<vmem>>, vector<1x128xf32>
    %add3A_29 = vector.broadcast %get3A_28 : vector<1x128xf32> to vector<1000x128xf32>
    %add3A_30 = arith.addf %dot_general3A_25, %add3A_29 : vector<1000x128xf32>
    %mul3A_31 = vector.broadcast %rsqrt3A : vector<1000x1xf32> to vector<1000x128xf32>
    %mul3A_32 = arith.mulf %add3A_30, %mul3A_31 : vector<1000x128xf32>
    %swap3A = arith.constant 0 : index
    %swap3A_33 = arith.constant 0 : index
    %swap3A_34 = vector.load %arg8[%swap3A, %swap3A_33] : memref<1000x128xf32, #tpu.memory_space<vmem>>, vector<1000x128xf32>
    tpu.vector_store %arg8[%swap3A, %swap3A_33], %mul3A_32 {strides = array<i32>} : memref<1000x128xf32, #tpu.memory_space<vmem>>, vector<1000x128xf32>,
    return
  }
  func.func @transform_0(%arg0: i32) -> (i32, i32) {
    %c0_i32 = arith.constant 0 : i32
    %c0_i32_0 = arith.constant 0 : i32
    return %arg0, %c0_i32 : i32, i32
  }
  func.func @transform_1(%arg0: i32) -> (i32, i32) {
    %c0_i32 = arith.constant 0 : i32
    %c0_i32_0 = arith.constant 0 : i32
    return %arg0, %c0_i32 : i32, i32
  }
  func.func @transform_2(%arg0: i32) -> (i32, i32) {
    %c0_i32 = arith.constant 0 : i32
    %c0_i32_0 = arith.constant 0 : i32
    return %arg0, %c0_i32 : i32, i32
  }
  func.func @transform_3(%arg0: i32) -> (i32, i32) {
    %c0_i32 = arith.constant 0 : i32
    %c0_i32_0 = arith.constant 0 : i32
    return %arg0, %c0_i32 : i32, i32
  }
  func.func @transform_4(%arg0: i32) -> (i32, i32) {
    %c0_i32 = arith.constant 0 : i32
    %c0_i32_0 = arith.constant 0 : i32
    return %arg0, %c0_i32 : i32, i32
  }
  func.func @transform_5(%arg0: i32) -> (i32, i32) {
    %c0_i32 = arith.constant 0 : i32
    %c0_i32_0 = arith.constant 0 : i32
    %c0_i32_1 = arith.constant 0 : i32
    return %c0_i32, %c0_i32_0 : i32, i32
  }
  func.func @transform_6(%arg0: i32) -> (i32, i32) {
    %c0_i32 = arith.constant 0 : i32
    %c0_i32_0 = arith.constant 0 : i32
    %c0_i32_1 = arith.constant 0 : i32
    return %c0_i32, %c0_i32_0 : i32, i32
  }
  func.func @transform_7(%arg0: i32) -> (i32, i32) {
    %c0_i32 = arith.constant 0 : i32
    %c0_i32_0 = arith.constant 0 : i32
    return %arg0, %c0_i32 : i32, i32
  }
}

module attributes {stable_mosaic.version = 14 : i64} {
  func.func @_tc4_body(%arg0: i32, %arg1: memref<1000x1xf32, #tpu.memory_space<vmem>>, %arg2: memref<1000x1xf32, #tpu.memory_space<vmem>>, %arg3: memref<1000x128xf32, #tpu.memory_space<vmem>>, %arg4: memref<1000x128xf32, #tpu.memory_space<vmem>>, %arg5: memref<1000x128xf32, #tpu.memory_space<vmem>>, %arg6: memref<128x32xf32, #tpu.memory_space<vmem>>, %arg7: memref<1x32xf32, #tpu.memory_space<vmem>>, %arg8: memref<32x40xf32, #tpu.memory_space<vmem>>, %arg9: memref<1x40xf32, #tpu.memory_space<vmem>>, %arg10: memref<1000x40xf32, #tpu.memory_space<vmem>>) attributes {dimension_semantics = [#tpu.dimension_semantics<arbitrary>], iteration_bounds = array<i64: 10>, scalar_prefetch = 0 : i64, scratch_operands = 0 : i64, tpu.core_type = #tpu.core_type<tc>, window_params = [{transform_indices = @transform_0, window_bounds = array<i64: 1000, 1>}, {transform_indices = @transform_1, window_bounds = array<i64: 1000, 1>}, {transform_indices = @transform_2, window_bounds = array<i64: 1000, 128>}, {transform_indices = @transform_3, window_bounds = array<i64: 1000, 128>}, {transform_indices = @transform_4, window_bounds = array<i64: 1000, 128>}, {pipeline_mode = #tpu.pipeline_mode<synchronous>, transform_indices = @transform_5, window_bounds = array<i64: 128, 32>}, {pipeline_mode = #tpu.pipeline_mode<synchronous>, transform_indices = @transform_6, window_bounds = array<i64: 1, 32>}, {pipeline_mode = #tpu.pipeline_mode<synchronous>, transform_indices = @transform_7, window_bounds = array<i64: 32, 40>}, {pipeline_mode = #tpu.pipeline_mode<synchronous>, transform_indices = @transform_8, window_bounds = array<i64: 1, 40>}, {transform_indices = @transform_9, window_bounds = array<i64: 1000, 40>}]} {
    %get3A = arith.constant 0 : index
    %get3A_0 = arith.constant 0 : index
    %get3A_1 = vector.load %arg1[%get3A, %get3A_0] : memref<1000x1xf32, #tpu.memory_space<vmem>>, vector<1000x1xf32>
    %get3A_2 = arith.constant 0 : index
    %get3A_3 = arith.constant 0 : index
    %get3A_4 = vector.load %arg2[%get3A_2, %get3A_3] : memref<1000x1xf32, #tpu.memory_space<vmem>>, vector<1000x1xf32>
    %add3A = arith.addf %get3A_1, %get3A_4 : vector<1000x1xf32>
    %add3A_5 = arith.constant 1.000000e+00 : f32
    %add3A_6 = vector.broadcast %add3A_5 : f32 to vector<1000x1xf32>
    %add3A_7 = arith.addf %add3A, %add3A_6 : vector<1000x1xf32>
    %rsqrt3A = math.rsqrt %add3A_7 : vector<1000x1xf32>
    %get3A_8 = arith.constant 0 : index
    %get3A_9 = arith.constant 0 : index
    %get3A_10 = vector.load %arg3[%get3A_8, %get3A_9] : memref<1000x128xf32, #tpu.memory_space<vmem>>, vector<1000x128xf32>
    %get3A_11 = arith.constant 0 : index
    %get3A_12 = arith.constant 0 : index
    %get3A_13 = vector.load %arg4[%get3A_11, %get3A_12] : memref<1000x128xf32, #tpu.memory_space<vmem>>, vector<1000x128xf32>
    %add3A_14 = arith.addf %get3A_10, %get3A_13 : vector<1000x128xf32>
    %get3A_15 = arith.constant 0 : index
    %get3A_16 = arith.constant 0 : index
    %get3A_17 = vector.load %arg5[%get3A_15, %get3A_16] : memref<1000x128xf32, #tpu.memory_space<vmem>>, vector<1000x128xf32>
    %add3A_18 = arith.addf %add3A_14, %get3A_17 : vector<1000x128xf32>
    %mul3A = vector.broadcast %rsqrt3A : vector<1000x1xf32> to vector<1000x128xf32>
    %mul3A_19 = arith.mulf %add3A_18, %mul3A : vector<1000x128xf32>
    %get3A_20 = arith.constant 0 : index
    %get3A_21 = arith.constant 0 : index
    %get3A_22 = vector.load %arg6[%get3A_20, %get3A_21] : memref<128x32xf32, #tpu.memory_space<vmem>>, vector<128x32xf32>
    %dot_general3A = arith.constant dense<0.000000e+00> : vector<1000x32xf32>
    %dot_general3A_23 = tpu.matmul %mul3A_19, %get3A_22, %dot_general3A {dimension_numbers = #tpu.dot_dimension_numbers<[1], [0], [0], [1], [0, 0, 1, 1], [], []>, transpose_lhs_hint = false} : vector<1000x128xf32>, vector<128x32xf32>, vector<1000x32xf32> -> vector<1000x32xf32>
    %get3A_24 = arith.constant 0 : index
    %get3A_25 = arith.constant 0 : index
    %get3A_26 = vector.load %arg7[%get3A_24, %get3A_25] : memref<1x32xf32, #tpu.memory_space<vmem>>, vector<1x32xf32>
    %add3A_27 = vector.broadcast %get3A_26 : vector<1x32xf32> to vector<1000x32xf32>
    %add3A_28 = arith.addf %dot_general3A_23, %add3A_27 : vector<1000x32xf32>
    %max3A = arith.constant 0.000000e+00 : f32
    %max3A_29 = vector.broadcast %max3A : f32 to vector<1000x32xf32>
    %max3A_30 = arith.maximumf %add3A_28, %max3A_29 : vector<1000x32xf32>
    %get3A_31 = arith.constant 0 : index
    %get3A_32 = arith.constant 0 : index
    %get3A_33 = vector.load %arg8[%get3A_31, %get3A_32] : memref<32x40xf32, #tpu.memory_space<vmem>>, vector<32x40xf32>
    %dot_general3A_34 = arith.constant dense<0.000000e+00> : vector<1000x40xf32>
    %dot_general3A_35 = tpu.matmul %max3A_30, %get3A_33, %dot_general3A_34 {dimension_numbers = #tpu.dot_dimension_numbers<[1], [0], [0], [1], [0, 0, 1, 1], [], []>, transpose_lhs_hint = false} : vector<1000x32xf32>, vector<32x40xf32>, vector<1000x40xf32> -> vector<1000x40xf32>
    %get3A_36 = arith.constant 0 : index
    %get3A_37 = arith.constant 0 : index
    %get3A_38 = vector.load %arg9[%get3A_36, %get3A_37] : memref<1x40xf32, #tpu.memory_space<vmem>>, vector<1x40xf32>
    %add3A_39 = vector.broadcast %get3A_38 : vector<1x40xf32> to vector<1000x40xf32>
    %add3A_40 = arith.addf %dot_general3A_35, %add3A_39 : vector<1000x40xf32>
    %swap3A = arith.constant 0 : index
    %swap3A_41 = arith.constant 0 : index
    %swap3A_42 = vector.load %arg10[%swap3A, %swap3A_41] : memref<1000x40xf32, #tpu.memory_space<vmem>>, vector<1000x40xf32>
    tpu.vector_store %arg10[%swap3A, %swap3A_41], %add3A_40 {strides = array<i32>} : memref<1000x40xf32, #tpu.memory_space<vmem>>, vector<1000x40xf32>,
    return
  }
  func.func @transform_0(%arg0: i32) -> (i32, i32) {
    %c0_i32 = arith.constant 0 : i32
    %c0_i32_0 = arith.constant 0 : i32
    return %arg0, %c0_i32 : i32, i32
  }
  func.func @transform_1(%arg0: i32) -> (i32, i32) {
    %c0_i32 = arith.constant 0 : i32
    %c0_i32_0 = arith.constant 0 : i32
    return %arg0, %c0_i32 : i32, i32
  }
  func.func @transform_2(%arg0: i32) -> (i32, i32) {
    %c0_i32 = arith.constant 0 : i32
    %c0_i32_0 = arith.constant 0 : i32
    return %arg0, %c0_i32 : i32, i32
  }
  func.func @transform_3(%arg0: i32) -> (i32, i32) {
    %c0_i32 = arith.constant 0 : i32
    %c0_i32_0 = arith.constant 0 : i32
    return %arg0, %c0_i32 : i32, i32
  }
  func.func @transform_4(%arg0: i32) -> (i32, i32) {
    %c0_i32 = arith.constant 0 : i32
    %c0_i32_0 = arith.constant 0 : i32
    return %arg0, %c0_i32 : i32, i32
  }
  func.func @transform_5(%arg0: i32) -> (i32, i32) {
    %c0_i32 = arith.constant 0 : i32
    %c0_i32_0 = arith.constant 0 : i32
    %c0_i32_1 = arith.constant 0 : i32
    return %c0_i32, %c0_i32_0 : i32, i32
  }
  func.func @transform_6(%arg0: i32) -> (i32, i32) {
    %c0_i32 = arith.constant 0 : i32
    %c0_i32_0 = arith.constant 0 : i32
    %c0_i32_1 = arith.constant 0 : i32
    return %c0_i32, %c0_i32_0 : i32, i32
  }
  func.func @transform_7(%arg0: i32) -> (i32, i32) {
    %c0_i32 = arith.constant 0 : i32
    %c0_i32_0 = arith.constant 0 : i32
    %c0_i32_1 = arith.constant 0 : i32
    return %c0_i32, %c0_i32_0 : i32, i32
  }
  func.func @transform_8(%arg0: i32) -> (i32, i32) {
    %c0_i32 = arith.constant 0 : i32
    %c0_i32_0 = arith.constant 0 : i32
    %c0_i32_1 = arith.constant 0 : i32
    return %c0_i32, %c0_i32_0 : i32, i32
  }
  func.func @transform_9(%arg0: i32) -> (i32, i32) {
    %c0_i32 = arith.constant 0 : i32
    %c0_i32_0 = arith.constant 0 : i32
    return %arg0, %c0_i32 : i32, i32
  }
}

</mosaic_0001>

<sc_bundles>
// kernel: kernel.12.cloned.1.call-start
scs
__scs_entry_jumppad:
0x0: {  	(pc) =	sbr.rel $0x88, $3  }
0x1: {  	(tag) =	ssettag $0x0;
	lr =	simm.s32 $0x1  }
0x2: {  	[smem:$0x3F96] =	sst lr;
	_ =	strace $0xD0000000  }
0x3: {  	_ = 	snop  }
0x4: {  	_ = 	snop  }
0x5: {  	_ = 	snop  }
0x6: {  	_ = 	snop  }
0x7: {  	_ = 	snop  }
__scs_overlays_trampoline_lowered:
0x8: {  	[smem:$0x3FA5] =	sst s0  }
0x9: {  	[smem:$0x3FA6] =	sst s1  }
0xa: {  	[smem:$0x3FA7] =	sst s2  }
0xb: {  	[smem:$0x3FA8] =	sst s3  }
0xc: {  	[smem:$0x3FA9] =	sst s4  }
0xd: {  	[smem:$0x3FAA] =	sst s5  }
0xe: {  	[smem:$0x3FAB] =	sst s6  }
0xf: {  	[smem:$0x3FAC] =	sst s7  }
0x10: {  	[smem:$0x3FAD] =	sst s8  }
0x11: {  	[smem:$0x3FAE] =	sst s9;
	s0 =	simm.s32 @!p0 $0x0  }
0x12: {  	s1 =	sld [smem:$0x3F94];
	s0 =	simm.s32 @p0 $0x1  }
0x13: {  	[smem:$0x3FAF] =	sst s0;
	s0 =	simm.s32 @!p1 $0x0  }
0x14: {  	s2 =	sld [smem:$0x3F93];
	s0 =	simm.s32 @p1 $0x1  }
0x15: {  	[smem:$0x3FB0] =	sst s0;
	s0 =	simm.s32 @!p2 $0x0  }
0x16: {  	s3 =	sld [smem:$0x3FDB];
	s0 =	simm.s32 @p2 $0x1  }
0x17: {  	s4 =	simm.s32 $0x1BF5;
	[smem:$0x3FB2] =	sst s0  }
0x18: {  	s0 =	sld [smem:$0x3F95];
	_ =	swait.ge [sflag:s4], $0x0  }
0x19: {  	s7 =	sld [smem:$0x3F96]  }
0x1a: {  	s8 =	sadd.s32 $0xFFFFE003, lr  }
0x1b: {  	s9 =	sadd.s32 $0xFFFFFEF7, lr;
	s5 =	simm.s32 $0xFFFFFFFF;
	p2 =	slt.u32 s8, $0xFFFFF086  }
0x1c: {  	p1 =	slt.u32 s9, $0xF7A;
	s5 =	simm.s32 @!p2 $0x0  }
0x1d: {  	s5 =	simm.s32 @p1 $0x1;
	p0 =	seq.s32 s7, s2  }
0x1e: {  	s7 =	smul.u32 @!p0 $0xF7A, s2;
	p2 =	seq.s32 @!p0 s5, $0x0  }
0x1f: {  	s9 =	smul.u32 $0xF7A, s1;
	s8 =	simm.s32 @!p0 $0x1BF5;
	p2 =	por !p2, p0  }
0x20: {  	[sflag:s8] =	ssyncset.s32 @!p0 $0xFFFFF086;
	s6 =	sadd.s32 @!p0 s3, s7;
	s7 =	simm.s32 @!p0 $0x108  }
0x21: {  	s3 =	sadd.s32 s3, s9;
	s6 =	sadd.s32 @!p0 $0x88, s6;
	s7 =	simm.s32 @p2 $0x1082  }
0x22: {  	[simem:s7], [sflag:s8] =	dma.local @!p0 [hbm:s6], $0xF7A  }
0x23: {  	s9 =	sor.u32 $0xD0000000, s2;
	s6 =	simm.s32 $0x108;
	_ =	swait.ge @!p0 [sflag:s8], $0x0  }
0x24: {  	s3 =	sadd.s32 $0x88, s3;
	s6 =	simm.s32 @!p1 $0x1082;
	[sflag:s4] =	ssyncset.s32 $0xFFFFF086  }
0x25: {  	[simem:s6], [sflag:s4] =	dma.local [hbm:s3], $0xF7A  }
0x26: {  	[smem:$0x3F96] =	sst s1;
	(tag) =	ssettag s2;
	_ =	strace s9  }
0x27: {  	s1 =	sld [smem:$0x3FA6]  }
0x28: {  	s2 =	sld [smem:$0x3FA7]  }
0x29: {  	s4 =	sld [smem:$0x3FA9]  }
0x2a: {  	p0 =	seq.s32 s5, $0x0;
	s5 =	sld [smem:$0x3FAA]  }
0x2b: {  	s6 =	sld [smem:$0x3FAB]  }
0x2c: {  	s7 =	sld [smem:$0x3FAC]  }
0x2d: {  	s3 =	simm.s32 $0x108;
	s8 =	sld [smem:$0x3FAD]  }
0x2e: {  	s3 =	simm.s32 @!p0 $0x1082;
	s9 =	sld [smem:$0x3FAE]  }
0x2f: {  	lr =	sadd.s32 s0, s3;
	s0 =	sld [smem:$0x3FA5]  }
0x30: {  	s3 =	sld [smem:$0x3FA8]  }
0x31: {  	[smem:$0x3FB1] =	sst s10  }
0x32: {  	s10 =	sld [smem:$0x3FAF];
	_ =	sdelay $0x3  }
0x33: {  	p0 =	seq.s32 s10, $0x1;
	s10 =	sld [smem:$0x3FB1];
	_ =	sdelay $0x3  }
0x34: {  	[smem:$0x3FB1] =	sst s10  }
0x35: {  	s10 =	sld [smem:$0x3FB0];
	_ =	sdelay $0x3  }
0x36: {  	p1 =	seq.s32 s10, $0x1;
	s10 =	sld [smem:$0x3FB1];
	_ =	sdelay $0x3  }
0x37: {  	[smem:$0x3FB1] =	sst s10  }
0x38: {  	s10 =	sld [smem:$0x3FB2]  }
0x39: {  	_ = 	snop;
	(pc) =	sbr.ind lr, $3  }
0x3a: {  	_ = 	snop  }
0x3b: {  	_ = 	snop  }
0x3c: {  	p2 =	seq.s32 s10, $0x1;
	s10 =	sld [smem:$0x3FB1]  }
0x3d: {  	_ =	shalt  }
0x3e: {  	_ =	shalt  }
0x3f: {  	_ =	shalt  }
0x40: {  	_ =	shalt  }
0x41: {  	_ =	shalt  }
0x42: {  	_ =	shalt  }
0x43: {  	_ =	shalt  }
0x44: {  	_ =	shalt  }
0x45: {  	_ =	shalt  }
0x46: {  	_ =	shalt  }
0x47: {  	_ =	shalt  }
0x48: {  	_ =	shalt  }
0x49: {  	_ =	shalt  }
0x4a: {  	_ =	shalt  }
0x4b: {  	_ =	shalt  }
0x4c: {  	_ =	shalt  }
0x4d: {  	_ =	shalt  }
0x4e: {  	_ =	shalt  }
0x4f: {  	_ =	shalt  }
0x50: {  	_ =	shalt  }
0x51: {  	_ =	shalt  }
0x52: {  	_ =	shalt  }
0x53: {  	_ =	shalt  }
0x54: {  	_ =	shalt  }
0x55: {  	_ =	shalt  }
0x56: {  	_ =	shalt  }
0x57: {  	_ =	shalt  }
0x58: {  	_ =	shalt  }
0x59: {  	_ =	shalt  }
0x5a: {  	_ =	shalt  }
0x5b: {  	_ =	shalt  }
0x5c: {  	_ =	shalt  }
0x5d: {  	_ =	shalt  }
0x5e: {  	_ =	shalt  }
0x5f: {  	_ =	shalt  }
0x60: {  	_ =	shalt  }
0x61: {  	_ =	shalt  }
0x62: {  	_ =	shalt  }
0x63: {  	_ =	shalt  }
0x64: {  	_ =	shalt  }
0x65: {  	_ =	shalt  }
0x66: {  	_ =	shalt  }
0x67: {  	_ =	shalt  }
0x68: {  	_ =	shalt  }
0x69: {  	_ =	shalt  }
0x6a: {  	_ =	shalt  }
0x6b: {  	_ =	shalt  }
0x6c: {  	_ =	shalt  }
0x6d: {  	_ =	shalt  }
0x6e: {  	_ =	shalt  }
0x6f: {  	_ =	shalt  }
0x70: {  	_ =	shalt  }
0x71: {  	_ =	shalt  }
0x72: {  	_ =	shalt  }
0x73: {  	_ =	shalt  }
0x74: {  	_ =	shalt  }
0x75: {  	_ =	shalt  }
0x76: {  	_ =	shalt  }
0x77: {  	_ =	shalt  }
0x78: {  	_ =	shalt  }
0x79: {  	_ =	shalt  }
0x7a: {  	_ =	shalt  }
0x7b: {  	_ =	shalt  }
0x7c: {  	_ =	shalt  }
0x7d: {  	_ =	shalt  }
0x7e: {  	_ =	shalt  }
0x7f: {  	_ =	shalt  }
0x80: {  	_ =	shalt  }
0x81: {  	_ =	shalt  }
0x82: {  	_ =	shalt  }
0x83: {  	_ =	shalt  }
0x84: {  	_ =	shalt  }
0x85: {  	_ =	shalt  }
0x86: {  	_ =	shalt  }
0x87: {  	_ =	shalt  }
.Lfunc_end0:
.L_simem_size_0:
called_computation.1_lowered:
.L_overlay_start_0:
0x88: {  	s2 =	sld [smem:$0x3FD9]  }
0x89: {  	s3 =	sld [smem:$0x3FFE];
	_ =	sdelay $0x1  }
0x8a: {  	s1 =	srdreg.scid  }
0x8b: {  	s0 =	sand.u32 $0x1, s1  }
0x8c: {  	s14 =	sshll.u32 s0, $0xA;
	s2 =	sadd.s32 s3, s2  }
0x8d: {  	s2 =	sadd.s32 s2, s14  }
0x8e: {  	[smem:$0x3FBD] =	sst s2  }
0x8f: {  	_ = 	snop  }
0x90: {  	s2 =	sld [smem:$0x3FD0];
	_ =	sdelay $0x2  }
0x91: {  	s15 =	simm.s32 $0xA;
	s4 =	simm.s32 $0x10  }
0x92: {  	[smem:s4], [sflag:s15] =	dma.local [hbm:s2], $0x1  }
0x93: {  	_ =	swait.eq [sflag:s15], $0x1  }
0x94: {  	[sflag:s15] =	ssyncset.done $0x0  }
0x95: {  	[sflag:s15] =	ssyncadd.s32 $0xFFFFFFFF  }
0x96: {  	s16 =	sld [smem:$0x11];
	(tm) =	ssettm $0x1  }
0x97: {  	s17 =	sld [smem:$0x3FFB];
	_ =	sdelay $0x3  }
0x98: {  	_ =	strace s17  }
0x99: {  	s3 =	sld [smem:$0x3FFC];
	_ =	sdelay $0x3  }
0x9a: {  	_ =	strace s3  }
0x9b: {  	s3 =	sld [smem:$0x3FFD];
	_ =	sdelay $0x3  }
0x9c: {  	_ =	strace s3  }
0x9d: {  	_ =	strace $0x8FFFFFFF  }
0x9e: {  	s18 =	sld [smem:$0x3FDB];
	_ =	sdelay $0x1  }
0x9f: {  	s19 =	simm.s32 $_scs_section_size  }
0xa0: {  	s5 =	simm.s32 $_size__tile_overlayer_lowered;
	s6 =	simm.s32 $_tile_overlayer_lowered  }
0xa1: {  	s22 =	simm.s32 $0x1BFF;
	s21 =	sshll.u32 s6, $0x1;
	s3 =	sadd.s32 s19, s18  }
0xa2: {  	s7 =	simm.s32 $0x0;
	s20 =	sshll.u32 s5, $0x1;
	s5 =	sadd.s32 s21, s3  }
0xa3: {  	[timem:s7], [sflag:s22] =	dma.local [hbm:s5], s20  }
0xa4: {  	_ =	swait.ge [sflag:s22], s20  }
0xa5: {  	s4 =	ssub.s32 $0x0, s20;
	[sflag:s22] =	ssyncset.done $0x0  }
0xa6: {  	[sflag:s22] =	ssyncadd.s32 s4;
	_ =	sdelay $0x1  }
0xa7: {  	s23 =	simm.s32 $0x1B8B  }
0xa8: {  	_ =	swait.ge [sflag:s23], $0x1  }
0xa9: {  	[sflag:s23] =	ssyncset.done $0x0  }
0xaa: {  	s25 =	simm.s32 $0x1B8E;
	s24 =	sld [smem:$0x3FFE];
	[sflag:s23] =	ssyncadd.s32 $0xFFFFFFFF  }
0xab: {  	s26 =	simm.s32 $execute0_lowered;
	[smem:$0x3FD2] =	sst s25  }
0xac: {  	s5 =	sshll.u32 s26, $0x1;
	_ =	strace $0x80000049;
	[dreg:$0x1] =	wrdreg $0xFFFFFFFF  }
0xad: {  	s28 =	simm.s32 $_size_execute0_lowered;
	s3 =	sadd.s32 s3, s5;
	[dreg:$0x0] =	wrdreg $0x0  }
0xae: {  	s5 =	sshll.u32 s28, $0x1;
	[dreg:$0x2] =	wrdreg s3  }
0xaf: {  	[dreg:$0x3] =	wrdreg s5  }
0xb0: {  	[dreg:$0x4] =	wrdreg $0xC0  }
0xb1: {  	_ =	task [dreg:s7], $0x5FFFF  }
0xb2: {  	[dreg:$0x1] =	wrdreg $0xFFFFFFFF  }
0xb3: {  	[dreg:$0x0] =	wrdreg $0x60  }
0xb4: {  	[dreg:$0x2] =	wrdreg s24  }
0xb5: {  	[dreg:$0x3] =	wrdreg s16  }
0xb6: {  	[dreg:$0x4] =	wrdreg $0xA4000  }
0xb7: {  	[dreg:$0x5] =	wrdreg $0x9  }
0xb8: {  	_ =	task.clear_ibuf [dreg:s7], $0x6FFFF;
	_ =	strace $0x90000049  }
0xb9: {  	s29 =	simm.s32 $0x9;
	_ =	strace $0x8000004B  }
0xba: {  	_ =	swait.ge [sflag:s29], $0x1  }
0xbb: {  	[sflag:s29] =	ssyncadd.s32 $0xFFFFFFFF  }
0xbc: {  	_ =	strace $0x9000004B  }
0xbd: {  	_ =	sfence  }
0xbe: {  	s30 =	sld [smem:$0x0];
	_ =	sdelay $0x2  }
0xbf: {  	s31 =	sshll.u32 s1, $0xD;
	s1 =	sshrl.u32 s1, $0x2  }
0xc0: {  	s3 =	sand.u32 $0x4000, s31;
	s1 =	sadd.s32 s1, s30  }
0xc1: {  	s0 =	sor.u32 s3, s0;
	s1 =	sshll.u32 s1, $0x11  }
0xc2: {  	s0 =	sor.u32 s1, s0  }
0xc3: {  	s0 =	sadd.s32 $0x8F2B, s0  }
0xc4: {  	[sflag:s0] =	ssyncadd.remote.s32 $0x1  }
0xc5: {  	_ =	sfence.sel $0xFFFF  }
0xc6: {  	[dreg:$0x0] =	wrdreg $0xFFFFFFFF;
	(pc) =	sbr.abs _section_cstart, $3  }
0xc7: {  	[dreg:$0x1] =	wrdreg $0xFFFFFFFF  }
0xc8: {  	_ =	task.clear_ibuf [dreg:s7], $0x2FFFF;
	_ =	strace $0x9FFFFFFF  }
0xc9: {  	(tm) =	ssettm $0x7FFFFFFF  }
tec
execute0_lowered:
.L_overlay_start_1:
0x0: {  	(tag) =	ssettag $0x1  }
0x1: {  	s4 =	rddreg [dreg:$0x0]  }
0x2: {  	s0 =	rddreg [dreg:$0x1]  }
0x3: {  	s2 =	rddreg [dreg:$0x2];
	s3 =	simm.s32 $0x0  }
0x4: {  	s1 =	srdreg.scid;
	s25 =	stileid.u32;
	s28 =	simm.s32 $0x280  }
0x5: {  	s29 =	simm.s32 $0x7C00;
	s30 =	simm.s32 $0x400;
	[smem:$0x7FF] =	sst s3  }
0x6: {  	s12 =	sand.u32 $0x1, s1;
	s17 =	sshll.u32 s25, $0x1;
	s15 =	smul.u32 $0x13800, s25  }
0x7: {  	s31 =	sadd.s32 $0x3000, s4;
	s11 =	sadd.s32 $0x34000, s4;
	s13 =	smul.u32 $0x4E20, s25  }
0x8: {  	_ =	strace $0x8000004A;
	s8 =	sor.u32 s12, s17;
	s14 =	smul.u32 $0x138800, s12  }
0x9: {  	s18 =	ssub.s32 $0x2, s12;
	s16 =	smul.u32 $0x2710, s12;
	[dreg:$0xc] =	wrdreg s31  }
0xa: {  	s5 =	smul.u32 $0x7D, s8;
	s6 =	sshrl.u32 s18, $0x1;
	s10 =	sadd.s32 $0x7800, s15  }
0xb: {  	s9 =	sadd.s32 $0x4800, s15;
	s1 =	ssub.s32 s18, s6;
	s19 =	sadd.s32 s15, s14  }
0xc: {  	s22 =	sadd.s32 s14, s9;
	s5 =	sadd.s32 $0x7D, s5;
	s6 =	sshrl.u32 s19, $0x3  }
0xd: {  	s24 =	sshrl.u32 s22, $0x3;
	s1 =	smax.u32 s1, $0x1;
	[dreg:$0x4] =	wrdreg s5  }
0xe: {  	s5 =	sadd.s32 $0x1800, s15;
	s6 =	sadd.s32 s11, s6;
	[smem:$0x7EB] =	sst s1  }
0xf: {  	s7 =	sadd.s32 s14, s5;
	[dreg:$0xd] =	wrdreg s6;
	s6 =	sadd.s32 s16, s13  }
0x10: {  	s7 =	sshrl.u32 s7, $0x3;
	s23 =	sadd.s32 $0x230, s6;
	s18 =	sadd.s32 $0x1E0, s6  }
0x11: {  	s20 =	sadd.s32 s11, s7;
	s7 =	sadd.s32 $0x3000, s15;
	s26 =	sshrl.u32 s23, $0x3  }
0x12: {  	[dreg:$0xe] =	wrdreg s20;
	s17 =	sadd.s32 s14, s7;
	s16 =	sadd.s32 s26, s0  }
0x13: {  	s21 =	sshrl.u32 s17, $0x3;
	s17 =	sadd.s32 s26, s31;
	s26 =	smul.u32 $0x4E2, s12  }
0x14: {  	s23 =	sadd.s32 $0x190, s6;
	[dreg:$0x6] =	wrdreg s16;
	s12 =	smul.u32 $0x7D, s12  }
0x15: {  	s13 =	sadd.s32 s11, s21;
	[dreg:$0x5] =	wrdreg s17;
	s17 =	sshrl.u32 s18, $0x3  }
0x16: {  	s21 =	sadd.s32 $0x280, s6;
	[dreg:$0xf] =	wrdreg s13;
	s13 =	sadd.s32 s11, s24  }
0x17: {  	s18 =	smul.u32 $0x9C4, s25;
	s19 =	sadd.s32 s17, s31;
	[dreg:$0x10] =	wrdreg s13  }
0x18: {  	s20 =	sadd.s32 s17, s0;
	s22 =	sshrl.u32 s21, $0x3;
	[dreg:$0x7] =	wrdreg s19  }
0x19: {  	s17 =	sshrl.u32 s23, $0x3;
	s13 =	sadd.s32 $0x6000, s15;
	[dreg:$0x8] =	wrdreg s20  }
0x1a: {  	s16 =	sadd.s32 s22, s0;
	s24 =	sadd.s32 s17, s31;
	s18 =	sadd.s32 s18, s0  }
0x1b: {  	s22 =	sadd.s32 s14, s10;
	s17 =	sadd.s32 $0xA800, s15;
	[dreg:$0x9] =	wrdreg s16  }
0x1c: {  	s10 =	sadd.s32 s10, s2;
	[dreg:$0xa] =	wrdreg s24;
	s20 =	sadd.s32 s14, s13  }
0x1d: {  	s18 =	sadd.s32 s26, s18;
	s16 =	sadd.s32 $0x9000, s15;
	s24 =	sadd.s32 s14, s17  }
0x1e: {  	[dreg:$0x1d] =	wrdreg s10;
	s19 =	sshrl.u32 s20, $0x3;
	s23 =	sadd.s32 s14, s16  }
0x1f: {  	s20 =	sshrl.u32 s22, $0x3;
	s18 =	sadd.s32 $0x5A, s18;
	s16 =	sadd.s32 s16, s2  }
0x20: {  	s21 =	sadd.s32 s11, s19;
	s19 =	sshrl.u32 s23, $0x3;
	[dreg:$0xb] =	wrdreg s18  }
0x21: {  	s20 =	sadd.s32 s11, s20;
	s23 =	sadd.s32 $0xF000, s15;
	[dreg:$0x11] =	wrdreg s21  }
0x22: {  	s18 =	sadd.s32 $0xCE00, s4;
	[dreg:$0x12] =	wrdreg s20;
	s19 =	sadd.s32 s11, s19  }
0x23: {  	s20 =	sadd.s32 $0xC000, s15;
	s21 =	sadd.s32 $0xD800, s15;
	[dreg:$0x13] =	wrdreg s19  }
0x24: {  	s19 =	sshrl.u32 s24, $0x3;
	s26 =	sadd.s32 s14, s20;
	s22 =	sadd.s32 s14, s21  }
0x25: {  	s24 =	sadd.s32 s14, s23;
	s19 =	sadd.s32 s11, s19;
	s22 =	sshrl.u32 s22, $0x3  }
0x26: {  	[dreg:$0x14] =	wrdreg s19;
	s19 =	sshrl.u32 s26, $0x3;
	s22 =	sadd.s32 s11, s22  }
0x27: {  	s19 =	sadd.s32 s11, s19;
	[dreg:$0x16] =	wrdreg s22;
	s22 =	sadd.s32 $0x10800, s15  }
0x28: {  	s15 =	sadd.s32 $0x12000, s15;
	[dreg:$0x15] =	wrdreg s19;
	s19 =	sshrl.u32 s24, $0x3  }
0x29: {  	s26 =	sadd.s32 s14, s22;
	s24 =	sadd.s32 s14, s15;
	s19 =	sadd.s32 s11, s19  }
0x2a: {  	s14 =	sshrl.u32 s14, $0x3;
	s24 =	sshrl.u32 s24, $0x3;
	[dreg:$0x17] =	wrdreg s19  }
0x2b: {  	s19 =	sshrl.u32 s26, $0x3;
	s24 =	sadd.s32 s11, s24;
	s26 =	smul.u32 $0x4E000, s25  }
0x2c: {  	s19 =	sadd.s32 s11, s19;
	[dreg:$0x19] =	wrdreg s24;
	s24 =	smul.u32 $0xFA, s25  }
0x2d: {  	s11 =	sadd.s32 s11, s14;
	[dreg:$0x18] =	wrdreg s19;
	s19 =	smul.u32 $0x2710, s8  }
0x2e: {  	s20 =	sadd.s32 s20, s2;
	s8 =	smul.u32 $0x4E2, s8;
	s11 =	sadd.s32 $0x27000, s11  }
0x2f: {  	s12 =	sadd.s32 s12, s24;
	[smem:$0x7EA] =	sst s11;
	s11 =	sshrl.u32 s16, $0x3  }
0x30: {  	s16 =	sshrl.u32 s20, $0x3;
	s4 =	sshrl.u32 s19, $0x3;
	[smem:$0x7F2] =	sst s11  }
0x31: {  	s24 =	sadd.s32 s31, s8;
	[smem:$0x7F4] =	sst s16;
	s19 =	sadd.s32 $0xA, s4  }
0x32: {  	s14 =	sshrl.u32 s26, $0x2;
	[smem:$0x7E2] =	sst s24;
	s26 =	sadd.s32 s0, s19  }
0x33: {  	p0 =	sne.s32 s25, $0xF;
	s19 =	sadd.s32 s31, s19;
	[dreg:$0x1a] =	wrdreg s26  }
0x34: {  	[dreg:$0x1b] =	wrdreg s19;
	s19 =	sadd.s32 s14, s2;
	s14 =	sadd.s32 s23, s2  }
0x35: {  	s1 =	simm.s32 $0x0;
	s23 =	sadd.s32 s0, s8;
	[dreg:$0x1e] =	wrdreg s14  }
0x36: {  	s5 =	sadd.s32 s5, s2;
	s26 =	sadd.s32 $0x14, s8;
	[dreg:$0x1f] =	wrdreg s23  }
0x37: {  	s17 =	sadd.s32 s17, s2;
	s23 =	sadd.s32 s0, s26;
	[dreg:$0x1c] =	wrdreg s19  }
0x38: {  	s8 =	sadd.s32 $0x1E, s8;
	s10 =	sadd.s32 s31, s26;
	[smem:$0x7E3] =	sst s23  }
0x39: {  	s21 =	sadd.s32 s21, s2;
	s24 =	sadd.s32 s0, s8;
	[smem:$0x7E4] =	sst s10  }
0x3a: {  	s15 =	sadd.s32 s15, s2;
	s8 =	sadd.s32 s31, s8;
	[smem:$0x7E5] =	sst s24  }
0x3b: {  	s0 =	sadd.s32 s0, s4;
	s25 =	sadd.s32 $0xC800, s19;
	[smem:$0x7E6] =	sst s8  }
0x3c: {  	s11 =	simm.s32 $0x1;
	s26 =	sadd.s32 $0x28, s0;
	[smem:$0x7FB] =	sst s25  }
0x3d: {  	s4 =	sadd.s32 s31, s4;
	s0 =	sadd.s32 $0x32, s0;
	[smem:$0x7E7] =	sst s26  }
0x3e: {  	s16 =	simm.s32 $0x8;
	s4 =	sadd.s32 $0x4D8, s4;
	[smem:$0x7E8] =	sst s0  }
0x3f: {  	s14 =	sadd.s32 s13, s2;
	s24 =	sadd.s32 $0x140, s6;
	[smem:$0x7E9] =	sst s4  }
0x40: {  	s8 =	sadd.s32 s7, s2;
	s7 =	sshrl.u32 s14, $0x3;
	[smem:$0x7EC] =	sst s24  }
0x41: {  	s23 =	sadd.s32 s22, s2;
	s22 =	sadd.s32 $0x2800, s19;
	[smem:$0x7F1] =	sst s7  }
0x42: {  	s13 =	smov.u32 s2;
	s26 =	sadd.s32 $0x9, s12;
	[smem:$0x7F8] =	sst s22  }
0x43: {  	s10 =	sadd.s32 s9, s2;
	s0 =	sshrl.u32 s5, $0x3;
	[smem:$0x7ED] =	sst s26  }
0x44: {  	s9 =	simm.s32 $0x50;
	s4 =	sshrl.u32 s8, $0x3;
	[smem:$0x7EE] =	sst s0  }
0x45: {  	s25 =	simm.s32 $0xF;
	s6 =	sshrl.u32 s10, $0x3;
	[smem:$0x7EF] =	sst s4  }
0x46: {  	s12 =	sshrl.u32 s17, $0x3;
	s17 =	sshrl.u32 s21, $0x3;
	[smem:$0x7F0] =	sst s6  }
0x47: {  	s20 =	sshrl.u32 s23, $0x3;
	s21 =	sshrl.u32 s15, $0x3;
	[smem:$0x7F3] =	sst s12  }
0x48: {  	s23 =	sadd.s32 $0x5000, s19;
	s24 =	sadd.s32 $0xA000, s19;
	[smem:$0x7F5] =	sst s17  }
0x49: {  	s10 =	sadd.s32 $0x138000, s2;
	s15 =	simm.s32 $0x2;
	[smem:$0x7F6] =	sst s20  }
0x4a: {  	s5 =	simm.s32 $0x9;
	s22 =	simm.s32 $0x300;
	[smem:$0x7F7] =	sst s21  }
0x4b: {  	s2 =	simm.s32 $0x5400;
	s7 =	simm.s32 $0x5;
	[smem:$0x7F9] =	sst s23  }
0x4c: {  	s8 =	simm.s32 $0xD;
	[smem:$0x7FA] =	sst s24;
	s26 =	sadd.s32 $0x11800, s19  }
0x4d: {  	s4 =	simm.s32 $0x200;
	s12 =	simm.s32 $0x80;
	s17 =	simm.s32 $0x10  }
0x4e: {  	s6 =	simm.s32 $0x2C00;
	s19 =	simm.s32 $0x100;
	s20 =	simm.s32 $0x180  }
0x4f: {  	s24 =	simm.s32 $0x3;
	s21 =	simm.s32 $0x380;
	[smem:$0x7FD] =	sst s10  }
0x50: {  	v0 =	vimm.f32 $0.0e+00;
	s23 =	simm.s32 $0x4;
	[smem:$0x7FC] =	sst s26;
	s26 =	simm.s32 $0xA  }
.LBB2_1:
0x51: {  	s0 =	rddreg [dreg:$0x1f]  }
0x52: {  	s14 =	sld [smem:$0x7E2]  }
0x53: {  	[tilespmem:s3], [sflag:$0x1] =	stream.linear.gather [hbm4b:s0+s3], $0x50, $0x38;
	[tilespmem:$0x1DC80] =	vst v63  }
0x54: {  	[smem:$0x7E1] =	sst s1  }
0x55: {  	[tilespmem:s4], [sflag:$0x5] =	stream.linear.gather [hbm4b:s14+s3], $0x50, $0x38;
	[tilespmem:$0x1DC80] =	vst v63  }
0x56: {  	s1 =	rddreg [dreg:$0x1a]  }
0x57: {  	[tilespmem:s12], [sflag:$0x2] =	stream.linear.gather [hbm4b:s1+s3], $0x50, $0x38;
	[tilespmem:$0x1DC80] =	vst v63  }
0x58: {  	s0 =	simm.s32 $0x70;
	s14 =	rddreg [dreg:$0x1b];
	s1 =	simm.s32 $0x3C0  }
0x59: {  	[tilespmem:s28], [sflag:$0x6] =	stream.linear.gather [hbm4b:s14+s3], $0x50, $0x38;
	[tilespmem:$0x1DC80] =	vst v63  }
.LBB2_2:
0x5a: {  	p1 =	sne.s32 s1, $0x9FC0;
	[tilespmem:s0+$0x7C00] =	vst v0  }
0x5b: {  	[tilespmem:s0+$0x7B90] =	vst v0  }
0x5c: {  	[tilespmem:s0+$0x7BA0] =	vst v0  }
.Ltmp0:
0x5d: {  	[tilespmem:s0+$0x7BB0] =	vst v0;
	(pc) =	sbr.rel @p1 .LBB2_2-.Ltmp0, $4  }
0x5e: {  	[tilespmem:s0+$0x7BC0] =	vst v0  }
0x5f: {  	[tilespmem:s0+$0x7BD0] =	vst v0  }
0x60: {  	[tilespmem:s0+$0x7BE0] =	vst v0  }
0x61: {  	[tilespmem:s0+$0x7BF0] =	vst v0;
	s0 =	sshra.s32 s1, $0x2;
	s1 =	sadd.s32 $0x200, s1  }
0x62: {  	[tilespmem:s0+$0x7C00] =	vst v0  }
0x63: {  	[tilespmem:s0+$0x7B90] =	vst v0  }
0x64: {  	[tilespmem:s0+$0x7BA0] =	vst v0  }
0x65: {  	[tilespmem:s0+$0x7BB0] =	vst v0  }
0x66: {  	[tilespmem:s0+$0x7BC0] =	vst v0  }
0x67: {  	[tilespmem:s0+$0x7BD0] =	vst v0  }
0x68: {  	[tilespmem:s0+$0x7BE0] =	vst v0;
	s14 =	rddreg [dreg:$0x1c]  }
0x69: {  	[tilespmem:s0+$0x7BF0] =	vst v0;
	s1 =	sld [smem:$0x7F8]  }
0x6a: {  	[spmem:s14] =	stream.linear.scatter [tilespmem:s29], [sflag:$0x10], $0x2800, $0x38;
	[tilespmem:$0x1DC80] =	vst v63  }
0x6b: {  	s14 =	sld [smem:$0x7F9]  }
0x6c: {  	[spmem:s1] =	stream.linear.scatter [tilespmem:s29], [sflag:$0x10], $0x2800, $0x38;
	[tilespmem:$0x1DC80] =	vst v63  }
0x6d: {  	s1 =	rddreg [dreg:$0x1d]  }
0x6e: {  	[spmem:s14] =	stream.linear.scatter [tilespmem:s29], [sflag:$0x10], $0x2800, $0x38;
	[tilespmem:$0x1DC80] =	vst v63  }
0x6f: {  	s14 =	sld [smem:$0x7FA]  }
0x70: {  	[spmem:s1] =	stream.linear.scatter [tilespmem:s29], [sflag:$0x10], $0x2800, $0x38;
	[tilespmem:$0x1DC80] =	vst v63  }
0x71: {  	s1 =	sld [smem:$0x7FB]  }
0x72: {  	[spmem:s14] =	stream.linear.scatter [tilespmem:s29], [sflag:$0x10], $0x2800, $0x38;
	[tilespmem:$0x1DC80] =	vst v63  }
0x73: {  	s14 =	rddreg [dreg:$0x1e]  }
0x74: {  	[spmem:s1] =	stream.linear.scatter [tilespmem:s29], [sflag:$0x10], $0x2800, $0x38;
	[tilespmem:$0x1DC80] =	vst v63  }
0x75: {  	s1 =	sld [smem:$0x7FC]  }
0x76: {  	[spmem:s14] =	stream.linear.scatter [tilespmem:s29], [sflag:$0x10], $0x2800, $0x38;
	[tilespmem:$0x1DC80] =	vst v63  }
0x77: {  	_ = 	snop  }
0x78: {  	[spmem:s1] =	stream.linear.scatter [tilespmem:s29], [sflag:$0x10], $0x2000, $0x38;
	[tilespmem:$0x1DC80] =	vst v63  }
0x79: {  	s0 =	simm.s32 @!p0 $0x7C00  }
0x7a: {  	[spmem:s10] =	stream.linear.scatter @!p0 [tilespmem:s0], [sflag:$0x11], $0x800, $0x38;
	[tilespmem:$0x1DC80] =	vst v63  }
0x7b: {  	s0 =	simm.s32 @!p0 $0x11  }
0x7c: {  	_ =	swait.ge @!p0 [sflag:s0], $0x800  }
0x7d: {  	[sflag:s0] =	ssyncset.done @!p0 $0x0  }
0x7e: {  	[sflag:s0] =	ssyncadd.s32 @!p0 $0xFFFFF800  }
0x7f: {  	_ =	swait.ge [sflag:s17], $0x2800  }
0x80: {  	[sflag:s17] =	ssyncset.done $0x0  }
0x81: {  	[sflag:s17] =	ssyncadd.s32 $0xFFFFD800  }
0x82: {  	_ =	swait.ge [sflag:s17], $0x2800  }
0x83: {  	[sflag:s17] =	ssyncset.done $0x0  }
0x84: {  	[sflag:s17] =	ssyncadd.s32 $0xFFFFD800  }
0x85: {  	_ =	swait.ge [sflag:s17], $0x2800  }
0x86: {  	[sflag:s17] =	ssyncset.done $0x0  }
0x87: {  	[sflag:s17] =	ssyncadd.s32 $0xFFFFD800  }
0x88: {  	_ =	swait.ge [sflag:s17], $0x2800  }
0x89: {  	[sflag:s17] =	ssyncset.done $0x0  }
0x8a: {  	[sflag:s17] =	ssyncadd.s32 $0xFFFFD800  }
0x8b: {  	_ =	swait.ge [sflag:s17], $0x2800  }
0x8c: {  	[sflag:s17] =	ssyncset.done $0x0  }
0x8d: {  	[sflag:s17] =	ssyncadd.s32 $0xFFFFD800  }
0x8e: {  	_ =	swait.ge [sflag:s17], $0x2800  }
0x8f: {  	[sflag:s17] =	ssyncset.done $0x0  }
0x90: {  	[sflag:s17] =	ssyncadd.s32 $0xFFFFD800  }
0x91: {  	_ =	swait.ge [sflag:s17], $0x2800  }
0x92: {  	[sflag:s17] =	ssyncset.done $0x0  }
0x93: {  	[sflag:s17] =	ssyncadd.s32 $0xFFFFD800  }
0x94: {  	_ =	swait.ge [sflag:s17], $0x2000  }
0x95: {  	[sflag:s17] =	ssyncset.done $0x0  }
0x96: {  	[sflag:s17] =	ssyncadd.s32 $0xFFFFE000  }
0x97: {  	_ =	swait.ge [sflag:s11], $0x50  }
0x98: {  	[sflag:s11] =	ssyncset.done $0x0  }
0x99: {  	s0 =	simm.s32 $0x0;
	[sflag:s11] =	ssyncadd.s32 $0xFFFFFFB0  }
0x9a: {  	[tilespmem:s30], [sflag:$0x9] =	stream.indirect.gather [hbm4b:s18+s9], $0x80, s0, s9, $0xb8;
	[tilespmem:$0x1DC80] =	vst v63  }
0x9b: {  	_ =	swait.ge [sflag:s15], $0x50  }
0x9c: {  	[sflag:s15] =	ssyncset.done $0x0  }
0x9d: {  	s1 =	sld [smem:$0x7E3];
	[sflag:s15] =	ssyncadd.s32 $0xFFFFFFB0  }
0x9e: {  	[tilespmem:s6], [sflag:$0xA] =	stream.indirect.gather [hbm4b:s18+s9], $0x80, s12, s9, $0xb8;
	[tilespmem:$0x1DC80] =	vst v63  }
0x9f: {  	s10 =	sld [smem:$0x7E5]  }
0xa0: {  	[tilespmem:s19], [sflag:$0x3] =	stream.linear.gather [hbm4b:s1+s0], $0x50, $0x38;
	[tilespmem:$0x1DC80] =	vst v63  }
0xa1: {  	_ = 	snop  }
0xa2: {  	[tilespmem:s20], [sflag:$0x4] =	stream.linear.gather [hbm4b:s10+s0], $0x50, $0x38;
	[tilespmem:$0x1DC80] =	vst v63  }
0xa3: {  	[bflag:$0x0] =	sbarrier.arrive $0xFFFF  }
0xa4: {  	_ =	swait.ge [sflag:s5], $0x2800  }
0xa5: {  	s14 =	sld [smem:$0x7E4]  }
0xa6: {  	[sflag:s5] =	ssyncset.done $0x0  }
0xa7: {  	[sflag:s5] =	ssyncadd.s32 $0xFFFFD800  }
0xa8: {  	[tilespmem:s22], [sflag:$0x7] =	stream.linear.gather [hbm4b:s14+s0], $0x50, $0x38;
	[tilespmem:$0x1DC80] =	vst v63  }
0xa9: {  	_ =	swait.ge [sflag:s24], $0x50  }
0xaa: {  	[sflag:s24] =	ssyncset.done $0x0  }
0xab: {  	s10 =	sld [smem:$0x7E7];
	[sflag:s24] =	ssyncadd.s32 $0xFFFFFFB0  }
0xac: {  	[tilespmem:s2], [sflag:$0xB] =	stream.indirect.gather [hbm4b:s18+s9], $0x80, s19, s9, $0xb8;
	[tilespmem:$0x1DC80] =	vst v63  }
0xad: {  	_ = 	snop  }
0xae: {  	[tilespmem:s0], [sflag:$0x1] =	stream.linear.gather [hbm4b:s10+s0], $0x50, $0x38;
	[tilespmem:$0x1DC80] =	vst v63  }
0xaf: {  	_ =	swait.ge [sflag:s7], $0x50  }
0xb0: {  	[sflag:s7] =	ssyncset.done $0x0  }
0xb1: {  	[sflag:s7] =	ssyncadd.s32 $0xFFFFFFB0  }
0xb2: {  	[spmem:s13] =	stream.indirect.scatter.add.f32 [tilespmem:s30], [sflag:$0xD], $0x80, s4, s9, $0xb8;
	[tilespmem:$0x1DC80] =	vst v63  }
0xb3: {  	_ =	swait.ge [sflag:s26], $0x2800  }
0xb4: {  	s14 =	sld [smem:$0x7E6]  }
0xb5: {  	[sflag:s26] =	ssyncset.done $0x0  }
0xb6: {  	[sflag:s26] =	ssyncadd.s32 $0xFFFFD800  }
0xb7: {  	[tilespmem:s21], [sflag:$0x8] =	stream.linear.gather [hbm4b:s14+s0], $0x50, $0x38;
	[tilespmem:$0x1DC80] =	vst v63  }
0xb8: {  	_ =	swait.ge [sflag:s23], $0x50  }
0xb9: {  	[sflag:s23] =	ssyncset.done $0x0  }
0xba: {  	s21 =	sld [smem:$0x7E8];
	[sflag:s23] =	ssyncadd.s32 $0xFFFFFFB0  }
0xbb: {  	[tilespmem:s29], [sflag:$0xC] =	stream.indirect.gather [hbm4b:s18+s9], $0x80, s20, s9, $0xb8;
	[tilespmem:$0x1DC80] =	vst v63  }
0xbc: {  	s14 =	simm.s32 $0x6  }
0xbd: {  	[tilespmem:s12], [sflag:$0x2] =	stream.linear.gather [hbm4b:s21+s0], $0x50, $0x38;
	[tilespmem:$0x1DC80] =	vst v63  }
0xbe: {  	_ =	swait.ge [sflag:s14], $0x50  }
0xbf: {  	[sflag:s14] =	ssyncset.done $0x0  }
0xc0: {  	s10 =	simm.s32 $0xB;
	[sflag:s14] =	ssyncadd.s32 $0xFFFFFFB0  }
0xc1: {  	[spmem:s13] =	stream.indirect.scatter.add.f32 [tilespmem:s6], [sflag:$0xE], $0x80, s28, s9, $0xb8;
	[tilespmem:$0x1DC80] =	vst v63  }
0xc2: {  	_ =	swait.ge [sflag:s10], $0x2800  }
0xc3: {  	[sflag:s10] =	ssyncset.done $0x0  }
0xc4: {  	[sflag:s10] =	ssyncadd.s32 $0xFFFFD800  }
0xc5: {  	_ =	swait.ge [sflag:s8], $0x2800  }
0xc6: {  	s10 =	sld [smem:$0x7EC];
	_ =	sdelay $0x2  }
0xc7: {  	[sflag:s8] =	ssyncset.done $0x0;
	s21 =	sshrl.u32 s10, $0x3  }
0xc8: {  	[sflag:s8] =	ssyncadd.s32 $0xFFFFD800;
	s0 =	sadd.s32 s31, s21  }
0xc9: {  	[tilespmem:s4], [sflag:$0x5] =	stream.linear.gather [hbm4b:s0+s3], $0x50, $0x38;
	[tilespmem:$0x1DC80] =	vst v63  }
0xca: {  	_ =	swait.ge [sflag:s11], $0x50  }
0xcb: {  	[sflag:s11] =	ssyncset.done $0x0  }
0xcc: {  	s8 =	rddreg [dreg:$0x8];
	[sflag:s11] =	ssyncadd.s32 $0xFFFFFFB0  }
0xcd: {  	[tilespmem:s30], [sflag:$0x9] =	stream.indirect.gather [hbm4b:s18+s9], $0x80, s3, s9, $0xb8;
	[tilespmem:$0x1DC80] =	vst v63  }
0xce: {  	s31 =	simm.s32 $0x7;
	s0 =	sadd.s32 $0x0, s8  }
0xcf: {  	[tilespmem:s19], [sflag:$0x3] =	stream.linear.gather [hbm4b:s0+s3], $0x50, $0x38;
	[tilespmem:$0x1DC80] =	vst v63  }
0xd0: {  	_ =	swait.ge [sflag:s31], $0x50  }
0xd1: {  	[sflag:s31] =	ssyncset.done $0x0  }
0xd2: {  	s21 =	simm.s32 $0xC;
	[sflag:s31] =	ssyncadd.s32 $0xFFFFFFB0  }
0xd3: {  	[spmem:s13] =	stream.indirect.scatter.add.f32 [tilespmem:s2], [sflag:$0xF], $0x80, s22, s9, $0xb8;
	[tilespmem:$0x1DC80] =	vst v63  }
0xd4: {  	_ =	swait.ge [sflag:s21], $0x2800  }
0xd5: {  	[sflag:s21] =	ssyncset.done $0x0  }
0xd6: {  	s0 =	simm.s32 $0xE;
	[sflag:s21] =	ssyncadd.s32 $0xFFFFD800  }
0xd7: {  	_ =	swait.ge [sflag:s0], $0x2800  }
0xd8: {  	s8 =	rddreg [dreg:$0xa];
	[sflag:s0] =	ssyncset.done $0x0  }
0xd9: {  	[sflag:s0] =	ssyncadd.s32 $0xFFFFD800;
	s0 =	sadd.s32 $0x0, s8  }
0xda: {  	[tilespmem:s28], [sflag:$0x6] =	stream.linear.gather [hbm4b:s0+s3], $0x50, $0x38;
	[tilespmem:$0x1DC80] =	vst v63  }
0xdb: {  	_ =	swait.ge [sflag:s15], $0x50  }
0xdc: {  	[sflag:s15] =	ssyncset.done $0x0  }
0xdd: {  	s11 =	rddreg [dreg:$0x6];
	[sflag:s15] =	ssyncadd.s32 $0xFFFFFFB0  }
0xde: {  	[tilespmem:s6], [sflag:$0xA] =	stream.indirect.gather [hbm4b:s18+s9], $0x80, s12, s9, $0xb8;
	[tilespmem:$0x1DC80] =	vst v63  }
0xdf: {  	s0 =	sadd.s32 $0x0, s11  }
0xe0: {  	[tilespmem:s20], [sflag:$0x4] =	stream.linear.gather [hbm4b:s0+s3], $0x50, $0x38;
	[tilespmem:$0x1DC80] =	vst v63  }
0xe1: {  	_ =	swait.ge [sflag:s16], $0x50  }
0xe2: {  	[sflag:s16] =	ssyncset.done $0x0  }
0xe3: {  	s1 =	simm.s32 $0x380;
	[sflag:s16] =	ssyncadd.s32 $0xFFFFFFB0  }
0xe4: {  	[spmem:s13] =	stream.indirect.scatter.add.f32 [tilespmem:s29], [sflag:$0x10], $0x80, s1, s9, $0xb8;
	[tilespmem:$0x1DC80] =	vst v63  }
0xe5: {  	_ =	swait.ge [sflag:s5], $0x2800  }
0xe6: {  	[sflag:s5] =	ssyncset.done $0x0  }
0xe7: {  	[sflag:s5] =	ssyncadd.s32 $0xFFFFD800  }
0xe8: {  	_ =	swait.ge [sflag:s25], $0x2800  }
0xe9: {  	s12 =	rddreg [dreg:$0x7];
	[sflag:s25] =	ssyncset.done $0x0  }
0xea: {  	[sflag:s25] =	ssyncadd.s32 $0xFFFFD800;
	s0 =	sadd.s32 $0x0, s12  }
0xeb: {  	[tilespmem:s22], [sflag:$0x7] =	stream.linear.gather [hbm4b:s0+s3], $0x50, $0x38;
	[tilespmem:$0x1DC80] =	vst v63  }
0xec: {  	_ =	swait.ge [sflag:s24], $0x50  }
0xed: {  	[sflag:s24] =	ssyncset.done $0x0  }
0xee: {  	s15 =	rddreg [dreg:$0x9];
	[sflag:s24] =	ssyncadd.s32 $0xFFFFFFB0  }
0xef: {  	[tilespmem:s2], [sflag:$0xB] =	stream.indirect.gather [hbm4b:s18+s9], $0x80, s19, s9, $0xb8;
	[tilespmem:$0x1DC80] =	vst v63  }
0xf0: {  	s0 =	sadd.s32 $0x0, s15  }
0xf1: {  	[tilespmem:s3], [sflag:$0x1] =	stream.linear.gather [hbm4b:s0+s3], $0x50, $0x38;
	[tilespmem:$0x1DC80] =	vst v63  }
0xf2: {  	_ =	swait.ge [sflag:s7], $0x50  }
0xf3: {  	[sflag:s7] =	ssyncset.done $0x0  }
0xf4: {  	[sflag:s7] =	ssyncadd.s32 $0xFFFFFFB0  }
0xf5: {  	[spmem:s13] =	stream.indirect.scatter.add.f32 [tilespmem:s30], [sflag:$0xD], $0x80, s4, s9, $0xb8;
	[tilespmem:$0x1DC80] =	vst v63  }
0xf6: {  	_ =	swait.ge [sflag:s26], $0x2800  }
0xf7: {  	[sflag:s26] =	ssyncset.done $0x0  }
0xf8: {  	[sflag:s26] =	ssyncadd.s32 $0xFFFFD800  }
0xf9: {  	s28 =	simm.s32 $0x5;
	s11 =	simm.s32 $0x1;
	_ =	swait.ge [sflag:s17], $0x2800  }
0xfa: {  	s5 =	simm.s32 $0x9;
	s21 =	rddreg [dreg:$0x5];
	[sflag:s17] =	ssyncset.done $0x0  }
0xfb: {  	s15 =	simm.s32 $0x2;
	[sflag:s17] =	ssyncadd.s32 $0xFFFFD800;
	s0 =	sadd.s32 $0x0, s21  }
0xfc: {  	[tilespmem:s1], [sflag:$0x8] =	stream.linear.gather [hbm4b:s0+s3], $0x50, $0x38;
	[tilespmem:$0x1DC80] =	vst v63  }
0xfd: {  	s2 =	smov.u32 s13;
	s7 =	simm.s32 $0x4;
	_ =	swait.ge [sflag:s23], $0x50  }
0xfe: {  	s30 =	smov.u32 s10;
	[sflag:s23] =	ssyncset.done $0x0;
	s24 =	sld [smem:$0x7ED]  }
0xff: {  	s10 =	simm.s32 $0x6;
	s22 =	rddreg [dreg:$0x4];
	[sflag:s23] =	ssyncadd.s32 $0xFFFFFFB0  }
0x100: {  	[tilespmem:s29], [sflag:$0xC] =	stream.indirect.gather [hbm4b:s18+s9], $0x80, s20, s9, $0xb8;
	[tilespmem:$0x1DC80] =	vst v63  }
0x101: {  	s26 =	simm.s32 $0x3;
	s1 =	rddreg [dreg:$0xb];
	p1 =	sge.u32 s24, s22  }
0x102: {  	s0 =	sadd.s32 @!p1 $0x0, s1;
	s1 =	simm.s32 @!p1 $0x0;
	s4 =	simm.s32 @!p1 $0x80  }
0x103: {  	[tilespmem:s4], [sflag:$0x2] =	stream.linear.gather @!p1 [hbm4b:s0+s1], $0x50, $0x38;
	[tilespmem:$0x1DC80] =	vst v63  }
0x104: {  	s23 =	simm.s32 $0xA;
	s29 =	simm.s32 $0xD;
	_ =	swait.ge [sflag:s14], $0x50  }
0x105: {  	s4 =	simm.s32 $0x28;
	s0 =	smov.u32 s24;
	[sflag:s14] =	ssyncset.done $0x0  }
.LBB2_4:
0x106: {  	[sflag:s10] =	ssyncadd.s32 $0xFFFFFFB0  }
0x107: {  	s6 =	simm.s32 $0x2C00;
	s19 =	simm.s32 $0x280;
	s8 =	simm.s32 $0xB  }
0x108: {  	[spmem:s2] =	stream.indirect.scatter.add.f32 [tilespmem:s6], [sflag:$0xE], $0x80, s19, s9, $0xb8;
	[tilespmem:$0x1DC80] =	vst v63  }
0x109: {  	_ =	swait.ge [sflag:s8], $0x2800  }
0x10a: {  	[sflag:s8] =	ssyncset.done $0x0  }
0x10b: {  	[sflag:s8] =	ssyncadd.s32 $0xFFFFD800  }
0x10c: {  	s30 =	sadd.s32 $0x140, s30;
	_ =	swait.ge [sflag:s29], $0x2800  }
0x10d: {  	s8 =	sshrl.u32 s30, $0x3;
	[sflag:s29] =	ssyncset.done $0x0;
	s12 =	rddreg [dreg:$0xc]  }
0x10e: {  	s22 =	simm.s32 $0x200;
	[sflag:s29] =	ssyncadd.s32 $0xFFFFD800;
	s10 =	sadd.s32 s12, s8  }
0x10f: {  	[tilespmem:s22], [sflag:$0x5] =	stream.linear.gather [hbm4b:s10+s3], $0x50, $0x38;
	[tilespmem:$0x1DC80] =	vst v63  }
0x110: {  	_ =	swait.ge [sflag:s11], $0x50  }
0x111: {  	s1 =	smov.u32 s4;
	[sflag:s11] =	ssyncset.done $0x0  }
0x112: {  	s8 =	simm.s32 $0x400;
	s12 =	rddreg [dreg:$0x8];
	[sflag:s11] =	ssyncadd.s32 $0xFFFFFFB0  }
0x113: {  	[tilespmem:s8], [sflag:$0x9] =	stream.indirect.gather [hbm4b:s18+s9], $0x80, s3, s9, $0xb8;
	[tilespmem:$0x1DC80] =	vst v63  }
0x114: {  	s14 =	simm.s32 $0x100;
	s10 =	sadd.s32 s1, s12  }
0x115: {  	[tilespmem:s14], [sflag:$0x3] =	stream.linear.gather [hbm4b:s10+s3], $0x50, $0x38;
	[tilespmem:$0x1DC80] =	vst v63  }
0x116: {  	_ =	swait.ge [sflag:s31], $0x50  }
0x117: {  	s20 =	simm.s32 $0x300;
	[sflag:s31] =	ssyncset.done $0x0  }
0x118: {  	s17 =	simm.s32 $0x5400;
	s13 =	simm.s32 $0xC;
	[sflag:s31] =	ssyncadd.s32 $0xFFFFFFB0  }
0x119: {  	[spmem:s2] =	stream.indirect.scatter.add.f32 [tilespmem:s17], [sflag:$0xF], $0x80, s20, s9, $0xb8;
	[tilespmem:$0x1DC80] =	vst v63  }
0x11a: {  	_ =	swait.ge [sflag:s13], $0x2800  }
0x11b: {  	[sflag:s13] =	ssyncset.done $0x0  }
0x11c: {  	s21 =	simm.s32 $0xE;
	[sflag:s13] =	ssyncadd.s32 $0xFFFFD800  }
0x11d: {  	_ =	swait.ge [sflag:s21], $0x2800  }
0x11e: {  	s24 =	rddreg [dreg:$0xa];
	[sflag:s21] =	ssyncset.done $0x0  }
0x11f: {  	[sflag:s21] =	ssyncadd.s32 $0xFFFFD800;
	s10 =	sadd.s32 s1, s24  }
0x120: {  	[tilespmem:s19], [sflag:$0x6] =	stream.linear.gather [hbm4b:s10+s3], $0x50, $0x38;
	[tilespmem:$0x1DC80] =	vst v63  }
0x121: {  	_ =	swait.ge [sflag:s15], $0x50  }
0x122: {  	[sflag:s15] =	ssyncset.done $0x0  }
0x123: {  	s19 =	simm.s32 $0x80;
	s13 =	rddreg [dreg:$0x6];
	[sflag:s15] =	ssyncadd.s32 $0xFFFFFFB0  }
0x124: {  	[tilespmem:s6], [sflag:$0xA] =	stream.indirect.gather [hbm4b:s18+s9], $0x80, s19, s9, $0xb8;
	[tilespmem:$0x1DC80] =	vst v63  }
0x125: {  	s10 =	sadd.s32 s1, s13;
	s13 =	simm.s32 $0x180  }
0x126: {  	[tilespmem:s13], [sflag:$0x4] =	stream.linear.gather [hbm4b:s10+s3], $0x50, $0x38;
	[tilespmem:$0x1DC80] =	vst v63  }
0x127: {  	_ =	swait.ge [sflag:s16], $0x50  }
0x128: {  	[sflag:s16] =	ssyncset.done $0x0  }
0x129: {  	s12 =	simm.s32 $0x380;
	s19 =	simm.s32 $0x7C00;
	[sflag:s16] =	ssyncadd.s32 $0xFFFFFFB0  }
0x12a: {  	[spmem:s2] =	stream.indirect.scatter.add.f32 [tilespmem:s19], [sflag:$0x10], $0x80, s12, s9, $0xb8;
	[tilespmem:$0x1DC80] =	vst v63  }
0x12b: {  	_ =	swait.ge [sflag:s5], $0x2800  }
0x12c: {  	[sflag:s5] =	ssyncset.done $0x0  }
0x12d: {  	[sflag:s5] =	ssyncadd.s32 $0xFFFFD800  }
0x12e: {  	_ =	swait.ge [sflag:s25], $0x2800  }
0x12f: {  	s6 =	rddreg [dreg:$0x7];
	[sflag:s25] =	ssyncset.done $0x0  }
0x130: {  	[sflag:s25] =	ssyncadd.s32 $0xFFFFD800;
	s10 =	sadd.s32 s1, s6  }
0x131: {  	[tilespmem:s20], [sflag:$0x7] =	stream.linear.gather [hbm4b:s10+s3], $0x50, $0x38;
	[tilespmem:$0x1DC80] =	vst v63  }
0x132: {  	_ =	swait.ge [sflag:s26], $0x50  }
0x133: {  	[sflag:s26] =	ssyncset.done $0x0  }
0x134: {  	s10 =	rddreg [dreg:$0x9];
	[sflag:s26] =	ssyncadd.s32 $0xFFFFFFB0  }
0x135: {  	[tilespmem:s17], [sflag:$0xB] =	stream.indirect.gather [hbm4b:s18+s9], $0x80, s14, s9, $0xb8;
	[tilespmem:$0x1DC80] =	vst v63  }
0x136: {  	s10 =	sadd.s32 s1, s10  }
0x137: {  	[tilespmem:s3], [sflag:$0x1] =	stream.linear.gather [hbm4b:s10+s3], $0x50, $0x38;
	[tilespmem:$0x1DC80] =	vst v63  }
0x138: {  	_ =	swait.ge [sflag:s28], $0x50  }
0x139: {  	[sflag:s28] =	ssyncset.done $0x0  }
0x13a: {  	[sflag:s28] =	ssyncadd.s32 $0xFFFFFFB0  }
0x13b: {  	[spmem:s2] =	stream.indirect.scatter.add.f32 [tilespmem:s8], [sflag:$0xD], $0x80, s22, s9, $0xb8;
	[tilespmem:$0x1DC80] =	vst v63  }
0x13c: {  	_ =	swait.ge [sflag:s23], $0x2800  }
0x13d: {  	[sflag:s23] =	ssyncset.done $0x0  }
0x13e: {  	s10 =	simm.s32 $0x10;
	[sflag:s23] =	ssyncadd.s32 $0xFFFFD800  }
0x13f: {  	_ =	swait.ge [sflag:s10], $0x2800  }
0x140: {  	s14 =	rddreg [dreg:$0x5];
	[sflag:s10] =	ssyncset.done $0x0  }
0x141: {  	[sflag:s10] =	ssyncadd.s32 $0xFFFFD800;
	s10 =	sadd.s32 s1, s14  }
0x142: {  	[tilespmem:s12], [sflag:$0x8] =	stream.linear.gather [hbm4b:s10+s3], $0x50, $0x38;
	[tilespmem:$0x1DC80] =	vst v63  }
0x143: {  	s0 =	sadd.s32 $0x4, s0;
	_ =	swait.ge [sflag:s7], $0x50  }
0x144: {  	s4 =	sadd.s32 $0x28, s4;
	[sflag:s7] =	ssyncset.done $0x0;
	s17 =	rddreg [dreg:$0x4]  }
0x145: {  	s12 =	rddreg [dreg:$0xb];
	[sflag:s7] =	ssyncadd.s32 $0xFFFFFFB0;
	p2 =	sge.u32 s0, s17  }
0x146: {  	[tilespmem:s19], [sflag:$0xC] =	stream.indirect.gather [hbm4b:s18+s9], $0x80, s13, s9, $0xb8;
	[tilespmem:$0x1DC80] =	vst v63  }
0x147: {  	p1 =	sne.s32 s4, $0x4B0;
	s1 =	sadd.s32 @!p2 s1, s12  }
.Ltmp1:
0x148: {  	s10 =	simm.s32 @!p2 $0x0;
	s12 =	simm.s32 @!p2 $0x80;
	(pc) =	sbr.rel @p1 .LBB2_4-.Ltmp1, $4  }
0x149: {  	[tilespmem:s12], [sflag:$0x2] =	stream.linear.gather @!p2 [hbm4b:s1+s10], $0x50, $0x38;
	[tilespmem:$0x1DC80] =	vst v63  }
0x14a: {  	s21 =	simm.s32 $0x280;
	s24 =	simm.s32 $0x2C00;
	s10 =	simm.s32 $0x6  }
0x14b: {  	s6 =	simm.s32 $0x300;
	s20 =	simm.s32 $0x5400;
	_ =	swait.ge [sflag:s10], $0x50  }
0x14c: {  	s22 =	simm.s32 $0x380;
	s8 =	simm.s32 $0x7C00;
	[sflag:s10] =	ssyncset.done $0x0  }
0x14d: {  	[sflag:s10] =	ssyncadd.s32 $0xFFFFFFB0;
	s0 =	simm.s32 $0xB  }
0x14e: {  	[spmem:s2] =	stream.indirect.scatter.add.f32 [tilespmem:s24], [sflag:$0xE], $0x80, s21, s9, $0xb8;
	[tilespmem:$0x1DC80] =	vst v63  }
0x14f: {  	_ =	swait.ge [sflag:s0], $0x2800  }
0x150: {  	[sflag:s0] =	ssyncset.done $0x0  }
0x151: {  	[sflag:s0] =	ssyncadd.s32 $0xFFFFD800  }
0x152: {  	_ =	swait.ge [sflag:s29], $0x2800  }
0x153: {  	s15 =	sld [smem:$0x7E9]  }
0x154: {  	[sflag:s29] =	ssyncset.done $0x0  }
0x155: {  	s1 =	simm.s32 $0x200;
	[sflag:s29] =	ssyncadd.s32 $0xFFFFD800  }
0x156: {  	[tilespmem:s1], [sflag:$0x5] =	stream.linear.gather [hbm4b:s15+s3], $0x50, $0x38;
	[tilespmem:$0x1DC80] =	vst v63  }
0x157: {  	_ =	swait.ge [sflag:s11], $0x50  }
0x158: {  	[sflag:s11] =	ssyncset.done $0x0  }
0x159: {  	s17 =	simm.s32 $0x400;
	[sflag:s11] =	ssyncadd.s32 $0xFFFFFFB0  }
0x15a: {  	[tilespmem:s17], [sflag:$0x9] =	stream.indirect.gather [hbm4b:s18+s9], $0x80, s3, s9, $0xb8;
	[tilespmem:$0x1DC80] =	vst v63  }
0x15b: {  	_ =	swait.ge [sflag:s31], $0x50  }
0x15c: {  	[sflag:s31] =	ssyncset.done $0x0  }
0x15d: {  	s4 =	simm.s32 $0xC;
	[sflag:s31] =	ssyncadd.s32 $0xFFFFFFB0  }
0x15e: {  	[spmem:s2] =	stream.indirect.scatter.add.f32 [tilespmem:s20], [sflag:$0xF], $0x80, s6, s9, $0xb8;
	[tilespmem:$0x1DC80] =	vst v63  }
0x15f: {  	_ =	swait.ge [sflag:s4], $0x2800  }
0x160: {  	[sflag:s4] =	ssyncset.done $0x0  }
0x161: {  	s19 =	simm.s32 $0xE;
	[sflag:s4] =	ssyncadd.s32 $0xFFFFD800  }
0x162: {  	_ =	swait.ge [sflag:s19], $0x2800  }
0x163: {  	[sflag:s19] =	ssyncset.done $0x0  }
0x164: {  	[sflag:s19] =	ssyncadd.s32 $0xFFFFD800  }
0x165: {  	_ =	swait.ge [sflag:s16], $0x50  }
0x166: {  	[sflag:s16] =	ssyncset.done $0x0  }
0x167: {  	[sflag:s16] =	ssyncadd.s32 $0xFFFFFFB0  }
0x168: {  	[spmem:s2] =	stream.indirect.scatter.add.f32 [tilespmem:s8], [sflag:$0x10], $0x80, s22, s9, $0xb8;
	[tilespmem:$0x1DC80] =	vst v63  }
0x169: {  	_ =	swait.ge [sflag:s5], $0x2800  }
0x16a: {  	[sflag:s5] =	ssyncset.done $0x0  }
0x16b: {  	[sflag:s5] =	ssyncadd.s32 $0xFFFFD800  }
0x16c: {  	_ =	swait.ge [sflag:s25], $0x2800  }
0x16d: {  	[sflag:s25] =	ssyncset.done $0x0  }
0x16e: {  	[sflag:s25] =	ssyncadd.s32 $0xFFFFD800  }
0x16f: {  	_ =	swait.ge [sflag:s28], $0x50  }
0x170: {  	[sflag:s28] =	ssyncset.done $0x0  }
0x171: {  	s20 =	simm.s32 $0x10;
	[sflag:s28] =	ssyncadd.s32 $0xFFFFFFB0  }
0x172: {  	[spmem:s2] =	stream.indirect.scatter.add.f32 [tilespmem:s17], [sflag:$0xD], $0x80, s1, s9, $0xb8;
	[tilespmem:$0x1DC80] =	vst v63  }
0x173: {  	_ =	swait.ge [sflag:s20], $0x2800  }
0x174: {  	[sflag:s20] =	ssyncset.done $0x0  }
0x175: {  	[sflag:s20] =	ssyncadd.s32 $0xFFFFD800  }
0x176: {  	_ =	swait.ge [sflag:s29], $0x2800  }
0x177: {  	[sflag:s29] =	ssyncset.done $0x0  }
0x178: {  	[sflag:s29] =	ssyncadd.s32 $0xFFFFD800  }
0x179: {  	s21 =	stileid.u32;
	[bflag:$0x0] =	sbarrier.arrive $0xFFFF  }
0x17a: {  	s0 =	sshll.u32 s21, $0x6;
	s22 =	rddreg [dreg:$0x1c]  }
0x17b: {  	s0 =	sor.u32 $0x1C10, s0;
	s23 =	rddreg [dreg:$0xd];
	s1 =	sshrl.u32 s22, $0x3  }
0x17c: {  	[hbm:s23], [sflag:s0] =	dma.local [spmem:s1], $0x300  }
0x17d: {  	s4 =	sld [smem:$0x7EE];
	_ =	sdelay $0x1  }
0x17e: {  	s1 =	rddreg [dreg:$0xe]  }
0x17f: {  	[hbm:s1], [sflag:s0] =	dma.local [spmem:s4], $0x300  }
0x180: {  	s4 =	sld [smem:$0x7EF];
	_ =	sdelay $0x1  }
0x181: {  	s1 =	rddreg [dreg:$0xf]  }
0x182: {  	[hbm:s1], [sflag:s0] =	dma.local [spmem:s4], $0x300  }
0x183: {  	s4 =	sld [smem:$0x7F0];
	_ =	sdelay $0x1  }
0x184: {  	s1 =	rddreg [dreg:$0x10]  }
0x185: {  	[hbm:s1], [sflag:s0] =	dma.local [spmem:s4], $0x300  }
0x186: {  	s4 =	sld [smem:$0x7F1];
	_ =	sdelay $0x1  }
0x187: {  	s1 =	rddreg [dreg:$0x11]  }
0x188: {  	[hbm:s1], [sflag:s0] =	dma.local [spmem:s4], $0x300  }
0x189: {  	s1 =	rddreg [dreg:$0x1d]  }
0x18a: {  	s4 =	rddreg [dreg:$0x12];
	s1 =	sshrl.u32 s1, $0x3  }
0x18b: {  	[hbm:s4], [sflag:s0] =	dma.local [spmem:s1], $0x300  }
0x18c: {  	s4 =	sld [smem:$0x7F2];
	_ =	sdelay $0x1  }
0x18d: {  	s1 =	rddreg [dreg:$0x13]  }
0x18e: {  	[hbm:s1], [sflag:s0] =	dma.local [spmem:s4], $0x300  }
0x18f: {  	s4 =	sld [smem:$0x7F3];
	_ =	sdelay $0x1  }
0x190: {  	s1 =	rddreg [dreg:$0x14]  }
0x191: {  	[hbm:s1], [sflag:s0] =	dma.local [spmem:s4], $0x300  }
0x192: {  	s4 =	sld [smem:$0x7F4];
	_ =	sdelay $0x1  }
0x193: {  	s1 =	rddreg [dreg:$0x15]  }
0x194: {  	[hbm:s1], [sflag:s0] =	dma.local [spmem:s4], $0x300  }
0x195: {  	s4 =	sld [smem:$0x7F5];
	_ =	sdelay $0x1  }
0x196: {  	s1 =	rddreg [dreg:$0x16]  }
0x197: {  	[hbm:s1], [sflag:s0] =	dma.local [spmem:s4], $0x300  }
0x198: {  	s1 =	rddreg [dreg:$0x1e]  }
0x199: {  	s4 =	rddreg [dreg:$0x17];
	s1 =	sshrl.u32 s1, $0x3  }
0x19a: {  	[hbm:s4], [sflag:s0] =	dma.local [spmem:s1], $0x300  }
0x19b: {  	s4 =	sld [smem:$0x7F6];
	_ =	sdelay $0x1  }
0x19c: {  	s1 =	rddreg [dreg:$0x18]  }
0x19d: {  	[hbm:s1], [sflag:s0] =	dma.local [spmem:s4], $0x300  }
0x19e: {  	s4 =	sld [smem:$0x7F7];
	_ =	sdelay $0x1  }
0x19f: {  	s1 =	rddreg [dreg:$0x19]  }
0x1a0: {  	[hbm:s1], [sflag:s0] =	dma.local [spmem:s4], $0x300  }
0x1a1: {  	s10 =	sld [smem:$0x7FD]  }
0x1a2: {  	s4 =	sld [smem:$0x7EA];
	_ =	sdelay $0x1  }
0x1a3: {  	s1 =	simm.s32 @!p0 $0x1FD1;
	s0 =	sshrl.u32 @!p0 s10, $0x3  }
0x1a4: {  	[hbm:s4], [sflag:s1] =	dma.local @!p0 [spmem:s0], $0x100  }
0x1a5: {  	s0 =	simm.s32 @!p0 $0x11  }
0x1a6: {  	_ =	swait.ge @!p0 [sflag:s0], $0x100  }
0x1a7: {  	[sflag:s0] =	ssyncset.done @!p0 $0x0  }
0x1a8: {  	[sflag:s0] =	ssyncadd.s32 @!p0 $0xFFFFFF00  }
0x1a9: {  	_ =	swait.ge [sflag:s20], $0x300  }
0x1aa: {  	[sflag:s20] =	ssyncset.done $0x0  }
0x1ab: {  	[sflag:s20] =	ssyncadd.s32 $0xFFFFFD00  }
0x1ac: {  	_ =	swait.ge [sflag:s20], $0x300  }
0x1ad: {  	[sflag:s20] =	ssyncset.done $0x0  }
0x1ae: {  	[sflag:s20] =	ssyncadd.s32 $0xFFFFFD00  }
0x1af: {  	_ =	swait.ge [sflag:s20], $0x300  }
0x1b0: {  	[sflag:s20] =	ssyncset.done $0x0  }
0x1b1: {  	[sflag:s20] =	ssyncadd.s32 $0xFFFFFD00  }
0x1b2: {  	_ =	swait.ge [sflag:s20], $0x300  }
0x1b3: {  	[sflag:s20] =	ssyncset.done $0x0  }
0x1b4: {  	[sflag:s20] =	ssyncadd.s32 $0xFFFFFD00  }
0x1b5: {  	_ =	swait.ge [sflag:s20], $0x300  }
0x1b6: {  	[sflag:s20] =	ssyncset.done $0x0  }
0x1b7: {  	[sflag:s20] =	ssyncadd.s32 $0xFFFFFD00  }
0x1b8: {  	_ =	swait.ge [sflag:s20], $0x300  }
0x1b9: {  	[sflag:s20] =	ssyncset.done $0x0  }
0x1ba: {  	[sflag:s20] =	ssyncadd.s32 $0xFFFFFD00  }
0x1bb: {  	_ =	swait.ge [sflag:s20], $0x300  }
0x1bc: {  	[sflag:s20] =	ssyncset.done $0x0  }
0x1bd: {  	[sflag:s20] =	ssyncadd.s32 $0xFFFFFD00  }
0x1be: {  	_ =	swait.ge [sflag:s20], $0x300  }
0x1bf: {  	[sflag:s20] =	ssyncset.done $0x0  }
0x1c0: {  	[sflag:s20] =	ssyncadd.s32 $0xFFFFFD00  }
0x1c1: {  	_ =	swait.ge [sflag:s20], $0x300  }
0x1c2: {  	[sflag:s20] =	ssyncset.done $0x0  }
0x1c3: {  	[sflag:s20] =	ssyncadd.s32 $0xFFFFFD00  }
0x1c4: {  	_ =	swait.ge [sflag:s20], $0x300  }
0x1c5: {  	[sflag:s20] =	ssyncset.done $0x0  }
0x1c6: {  	[sflag:s20] =	ssyncadd.s32 $0xFFFFFD00  }
0x1c7: {  	_ =	swait.ge [sflag:s20], $0x300  }
0x1c8: {  	[sflag:s20] =	ssyncset.done $0x0  }
0x1c9: {  	[sflag:s20] =	ssyncadd.s32 $0xFFFFFD00  }
0x1ca: {  	_ =	swait.ge [sflag:s20], $0x300  }
0x1cb: {  	[sflag:s20] =	ssyncset.done $0x0  }
0x1cc: {  	[sflag:s20] =	ssyncadd.s32 $0xFFFFFD00  }
0x1cd: {  	_ =	swait.ge [sflag:s20], $0x300  }
0x1ce: {  	s12 =	simm.s32 $0x80;
	s24 =	sld [smem:$0x7E1]  }
0x1cf: {  	s30 =	simm.s32 $0x400;
	s13 =	smov.u32 s2;
	s26 =	sld [smem:$0x7EB]  }
0x1d0: {  	s7 =	simm.s32 $0x5;
	s21 =	simm.s32 $0x380;
	s15 =	simm.s32 $0x2  }
0x1d1: {  	s11 =	simm.s32 $0x1;
	s6 =	simm.s32 $0x2C00;
	s1 =	sadd.s32 $0x1, s24  }
0x1d2: {  	s19 =	simm.s32 $0x100;
	s8 =	simm.s32 $0xD;
	p1 =	sne.s32 s1, s26  }
.Ltmp2:
0x1d3: {  	s5 =	simm.s32 $0x9;
	s28 =	simm.s32 $0x280;
	(pc) =	sbr.rel @p1 .LBB2_1-.Ltmp2, $4  }
0x1d4: {  	s17 =	simm.s32 $0x10;
	s2 =	simm.s32 $0x5400;
	s29 =	simm.s32 $0x7C00  }
0x1d5: {  	s22 =	simm.s32 $0x300;
	s23 =	simm.s32 $0x4;
	[sflag:s20] =	ssyncset.done $0x0  }
0x1d6: {  	s4 =	simm.s32 $0x200;
	s31 =	rddreg [dreg:$0xc];
	[sflag:s20] =	ssyncadd.s32 $0xFFFFFD00  }
0x1d7: {  	s20 =	simm.s32 $0x180;
	s24 =	simm.s32 $0x3;
	s26 =	simm.s32 $0xA  }
0x1d8: {  	_ =	sfence.sel $0x180000  }
0x1d9: {  	[bflag:$0x0] =	sbarrier.arrive $0xFFFF  }
0x1da: {  	_ =	strace $0x9000004A  }
0x1db: {  	s0 =	stileid.u32;
	[bflag:$0x2] =	sbarrier.arrive $0xFFFF  }
0x1dc: {  	p0 =	sne.s32 s0, $0x0;
	s0 =	rddreg [dreg:$0x3]  }
0x1dd: {  	s0 =	sadd.s32 @!p0 $0x100000, s0  }
0x1de: {  	[sflag:s0] =	ssyncadd.tile.s32 @!p0 $0x1;
	_ =	shalt  }
.Lfunc_end2:
_tile_overlayer_lowered:
.L_overlay_start_2:
0x1df: {  	(tag) =	ssettag $0x2  }
0x1e0: {  	s0 =	rddreg [dreg:$0x0];
	s2 =	stileid.u32  }
0x1e1: {  	s1 =	rddreg [dreg:$0x1];
	p0 =	sne.s32 s2, $0x0  }
0x1e2: {  	s3 =	rddreg [dreg:$0x2];
	[bflag:$0x3] =	sbarrier.arrive $0xFFFF;
	s2 =	simm.s32 @!p0 $0x1C11  }
0x1e3: {  	[timem:s3], [sflag:s2] =	dma.local @!p0 [hbm:s0], s1  }
0x1e4: {  	s0 =	simm.s32 @!p0 $0x11  }
0x1e5: {  	_ =	swait.ge @!p0 [sflag:s0], s1  }
0x1e6: {  	s1 =	ssub.s32 @!p0 $0x0, s1;
	[sflag:s0] =	ssyncset.done @!p0 $0x0  }
0x1e7: {  	[sflag:s0] =	ssyncadd.s32 @!p0 s1  }
0x1e8: {  	[bflag:$0x3] =	sbarrier.arrive $0xFFFF  }
0x1e9: {  	_ =	shalt  }

// kernel: kernel.15.cloned.1.call-start
scs
__scs_entry_jumppad:
0x0: {  	(pc) =	sbr.rel $0x88, $3  }
0x1: {  	(tag) =	ssettag $0x0;
	lr =	simm.s32 $0x1  }
0x2: {  	[smem:$0x3F96] =	sst lr;
	_ =	strace $0xD0000000  }
0x3: {  	_ = 	snop  }
0x4: {  	_ = 	snop  }
0x5: {  	_ = 	snop  }
0x6: {  	_ = 	snop  }
0x7: {  	_ = 	snop  }
__scs_overlays_trampoline_lowered:
0x8: {  	[smem:$0x3FA5] =	sst s0  }
0x9: {  	[smem:$0x3FA6] =	sst s1  }
0xa: {  	[smem:$0x3FA7] =	sst s2  }
0xb: {  	[smem:$0x3FA8] =	sst s3  }
0xc: {  	[smem:$0x3FA9] =	sst s4  }
0xd: {  	[smem:$0x3FAA] =	sst s5  }
0xe: {  	[smem:$0x3FAB] =	sst s6  }
0xf: {  	[smem:$0x3FAC] =	sst s7  }
0x10: {  	[smem:$0x3FAD] =	sst s8  }
0x11: {  	[smem:$0x3FAE] =	sst s9;
	s0 =	simm.s32 @!p0 $0x0  }
0x12: {  	s1 =	sld [smem:$0x3F94];
	s0 =	simm.s32 @p0 $0x1  }
0x13: {  	[smem:$0x3FAF] =	sst s0;
	s0 =	simm.s32 @!p1 $0x0  }
0x14: {  	s2 =	sld [smem:$0x3F93];
	s0 =	simm.s32 @p1 $0x1  }
0x15: {  	[smem:$0x3FB0] =	sst s0;
	s0 =	simm.s32 @!p2 $0x0  }
0x16: {  	s3 =	sld [smem:$0x3FDB];
	s0 =	simm.s32 @p2 $0x1  }
0x17: {  	s4 =	simm.s32 $0x1BF5;
	[smem:$0x3FB2] =	sst s0  }
0x18: {  	s0 =	sld [smem:$0x3F95];
	_ =	swait.ge [sflag:s4], $0x0  }
0x19: {  	s7 =	sld [smem:$0x3F96]  }
0x1a: {  	s8 =	sadd.s32 $0xFFFFE003, lr  }
0x1b: {  	s9 =	sadd.s32 $0xFFFFFEF7, lr;
	s5 =	simm.s32 $0xFFFFFFFF;
	p2 =	slt.u32 s8, $0xFFFFF086  }
0x1c: {  	p1 =	slt.u32 s9, $0xF7A;
	s5 =	simm.s32 @!p2 $0x0  }
0x1d: {  	s5 =	simm.s32 @p1 $0x1;
	p0 =	seq.s32 s7, s2  }
0x1e: {  	s7 =	smul.u32 @!p0 $0xF7A, s2;
	p2 =	seq.s32 @!p0 s5, $0x0  }
0x1f: {  	s9 =	smul.u32 $0xF7A, s1;
	s8 =	simm.s32 @!p0 $0x1BF5;
	p2 =	por !p2, p0  }
0x20: {  	[sflag:s8] =	ssyncset.s32 @!p0 $0xFFFFF086;
	s6 =	sadd.s32 @!p0 s3, s7;
	s7 =	simm.s32 @!p0 $0x108  }
0x21: {  	s3 =	sadd.s32 s3, s9;
	s6 =	sadd.s32 @!p0 $0x88, s6;
	s7 =	simm.s32 @p2 $0x1082  }
0x22: {  	[simem:s7], [sflag:s8] =	dma.local @!p0 [hbm:s6], $0xF7A  }
0x23: {  	s9 =	sor.u32 $0xD0000000, s2;
	s6 =	simm.s32 $0x108;
	_ =	swait.ge @!p0 [sflag:s8], $0x0  }
0x24: {  	s3 =	sadd.s32 $0x88, s3;
	s6 =	simm.s32 @!p1 $0x1082;
	[sflag:s4] =	ssyncset.s32 $0xFFFFF086  }
0x25: {  	[simem:s6], [sflag:s4] =	dma.local [hbm:s3], $0xF7A  }
0x26: {  	[smem:$0x3F96] =	sst s1;
	(tag) =	ssettag s2;
	_ =	strace s9  }
0x27: {  	s1 =	sld [smem:$0x3FA6]  }
0x28: {  	s2 =	sld [smem:$0x3FA7]  }
0x29: {  	s4 =	sld [smem:$0x3FA9]  }
0x2a: {  	p0 =	seq.s32 s5, $0x0;
	s5 =	sld [smem:$0x3FAA]  }
0x2b: {  	s6 =	sld [smem:$0x3FAB]  }
0x2c: {  	s7 =	sld [smem:$0x3FAC]  }
0x2d: {  	s3 =	simm.s32 $0x108;
	s8 =	sld [smem:$0x3FAD]  }
0x2e: {  	s3 =	simm.s32 @!p0 $0x1082;
	s9 =	sld [smem:$0x3FAE]  }
0x2f: {  	lr =	sadd.s32 s0, s3;
	s0 =	sld [smem:$0x3FA5]  }
0x30: {  	s3 =	sld [smem:$0x3FA8]  }
0x31: {  	[smem:$0x3FB1] =	sst s10  }
0x32: {  	s10 =	sld [smem:$0x3FAF];
	_ =	sdelay $0x3  }
0x33: {  	p0 =	seq.s32 s10, $0x1;
	s10 =	sld [smem:$0x3FB1];
	_ =	sdelay $0x3  }
0x34: {  	[smem:$0x3FB1] =	sst s10  }
0x35: {  	s10 =	sld [smem:$0x3FB0];
	_ =	sdelay $0x3  }
0x36: {  	p1 =	seq.s32 s10, $0x1;
	s10 =	sld [smem:$0x3FB1];
	_ =	sdelay $0x3  }
0x37: {  	[smem:$0x3FB1] =	sst s10  }
0x38: {  	s10 =	sld [smem:$0x3FB2]  }
0x39: {  	_ = 	snop;
	(pc) =	sbr.ind lr, $3  }
0x3a: {  	_ = 	snop  }
0x3b: {  	_ = 	snop  }
0x3c: {  	p2 =	seq.s32 s10, $0x1;
	s10 =	sld [smem:$0x3FB1]  }
0x3d: {  	_ =	shalt  }
0x3e: {  	_ =	shalt  }
0x3f: {  	_ =	shalt  }
0x40: {  	_ =	shalt  }
0x41: {  	_ =	shalt  }
0x42: {  	_ =	shalt  }
0x43: {  	_ =	shalt  }
0x44: {  	_ =	shalt  }
0x45: {  	_ =	shalt  }
0x46: {  	_ =	shalt  }
0x47: {  	_ =	shalt  }
0x48: {  	_ =	shalt  }
0x49: {  	_ =	shalt  }
0x4a: {  	_ =	shalt  }
0x4b: {  	_ =	shalt  }
0x4c: {  	_ =	shalt  }
0x4d: {  	_ =	shalt  }
0x4e: {  	_ =	shalt  }
0x4f: {  	_ =	shalt  }
0x50: {  	_ =	shalt  }
0x51: {  	_ =	shalt  }
0x52: {  	_ =	shalt  }
0x53: {  	_ =	shalt  }
0x54: {  	_ =	shalt  }
0x55: {  	_ =	shalt  }
0x56: {  	_ =	shalt  }
0x57: {  	_ =	shalt  }
0x58: {  	_ =	shalt  }
0x59: {  	_ =	shalt  }
0x5a: {  	_ =	shalt  }
0x5b: {  	_ =	shalt  }
0x5c: {  	_ =	shalt  }
0x5d: {  	_ =	shalt  }
0x5e: {  	_ =	shalt  }
0x5f: {  	_ =	shalt  }
0x60: {  	_ =	shalt  }
0x61: {  	_ =	shalt  }
0x62: {  	_ =	shalt  }
0x63: {  	_ =	shalt  }
0x64: {  	_ =	shalt  }
0x65: {  	_ =	shalt  }
0x66: {  	_ =	shalt  }
0x67: {  	_ =	shalt  }
0x68: {  	_ =	shalt  }
0x69: {  	_ =	shalt  }
0x6a: {  	_ =	shalt  }
0x6b: {  	_ =	shalt  }
0x6c: {  	_ =	shalt  }
0x6d: {  	_ =	shalt  }
0x6e: {  	_ =	shalt  }
0x6f: {  	_ =	shalt  }
0x70: {  	_ =	shalt  }
0x71: {  	_ =	shalt  }
0x72: {  	_ =	shalt  }
0x73: {  	_ =	shalt  }
0x74: {  	_ =	shalt  }
0x75: {  	_ =	shalt  }
0x76: {  	_ =	shalt  }
0x77: {  	_ =	shalt  }
0x78: {  	_ =	shalt  }
0x79: {  	_ =	shalt  }
0x7a: {  	_ =	shalt  }
0x7b: {  	_ =	shalt  }
0x7c: {  	_ =	shalt  }
0x7d: {  	_ =	shalt  }
0x7e: {  	_ =	shalt  }
0x7f: {  	_ =	shalt  }
0x80: {  	_ =	shalt  }
0x81: {  	_ =	shalt  }
0x82: {  	_ =	shalt  }
0x83: {  	_ =	shalt  }
0x84: {  	_ =	shalt  }
0x85: {  	_ =	shalt  }
0x86: {  	_ =	shalt  }
0x87: {  	_ =	shalt  }
.Lfunc_end0:
.L_simem_size_0:
called_computation.2_lowered:
.L_overlay_start_0:
0x88: {  	s2 =	sld [smem:$0x3FD9]  }
0x89: {  	s3 =	sld [smem:$0x3FFE];
	_ =	sdelay $0x1  }
0x8a: {  	s1 =	srdreg.scid  }
0x8b: {  	s0 =	sand.u32 $0x1, s1  }
0x8c: {  	s14 =	sshll.u32 s0, $0xA;
	s2 =	sadd.s32 s3, s2  }
0x8d: {  	s2 =	sadd.s32 s2, s14  }
0x8e: {  	[smem:$0x3FBD] =	sst s2  }
0x8f: {  	_ = 	snop  }
0x90: {  	s2 =	sld [smem:$0x3FD0];
	_ =	sdelay $0x2  }
0x91: {  	s15 =	simm.s32 $0xA;
	s4 =	simm.s32 $0x10  }
0x92: {  	[smem:s4], [sflag:s15] =	dma.local [hbm:s2], $0x1  }
0x93: {  	_ =	swait.eq [sflag:s15], $0x1  }
0x94: {  	[sflag:s15] =	ssyncset.done $0x0  }
0x95: {  	[sflag:s15] =	ssyncadd.s32 $0xFFFFFFFF  }
0x96: {  	s16 =	sld [smem:$0x11];
	(tm) =	ssettm $0x1  }
0x97: {  	s17 =	sld [smem:$0x3FFB];
	_ =	sdelay $0x3  }
0x98: {  	_ =	strace s17  }
0x99: {  	s3 =	sld [smem:$0x3FFC];
	_ =	sdelay $0x3  }
0x9a: {  	_ =	strace s3  }
0x9b: {  	s3 =	sld [smem:$0x3FFD];
	_ =	sdelay $0x3  }
0x9c: {  	_ =	strace s3  }
0x9d: {  	_ =	strace $0x8FFFFFFF  }
0x9e: {  	s18 =	sld [smem:$0x3FDB];
	_ =	sdelay $0x1  }
0x9f: {  	s19 =	simm.s32 $_scs_section_size  }
0xa0: {  	s5 =	simm.s32 $_size__tile_overlayer_lowered;
	s6 =	simm.s32 $_tile_overlayer_lowered  }
0xa1: {  	s22 =	simm.s32 $0x1BFF;
	s21 =	sshll.u32 s6, $0x1;
	s3 =	sadd.s32 s19, s18  }
0xa2: {  	s7 =	simm.s32 $0x0;
	s20 =	sshll.u32 s5, $0x1;
	s5 =	sadd.s32 s21, s3  }
0xa3: {  	[timem:s7], [sflag:s22] =	dma.local [hbm:s5], s20  }
0xa4: {  	_ =	swait.ge [sflag:s22], s20  }
0xa5: {  	s4 =	ssub.s32 $0x0, s20;
	[sflag:s22] =	ssyncset.done $0x0  }
0xa6: {  	[sflag:s22] =	ssyncadd.s32 s4;
	_ =	sdelay $0x1  }
0xa7: {  	s23 =	simm.s32 $0x1B8B  }
0xa8: {  	_ =	swait.ge [sflag:s23], $0x1  }
0xa9: {  	[sflag:s23] =	ssyncset.done $0x0  }
0xaa: {  	s25 =	simm.s32 $0x1B8E;
	s24 =	sld [smem:$0x3FFE];
	[sflag:s23] =	ssyncadd.s32 $0xFFFFFFFF  }
0xab: {  	s26 =	simm.s32 $execute0_lowered;
	[smem:$0x3FD2] =	sst s25  }
0xac: {  	s5 =	sshll.u32 s26, $0x1;
	_ =	strace $0x8000004C;
	[dreg:$0x1] =	wrdreg $0xFFFFFFFF  }
0xad: {  	s28 =	simm.s32 $_size_execute0_lowered;
	s3 =	sadd.s32 s3, s5;
	[dreg:$0x0] =	wrdreg $0x0  }
0xae: {  	s5 =	sshll.u32 s28, $0x1;
	[dreg:$0x2] =	wrdreg s3  }
0xaf: {  	[dreg:$0x3] =	wrdreg s5  }
0xb0: {  	[dreg:$0x4] =	wrdreg $0xC0  }
0xb1: {  	_ =	task [dreg:s7], $0x5FFFF  }
0xb2: {  	[dreg:$0x1] =	wrdreg $0xFFFFFFFF  }
0xb3: {  	[dreg:$0x0] =	wrdreg $0x60  }
0xb4: {  	[dreg:$0x2] =	wrdreg s24  }
0xb5: {  	[dreg:$0x3] =	wrdreg s16  }
0xb6: {  	[dreg:$0x4] =	wrdreg $0xA4000  }
0xb7: {  	[dreg:$0x5] =	wrdreg $0x9  }
0xb8: {  	_ =	task.clear_ibuf [dreg:s7], $0x6FFFF;
	_ =	strace $0x9000004C  }
0xb9: {  	s29 =	simm.s32 $0x9;
	_ =	strace $0x8000004E  }
0xba: {  	_ =	swait.ge [sflag:s29], $0x1  }
0xbb: {  	[sflag:s29] =	ssyncadd.s32 $0xFFFFFFFF  }
0xbc: {  	_ =	strace $0x9000004E  }
0xbd: {  	_ =	sfence  }
0xbe: {  	s30 =	sld [smem:$0x0];
	_ =	sdelay $0x2  }
0xbf: {  	s31 =	sshll.u32 s1, $0xD;
	s1 =	sshrl.u32 s1, $0x2  }
0xc0: {  	s3 =	sand.u32 $0x4000, s31;
	s1 =	sadd.s32 s1, s30  }
0xc1: {  	s0 =	sor.u32 s3, s0;
	s1 =	sshll.u32 s1, $0x11  }
0xc2: {  	s0 =	sor.u32 s1, s0  }
0xc3: {  	s0 =	sadd.s32 $0x8F2B, s0  }
0xc4: {  	[sflag:s0] =	ssyncadd.remote.s32 $0x1  }
0xc5: {  	_ =	sfence.sel $0xFFFF  }
0xc6: {  	[dreg:$0x0] =	wrdreg $0xFFFFFFFF;
	(pc) =	sbr.abs _section_cstart, $3  }
0xc7: {  	[dreg:$0x1] =	wrdreg $0xFFFFFFFF  }
0xc8: {  	_ =	task.clear_ibuf [dreg:s7], $0x2FFFF;
	_ =	strace $0x9FFFFFFF  }
0xc9: {  	(tm) =	ssettm $0x7FFFFFFF  }
tec
execute0_lowered:
.L_overlay_start_1:
0x0: {  	(tag) =	ssettag $0x1  }
0x1: {  	s4 =	rddreg [dreg:$0x0]  }
0x2: {  	s0 =	rddreg [dreg:$0x1]  }
0x3: {  	s2 =	rddreg [dreg:$0x2];
	s3 =	simm.s32 $0x0  }
0x4: {  	s1 =	srdreg.scid;
	s25 =	stileid.u32;
	s28 =	simm.s32 $0x280  }
0x5: {  	s29 =	simm.s32 $0x7C00;
	s30 =	simm.s32 $0x400;
	[smem:$0x7FF] =	sst s3  }
0x6: {  	s12 =	sand.u32 $0x1, s1;
	s17 =	sshll.u32 s25, $0x1;
	s15 =	smul.u32 $0x13800, s25  }
0x7: {  	s31 =	sadd.s32 $0x3000, s4;
	s11 =	sadd.s32 $0x34000, s4;
	s13 =	smul.u32 $0x4E20, s25  }
0x8: {  	_ =	strace $0x8000004D;
	s8 =	sor.u32 s12, s17;
	s14 =	smul.u32 $0x138800, s12  }
0x9: {  	s18 =	ssub.s32 $0x2, s12;
	s16 =	smul.u32 $0x2710, s12;
	[dreg:$0xc] =	wrdreg s31  }
0xa: {  	s5 =	smul.u32 $0x7D, s8;
	s6 =	sshrl.u32 s18, $0x1;
	s10 =	sadd.s32 $0x7800, s15  }
0xb: {  	s9 =	sadd.s32 $0x4800, s15;
	s1 =	ssub.s32 s18, s6;
	s19 =	sadd.s32 s15, s14  }
0xc: {  	s22 =	sadd.s32 s14, s9;
	s5 =	sadd.s32 $0x7D, s5;
	s6 =	sshrl.u32 s19, $0x3  }
0xd: {  	s24 =	sshrl.u32 s22, $0x3;
	s1 =	smax.u32 s1, $0x1;
	[dreg:$0x4] =	wrdreg s5  }
0xe: {  	s5 =	sadd.s32 $0x1800, s15;
	s6 =	sadd.s32 s11, s6;
	[smem:$0x7EB] =	sst s1  }
0xf: {  	s7 =	sadd.s32 s14, s5;
	[dreg:$0xd] =	wrdreg s6;
	s6 =	sadd.s32 s16, s13  }
0x10: {  	s7 =	sshrl.u32 s7, $0x3;
	s23 =	sadd.s32 $0x230, s6;
	s18 =	sadd.s32 $0x1E0, s6  }
0x11: {  	s20 =	sadd.s32 s11, s7;
	s7 =	sadd.s32 $0x3000, s15;
	s26 =	sshrl.u32 s23, $0x3  }
0x12: {  	[dreg:$0xe] =	wrdreg s20;
	s17 =	sadd.s32 s14, s7;
	s16 =	sadd.s32 s26, s0  }
0x13: {  	s21 =	sshrl.u32 s17, $0x3;
	s17 =	sadd.s32 s26, s31;
	s26 =	smul.u32 $0x4E2, s12  }
0x14: {  	s23 =	sadd.s32 $0x190, s6;
	[dreg:$0x6] =	wrdreg s16;
	s12 =	smul.u32 $0x7D, s12  }
0x15: {  	s13 =	sadd.s32 s11, s21;
	[dreg:$0x5] =	wrdreg s17;
	s17 =	sshrl.u32 s18, $0x3  }
0x16: {  	s21 =	sadd.s32 $0x280, s6;
	[dreg:$0xf] =	wrdreg s13;
	s13 =	sadd.s32 s11, s24  }
0x17: {  	s18 =	smul.u32 $0x9C4, s25;
	s19 =	sadd.s32 s17, s31;
	[dreg:$0x10] =	wrdreg s13  }
0x18: {  	s20 =	sadd.s32 s17, s0;
	s22 =	sshrl.u32 s21, $0x3;
	[dreg:$0x7] =	wrdreg s19  }
0x19: {  	s17 =	sshrl.u32 s23, $0x3;
	s13 =	sadd.s32 $0x6000, s15;
	[dreg:$0x8] =	wrdreg s20  }
0x1a: {  	s16 =	sadd.s32 s22, s0;
	s24 =	sadd.s32 s17, s31;
	s18 =	sadd.s32 s18, s0  }
0x1b: {  	s22 =	sadd.s32 s14, s10;
	s17 =	sadd.s32 $0xA800, s15;
	[dreg:$0x9] =	wrdreg s16  }
0x1c: {  	s10 =	sadd.s32 s10, s2;
	[dreg:$0xa] =	wrdreg s24;
	s20 =	sadd.s32 s14, s13  }
0x1d: {  	s18 =	sadd.s32 s26, s18;
	s16 =	sadd.s32 $0x9000, s15;
	s24 =	sadd.s32 s14, s17  }
0x1e: {  	[dreg:$0x1d] =	wrdreg s10;
	s19 =	sshrl.u32 s20, $0x3;
	s23 =	sadd.s32 s14, s16  }
0x1f: {  	s20 =	sshrl.u32 s22, $0x3;
	s18 =	sadd.s32 $0x5A, s18;
	s16 =	sadd.s32 s16, s2  }
0x20: {  	s21 =	sadd.s32 s11, s19;
	s19 =	sshrl.u32 s23, $0x3;
	[dreg:$0xb] =	wrdreg s18  }
0x21: {  	s20 =	sadd.s32 s11, s20;
	s23 =	sadd.s32 $0xF000, s15;
	[dreg:$0x11] =	wrdreg s21  }
0x22: {  	s18 =	sadd.s32 $0xCE00, s4;
	[dreg:$0x12] =	wrdreg s20;
	s19 =	sadd.s32 s11, s19  }
0x23: {  	s20 =	sadd.s32 $0xC000, s15;
	s21 =	sadd.s32 $0xD800, s15;
	[dreg:$0x13] =	wrdreg s19  }
0x24: {  	s19 =	sshrl.u32 s24, $0x3;
	s26 =	sadd.s32 s14, s20;
	s22 =	sadd.s32 s14, s21  }
0x25: {  	s24 =	sadd.s32 s14, s23;
	s19 =	sadd.s32 s11, s19;
	s22 =	sshrl.u32 s22, $0x3  }
0x26: {  	[dreg:$0x14] =	wrdreg s19;
	s19 =	sshrl.u32 s26, $0x3;
	s22 =	sadd.s32 s11, s22  }
0x27: {  	s19 =	sadd.s32 s11, s19;
	[dreg:$0x16] =	wrdreg s22;
	s22 =	sadd.s32 $0x10800, s15  }
0x28: {  	s15 =	sadd.s32 $0x12000, s15;
	[dreg:$0x15] =	wrdreg s19;
	s19 =	sshrl.u32 s24, $0x3  }
0x29: {  	s26 =	sadd.s32 s14, s22;
	s24 =	sadd.s32 s14, s15;
	s19 =	sadd.s32 s11, s19  }
0x2a: {  	s14 =	sshrl.u32 s14, $0x3;
	s24 =	sshrl.u32 s24, $0x3;
	[dreg:$0x17] =	wrdreg s19  }
0x2b: {  	s19 =	sshrl.u32 s26, $0x3;
	s24 =	sadd.s32 s11, s24;
	s26 =	smul.u32 $0x4E000, s25  }
0x2c: {  	s19 =	sadd.s32 s11, s19;
	[dreg:$0x19] =	wrdreg s24;
	s24 =	smul.u32 $0xFA, s25  }
0x2d: {  	s11 =	sadd.s32 s11, s14;
	[dreg:$0x18] =	wrdreg s19;
	s19 =	smul.u32 $0x2710, s8  }
0x2e: {  	s20 =	sadd.s32 s20, s2;
	s8 =	smul.u32 $0x4E2, s8;
	s11 =	sadd.s32 $0x27000, s11  }
0x2f: {  	s12 =	sadd.s32 s12, s24;
	[smem:$0x7EA] =	sst s11;
	s11 =	sshrl.u32 s16, $0x3  }
0x30: {  	s16 =	sshrl.u32 s20, $0x3;
	s4 =	sshrl.u32 s19, $0x3;
	[smem:$0x7F2] =	sst s11  }
0x31: {  	s24 =	sadd.s32 s31, s8;
	[smem:$0x7F4] =	sst s16;
	s19 =	sadd.s32 $0xA, s4  }
0x32: {  	s14 =	sshrl.u32 s26, $0x2;
	[smem:$0x7E2] =	sst s24;
	s26 =	sadd.s32 s0, s19  }
0x33: {  	p0 =	sne.s32 s25, $0xF;
	s19 =	sadd.s32 s31, s19;
	[dreg:$0x1a] =	wrdreg s26  }
0x34: {  	[dreg:$0x1b] =	wrdreg s19;
	s19 =	sadd.s32 s14, s2;
	s14 =	sadd.s32 s23, s2  }
0x35: {  	s1 =	simm.s32 $0x0;
	s23 =	sadd.s32 s0, s8;
	[dreg:$0x1e] =	wrdreg s14  }
0x36: {  	s5 =	sadd.s32 s5, s2;
	s26 =	sadd.s32 $0x14, s8;
	[dreg:$0x1f] =	wrdreg s23  }
0x37: {  	s17 =	sadd.s32 s17, s2;
	s23 =	sadd.s32 s0, s26;
	[dreg:$0x1c] =	wrdreg s19  }
0x38: {  	s8 =	sadd.s32 $0x1E, s8;
	s10 =	sadd.s32 s31, s26;
	[smem:$0x7E3] =	sst s23  }
0x39: {  	s21 =	sadd.s32 s21, s2;
	s24 =	sadd.s32 s0, s8;
	[smem:$0x7E4] =	sst s10  }
0x3a: {  	s15 =	sadd.s32 s15, s2;
	s8 =	sadd.s32 s31, s8;
	[smem:$0x7E5] =	sst s24  }
0x3b: {  	s0 =	sadd.s32 s0, s4;
	s25 =	sadd.s32 $0xC800, s19;
	[smem:$0x7E6] =	sst s8  }
0x3c: {  	s11 =	simm.s32 $0x1;
	s26 =	sadd.s32 $0x28, s0;
	[smem:$0x7FB] =	sst s25  }
0x3d: {  	s4 =	sadd.s32 s31, s4;
	s0 =	sadd.s32 $0x32, s0;
	[smem:$0x7E7] =	sst s26  }
0x3e: {  	s16 =	simm.s32 $0x8;
	s4 =	sadd.s32 $0x4D8, s4;
	[smem:$0x7E8] =	sst s0  }
0x3f: {  	s14 =	sadd.s32 s13, s2;
	s24 =	sadd.s32 $0x140, s6;
	[smem:$0x7E9] =	sst s4  }
0x40: {  	s8 =	sadd.s32 s7, s2;
	s7 =	sshrl.u32 s14, $0x3;
	[smem:$0x7EC] =	sst s24  }
0x41: {  	s23 =	sadd.s32 s22, s2;
	s22 =	sadd.s32 $0x2800, s19;
	[smem:$0x7F1] =	sst s7  }
0x42: {  	s13 =	smov.u32 s2;
	s26 =	sadd.s32 $0x9, s12;
	[smem:$0x7F8] =	sst s22  }
0x43: {  	s10 =	sadd.s32 s9, s2;
	s0 =	sshrl.u32 s5, $0x3;
	[smem:$0x7ED] =	sst s26  }
0x44: {  	s9 =	simm.s32 $0x50;
	s4 =	sshrl.u32 s8, $0x3;
	[smem:$0x7EE] =	sst s0  }
0x45: {  	s25 =	simm.s32 $0xF;
	s6 =	sshrl.u32 s10, $0x3;
	[smem:$0x7EF] =	sst s4  }
0x46: {  	s12 =	sshrl.u32 s17, $0x3;
	s17 =	sshrl.u32 s21, $0x3;
	[smem:$0x7F0] =	sst s6  }
0x47: {  	s20 =	sshrl.u32 s23, $0x3;
	s21 =	sshrl.u32 s15, $0x3;
	[smem:$0x7F3] =	sst s12  }
0x48: {  	s23 =	sadd.s32 $0x5000, s19;
	s24 =	sadd.s32 $0xA000, s19;
	[smem:$0x7F5] =	sst s17  }
0x49: {  	s10 =	sadd.s32 $0x138000, s2;
	s15 =	simm.s32 $0x2;
	[smem:$0x7F6] =	sst s20  }
0x4a: {  	s5 =	simm.s32 $0x9;
	s22 =	simm.s32 $0x300;
	[smem:$0x7F7] =	sst s21  }
0x4b: {  	s2 =	simm.s32 $0x5400;
	s7 =	simm.s32 $0x5;
	[smem:$0x7F9] =	sst s23  }
0x4c: {  	s8 =	simm.s32 $0xD;
	[smem:$0x7FA] =	sst s24;
	s26 =	sadd.s32 $0x11800, s19  }
0x4d: {  	s4 =	simm.s32 $0x200;
	s12 =	simm.s32 $0x80;
	s17 =	simm.s32 $0x10  }
0x4e: {  	s6 =	simm.s32 $0x2C00;
	s19 =	simm.s32 $0x100;
	s20 =	simm.s32 $0x180  }
0x4f: {  	s24 =	simm.s32 $0x3;
	s21 =	simm.s32 $0x380;
	[smem:$0x7FD] =	sst s10  }
0x50: {  	v0 =	vimm.f32 $0.0e+00;
	s23 =	simm.s32 $0x4;
	[smem:$0x7FC] =	sst s26;
	s26 =	simm.s32 $0xA  }
.LBB2_1:
0x51: {  	s0 =	rddreg [dreg:$0x1f]  }
0x52: {  	s14 =	sld [smem:$0x7E2]  }
0x53: {  	[tilespmem:s3], [sflag:$0x1] =	stream.linear.gather [hbm4b:s0+s3], $0x50, $0x38;
	[tilespmem:$0x1DC80] =	vst v63  }
0x54: {  	[smem:$0x7E1] =	sst s1  }
0x55: {  	[tilespmem:s4], [sflag:$0x5] =	stream.linear.gather [hbm4b:s14+s3], $0x50, $0x38;
	[tilespmem:$0x1DC80] =	vst v63  }
0x56: {  	s1 =	rddreg [dreg:$0x1a]  }
0x57: {  	[tilespmem:s12], [sflag:$0x2] =	stream.linear.gather [hbm4b:s1+s3], $0x50, $0x38;
	[tilespmem:$0x1DC80] =	vst v63  }
0x58: {  	s0 =	simm.s32 $0x70;
	s14 =	rddreg [dreg:$0x1b];
	s1 =	simm.s32 $0x3C0  }
0x59: {  	[tilespmem:s28], [sflag:$0x6] =	stream.linear.gather [hbm4b:s14+s3], $0x50, $0x38;
	[tilespmem:$0x1DC80] =	vst v63  }
.LBB2_2:
0x5a: {  	p1 =	sne.s32 s1, $0x9FC0;
	[tilespmem:s0+$0x7C00] =	vst v0  }
0x5b: {  	[tilespmem:s0+$0x7B90] =	vst v0  }
0x5c: {  	[tilespmem:s0+$0x7BA0] =	vst v0  }
.Ltmp0:
0x5d: {  	[tilespmem:s0+$0x7BB0] =	vst v0;
	(pc) =	sbr.rel @p1 .LBB2_2-.Ltmp0, $4  }
0x5e: {  	[tilespmem:s0+$0x7BC0] =	vst v0  }
0x5f: {  	[tilespmem:s0+$0x7BD0] =	vst v0  }
0x60: {  	[tilespmem:s0+$0x7BE0] =	vst v0  }
0x61: {  	[tilespmem:s0+$0x7BF0] =	vst v0;
	s0 =	sshra.s32 s1, $0x2;
	s1 =	sadd.s32 $0x200, s1  }
0x62: {  	[tilespmem:s0+$0x7C00] =	vst v0  }
0x63: {  	[tilespmem:s0+$0x7B90] =	vst v0  }
0x64: {  	[tilespmem:s0+$0x7BA0] =	vst v0  }
0x65: {  	[tilespmem:s0+$0x7BB0] =	vst v0  }
0x66: {  	[tilespmem:s0+$0x7BC0] =	vst v0  }
0x67: {  	[tilespmem:s0+$0x7BD0] =	vst v0  }
0x68: {  	[tilespmem:s0+$0x7BE0] =	vst v0;
	s14 =	rddreg [dreg:$0x1c]  }
0x69: {  	[tilespmem:s0+$0x7BF0] =	vst v0;
	s1 =	sld [smem:$0x7F8]  }
0x6a: {  	[spmem:s14] =	stream.linear.scatter [tilespmem:s29], [sflag:$0x10], $0x2800, $0x38;
	[tilespmem:$0x1DC80] =	vst v63  }
0x6b: {  	s14 =	sld [smem:$0x7F9]  }
0x6c: {  	[spmem:s1] =	stream.linear.scatter [tilespmem:s29], [sflag:$0x10], $0x2800, $0x38;
	[tilespmem:$0x1DC80] =	vst v63  }
0x6d: {  	s1 =	rddreg [dreg:$0x1d]  }
0x6e: {  	[spmem:s14] =	stream.linear.scatter [tilespmem:s29], [sflag:$0x10], $0x2800, $0x38;
	[tilespmem:$0x1DC80] =	vst v63  }
0x6f: {  	s14 =	sld [smem:$0x7FA]  }
0x70: {  	[spmem:s1] =	stream.linear.scatter [tilespmem:s29], [sflag:$0x10], $0x2800, $0x38;
	[tilespmem:$0x1DC80] =	vst v63  }
0x71: {  	s1 =	sld [smem:$0x7FB]  }
0x72: {  	[spmem:s14] =	stream.linear.scatter [tilespmem:s29], [sflag:$0x10], $0x2800, $0x38;
	[tilespmem:$0x1DC80] =	vst v63  }
0x73: {  	s14 =	rddreg [dreg:$0x1e]  }
0x74: {  	[spmem:s1] =	stream.linear.scatter [tilespmem:s29], [sflag:$0x10], $0x2800, $0x38;
	[tilespmem:$0x1DC80] =	vst v63  }
0x75: {  	s1 =	sld [smem:$0x7FC]  }
0x76: {  	[spmem:s14] =	stream.linear.scatter [tilespmem:s29], [sflag:$0x10], $0x2800, $0x38;
	[tilespmem:$0x1DC80] =	vst v63  }
0x77: {  	_ = 	snop  }
0x78: {  	[spmem:s1] =	stream.linear.scatter [tilespmem:s29], [sflag:$0x10], $0x2000, $0x38;
	[tilespmem:$0x1DC80] =	vst v63  }
0x79: {  	s0 =	simm.s32 @!p0 $0x7C00  }
0x7a: {  	[spmem:s10] =	stream.linear.scatter @!p0 [tilespmem:s0], [sflag:$0x11], $0x800, $0x38;
	[tilespmem:$0x1DC80] =	vst v63  }
0x7b: {  	s0 =	simm.s32 @!p0 $0x11  }
0x7c: {  	_ =	swait.ge @!p0 [sflag:s0], $0x800  }
0x7d: {  	[sflag:s0] =	ssyncset.done @!p0 $0x0  }
0x7e: {  	[sflag:s0] =	ssyncadd.s32 @!p0 $0xFFFFF800  }
0x7f: {  	_ =	swait.ge [sflag:s17], $0x2800  }
0x80: {  	[sflag:s17] =	ssyncset.done $0x0  }
0x81: {  	[sflag:s17] =	ssyncadd.s32 $0xFFFFD800  }
0x82: {  	_ =	swait.ge [sflag:s17], $0x2800  }
0x83: {  	[sflag:s17] =	ssyncset.done $0x0  }
0x84: {  	[sflag:s17] =	ssyncadd.s32 $0xFFFFD800  }
0x85: {  	_ =	swait.ge [sflag:s17], $0x2800  }
0x86: {  	[sflag:s17] =	ssyncset.done $0x0  }
0x87: {  	[sflag:s17] =	ssyncadd.s32 $0xFFFFD800  }
0x88: {  	_ =	swait.ge [sflag:s17], $0x2800  }
0x89: {  	[sflag:s17] =	ssyncset.done $0x0  }
0x8a: {  	[sflag:s17] =	ssyncadd.s32 $0xFFFFD800  }
0x8b: {  	_ =	swait.ge [sflag:s17], $0x2800  }
0x8c: {  	[sflag:s17] =	ssyncset.done $0x0  }
0x8d: {  	[sflag:s17] =	ssyncadd.s32 $0xFFFFD800  }
0x8e: {  	_ =	swait.ge [sflag:s17], $0x2800  }
0x8f: {  	[sflag:s17] =	ssyncset.done $0x0  }
0x90: {  	[sflag:s17] =	ssyncadd.s32 $0xFFFFD800  }
0x91: {  	_ =	swait.ge [sflag:s17], $0x2800  }
0x92: {  	[sflag:s17] =	ssyncset.done $0x0  }
0x93: {  	[sflag:s17] =	ssyncadd.s32 $0xFFFFD800  }
0x94: {  	_ =	swait.ge [sflag:s17], $0x2000  }
0x95: {  	[sflag:s17] =	ssyncset.done $0x0  }
0x96: {  	[sflag:s17] =	ssyncadd.s32 $0xFFFFE000  }
0x97: {  	_ =	swait.ge [sflag:s11], $0x50  }
0x98: {  	[sflag:s11] =	ssyncset.done $0x0  }
0x99: {  	s0 =	simm.s32 $0x0;
	[sflag:s11] =	ssyncadd.s32 $0xFFFFFFB0  }
0x9a: {  	[tilespmem:s30], [sflag:$0x9] =	stream.indirect.gather [hbm4b:s18+s9], $0x80, s0, s9, $0xb8;
	[tilespmem:$0x1DC80] =	vst v63  }
0x9b: {  	_ =	swait.ge [sflag:s15], $0x50  }
0x9c: {  	[sflag:s15] =	ssyncset.done $0x0  }
0x9d: {  	s1 =	sld [smem:$0x7E3];
	[sflag:s15] =	ssyncadd.s32 $0xFFFFFFB0  }
0x9e: {  	[tilespmem:s6], [sflag:$0xA] =	stream.indirect.gather [hbm4b:s18+s9], $0x80, s12, s9, $0xb8;
	[tilespmem:$0x1DC80] =	vst v63  }
0x9f: {  	s10 =	sld [smem:$0x7E5]  }
0xa0: {  	[tilespmem:s19], [sflag:$0x3] =	stream.linear.gather [hbm4b:s1+s0], $0x50, $0x38;
	[tilespmem:$0x1DC80] =	vst v63  }
0xa1: {  	_ = 	snop  }
0xa2: {  	[tilespmem:s20], [sflag:$0x4] =	stream.linear.gather [hbm4b:s10+s0], $0x50, $0x38;
	[tilespmem:$0x1DC80] =	vst v63  }
0xa3: {  	[bflag:$0x0] =	sbarrier.arrive $0xFFFF  }
0xa4: {  	_ =	swait.ge [sflag:s5], $0x2800  }
0xa5: {  	s14 =	sld [smem:$0x7E4]  }
0xa6: {  	[sflag:s5] =	ssyncset.done $0x0  }
0xa7: {  	[sflag:s5] =	ssyncadd.s32 $0xFFFFD800  }
0xa8: {  	[tilespmem:s22], [sflag:$0x7] =	stream.linear.gather [hbm4b:s14+s0], $0x50, $0x38;
	[tilespmem:$0x1DC80] =	vst v63  }
0xa9: {  	_ =	swait.ge [sflag:s24], $0x50  }
0xaa: {  	[sflag:s24] =	ssyncset.done $0x0  }
0xab: {  	s10 =	sld [smem:$0x7E7];
	[sflag:s24] =	ssyncadd.s32 $0xFFFFFFB0  }
0xac: {  	[tilespmem:s2], [sflag:$0xB] =	stream.indirect.gather [hbm4b:s18+s9], $0x80, s19, s9, $0xb8;
	[tilespmem:$0x1DC80] =	vst v63  }
0xad: {  	_ = 	snop  }
0xae: {  	[tilespmem:s0], [sflag:$0x1] =	stream.linear.gather [hbm4b:s10+s0], $0x50, $0x38;
	[tilespmem:$0x1DC80] =	vst v63  }
0xaf: {  	_ =	swait.ge [sflag:s7], $0x50  }
0xb0: {  	[sflag:s7] =	ssyncset.done $0x0  }
0xb1: {  	[sflag:s7] =	ssyncadd.s32 $0xFFFFFFB0  }
0xb2: {  	[spmem:s13] =	stream.indirect.scatter.add.f32 [tilespmem:s30], [sflag:$0xD], $0x80, s4, s9, $0xb8;
	[tilespmem:$0x1DC80] =	vst v63  }
0xb3: {  	_ =	swait.ge [sflag:s26], $0x2800  }
0xb4: {  	s14 =	sld [smem:$0x7E6]  }
0xb5: {  	[sflag:s26] =	ssyncset.done $0x0  }
0xb6: {  	[sflag:s26] =	ssyncadd.s32 $0xFFFFD800  }
0xb7: {  	[tilespmem:s21], [sflag:$0x8] =	stream.linear.gather [hbm4b:s14+s0], $0x50, $0x38;
	[tilespmem:$0x1DC80] =	vst v63  }
0xb8: {  	_ =	swait.ge [sflag:s23], $0x50  }
0xb9: {  	[sflag:s23] =	ssyncset.done $0x0  }
0xba: {  	s21 =	sld [smem:$0x7E8];
	[sflag:s23] =	ssyncadd.s32 $0xFFFFFFB0  }
0xbb: {  	[tilespmem:s29], [sflag:$0xC] =	stream.indirect.gather [hbm4b:s18+s9], $0x80, s20, s9, $0xb8;
	[tilespmem:$0x1DC80] =	vst v63  }
0xbc: {  	s14 =	simm.s32 $0x6  }
0xbd: {  	[tilespmem:s12], [sflag:$0x2] =	stream.linear.gather [hbm4b:s21+s0], $0x50, $0x38;
	[tilespmem:$0x1DC80] =	vst v63  }
0xbe: {  	_ =	swait.ge [sflag:s14], $0x50  }
0xbf: {  	[sflag:s14] =	ssyncset.done $0x0  }
0xc0: {  	s10 =	simm.s32 $0xB;
	[sflag:s14] =	ssyncadd.s32 $0xFFFFFFB0  }
0xc1: {  	[spmem:s13] =	stream.indirect.scatter.add.f32 [tilespmem:s6], [sflag:$0xE], $0x80, s28, s9, $0xb8;
	[tilespmem:$0x1DC80] =	vst v63  }
0xc2: {  	_ =	swait.ge [sflag:s10], $0x2800  }
0xc3: {  	[sflag:s10] =	ssyncset.done $0x0  }
0xc4: {  	[sflag:s10] =	ssyncadd.s32 $0xFFFFD800  }
0xc5: {  	_ =	swait.ge [sflag:s8], $0x2800  }
0xc6: {  	s10 =	sld [smem:$0x7EC];
	_ =	sdelay $0x2  }
0xc7: {  	[sflag:s8] =	ssyncset.done $0x0;
	s21 =	sshrl.u32 s10, $0x3  }
0xc8: {  	[sflag:s8] =	ssyncadd.s32 $0xFFFFD800;
	s0 =	sadd.s32 s31, s21  }
0xc9: {  	[tilespmem:s4], [sflag:$0x5] =	stream.linear.gather [hbm4b:s0+s3], $0x50, $0x38;
	[tilespmem:$0x1DC80] =	vst v63  }
0xca: {  	_ =	swait.ge [sflag:s11], $0x50  }
0xcb: {  	[sflag:s11] =	ssyncset.done $0x0  }
0xcc: {  	s8 =	rddreg [dreg:$0x8];
	[sflag:s11] =	ssyncadd.s32 $0xFFFFFFB0  }
0xcd: {  	[tilespmem:s30], [sflag:$0x9] =	stream.indirect.gather [hbm4b:s18+s9], $0x80, s3, s9, $0xb8;
	[tilespmem:$0x1DC80] =	vst v63  }
0xce: {  	s31 =	simm.s32 $0x7;
	s0 =	sadd.s32 $0x0, s8  }
0xcf: {  	[tilespmem:s19], [sflag:$0x3] =	stream.linear.gather [hbm4b:s0+s3], $0x50, $0x38;
	[tilespmem:$0x1DC80] =	vst v63  }
0xd0: {  	_ =	swait.ge [sflag:s31], $0x50  }
0xd1: {  	[sflag:s31] =	ssyncset.done $0x0  }
0xd2: {  	s21 =	simm.s32 $0xC;
	[sflag:s31] =	ssyncadd.s32 $0xFFFFFFB0  }
0xd3: {  	[spmem:s13] =	stream.indirect.scatter.add.f32 [tilespmem:s2], [sflag:$0xF], $0x80, s22, s9, $0xb8;
	[tilespmem:$0x1DC80] =	vst v63  }
0xd4: {  	_ =	swait.ge [sflag:s21], $0x2800  }
0xd5: {  	[sflag:s21] =	ssyncset.done $0x0  }
0xd6: {  	s0 =	simm.s32 $0xE;
	[sflag:s21] =	ssyncadd.s32 $0xFFFFD800  }
0xd7: {  	_ =	swait.ge [sflag:s0], $0x2800  }
0xd8: {  	s8 =	rddreg [dreg:$0xa];
	[sflag:s0] =	ssyncset.done $0x0  }
0xd9: {  	[sflag:s0] =	ssyncadd.s32 $0xFFFFD800;
	s0 =	sadd.s32 $0x0, s8  }
0xda: {  	[tilespmem:s28], [sflag:$0x6] =	stream.linear.gather [hbm4b:s0+s3], $0x50, $0x38;
	[tilespmem:$0x1DC80] =	vst v63  }
0xdb: {  	_ =	swait.ge [sflag:s15], $0x50  }
0xdc: {  	[sflag:s15] =	ssyncset.done $0x0  }
0xdd: {  	s11 =	rddreg [dreg:$0x6];
	[sflag:s15] =	ssyncadd.s32 $0xFFFFFFB0  }
0xde: {  	[tilespmem:s6], [sflag:$0xA] =	stream.indirect.gather [hbm4b:s18+s9], $0x80, s12, s9, $0xb8;
	[tilespmem:$0x1DC80] =	vst v63  }
0xdf: {  	s0 =	sadd.s32 $0x0, s11  }
0xe0: {  	[tilespmem:s20], [sflag:$0x4] =	stream.linear.gather [hbm4b:s0+s3], $0x50, $0x38;
	[tilespmem:$0x1DC80] =	vst v63  }
0xe1: {  	_ =	swait.ge [sflag:s16], $0x50  }
0xe2: {  	[sflag:s16] =	ssyncset.done $0x0  }
0xe3: {  	s1 =	simm.s32 $0x380;
	[sflag:s16] =	ssyncadd.s32 $0xFFFFFFB0  }
0xe4: {  	[spmem:s13] =	stream.indirect.scatter.add.f32 [tilespmem:s29], [sflag:$0x10], $0x80, s1, s9, $0xb8;
	[tilespmem:$0x1DC80] =	vst v63  }
0xe5: {  	_ =	swait.ge [sflag:s5], $0x2800  }
0xe6: {  	[sflag:s5] =	ssyncset.done $0x0  }
0xe7: {  	[sflag:s5] =	ssyncadd.s32 $0xFFFFD800  }
0xe8: {  	_ =	swait.ge [sflag:s25], $0x2800  }
0xe9: {  	s12 =	rddreg [dreg:$0x7];
	[sflag:s25] =	ssyncset.done $0x0  }
0xea: {  	[sflag:s25] =	ssyncadd.s32 $0xFFFFD800;
	s0 =	sadd.s32 $0x0, s12  }
0xeb: {  	[tilespmem:s22], [sflag:$0x7] =	stream.linear.gather [hbm4b:s0+s3], $0x50, $0x38;
	[tilespmem:$0x1DC80] =	vst v63  }
0xec: {  	_ =	swait.ge [sflag:s24], $0x50  }
0xed: {  	[sflag:s24] =	ssyncset.done $0x0  }
0xee: {  	s15 =	rddreg [dreg:$0x9];
	[sflag:s24] =	ssyncadd.s32 $0xFFFFFFB0  }
0xef: {  	[tilespmem:s2], [sflag:$0xB] =	stream.indirect.gather [hbm4b:s18+s9], $0x80, s19, s9, $0xb8;
	[tilespmem:$0x1DC80] =	vst v63  }
0xf0: {  	s0 =	sadd.s32 $0x0, s15  }
0xf1: {  	[tilespmem:s3], [sflag:$0x1] =	stream.linear.gather [hbm4b:s0+s3], $0x50, $0x38;
	[tilespmem:$0x1DC80] =	vst v63  }
0xf2: {  	_ =	swait.ge [sflag:s7], $0x50  }
0xf3: {  	[sflag:s7] =	ssyncset.done $0x0  }
0xf4: {  	[sflag:s7] =	ssyncadd.s32 $0xFFFFFFB0  }
0xf5: {  	[spmem:s13] =	stream.indirect.scatter.add.f32 [tilespmem:s30], [sflag:$0xD], $0x80, s4, s9, $0xb8;
	[tilespmem:$0x1DC80] =	vst v63  }
0xf6: {  	_ =	swait.ge [sflag:s26], $0x2800  }
0xf7: {  	[sflag:s26] =	ssyncset.done $0x0  }
0xf8: {  	[sflag:s26] =	ssyncadd.s32 $0xFFFFD800  }
0xf9: {  	s28 =	simm.s32 $0x5;
	s11 =	simm.s32 $0x1;
	_ =	swait.ge [sflag:s17], $0x2800  }
0xfa: {  	s5 =	simm.s32 $0x9;
	s21 =	rddreg [dreg:$0x5];
	[sflag:s17] =	ssyncset.done $0x0  }
0xfb: {  	s15 =	simm.s32 $0x2;
	[sflag:s17] =	ssyncadd.s32 $0xFFFFD800;
	s0 =	sadd.s32 $0x0, s21  }
0xfc: {  	[tilespmem:s1], [sflag:$0x8] =	stream.linear.gather [hbm4b:s0+s3], $0x50, $0x38;
	[tilespmem:$0x1DC80] =	vst v63  }
0xfd: {  	s2 =	smov.u32 s13;
	s7 =	simm.s32 $0x4;
	_ =	swait.ge [sflag:s23], $0x50  }
0xfe: {  	s30 =	smov.u32 s10;
	[sflag:s23] =	ssyncset.done $0x0;
	s24 =	sld [smem:$0x7ED]  }
0xff: {  	s10 =	simm.s32 $0x6;
	s22 =	rddreg [dreg:$0x4];
	[sflag:s23] =	ssyncadd.s32 $0xFFFFFFB0  }
0x100: {  	[tilespmem:s29], [sflag:$0xC] =	stream.indirect.gather [hbm4b:s18+s9], $0x80, s20, s9, $0xb8;
	[tilespmem:$0x1DC80] =	vst v63  }
0x101: {  	s26 =	simm.s32 $0x3;
	s1 =	rddreg [dreg:$0xb];
	p1 =	sge.u32 s24, s22  }
0x102: {  	s0 =	sadd.s32 @!p1 $0x0, s1;
	s1 =	simm.s32 @!p1 $0x0;
	s4 =	simm.s32 @!p1 $0x80  }
0x103: {  	[tilespmem:s4], [sflag:$0x2] =	stream.linear.gather @!p1 [hbm4b:s0+s1], $0x50, $0x38;
	[tilespmem:$0x1DC80] =	vst v63  }
0x104: {  	s23 =	simm.s32 $0xA;
	s29 =	simm.s32 $0xD;
	_ =	swait.ge [sflag:s14], $0x50  }
0x105: {  	s4 =	simm.s32 $0x28;
	s0 =	smov.u32 s24;
	[sflag:s14] =	ssyncset.done $0x0  }
.LBB2_4:
0x106: {  	[sflag:s10] =	ssyncadd.s32 $0xFFFFFFB0  }
0x107: {  	s6 =	simm.s32 $0x2C00;
	s19 =	simm.s32 $0x280;
	s8 =	simm.s32 $0xB  }
0x108: {  	[spmem:s2] =	stream.indirect.scatter.add.f32 [tilespmem:s6], [sflag:$0xE], $0x80, s19, s9, $0xb8;
	[tilespmem:$0x1DC80] =	vst v63  }
0x109: {  	_ =	swait.ge [sflag:s8], $0x2800  }
0x10a: {  	[sflag:s8] =	ssyncset.done $0x0  }
0x10b: {  	[sflag:s8] =	ssyncadd.s32 $0xFFFFD800  }
0x10c: {  	s30 =	sadd.s32 $0x140, s30;
	_ =	swait.ge [sflag:s29], $0x2800  }
0x10d: {  	s8 =	sshrl.u32 s30, $0x3;
	[sflag:s29] =	ssyncset.done $0x0;
	s12 =	rddreg [dreg:$0xc]  }
0x10e: {  	s22 =	simm.s32 $0x200;
	[sflag:s29] =	ssyncadd.s32 $0xFFFFD800;
	s10 =	sadd.s32 s12, s8  }
0x10f: {  	[tilespmem:s22], [sflag:$0x5] =	stream.linear.gather [hbm4b:s10+s3], $0x50, $0x38;
	[tilespmem:$0x1DC80] =	vst v63  }
0x110: {  	_ =	swait.ge [sflag:s11], $0x50  }
0x111: {  	s1 =	smov.u32 s4;
	[sflag:s11] =	ssyncset.done $0x0  }
0x112: {  	s8 =	simm.s32 $0x400;
	s12 =	rddreg [dreg:$0x8];
	[sflag:s11] =	ssyncadd.s32 $0xFFFFFFB0  }
0x113: {  	[tilespmem:s8], [sflag:$0x9] =	stream.indirect.gather [hbm4b:s18+s9], $0x80, s3, s9, $0xb8;
	[tilespmem:$0x1DC80] =	vst v63  }
0x114: {  	s14 =	simm.s32 $0x100;
	s10 =	sadd.s32 s1, s12  }
0x115: {  	[tilespmem:s14], [sflag:$0x3] =	stream.linear.gather [hbm4b:s10+s3], $0x50, $0x38;
	[tilespmem:$0x1DC80] =	vst v63  }
0x116: {  	_ =	swait.ge [sflag:s31], $0x50  }
0x117: {  	s20 =	simm.s32 $0x300;
	[sflag:s31] =	ssyncset.done $0x0  }
0x118: {  	s17 =	simm.s32 $0x5400;
	s13 =	simm.s32 $0xC;
	[sflag:s31] =	ssyncadd.s32 $0xFFFFFFB0  }
0x119: {  	[spmem:s2] =	stream.indirect.scatter.add.f32 [tilespmem:s17], [sflag:$0xF], $0x80, s20, s9, $0xb8;
	[tilespmem:$0x1DC80] =	vst v63  }
0x11a: {  	_ =	swait.ge [sflag:s13], $0x2800  }
0x11b: {  	[sflag:s13] =	ssyncset.done $0x0  }
0x11c: {  	s21 =	simm.s32 $0xE;
	[sflag:s13] =	ssyncadd.s32 $0xFFFFD800  }
0x11d: {  	_ =	swait.ge [sflag:s21], $0x2800  }
0x11e: {  	s24 =	rddreg [dreg:$0xa];
	[sflag:s21] =	ssyncset.done $0x0  }
0x11f: {  	[sflag:s21] =	ssyncadd.s32 $0xFFFFD800;
	s10 =	sadd.s32 s1, s24  }
0x120: {  	[tilespmem:s19], [sflag:$0x6] =	stream.linear.gather [hbm4b:s10+s3], $0x50, $0x38;
	[tilespmem:$0x1DC80] =	vst v63  }
0x121: {  	_ =	swait.ge [sflag:s15], $0x50  }
0x122: {  	[sflag:s15] =	ssyncset.done $0x0  }
0x123: {  	s19 =	simm.s32 $0x80;
	s13 =	rddreg [dreg:$0x6];
	[sflag:s15] =	ssyncadd.s32 $0xFFFFFFB0  }
0x124: {  	[tilespmem:s6], [sflag:$0xA] =	stream.indirect.gather [hbm4b:s18+s9], $0x80, s19, s9, $0xb8;
	[tilespmem:$0x1DC80] =	vst v63  }
0x125: {  	s10 =	sadd.s32 s1, s13;
	s13 =	simm.s32 $0x180  }
0x126: {  	[tilespmem:s13], [sflag:$0x4] =	stream.linear.gather [hbm4b:s10+s3], $0x50, $0x38;
	[tilespmem:$0x1DC80] =	vst v63  }
0x127: {  	_ =	swait.ge [sflag:s16], $0x50  }
0x128: {  	[sflag:s16] =	ssyncset.done $0x0  }
0x129: {  	s12 =	simm.s32 $0x380;
	s19 =	simm.s32 $0x7C00;
	[sflag:s16] =	ssyncadd.s32 $0xFFFFFFB0  }
0x12a: {  	[spmem:s2] =	stream.indirect.scatter.add.f32 [tilespmem:s19], [sflag:$0x10], $0x80, s12, s9, $0xb8;
	[tilespmem:$0x1DC80] =	vst v63  }
0x12b: {  	_ =	swait.ge [sflag:s5], $0x2800  }
0x12c: {  	[sflag:s5] =	ssyncset.done $0x0  }
0x12d: {  	[sflag:s5] =	ssyncadd.s32 $0xFFFFD800  }
0x12e: {  	_ =	swait.ge [sflag:s25], $0x2800  }
0x12f: {  	s6 =	rddreg [dreg:$0x7];
	[sflag:s25] =	ssyncset.done $0x0  }
0x130: {  	[sflag:s25] =	ssyncadd.s32 $0xFFFFD800;
	s10 =	sadd.s32 s1, s6  }
0x131: {  	[tilespmem:s20], [sflag:$0x7] =	stream.linear.gather [hbm4b:s10+s3], $0x50, $0x38;
	[tilespmem:$0x1DC80] =	vst v63  }
0x132: {  	_ =	swait.ge [sflag:s26], $0x50  }
0x133: {  	[sflag:s26] =	ssyncset.done $0x0  }
0x134: {  	s10 =	rddreg [dreg:$0x9];
	[sflag:s26] =	ssyncadd.s32 $0xFFFFFFB0  }
0x135: {  	[tilespmem:s17], [sflag:$0xB] =	stream.indirect.gather [hbm4b:s18+s9], $0x80, s14, s9, $0xb8;
	[tilespmem:$0x1DC80] =	vst v63  }
0x136: {  	s10 =	sadd.s32 s1, s10  }
0x137: {  	[tilespmem:s3], [sflag:$0x1] =	stream.linear.gather [hbm4b:s10+s3], $0x50, $0x38;
	[tilespmem:$0x1DC80] =	vst v63  }
0x138: {  	_ =	swait.ge [sflag:s28], $0x50  }
0x139: {  	[sflag:s28] =	ssyncset.done $0x0  }
0x13a: {  	[sflag:s28] =	ssyncadd.s32 $0xFFFFFFB0  }
0x13b: {  	[spmem:s2] =	stream.indirect.scatter.add.f32 [tilespmem:s8], [sflag:$0xD], $0x80, s22, s9, $0xb8;
	[tilespmem:$0x1DC80] =	vst v63  }
0x13c: {  	_ =	swait.ge [sflag:s23], $0x2800  }
0x13d: {  	[sflag:s23] =	ssyncset.done $0x0  }
0x13e: {  	s10 =	simm.s32 $0x10;
	[sflag:s23] =	ssyncadd.s32 $0xFFFFD800  }
0x13f: {  	_ =	swait.ge [sflag:s10], $0x2800  }
0x140: {  	s14 =	rddreg [dreg:$0x5];
	[sflag:s10] =	ssyncset.done $0x0  }
0x141: {  	[sflag:s10] =	ssyncadd.s32 $0xFFFFD800;
	s10 =	sadd.s32 s1, s14  }
0x142: {  	[tilespmem:s12], [sflag:$0x8] =	stream.linear.gather [hbm4b:s10+s3], $0x50, $0x38;
	[tilespmem:$0x1DC80] =	vst v63  }
0x143: {  	s0 =	sadd.s32 $0x4, s0;
	_ =	swait.ge [sflag:s7], $0x50  }
0x144: {  	s4 =	sadd.s32 $0x28, s4;
	[sflag:s7] =	ssyncset.done $0x0;
	s17 =	rddreg [dreg:$0x4]  }
0x145: {  	s12 =	rddreg [dreg:$0xb];
	[sflag:s7] =	ssyncadd.s32 $0xFFFFFFB0;
	p2 =	sge.u32 s0, s17  }
0x146: {  	[tilespmem:s19], [sflag:$0xC] =	stream.indirect.gather [hbm4b:s18+s9], $0x80, s13, s9, $0xb8;
	[tilespmem:$0x1DC80] =	vst v63  }
0x147: {  	p1 =	sne.s32 s4, $0x4B0;
	s1 =	sadd.s32 @!p2 s1, s12  }
.Ltmp1:
0x148: {  	s10 =	simm.s32 @!p2 $0x0;
	s12 =	simm.s32 @!p2 $0x80;
	(pc) =	sbr.rel @p1 .LBB2_4-.Ltmp1, $4  }
0x149: {  	[tilespmem:s12], [sflag:$0x2] =	stream.linear.gather @!p2 [hbm4b:s1+s10], $0x50, $0x38;
	[tilespmem:$0x1DC80] =	vst v63  }
0x14a: {  	s21 =	simm.s32 $0x280;
	s24 =	simm.s32 $0x2C00;
	s10 =	simm.s32 $0x6  }
0x14b: {  	s6 =	simm.s32 $0x300;
	s20 =	simm.s32 $0x5400;
	_ =	swait.ge [sflag:s10], $0x50  }
0x14c: {  	s22 =	simm.s32 $0x380;
	s8 =	simm.s32 $0x7C00;
	[sflag:s10] =	ssyncset.done $0x0  }
0x14d: {  	[sflag:s10] =	ssyncadd.s32 $0xFFFFFFB0;
	s0 =	simm.s32 $0xB  }
0x14e: {  	[spmem:s2] =	stream.indirect.scatter.add.f32 [tilespmem:s24], [sflag:$0xE], $0x80, s21, s9, $0xb8;
	[tilespmem:$0x1DC80] =	vst v63  }
0x14f: {  	_ =	swait.ge [sflag:s0], $0x2800  }
0x150: {  	[sflag:s0] =	ssyncset.done $0x0  }
0x151: {  	[sflag:s0] =	ssyncadd.s32 $0xFFFFD800  }
0x152: {  	_ =	swait.ge [sflag:s29], $0x2800  }
0x153: {  	s15 =	sld [smem:$0x7E9]  }
0x154: {  	[sflag:s29] =	ssyncset.done $0x0  }
0x155: {  	s1 =	simm.s32 $0x200;
	[sflag:s29] =	ssyncadd.s32 $0xFFFFD800  }
0x156: {  	[tilespmem:s1], [sflag:$0x5] =	stream.linear.gather [hbm4b:s15+s3], $0x50, $0x38;
	[tilespmem:$0x1DC80] =	vst v63  }
0x157: {  	_ =	swait.ge [sflag:s11], $0x50  }
0x158: {  	[sflag:s11] =	ssyncset.done $0x0  }
0x159: {  	s17 =	simm.s32 $0x400;
	[sflag:s11] =	ssyncadd.s32 $0xFFFFFFB0  }
0x15a: {  	[tilespmem:s17], [sflag:$0x9] =	stream.indirect.gather [hbm4b:s18+s9], $0x80, s3, s9, $0xb8;
	[tilespmem:$0x1DC80] =	vst v63  }
0x15b: {  	_ =	swait.ge [sflag:s31], $0x50  }
0x15c: {  	[sflag:s31] =	ssyncset.done $0x0  }
0x15d: {  	s4 =	simm.s32 $0xC;
	[sflag:s31] =	ssyncadd.s32 $0xFFFFFFB0  }
0x15e: {  	[spmem:s2] =	stream.indirect.scatter.add.f32 [tilespmem:s20], [sflag:$0xF], $0x80, s6, s9, $0xb8;
	[tilespmem:$0x1DC80] =	vst v63  }
0x15f: {  	_ =	swait.ge [sflag:s4], $0x2800  }
0x160: {  	[sflag:s4] =	ssyncset.done $0x0  }
0x161: {  	s19 =	simm.s32 $0xE;
	[sflag:s4] =	ssyncadd.s32 $0xFFFFD800  }
0x162: {  	_ =	swait.ge [sflag:s19], $0x2800  }
0x163: {  	[sflag:s19] =	ssyncset.done $0x0  }
0x164: {  	[sflag:s19] =	ssyncadd.s32 $0xFFFFD800  }
0x165: {  	_ =	swait.ge [sflag:s16], $0x50  }
0x166: {  	[sflag:s16] =	ssyncset.done $0x0  }
0x167: {  	[sflag:s16] =	ssyncadd.s32 $0xFFFFFFB0  }
0x168: {  	[spmem:s2] =	stream.indirect.scatter.add.f32 [tilespmem:s8], [sflag:$0x10], $0x80, s22, s9, $0xb8;
	[tilespmem:$0x1DC80] =	vst v63  }
0x169: {  	_ =	swait.ge [sflag:s5], $0x2800  }
0x16a: {  	[sflag:s5] =	ssyncset.done $0x0  }
0x16b: {  	[sflag:s5] =	ssyncadd.s32 $0xFFFFD800  }
0x16c: {  	_ =	swait.ge [sflag:s25], $0x2800  }
0x16d: {  	[sflag:s25] =	ssyncset.done $0x0  }
0x16e: {  	[sflag:s25] =	ssyncadd.s32 $0xFFFFD800  }
0x16f: {  	_ =	swait.ge [sflag:s28], $0x50  }
0x170: {  	[sflag:s28] =	ssyncset.done $0x0  }
0x171: {  	s20 =	simm.s32 $0x10;
	[sflag:s28] =	ssyncadd.s32 $0xFFFFFFB0  }
0x172: {  	[spmem:s2] =	stream.indirect.scatter.add.f32 [tilespmem:s17], [sflag:$0xD], $0x80, s1, s9, $0xb8;
	[tilespmem:$0x1DC80] =	vst v63  }
0x173: {  	_ =	swait.ge [sflag:s20], $0x2800  }
0x174: {  	[sflag:s20] =	ssyncset.done $0x0  }
0x175: {  	[sflag:s20] =	ssyncadd.s32 $0xFFFFD800  }
0x176: {  	_ =	swait.ge [sflag:s29], $0x2800  }
0x177: {  	[sflag:s29] =	ssyncset.done $0x0  }
0x178: {  	[sflag:s29] =	ssyncadd.s32 $0xFFFFD800  }
0x179: {  	s21 =	stileid.u32;
	[bflag:$0x0] =	sbarrier.arrive $0xFFFF  }
0x17a: {  	s0 =	sshll.u32 s21, $0x6;
	s22 =	rddreg [dreg:$0x1c]  }
0x17b: {  	s0 =	sor.u32 $0x1C10, s0;
	s23 =	rddreg [dreg:$0xd];
	s1 =	sshrl.u32 s22, $0x3  }
0x17c: {  	[hbm:s23], [sflag:s0] =	dma.local [spmem:s1], $0x300  }
0x17d: {  	s4 =	sld [smem:$0x7EE];
	_ =	sdelay $0x1  }
0x17e: {  	s1 =	rddreg [dreg:$0xe]  }
0x17f: {  	[hbm:s1], [sflag:s0] =	dma.local [spmem:s4], $0x300  }
0x180: {  	s4 =	sld [smem:$0x7EF];
	_ =	sdelay $0x1  }
0x181: {  	s1 =	rddreg [dreg:$0xf]  }
0x182: {  	[hbm:s1], [sflag:s0] =	dma.local [spmem:s4], $0x300  }
0x183: {  	s4 =	sld [smem:$0x7F0];
	_ =	sdelay $0x1  }
0x184: {  	s1 =	rddreg [dreg:$0x10]  }
0x185: {  	[hbm:s1], [sflag:s0] =	dma.local [spmem:s4], $0x300  }
0x186: {  	s4 =	sld [smem:$0x7F1];
	_ =	sdelay $0x1  }
0x187: {  	s1 =	rddreg [dreg:$0x11]  }
0x188: {  	[hbm:s1], [sflag:s0] =	dma.local [spmem:s4], $0x300  }
0x189: {  	s1 =	rddreg [dreg:$0x1d]  }
0x18a: {  	s4 =	rddreg [dreg:$0x12];
	s1 =	sshrl.u32 s1, $0x3  }
0x18b: {  	[hbm:s4], [sflag:s0] =	dma.local [spmem:s1], $0x300  }
0x18c: {  	s4 =	sld [smem:$0x7F2];
	_ =	sdelay $0x1  }
0x18d: {  	s1 =	rddreg [dreg:$0x13]  }
0x18e: {  	[hbm:s1], [sflag:s0] =	dma.local [spmem:s4], $0x300  }
0x18f: {  	s4 =	sld [smem:$0x7F3];
	_ =	sdelay $0x1  }
0x190: {  	s1 =	rddreg [dreg:$0x14]  }
0x191: {  	[hbm:s1], [sflag:s0] =	dma.local [spmem:s4], $0x300  }
0x192: {  	s4 =	sld [smem:$0x7F4];
	_ =	sdelay $0x1  }
0x193: {  	s1 =	rddreg [dreg:$0x15]  }
0x194: {  	[hbm:s1], [sflag:s0] =	dma.local [spmem:s4], $0x300  }
0x195: {  	s4 =	sld [smem:$0x7F5];
	_ =	sdelay $0x1  }
0x196: {  	s1 =	rddreg [dreg:$0x16]  }
0x197: {  	[hbm:s1], [sflag:s0] =	dma.local [spmem:s4], $0x300  }
0x198: {  	s1 =	rddreg [dreg:$0x1e]  }
0x199: {  	s4 =	rddreg [dreg:$0x17];
	s1 =	sshrl.u32 s1, $0x3  }
0x19a: {  	[hbm:s4], [sflag:s0] =	dma.local [spmem:s1], $0x300  }
0x19b: {  	s4 =	sld [smem:$0x7F6];
	_ =	sdelay $0x1  }
0x19c: {  	s1 =	rddreg [dreg:$0x18]  }
0x19d: {  	[hbm:s1], [sflag:s0] =	dma.local [spmem:s4], $0x300  }
0x19e: {  	s4 =	sld [smem:$0x7F7];
	_ =	sdelay $0x1  }
0x19f: {  	s1 =	rddreg [dreg:$0x19]  }
0x1a0: {  	[hbm:s1], [sflag:s0] =	dma.local [spmem:s4], $0x300  }
0x1a1: {  	s10 =	sld [smem:$0x7FD]  }
0x1a2: {  	s4 =	sld [smem:$0x7EA];
	_ =	sdelay $0x1  }
0x1a3: {  	s1 =	simm.s32 @!p0 $0x1FD1;
	s0 =	sshrl.u32 @!p0 s10, $0x3  }
0x1a4: {  	[hbm:s4], [sflag:s1] =	dma.local @!p0 [spmem:s0], $0x100  }
0x1a5: {  	s0 =	simm.s32 @!p0 $0x11  }
0x1a6: {  	_ =	swait.ge @!p0 [sflag:s0], $0x100  }
0x1a7: {  	[sflag:s0] =	ssyncset.done @!p0 $0x0  }
0x1a8: {  	[sflag:s0] =	ssyncadd.s32 @!p0 $0xFFFFFF00  }
0x1a9: {  	_ =	swait.ge [sflag:s20], $0x300  }
0x1aa: {  	[sflag:s20] =	ssyncset.done $0x0  }
0x1ab: {  	[sflag:s20] =	ssyncadd.s32 $0xFFFFFD00  }
0x1ac: {  	_ =	swait.ge [sflag:s20], $0x300  }
0x1ad: {  	[sflag:s20] =	ssyncset.done $0x0  }
0x1ae: {  	[sflag:s20] =	ssyncadd.s32 $0xFFFFFD00  }
0x1af: {  	_ =	swait.ge [sflag:s20], $0x300  }
0x1b0: {  	[sflag:s20] =	ssyncset.done $0x0  }
0x1b1: {  	[sflag:s20] =	ssyncadd.s32 $0xFFFFFD00  }
0x1b2: {  	_ =	swait.ge [sflag:s20], $0x300  }
0x1b3: {  	[sflag:s20] =	ssyncset.done $0x0  }
0x1b4: {  	[sflag:s20] =	ssyncadd.s32 $0xFFFFFD00  }
0x1b5: {  	_ =	swait.ge [sflag:s20], $0x300  }
0x1b6: {  	[sflag:s20] =	ssyncset.done $0x0  }
0x1b7: {  	[sflag:s20] =	ssyncadd.s32 $0xFFFFFD00  }
0x1b8: {  	_ =	swait.ge [sflag:s20], $0x300  }
0x1b9: {  	[sflag:s20] =	ssyncset.done $0x0  }
0x1ba: {  	[sflag:s20] =	ssyncadd.s32 $0xFFFFFD00  }
0x1bb: {  	_ =	swait.ge [sflag:s20], $0x300  }
0x1bc: {  	[sflag:s20] =	ssyncset.done $0x0  }
0x1bd: {  	[sflag:s20] =	ssyncadd.s32 $0xFFFFFD00  }
0x1be: {  	_ =	swait.ge [sflag:s20], $0x300  }
0x1bf: {  	[sflag:s20] =	ssyncset.done $0x0  }
0x1c0: {  	[sflag:s20] =	ssyncadd.s32 $0xFFFFFD00  }
0x1c1: {  	_ =	swait.ge [sflag:s20], $0x300  }
0x1c2: {  	[sflag:s20] =	ssyncset.done $0x0  }
0x1c3: {  	[sflag:s20] =	ssyncadd.s32 $0xFFFFFD00  }
0x1c4: {  	_ =	swait.ge [sflag:s20], $0x300  }
0x1c5: {  	[sflag:s20] =	ssyncset.done $0x0  }
0x1c6: {  	[sflag:s20] =	ssyncadd.s32 $0xFFFFFD00  }
0x1c7: {  	_ =	swait.ge [sflag:s20], $0x300  }
0x1c8: {  	[sflag:s20] =	ssyncset.done $0x0  }
0x1c9: {  	[sflag:s20] =	ssyncadd.s32 $0xFFFFFD00  }
0x1ca: {  	_ =	swait.ge [sflag:s20], $0x300  }
0x1cb: {  	[sflag:s20] =	ssyncset.done $0x0  }
0x1cc: {  	[sflag:s20] =	ssyncadd.s32 $0xFFFFFD00  }
0x1cd: {  	_ =	swait.ge [sflag:s20], $0x300  }
0x1ce: {  	s12 =	simm.s32 $0x80;
	s24 =	sld [smem:$0x7E1]  }
0x1cf: {  	s30 =	simm.s32 $0x400;
	s13 =	smov.u32 s2;
	s26 =	sld [smem:$0x7EB]  }
0x1d0: {  	s7 =	simm.s32 $0x5;
	s21 =	simm.s32 $0x380;
	s15 =	simm.s32 $0x2  }
0x1d1: {  	s11 =	simm.s32 $0x1;
	s6 =	simm.s32 $0x2C00;
	s1 =	sadd.s32 $0x1, s24  }
0x1d2: {  	s19 =	simm.s32 $0x100;
	s8 =	simm.s32 $0xD;
	p1 =	sne.s32 s1, s26  }
.Ltmp2:
0x1d3: {  	s5 =	simm.s32 $0x9;
	s28 =	simm.s32 $0x280;
	(pc) =	sbr.rel @p1 .LBB2_1-.Ltmp2, $4  }
0x1d4: {  	s17 =	simm.s32 $0x10;
	s2 =	simm.s32 $0x5400;
	s29 =	simm.s32 $0x7C00  }
0x1d5: {  	s22 =	simm.s32 $0x300;
	s23 =	simm.s32 $0x4;
	[sflag:s20] =	ssyncset.done $0x0  }
0x1d6: {  	s4 =	simm.s32 $0x200;
	s31 =	rddreg [dreg:$0xc];
	[sflag:s20] =	ssyncadd.s32 $0xFFFFFD00  }
0x1d7: {  	s20 =	simm.s32 $0x180;
	s24 =	simm.s32 $0x3;
	s26 =	simm.s32 $0xA  }
0x1d8: {  	_ =	sfence.sel $0x180000  }
0x1d9: {  	[bflag:$0x0] =	sbarrier.arrive $0xFFFF  }
0x1da: {  	_ =	strace $0x9000004D  }
0x1db: {  	s0 =	stileid.u32;
	[bflag:$0x2] =	sbarrier.arrive $0xFFFF  }
0x1dc: {  	p0 =	sne.s32 s0, $0x0;
	s0 =	rddreg [dreg:$0x3]  }
0x1dd: {  	s0 =	sadd.s32 @!p0 $0x100000, s0  }
0x1de: {  	[sflag:s0] =	ssyncadd.tile.s32 @!p0 $0x1;
	_ =	shalt  }
.Lfunc_end2:
_tile_overlayer_lowered:
.L_overlay_start_2:
0x1df: {  	(tag) =	ssettag $0x2  }
0x1e0: {  	s0 =	rddreg [dreg:$0x0];
	s2 =	stileid.u32  }
0x1e1: {  	s1 =	rddreg [dreg:$0x1];
	p0 =	sne.s32 s2, $0x0  }
0x1e2: {  	s3 =	rddreg [dreg:$0x2];
	[bflag:$0x3] =	sbarrier.arrive $0xFFFF;
	s2 =	simm.s32 @!p0 $0x1C11  }
0x1e3: {  	[timem:s3], [sflag:s2] =	dma.local @!p0 [hbm:s0], s1  }
0x1e4: {  	s0 =	simm.s32 @!p0 $0x11  }
0x1e5: {  	_ =	swait.ge @!p0 [sflag:s0], s1  }
0x1e6: {  	s1 =	ssub.s32 @!p0 $0x0, s1;
	[sflag:s0] =	ssyncset.done @!p0 $0x0  }
0x1e7: {  	[sflag:s0] =	ssyncadd.s32 @!p0 s1  }
0x1e8: {  	[bflag:$0x3] =	sbarrier.arrive $0xFFFF  }
0x1e9: {  	_ =	shalt  }

// kernel: kernel.9.cloned.1.call-start
scs
__scs_entry_jumppad:
0x0: {  	(pc) =	sbr.rel $0x88, $3  }
0x1: {  	(tag) =	ssettag $0x0;
	lr =	simm.s32 $0x1  }
0x2: {  	[smem:$0x3F96] =	sst lr;
	_ =	strace $0xD0000000  }
0x3: {  	_ = 	snop  }
0x4: {  	_ = 	snop  }
0x5: {  	_ = 	snop  }
0x6: {  	_ = 	snop  }
0x7: {  	_ = 	snop  }
__scs_overlays_trampoline_lowered:
0x8: {  	[smem:$0x3FA5] =	sst s0  }
0x9: {  	[smem:$0x3FA6] =	sst s1  }
0xa: {  	[smem:$0x3FA7] =	sst s2  }
0xb: {  	[smem:$0x3FA8] =	sst s3  }
0xc: {  	[smem:$0x3FA9] =	sst s4  }
0xd: {  	[smem:$0x3FAA] =	sst s5  }
0xe: {  	[smem:$0x3FAB] =	sst s6  }
0xf: {  	[smem:$0x3FAC] =	sst s7  }
0x10: {  	[smem:$0x3FAD] =	sst s8  }
0x11: {  	[smem:$0x3FAE] =	sst s9;
	s0 =	simm.s32 @!p0 $0x0  }
0x12: {  	s1 =	sld [smem:$0x3F94];
	s0 =	simm.s32 @p0 $0x1  }
0x13: {  	[smem:$0x3FAF] =	sst s0;
	s0 =	simm.s32 @!p1 $0x0  }
0x14: {  	s2 =	sld [smem:$0x3F93];
	s0 =	simm.s32 @p1 $0x1  }
0x15: {  	[smem:$0x3FB0] =	sst s0;
	s0 =	simm.s32 @!p2 $0x0  }
0x16: {  	s3 =	sld [smem:$0x3FDB];
	s0 =	simm.s32 @p2 $0x1  }
0x17: {  	s4 =	simm.s32 $0x1BF5;
	[smem:$0x3FB2] =	sst s0  }
0x18: {  	s0 =	sld [smem:$0x3F95];
	_ =	swait.ge [sflag:s4], $0x0  }
0x19: {  	s7 =	sld [smem:$0x3F96]  }
0x1a: {  	s8 =	sadd.s32 $0xFFFFE003, lr  }
0x1b: {  	s9 =	sadd.s32 $0xFFFFFEF7, lr;
	s5 =	simm.s32 $0xFFFFFFFF;
	p2 =	slt.u32 s8, $0xFFFFF086  }
0x1c: {  	p1 =	slt.u32 s9, $0xF7A;
	s5 =	simm.s32 @!p2 $0x0  }
0x1d: {  	s5 =	simm.s32 @p1 $0x1;
	p0 =	seq.s32 s7, s2  }
0x1e: {  	s7 =	smul.u32 @!p0 $0xF7A, s2;
	p2 =	seq.s32 @!p0 s5, $0x0  }
0x1f: {  	s9 =	smul.u32 $0xF7A, s1;
	s8 =	simm.s32 @!p0 $0x1BF5;
	p2 =	por !p2, p0  }
0x20: {  	[sflag:s8] =	ssyncset.s32 @!p0 $0xFFFFF086;
	s6 =	sadd.s32 @!p0 s3, s7;
	s7 =	simm.s32 @!p0 $0x108  }
0x21: {  	s3 =	sadd.s32 s3, s9;
	s6 =	sadd.s32 @!p0 $0x88, s6;
	s7 =	simm.s32 @p2 $0x1082  }
0x22: {  	[simem:s7], [sflag:s8] =	dma.local @!p0 [hbm:s6], $0xF7A  }
0x23: {  	s9 =	sor.u32 $0xD0000000, s2;
	s6 =	simm.s32 $0x108;
	_ =	swait.ge @!p0 [sflag:s8], $0x0  }
0x24: {  	s3 =	sadd.s32 $0x88, s3;
	s6 =	simm.s32 @!p1 $0x1082;
	[sflag:s4] =	ssyncset.s32 $0xFFFFF086  }
0x25: {  	[simem:s6], [sflag:s4] =	dma.local [hbm:s3], $0xF7A  }
0x26: {  	[smem:$0x3F96] =	sst s1;
	(tag) =	ssettag s2;
	_ =	strace s9  }
0x27: {  	s1 =	sld [smem:$0x3FA6]  }
0x28: {  	s2 =	sld [smem:$0x3FA7]  }
0x29: {  	s4 =	sld [smem:$0x3FA9]  }
0x2a: {  	p0 =	seq.s32 s5, $0x0;
	s5 =	sld [smem:$0x3FAA]  }
0x2b: {  	s6 =	sld [smem:$0x3FAB]  }
0x2c: {  	s7 =	sld [smem:$0x3FAC]  }
0x2d: {  	s3 =	simm.s32 $0x108;
	s8 =	sld [smem:$0x3FAD]  }
0x2e: {  	s3 =	simm.s32 @!p0 $0x1082;
	s9 =	sld [smem:$0x3FAE]  }
0x2f: {  	lr =	sadd.s32 s0, s3;
	s0 =	sld [smem:$0x3FA5]  }
0x30: {  	s3 =	sld [smem:$0x3FA8]  }
0x31: {  	[smem:$0x3FB1] =	sst s10  }
0x32: {  	s10 =	sld [smem:$0x3FAF];
	_ =	sdelay $0x3  }
0x33: {  	p0 =	seq.s32 s10, $0x1;
	s10 =	sld [smem:$0x3FB1];
	_ =	sdelay $0x3  }
0x34: {  	[smem:$0x3FB1] =	sst s10  }
0x35: {  	s10 =	sld [smem:$0x3FB0];
	_ =	sdelay $0x3  }
0x36: {  	p1 =	seq.s32 s10, $0x1;
	s10 =	sld [smem:$0x3FB1];
	_ =	sdelay $0x3  }
0x37: {  	[smem:$0x3FB1] =	sst s10  }
0x38: {  	s10 =	sld [smem:$0x3FB2]  }
0x39: {  	_ = 	snop;
	(pc) =	sbr.ind lr, $3  }
0x3a: {  	_ = 	snop  }
0x3b: {  	_ = 	snop  }
0x3c: {  	p2 =	seq.s32 s10, $0x1;
	s10 =	sld [smem:$0x3FB1]  }
0x3d: {  	_ =	shalt  }
0x3e: {  	_ =	shalt  }
0x3f: {  	_ =	shalt  }
0x40: {  	_ =	shalt  }
0x41: {  	_ =	shalt  }
0x42: {  	_ =	shalt  }
0x43: {  	_ =	shalt  }
0x44: {  	_ =	shalt  }
0x45: {  	_ =	shalt  }
0x46: {  	_ =	shalt  }
0x47: {  	_ =	shalt  }
0x48: {  	_ =	shalt  }
0x49: {  	_ =	shalt  }
0x4a: {  	_ =	shalt  }
0x4b: {  	_ =	shalt  }
0x4c: {  	_ =	shalt  }
0x4d: {  	_ =	shalt  }
0x4e: {  	_ =	shalt  }
0x4f: {  	_ =	shalt  }
0x50: {  	_ =	shalt  }
0x51: {  	_ =	shalt  }
0x52: {  	_ =	shalt  }
0x53: {  	_ =	shalt  }
0x54: {  	_ =	shalt  }
0x55: {  	_ =	shalt  }
0x56: {  	_ =	shalt  }
0x57: {  	_ =	shalt  }
0x58: {  	_ =	shalt  }
0x59: {  	_ =	shalt  }
0x5a: {  	_ =	shalt  }
0x5b: {  	_ =	shalt  }
0x5c: {  	_ =	shalt  }
0x5d: {  	_ =	shalt  }
0x5e: {  	_ =	shalt  }
0x5f: {  	_ =	shalt  }
0x60: {  	_ =	shalt  }
0x61: {  	_ =	shalt  }
0x62: {  	_ =	shalt  }
0x63: {  	_ =	shalt  }
0x64: {  	_ =	shalt  }
0x65: {  	_ =	shalt  }
0x66: {  	_ =	shalt  }
0x67: {  	_ =	shalt  }
0x68: {  	_ =	shalt  }
0x69: {  	_ =	shalt  }
0x6a: {  	_ =	shalt  }
0x6b: {  	_ =	shalt  }
0x6c: {  	_ =	shalt  }
0x6d: {  	_ =	shalt  }
0x6e: {  	_ =	shalt  }
0x6f: {  	_ =	shalt  }
0x70: {  	_ =	shalt  }
0x71: {  	_ =	shalt  }
0x72: {  	_ =	shalt  }
0x73: {  	_ =	shalt  }
0x74: {  	_ =	shalt  }
0x75: {  	_ =	shalt  }
0x76: {  	_ =	shalt  }
0x77: {  	_ =	shalt  }
0x78: {  	_ =	shalt  }
0x79: {  	_ =	shalt  }
0x7a: {  	_ =	shalt  }
0x7b: {  	_ =	shalt  }
0x7c: {  	_ =	shalt  }
0x7d: {  	_ =	shalt  }
0x7e: {  	_ =	shalt  }
0x7f: {  	_ =	shalt  }
0x80: {  	_ =	shalt  }
0x81: {  	_ =	shalt  }
0x82: {  	_ =	shalt  }
0x83: {  	_ =	shalt  }
0x84: {  	_ =	shalt  }
0x85: {  	_ =	shalt  }
0x86: {  	_ =	shalt  }
0x87: {  	_ =	shalt  }
.Lfunc_end0:
.L_simem_size_0:
called_computation_lowered:
.L_overlay_start_0:
0x88: {  	s2 =	sld [smem:$0x3FD9]  }
0x89: {  	s3 =	sld [smem:$0x3FFE];
	_ =	sdelay $0x1  }
0x8a: {  	s1 =	srdreg.scid  }
0x8b: {  	s0 =	sand.u32 $0x1, s1  }
0x8c: {  	s16 =	sshll.u32 s0, $0xA;
	s2 =	sadd.s32 s3, s2  }
0x8d: {  	s2 =	sadd.s32 s2, s16  }
0x8e: {  	[smem:$0x3FBD] =	sst s2  }
0x8f: {  	_ = 	snop  }
0x90: {  	(tm) =	ssettm $0x1  }
0x91: {  	s17 =	sld [smem:$0x3FFB];
	_ =	sdelay $0x3  }
0x92: {  	_ =	strace s17  }
0x93: {  	s2 =	sld [smem:$0x3FFC];
	_ =	sdelay $0x3  }
0x94: {  	_ =	strace s2  }
0x95: {  	s2 =	sld [smem:$0x3FFD];
	_ =	sdelay $0x3  }
0x96: {  	_ =	strace s2  }
0x97: {  	_ =	strace $0x8FFFFFFF  }
0x98: {  	s18 =	sld [smem:$0x3FDB];
	_ =	sdelay $0x1  }
0x99: {  	s19 =	simm.s32 $_scs_section_size  }
0x9a: {  	s4 =	simm.s32 $_size__tile_overlayer_lowered;
	s5 =	simm.s32 $_tile_overlayer_lowered  }
0x9b: {  	s22 =	simm.s32 $0x1BFF;
	s21 =	sshll.u32 s5, $0x1;
	s2 =	sadd.s32 s19, s18  }
0x9c: {  	s6 =	simm.s32 $0x0;
	s20 =	sshll.u32 s4, $0x1;
	s4 =	sadd.s32 s21, s2  }
0x9d: {  	[timem:s6], [sflag:s22] =	dma.local [hbm:s4], s20  }
0x9e: {  	_ =	swait.ge [sflag:s22], s20  }
0x9f: {  	s3 =	ssub.s32 $0x0, s20;
	[sflag:s22] =	ssyncset.done $0x0  }
0xa0: {  	[sflag:s22] =	ssyncadd.s32 s3;
	_ =	sdelay $0x1  }
0xa1: {  	s23 =	simm.s32 $0x1B8B  }
0xa2: {  	_ =	swait.ge [sflag:s23], $0x1  }
0xa3: {  	[sflag:s23] =	ssyncset.done $0x0  }
0xa4: {  	s25 =	simm.s32 $0x1B8E;
	s24 =	sld [smem:$0x3FFE];
	[sflag:s23] =	ssyncadd.s32 $0xFFFFFFFF  }
0xa5: {  	s26 =	simm.s32 $execute0_lowered;
	[smem:$0x3FD2] =	sst s25  }
0xa6: {  	s4 =	sshll.u32 s26, $0x1;
	_ =	strace $0x80000046;
	[dreg:$0x1] =	wrdreg $0xFFFFFFFF  }
0xa7: {  	s28 =	simm.s32 $_size_execute0_lowered;
	s2 =	sadd.s32 s2, s4;
	[dreg:$0x0] =	wrdreg $0x0  }
0xa8: {  	s4 =	sshll.u32 s28, $0x1;
	[dreg:$0x2] =	wrdreg s2  }
0xa9: {  	[dreg:$0x3] =	wrdreg s4  }
0xaa: {  	[dreg:$0x4] =	wrdreg $0xC0  }
0xab: {  	_ =	task [dreg:s6], $0x5FFFF  }
0xac: {  	[dreg:$0x1] =	wrdreg $0xFFFFFFFF  }
0xad: {  	[dreg:$0x0] =	wrdreg $0x60  }
0xae: {  	[dreg:$0x2] =	wrdreg s24  }
0xaf: {  	[dreg:$0x3] =	wrdreg $0x5A000  }
0xb0: {  	[dreg:$0x4] =	wrdreg $0x9  }
0xb1: {  	_ =	task.clear_ibuf [dreg:s6], $0x5FFFF;
	_ =	strace $0x90000046  }
0xb2: {  	s29 =	simm.s32 $0x9;
	_ =	strace $0x80000048  }
0xb3: {  	_ =	swait.ge [sflag:s29], $0x1  }
0xb4: {  	[sflag:s29] =	ssyncadd.s32 $0xFFFFFFFF  }
0xb5: {  	_ =	strace $0x90000048  }
0xb6: {  	_ =	sfence  }
0xb7: {  	s30 =	sld [smem:$0x0];
	_ =	sdelay $0x2  }
0xb8: {  	s31 =	sshll.u32 s1, $0xD;
	s1 =	sshrl.u32 s1, $0x2  }
0xb9: {  	s3 =	sand.u32 $0x4000, s31;
	s1 =	sadd.s32 s1, s30  }
0xba: {  	s0 =	sor.u32 s3, s0;
	s1 =	sshll.u32 s1, $0x11  }
0xbb: {  	s0 =	sor.u32 s1, s0  }
0xbc: {  	s0 =	sadd.s32 $0x8F2B, s0  }
0xbd: {  	[sflag:s0] =	ssyncadd.remote.s32 $0x1  }
0xbe: {  	_ =	sfence.sel $0xFFFF  }
0xbf: {  	[dreg:$0x0] =	wrdreg $0xFFFFFFFF;
	(pc) =	sbr.abs _section_cstart, $3  }
0xc0: {  	[dreg:$0x1] =	wrdreg $0xFFFFFFFF  }
0xc1: {  	_ =	task.clear_ibuf [dreg:s6], $0x2FFFF;
	_ =	strace $0x9FFFFFFF  }
0xc2: {  	(tm) =	ssettm $0x7FFFFFFF  }
0xc3: {  	_ =	shalt  }
tec
execute0_lowered:
.L_overlay_start_1:
0x0: {  	(tag) =	ssettag $0x1  }
0x1: {  	s0 =	srdreg.scid  }
0x2: {  	s13 =	rddreg [dreg:$0x0];
	s25 =	stileid.u32;
	s14 =	sand.u32 $0x1, s0  }
0x3: {  	s3 =	sshll.u32 s25, $0x1;
	s12 =	smul.u32 $0x13800, s25;
	s15 =	sadd.s32 $0xCE00, s13  }
0x4: {  	p0 =	sne.s32 s25, $0xF;
	p1 =	sgt.u32 s25, $0x1;
	s0 =	ssub.s32 $0x2, s14  }
0x5: {  	s16 =	sor.u32 s14, s3;
	s17 =	smul.u32 $0x138800, s14;
	s1 =	sshrl.u32 s0, $0x1  }
0x6: {  	s3 =	sadd.s32 $0x4800, s12;
	s4 =	sadd.s32 $0x6000, s12;
	s5 =	sadd.s32 $0x7800, s12  }
0x7: {  	s6 =	sadd.s32 $0x9000, s12;
	s7 =	sadd.s32 $0xA800, s12;
	s8 =	sadd.s32 $0xC000, s12  }
0x8: {  	s9 =	sadd.s32 $0xD800, s12;
	s10 =	sadd.s32 $0xF000, s12;
	s11 =	sadd.s32 $0x10800, s12  }
0x9: {  	s2 =	ssub.s32 s0, s1;
	s0 =	sadd.s32 $0x1800, s12;
	s1 =	sadd.s32 $0x3000, s12  }
0xa: {  	s18 =	sadd.s32 s12, s17;
	s12 =	sadd.s32 $0x12000, s12;
	s24 =	sadd.s32 s17, s3  }
0xb: {  	s20 =	sadd.s32 s17, s4;
	s21 =	sadd.s32 s17, s7;
	s18 =	sshrl.u32 s18, $0x3  }
0xc: {  	s19 =	sadd.s32 s17, s0;
	s23 =	sadd.s32 s17, s1;
	s31 =	sshrl.u32 s20, $0x3  }
0xd: {  	s20 =	sadd.s32 s17, s6;
	s18 =	sadd.s32 s15, s18;
	s22 =	sshrl.u32 s19, $0x3  }
0xe: {  	s19 =	sshrl.u32 s24, $0x3;
	[dreg:$0x3] =	wrdreg s18;
	s18 =	sadd.s32 s15, s22  }
0xf: {  	s24 =	sadd.s32 s17, s8;
	s26 =	sadd.s32 s15, s19;
	[dreg:$0x4] =	wrdreg s18  }
0x10: {  	s19 =	sadd.s32 s17, s5;
	s18 =	sshrl.u32 s23, $0x3;
	[dreg:$0x6] =	wrdreg s26  }
0x11: {  	s23 =	sshrl.u32 s21, $0x3;
	s26 =	sadd.s32 s17, s9;
	s18 =	sadd.s32 s15, s18  }
0x12: {  	s21 =	sadd.s32 s17, s11;
	[dreg:$0x5] =	wrdreg s18;
	s18 =	sadd.s32 s15, s31  }
0x13: {  	s31 =	sadd.s32 s17, s10;
	[dreg:$0x7] =	wrdreg s18;
	s18 =	sshrl.u32 s19, $0x3  }
0x14: {  	s19 =	sshrl.u32 s20, $0x3;
	s20 =	sshrl.u32 s31, $0x3;
	s18 =	sadd.s32 s15, s18  }
0x15: {  	s31 =	smul.u32 $0x4E0, s16;
	s22 =	sadd.s32 s15, s19;
	[dreg:$0x8] =	wrdreg s18  }
0x16: {  	s19 =	sshrl.u32 s26, $0x3;
	[dreg:$0x9] =	wrdreg s22;
	s18 =	sadd.s32 s15, s23  }
0x17: {  	s19 =	sadd.s32 s15, s19;
	s22 =	sadd.s32 s17, s12;
	[dreg:$0xa] =	wrdreg s18  }
0x18: {  	s18 =	sshrl.u32 s24, $0x3;
	[dreg:$0xc] =	wrdreg s19;
	s19 =	smul.u32 $0x4E0, s14  }
0x19: {  	s23 =	sshrl.u32 s17, $0x3;
	s24 =	smul.u32 $0x9C0, s25;
	s18 =	sadd.s32 s15, s18  }
0x1a: {  	[dreg:$0xb] =	wrdreg s18;
	s18 =	sadd.s32 s15, s20;
	s20 =	smul.u32 $0x4E, s14  }
0x1b: {  	s14 =	sshrl.u32 s22, $0x3;
	s22 =	sadd.s32 s15, s23;
	s23 =	smul.u32 $0x9C, s25  }
0x1c: {  	[dreg:$0xd] =	wrdreg s18;
	s18 =	sshrl.u32 s21, $0x3;
	s21 =	smul.u32 $0x4E, s16  }
0x1d: {  	s14 =	sadd.s32 s15, s14;
	s16 =	sshll.u32 s16, $0x4;
	s22 =	sadd.s32 $0x27000, s22  }
0x1e: {  	s18 =	sadd.s32 s15, s18;
	[dreg:$0xf] =	wrdreg s14;
	s14 =	simm.s32 $0x0  }
0x1f: {  	[dreg:$0xe] =	wrdreg s18;
	s18 =	sadd.s32 $0x3000, s13;
	s13 =	sadd.s32 $0x3010, s13  }
0x20: {  	s20 =	sadd.s32 s20, s23;
	[smem:$0x7FF] =	sst s14;
	s17 =	sadd.s32 s31, s13  }
0x21: {  	s23 =	smax.u32 s2, $0x1;
	s26 =	sadd.s32 s24, s18;
	[dreg:$0x11] =	wrdreg s17  }
0x22: {  	s2 =	simm.s32 $0x100;
	s15 =	sadd.s32 s19, s26;
	s19 =	rddreg [dreg:$0x1]  }
0x23: {  	s24 =	sshll.u32 s21, $0x4;
	_ =	strace $0x80000047;
	[dreg:$0x1e] =	wrdreg s22  }
0x24: {  	s16 =	sadd.s32 s16, s18;
	s26 =	sadd.s32 s18, s31;
	[dreg:$0x1f] =	wrdreg s23  }
0x25: {  	s17 =	sadd.s32 s18, s24;
	s3 =	sadd.s32 s3, s19;
	[dreg:$0x10] =	wrdreg s26  }
0x26: {  	s31 =	smul.u32 $0x4E000, s25;
	s4 =	sadd.s32 s4, s19;
	[dreg:$0x12] =	wrdreg s3  }
0x27: {  	s24 =	sshll.u32 s20, $0x4;
	s5 =	sadd.s32 s5, s19;
	[dreg:$0x13] =	wrdreg s4  }
0x28: {  	s13 =	sadd.s32 s13, s24;
	s6 =	sadd.s32 s6, s19;
	[dreg:$0x14] =	wrdreg s5  }
0x29: {  	s24 =	sadd.s32 s18, s24;
	s7 =	sadd.s32 s7, s19;
	[dreg:$0x15] =	wrdreg s6  }
0x2a: {  	s29 =	sadd.s32 s0, s19;
	s8 =	sadd.s32 s8, s19;
	[dreg:$0x16] =	wrdreg s7  }
0x2b: {  	s30 =	sadd.s32 s1, s19;
	s9 =	sadd.s32 s9, s19;
	[dreg:$0x17] =	wrdreg s8  }
0x2c: {  	s10 =	sadd.s32 s10, s19;
	s11 =	sadd.s32 s11, s19;
	[dreg:$0x18] =	wrdreg s9  }
0x2d: {  	s12 =	sadd.s32 s12, s19;
	s1 =	sadd.s32 $0x4E, s21;
	[dreg:$0x19] =	wrdreg s10  }
0x2e: {  	s18 =	sadd.s32 $0x20, s17;
	s21 =	sadd.s32 $0x9C00, s16;
	[dreg:$0x1a] =	wrdreg s11  }
0x2f: {  	s17 =	simm.s32 $0x1;
	s16 =	simm.s32 $0x200;
	[dreg:$0x1b] =	wrdreg s12  }
0x30: {  	s22 =	simm.s32 $0x7;
	s23 =	simm.s32 $0x0;
	[dreg:$0x1c] =	wrdreg s18  }
0x31: {  	s31 =	sshrl.u32 s31, $0x2;
	[dreg:$0x1d] =	wrdreg s21;
	s6 =	sadd.s32 $0x60, s13  }
0x32: {  	s7 =	sadd.s32 $0x7, s20;
	s8 =	sadd.s32 $0x60, s24;
	s9 =	sadd.s32 $0x138000, s19  }
0x33: {  	s11 =	simm.s32 $0x80;
	s12 =	simm.s32 $0x4200;
	s13 =	simm.s32 $0x8  }
0x34: {  	s3 =	simm.s32 $0x2;
	s4 =	simm.s32 $0x180;
	s5 =	simm.s32 $0x3  }
0x35: {  	s10 =	simm.s32 $0x5;
	s28 =	sadd.s32 s31, s19;
	s31 =	sadd.s32 $0x30, s26  }
0x36: {  	v0 =	vimm.f32 $0.0e+00;
	v1 =	vimm.f32 $1.000000000e+00;
	s20 =	simm.s32 $0x4;
	s21 =	simm.s32 $0x6;
	[smem:$0x7FD] =	sst s31  }
.LBB2_1:
0x37: {  	s24 =	rddreg [dreg:$0x10]  }
0x38: {  	[tilespmem:s14], [sflag:$0x1] =	stream.linear.gather [hbm4b:s24+s14], $0x80, $0x38;
	[tilespmem:$0x8110] =	vst v63  }
0x39: {  	s31 =	rddreg [dreg:$0x11]  }
0x3a: {  	[tilespmem:s11], [sflag:$0x2] =	stream.linear.gather [hbm4b:s31+s14], $0x80, $0x38;
	[tilespmem:$0x8110] =	vst v63  }
0x3b: {  	[tilespmem:$0x4200] =	vst v0  }
0x3c: {  	[tilespmem:$0x4280] =	vst v0  }
0x3d: {  	[tilespmem:$0x4300] =	vst v0  }
0x3e: {  	[tilespmem:$0x4380] =	vst v0  }
0x3f: {  	[tilespmem:$0x4400] =	vst v0  }
0x40: {  	[tilespmem:$0x4480] =	vst v0  }
0x41: {  	[tilespmem:$0x4500] =	vst v0  }
0x42: {  	[tilespmem:$0x4580] =	vst v0  }
0x43: {  	[tilespmem:$0x4600] =	vst v0  }
0x44: {  	[tilespmem:$0x4680] =	vst v0  }
0x45: {  	[tilespmem:$0x4700] =	vst v0  }
0x46: {  	[tilespmem:$0x4780] =	vst v0  }
0x47: {  	[tilespmem:$0x4800] =	vst v0  }
0x48: {  	[tilespmem:$0x4880] =	vst v0  }
0x49: {  	[tilespmem:$0x4900] =	vst v0  }
0x4a: {  	[tilespmem:$0x4980] =	vst v0  }
0x4b: {  	[tilespmem:$0x4A00] =	vst v0  }
0x4c: {  	[tilespmem:$0x4A80] =	vst v0  }
0x4d: {  	[tilespmem:$0x4B00] =	vst v0  }
0x4e: {  	[tilespmem:$0x4B80] =	vst v0  }
0x4f: {  	[tilespmem:$0x4C00] =	vst v0  }
0x50: {  	[tilespmem:$0x4C80] =	vst v0  }
0x51: {  	[tilespmem:$0x4D00] =	vst v0  }
0x52: {  	[tilespmem:$0x4D80] =	vst v0  }
0x53: {  	[tilespmem:$0x4E00] =	vst v0  }
0x54: {  	[tilespmem:$0x4E80] =	vst v0  }
0x55: {  	[tilespmem:$0x4F00] =	vst v0  }
0x56: {  	[tilespmem:$0x4F80] =	vst v0  }
0x57: {  	[tilespmem:$0x5000] =	vst v0  }
0x58: {  	[tilespmem:$0x5080] =	vst v0  }
0x59: {  	[tilespmem:$0x5100] =	vst v0  }
0x5a: {  	[tilespmem:$0x5180] =	vst v0  }
0x5b: {  	[tilespmem:$0x5200] =	vst v0  }
0x5c: {  	[tilespmem:$0x5280] =	vst v0  }
0x5d: {  	[tilespmem:$0x5300] =	vst v0  }
0x5e: {  	[tilespmem:$0x5380] =	vst v0  }
0x5f: {  	[tilespmem:$0x5400] =	vst v0  }
0x60: {  	[tilespmem:$0x5480] =	vst v0  }
0x61: {  	[tilespmem:$0x5500] =	vst v0  }
0x62: {  	[tilespmem:$0x5580] =	vst v0  }
0x63: {  	[tilespmem:$0x5600] =	vst v0  }
0x64: {  	[tilespmem:$0x5680] =	vst v0  }
0x65: {  	[tilespmem:$0x5700] =	vst v0  }
0x66: {  	[tilespmem:$0x5780] =	vst v0  }
0x67: {  	[tilespmem:$0x5800] =	vst v0  }
0x68: {  	[tilespmem:$0x5880] =	vst v0  }
0x69: {  	[tilespmem:$0x5900] =	vst v0  }
0x6a: {  	s25 =	simm.s32 $0x0;
	s24 =	simm.s32 $0x200;
	[tilespmem:$0x5980] =	vst v0  }
.LBB2_2:
0x6b: {  	p2 =	sne.s32 s24, $0xFE00;
	[tilespmem:s25+$0x200] =	vst v1;
	s25 =	smov.u32 s24;
	s24 =	sadd.s32 $0x200, s24  }
.Ltmp0:
0x6c: {  	(pc) =	sbr.rel @p2 .LBB2_2-.Ltmp0, $2  }
0x6d: {  	_ =	sdelay $0x2  }
0x6e: {  	s25 =	sshra.s32 s25, $0x2  }
0x6f: {  	[tilespmem:s25+$0x200] =	vst v1  }
0x70: {  	[spmem:s28] =	stream.linear.scatter [tilespmem:s12], [sflag:$0x8], $0x1800, $0x38;
	[tilespmem:$0x8110] =	vst v63  }
0x71: {  	_ = 	snop  }
0x72: {  	[spmem:s29] =	stream.linear.scatter [tilespmem:s12], [sflag:$0x8], $0x1800, $0x38;
	[tilespmem:$0x8110] =	vst v63  }
0x73: {  	_ = 	snop  }
0x74: {  	[spmem:s30] =	stream.linear.scatter [tilespmem:s12], [sflag:$0x8], $0x1800, $0x38;
	[tilespmem:$0x8110] =	vst v63  }
0x75: {  	s24 =	rddreg [dreg:$0x12]  }
0x76: {  	[spmem:s24] =	stream.linear.scatter [tilespmem:s12], [sflag:$0x8], $0x1800, $0x38;
	[tilespmem:$0x8110] =	vst v63  }
0x77: {  	s0 =	smov.u32 s30;
	s30 =	rddreg [dreg:$0x13]  }
0x78: {  	[spmem:s30] =	stream.linear.scatter [tilespmem:s12], [sflag:$0x8], $0x1800, $0x38;
	[tilespmem:$0x8110] =	vst v63  }
0x79: {  	s25 =	rddreg [dreg:$0x14]  }
0x7a: {  	[spmem:s25] =	stream.linear.scatter [tilespmem:s12], [sflag:$0x8], $0x1800, $0x38;
	[tilespmem:$0x8110] =	vst v63  }
0x7b: {  	s26 =	rddreg [dreg:$0x15]  }
0x7c: {  	[spmem:s26] =	stream.linear.scatter [tilespmem:s12], [sflag:$0x8], $0x1800, $0x38;
	[tilespmem:$0x8110] =	vst v63  }
0x7d: {  	s30 =	rddreg [dreg:$0x16]  }
0x7e: {  	[spmem:s30] =	stream.linear.scatter [tilespmem:s12], [sflag:$0x8], $0x1800, $0x38;
	[tilespmem:$0x8110] =	vst v63  }
0x7f: {  	s25 =	rddreg [dreg:$0x17]  }
0x80: {  	[spmem:s25] =	stream.linear.scatter [tilespmem:s12], [sflag:$0x8], $0x1800, $0x38;
	[tilespmem:$0x8110] =	vst v63  }
0x81: {  	s26 =	rddreg [dreg:$0x18]  }
0x82: {  	[spmem:s26] =	stream.linear.scatter [tilespmem:s12], [sflag:$0x8], $0x1800, $0x38;
	[tilespmem:$0x8110] =	vst v63  }
0x83: {  	s30 =	rddreg [dreg:$0x19]  }
0x84: {  	[spmem:s30] =	stream.linear.scatter [tilespmem:s12], [sflag:$0x8], $0x1800, $0x38;
	[tilespmem:$0x8110] =	vst v63  }
0x85: {  	s25 =	rddreg [dreg:$0x1a]  }
0x86: {  	[spmem:s25] =	stream.linear.scatter [tilespmem:s12], [sflag:$0x8], $0x1800, $0x38;
	[tilespmem:$0x8110] =	vst v63  }
0x87: {  	s26 =	rddreg [dreg:$0x1b]  }
0x88: {  	[spmem:s26] =	stream.linear.scatter [tilespmem:s12], [sflag:$0x8], $0x1800, $0x38;
	[tilespmem:$0x8110] =	vst v63  }
0x89: {  	s24 =	simm.s32 @!p0 $0x4200  }
0x8a: {  	[spmem:s9] =	stream.linear.scatter @!p0 [tilespmem:s24], [sflag:$0x9], $0x800, $0x38;
	[tilespmem:$0x8110] =	vst v63  }
0x8b: {  	s24 =	simm.s32 @!p0 $0x9  }
0x8c: {  	_ =	swait.ge @!p0 [sflag:s24], $0x800  }
0x8d: {  	[sflag:s24] =	ssyncset.done @!p0 $0x0  }
0x8e: {  	[sflag:s24] =	ssyncadd.s32 @!p0 $0xFFFFF800  }
0x8f: {  	_ =	swait.ge [sflag:s13], $0x1800  }
0x90: {  	[sflag:s13] =	ssyncset.done $0x0  }
0x91: {  	[sflag:s13] =	ssyncadd.s32 $0xFFFFE800  }
0x92: {  	_ =	swait.ge [sflag:s13], $0x1800  }
0x93: {  	[sflag:s13] =	ssyncset.done $0x0  }
0x94: {  	[sflag:s13] =	ssyncadd.s32 $0xFFFFE800  }
0x95: {  	_ =	swait.ge [sflag:s13], $0x1800  }
0x96: {  	[sflag:s13] =	ssyncset.done $0x0  }
0x97: {  	[sflag:s13] =	ssyncadd.s32 $0xFFFFE800  }
0x98: {  	_ =	swait.ge [sflag:s13], $0x1800  }
0x99: {  	[sflag:s13] =	ssyncset.done $0x0  }
0x9a: {  	[sflag:s13] =	ssyncadd.s32 $0xFFFFE800  }
0x9b: {  	_ =	swait.ge [sflag:s13], $0x1800  }
0x9c: {  	[sflag:s13] =	ssyncset.done $0x0  }
0x9d: {  	[sflag:s13] =	ssyncadd.s32 $0xFFFFE800  }
0x9e: {  	_ =	swait.ge [sflag:s13], $0x1800  }
0x9f: {  	[sflag:s13] =	ssyncset.done $0x0  }
0xa0: {  	[sflag:s13] =	ssyncadd.s32 $0xFFFFE800  }
0xa1: {  	_ =	swait.ge [sflag:s13], $0x1800  }
0xa2: {  	[sflag:s13] =	ssyncset.done $0x0  }
0xa3: {  	[sflag:s13] =	ssyncadd.s32 $0xFFFFE800  }
0xa4: {  	_ =	swait.ge [sflag:s13], $0x1800  }
0xa5: {  	[sflag:s13] =	ssyncset.done $0x0  }
0xa6: {  	[sflag:s13] =	ssyncadd.s32 $0xFFFFE800  }
0xa7: {  	_ =	swait.ge [sflag:s13], $0x1800  }
0xa8: {  	[sflag:s13] =	ssyncset.done $0x0  }
0xa9: {  	[sflag:s13] =	ssyncadd.s32 $0xFFFFE800  }
0xaa: {  	_ =	swait.ge [sflag:s13], $0x1800  }
0xab: {  	[sflag:s13] =	ssyncset.done $0x0  }
0xac: {  	[sflag:s13] =	ssyncadd.s32 $0xFFFFE800  }
0xad: {  	_ =	swait.ge [sflag:s13], $0x1800  }
0xae: {  	[sflag:s13] =	ssyncset.done $0x0  }
0xaf: {  	[sflag:s13] =	ssyncadd.s32 $0xFFFFE800  }
0xb0: {  	_ =	swait.ge [sflag:s13], $0x1800  }
0xb1: {  	[sflag:s13] =	ssyncset.done $0x0  }
0xb2: {  	[sflag:s13] =	ssyncadd.s32 $0xFFFFE800  }
0xb3: {  	_ =	swait.ge [sflag:s13], $0x1800  }
0xb4: {  	[sflag:s13] =	ssyncset.done $0x0  }
0xb5: {  	[sflag:s13] =	ssyncadd.s32 $0xFFFFE800  }
0xb6: {  	[bflag:$0x0] =	sbarrier.arrive $0xFFFF  }
0xb7: {  	_ =	swait.ge [sflag:s17], $0x80  }
0xb8: {  	[sflag:s17] =	ssyncset.done $0x0  }
0xb9: {  	s24 =	simm.s32 $0x0;
	[sflag:s17] =	ssyncadd.s32 $0xFFFFFF80  }
0xba: {  	[spmem:s19] =	stream.indirect.scatter.add.f32 [tilespmem:s16], [sflag:$0x5], $0x10, s24, s11, $0xb8;
	[tilespmem:$0x8110] =	vst v63  }
0xbb: {  	s30 =	rddreg [dreg:$0x1c]  }
0xbc: {  	[tilespmem:s2], [sflag:$0x3] =	stream.linear.gather [hbm4b:s30+s24], $0x80, $0x38;
	[tilespmem:$0x8110] =	vst v63  }
0xbd: {  	_ =	swait.ge [sflag:s3], $0x80  }
0xbe: {  	[sflag:s3] =	ssyncset.done $0x0  }
0xbf: {  	s26 =	sld [smem:$0x7FD];
	[sflag:s3] =	ssyncadd.s32 $0xFFFFFF80  }
0xc0: {  	[spmem:s19] =	stream.indirect.scatter.add.f32 [tilespmem:s16], [sflag:$0x6], $0x10, s11, s11, $0xb8;
	[tilespmem:$0x8110] =	vst v63  }
0xc1: {  	_ = 	snop  }
0xc2: {  	[tilespmem:s4], [sflag:$0x4] =	stream.linear.gather [hbm4b:s26+s24], $0x80, $0x38;
	[tilespmem:$0x8110] =	vst v63  }
0xc3: {  	_ =	swait.ge [sflag:s5], $0x80  }
0xc4: {  	[sflag:s5] =	ssyncset.done $0x0  }
0xc5: {  	[sflag:s5] =	ssyncadd.s32 $0xFFFFFF80  }
0xc6: {  	[spmem:s19] =	stream.indirect.scatter.add.f32 [tilespmem:s16], [sflag:$0x7], $0x10, s2, s11, $0xb8;
	[tilespmem:$0x8110] =	vst v63  }
0xc7: {  	_ =	swait.ge [sflag:s10], $0x800  }
0xc8: {  	s30 =	sadd.s32 $0x0, s15;
	[sflag:s10] =	ssyncset.done $0x0  }
0xc9: {  	s26 =	sadd.s32 $0x40, s30;
	[sflag:s10] =	ssyncadd.s32 $0xFFFFF800  }
0xca: {  	[tilespmem:s14], [sflag:$0x1] =	stream.linear.gather [hbm4b:s26+s14], $0x80, $0x38;
	[tilespmem:$0x8110] =	vst v63  }
0xcb: {  	_ =	swait.ge [sflag:s20], $0x80  }
0xcc: {  	[sflag:s20] =	ssyncset.done $0x0  }
0xcd: {  	[sflag:s20] =	ssyncadd.s32 $0xFFFFFF80  }
0xce: {  	[spmem:s19] =	stream.indirect.scatter.add.f32 [tilespmem:s16], [sflag:$0x8], $0x10, s4, s11, $0xb8;
	[tilespmem:$0x8110] =	vst v63  }
0xcf: {  	_ =	swait.ge [sflag:s21], $0x800  }
0xd0: {  	[sflag:s21] =	ssyncset.done $0x0  }
0xd1: {  	s24 =	sadd.s32 $0x50, s30;
	[sflag:s21] =	ssyncadd.s32 $0xFFFFF800  }
0xd2: {  	[tilespmem:s11], [sflag:$0x2] =	stream.linear.gather [hbm4b:s24+s14], $0x80, $0x38;
	[tilespmem:$0x8110] =	vst v63  }
0xd3: {  	_ =	swait.ge [sflag:s17], $0x80  }
0xd4: {  	[sflag:s17] =	ssyncset.done $0x0  }
0xd5: {  	s30 =	sadd.s32 $0xFFFFFFFF, s7;
	[sflag:s17] =	ssyncadd.s32 $0xFFFFFF80  }
0xd6: {  	[spmem:s19] =	stream.indirect.scatter.add.f32 [tilespmem:s16], [sflag:$0x5], $0x10, s14, s11, $0xb8;
	[tilespmem:$0x8110] =	vst v63  }
0xd7: {  	p2 =	sge.u32 s30, s1;
	_ =	swait.ge [sflag:s22], $0x800  }
0xd8: {  	s25 =	simm.s32 @!p2 $0x0;
	[sflag:s22] =	ssyncset.done $0x0  }
0xd9: {  	s26 =	simm.s32 @!p2 $0x100;
	s24 =	sadd.s32 @!p2 $0x0, s8;
	[sflag:s22] =	ssyncadd.s32 $0xFFFFF800  }
0xda: {  	[tilespmem:s26], [sflag:$0x3] =	stream.linear.gather @!p2 [hbm4b:s24+s25], $0x80, $0x38;
	[tilespmem:$0x8110] =	vst v63  }
0xdb: {  	_ =	swait.ge [sflag:s3], $0x80  }
0xdc: {  	s31 =	smov.u32 s28;
	[sflag:s3] =	ssyncset.done $0x0  }
0xdd: {  	s18 =	smov.u32 s29;
	p3 =	sge.u32 s7, s1;
	[sflag:s3] =	ssyncadd.s32 $0xFFFFFF80  }
0xde: {  	[spmem:s19] =	stream.indirect.scatter.add.f32 [tilespmem:s16], [sflag:$0x6], $0x10, s11, s11, $0xb8;
	[tilespmem:$0x8110] =	vst v63  }
0xdf: {  	s28 =	sadd.s32 @!p3 $0x0, s6;
	s29 =	simm.s32 @!p3 $0x180;
	_ =	swait.ge [sflag:s13], $0x800  }
0xe0: {  	s24 =	simm.s32 $0x40;
	s25 =	sadd.s32 $0x4, s7;
	[sflag:s13] =	ssyncset.done $0x0  }
.LBB2_4:
0xe1: {  	[sflag:s13] =	ssyncadd.s32 $0xFFFFF800  }
0xe2: {  	s30 =	simm.s32 @!p3 $0x0;
	s26 =	smov.u32 s24;
	s24 =	sadd.s32 $0x40, s24  }
0xe3: {  	[tilespmem:s29], [sflag:$0x4] =	stream.linear.gather @!p3 [hbm4b:s28+s30], $0x80, $0x38;
	[tilespmem:$0x8110] =	vst v63  }
0xe4: {  	p2 =	sne.s32 s24, $0x4C0;
	_ =	swait.ge [sflag:s5], $0x80  }
0xe5: {  	[sflag:s5] =	ssyncset.done $0x0  }
0xe6: {  	[sflag:s5] =	ssyncadd.s32 $0xFFFFFF80  }
0xe7: {  	[spmem:s19] =	stream.indirect.scatter.add.f32 [tilespmem:s16], [sflag:$0x7], $0x10, s2, s11, $0xb8;
	[tilespmem:$0x8110] =	vst v63  }
0xe8: {  	s28 =	sadd.s32 s26, s15;
	_ =	swait.ge [sflag:s10], $0x800  }
0xe9: {  	s29 =	sadd.s32 $0x40, s28;
	[sflag:s10] =	ssyncset.done $0x0  }
0xea: {  	[sflag:s10] =	ssyncadd.s32 $0xFFFFF800  }
0xeb: {  	[tilespmem:s14], [sflag:$0x1] =	stream.linear.gather [hbm4b:s29+s14], $0x80, $0x38;
	[tilespmem:$0x8110] =	vst v63  }
0xec: {  	_ =	swait.ge [sflag:s20], $0x80  }
0xed: {  	[sflag:s20] =	ssyncset.done $0x0  }
0xee: {  	[sflag:s20] =	ssyncadd.s32 $0xFFFFFF80  }
0xef: {  	[spmem:s19] =	stream.indirect.scatter.add.f32 [tilespmem:s16], [sflag:$0x8], $0x10, s4, s11, $0xb8;
	[tilespmem:$0x8110] =	vst v63  }
0xf0: {  	_ =	swait.ge [sflag:s21], $0x800  }
0xf1: {  	s28 =	sadd.s32 $0x50, s28;
	[sflag:s21] =	ssyncset.done $0x0  }
0xf2: {  	[sflag:s21] =	ssyncadd.s32 $0xFFFFF800  }
0xf3: {  	[tilespmem:s11], [sflag:$0x2] =	stream.linear.gather [hbm4b:s28+s14], $0x80, $0x38;
	[tilespmem:$0x8110] =	vst v63  }
0xf4: {  	_ =	swait.ge [sflag:s17], $0x80  }
0xf5: {  	[sflag:s17] =	ssyncset.done $0x0  }
0xf6: {  	s28 =	sadd.s32 $0xFFFFFFFF, s25;
	[sflag:s17] =	ssyncadd.s32 $0xFFFFFF80  }
0xf7: {  	[spmem:s19] =	stream.indirect.scatter.add.f32 [tilespmem:s16], [sflag:$0x5], $0x10, s14, s11, $0xb8;
	[tilespmem:$0x8110] =	vst v63  }
0xf8: {  	p3 =	sge.u32 s28, s1;
	_ =	swait.ge [sflag:s22], $0x800  }
0xf9: {  	s28 =	sadd.s32 @!p3 s26, s8;
	s29 =	simm.s32 @!p3 $0x0;
	[sflag:s22] =	ssyncset.done $0x0  }
0xfa: {  	s30 =	simm.s32 @!p3 $0x100;
	[sflag:s22] =	ssyncadd.s32 $0xFFFFF800  }
0xfb: {  	[tilespmem:s30], [sflag:$0x3] =	stream.linear.gather @!p3 [hbm4b:s28+s29], $0x80, $0x38;
	[tilespmem:$0x8110] =	vst v63  }
0xfc: {  	_ =	swait.ge [sflag:s3], $0x80  }
.Ltmp1:
0xfd: {  	[sflag:s3] =	ssyncset.done $0x0;
	(pc) =	sbr.rel @p2 .LBB2_4-.Ltmp1, $4  }
0xfe: {  	[sflag:s3] =	ssyncadd.s32 $0xFFFFFF80  }
0xff: {  	[spmem:s19] =	stream.indirect.scatter.add.f32 [tilespmem:s16], [sflag:$0x6], $0x10, s11, s11, $0xb8;
	[tilespmem:$0x8110] =	vst v63  }
0x100: {  	p3 =	sge.u32 s25, s1;
	s25 =	sadd.s32 $0x4, s25;
	_ =	swait.ge [sflag:s13], $0x800  }
0x101: {  	s28 =	sadd.s32 @!p3 s26, s6;
	s29 =	simm.s32 @!p3 $0x180;
	[sflag:s13] =	ssyncset.done $0x0  }
0x102: {  	[sflag:s13] =	ssyncadd.s32 $0xFFFFF800;
	s24 =	simm.s32 @!p3 $0x0  }
0x103: {  	[tilespmem:s29], [sflag:$0x4] =	stream.linear.gather @!p3 [hbm4b:s28+s24], $0x80, $0x38;
	[tilespmem:$0x8110] =	vst v63  }
0x104: {  	_ =	swait.ge [sflag:s10], $0x800  }
0x105: {  	[sflag:s10] =	ssyncset.done $0x0  }
0x106: {  	[sflag:s10] =	ssyncadd.s32 $0xFFFFF800  }
0x107: {  	_ =	swait.ge [sflag:s21], $0x800  }
0x108: {  	[sflag:s21] =	ssyncset.done $0x0  }
0x109: {  	s24 =	simm.s32 @!p1 $0x0;
	s25 =	rddreg [dreg:$0x1d];
	[sflag:s21] =	ssyncadd.s32 $0xFFFFF800  }
0x10a: {  	[tilespmem:s24], [sflag:$0x1] =	stream.linear.gather @!p1 [hbm4b:s25+s24], $0x80, $0x38;
	[tilespmem:$0x8110] =	vst v63  }
0x10b: {  	s25 =	simm.s32 @!p1 $0x1  }
0x10c: {  	_ =	swait.ge @!p1 [sflag:s25], $0x80  }
0x10d: {  	[sflag:s25] =	ssyncset.done @!p1 $0x0  }
0x10e: {  	s26 =	simm.s32 @!p1 $0x200;
	[sflag:s25] =	ssyncadd.s32 @!p1 $0xFFFFFF80;
	s25 =	simm.s32 @!p1 $0x80  }
0x10f: {  	[spmem:s19] =	stream.indirect.scatter.add.f32 @!p1 [tilespmem:s26], [sflag:$0x5], $0x10, s24, s25, $0xb8;
	[tilespmem:$0x8110] =	vst v63  }
0x110: {  	s24 =	simm.s32 @!p1 $0x5  }
0x111: {  	_ =	swait.ge @!p1 [sflag:s24], $0x800  }
0x112: {  	[sflag:s24] =	ssyncset.done @!p1 $0x0  }
0x113: {  	s25 =	stileid.u32;
	[sflag:s24] =	ssyncadd.s32 @!p1 $0xFFFFF800  }
0x114: {  	s28 =	smov.u32 s31;
	s24 =	sshll.u32 s25, $0x6;
	[bflag:$0x0] =	sbarrier.arrive $0xFFFF  }
0x115: {  	s26 =	sshrl.u32 s31, $0x3;
	s24 =	sor.u32 $0x1C08, s24;
	s31 =	rddreg [dreg:$0x3]  }
0x116: {  	[hbm:s31], [sflag:s24] =	dma.local [spmem:s26], $0x300  }
0x117: {  	s31 =	sshrl.u32 s18, $0x3;
	s26 =	rddreg [dreg:$0x4]  }
0x118: {  	[hbm:s26], [sflag:s24] =	dma.local [spmem:s31], $0x300  }
0x119: {  	s29 =	smov.u32 s18;
	s18 =	sshrl.u32 s0, $0x3;
	s26 =	rddreg [dreg:$0x5]  }
0x11a: {  	[hbm:s26], [sflag:s24] =	dma.local [spmem:s18], $0x300  }
0x11b: {  	s31 =	rddreg [dreg:$0x12]  }
0x11c: {  	s26 =	rddreg [dreg:$0x6];
	s18 =	sshrl.u32 s31, $0x3  }
0x11d: {  	[hbm:s26], [sflag:s24] =	dma.local [spmem:s18], $0x300  }
0x11e: {  	s31 =	rddreg [dreg:$0x13]  }
0x11f: {  	s26 =	rddreg [dreg:$0x7];
	s18 =	sshrl.u32 s31, $0x3  }
0x120: {  	[hbm:s26], [sflag:s24] =	dma.local [spmem:s18], $0x300  }
0x121: {  	s31 =	rddreg [dreg:$0x14]  }
0x122: {  	s26 =	rddreg [dreg:$0x8];
	s18 =	sshrl.u32 s31, $0x3  }
0x123: {  	[hbm:s26], [sflag:s24] =	dma.local [spmem:s18], $0x300  }
0x124: {  	s31 =	rddreg [dreg:$0x15]  }
0x125: {  	s26 =	rddreg [dreg:$0x9];
	s18 =	sshrl.u32 s31, $0x3  }
0x126: {  	[hbm:s26], [sflag:s24] =	dma.local [spmem:s18], $0x300  }
0x127: {  	s31 =	rddreg [dreg:$0x16]  }
0x128: {  	s26 =	rddreg [dreg:$0xa];
	s18 =	sshrl.u32 s31, $0x3  }
0x129: {  	[hbm:s26], [sflag:s24] =	dma.local [spmem:s18], $0x300  }
0x12a: {  	s31 =	rddreg [dreg:$0x17]  }
0x12b: {  	s26 =	rddreg [dreg:$0xb];
	s18 =	sshrl.u32 s31, $0x3  }
0x12c: {  	[hbm:s26], [sflag:s24] =	dma.local [spmem:s18], $0x300  }
0x12d: {  	s31 =	rddreg [dreg:$0x18]  }
0x12e: {  	s26 =	rddreg [dreg:$0xc];
	s18 =	sshrl.u32 s31, $0x3  }
0x12f: {  	[hbm:s26], [sflag:s24] =	dma.local [spmem:s18], $0x300  }
0x130: {  	s31 =	rddreg [dreg:$0x19]  }
0x131: {  	s26 =	rddreg [dreg:$0xd];
	s18 =	sshrl.u32 s31, $0x3  }
0x132: {  	[hbm:s26], [sflag:s24] =	dma.local [spmem:s18], $0x300  }
0x133: {  	s31 =	rddreg [dreg:$0x1a]  }
0x134: {  	s26 =	rddreg [dreg:$0xe];
	s18 =	sshrl.u32 s31, $0x3  }
0x135: {  	[hbm:s26], [sflag:s24] =	dma.local [spmem:s18], $0x300  }
0x136: {  	s31 =	rddreg [dreg:$0x1b]  }
0x137: {  	s30 =	smov.u32 s0;
	s26 =	rddreg [dreg:$0xf];
	s18 =	sshrl.u32 s31, $0x3  }
0x138: {  	[hbm:s26], [sflag:s24] =	dma.local [spmem:s18], $0x300  }
0x139: {  	s25 =	simm.s32 @!p0 $0x1FC9;
	s24 =	sshrl.u32 @!p0 s9, $0x3;
	s0 =	rddreg [dreg:$0x1e]  }
0x13a: {  	[hbm:s0], [sflag:s25] =	dma.local @!p0 [spmem:s24], $0x100  }
0x13b: {  	s24 =	simm.s32 @!p0 $0x9  }
0x13c: {  	_ =	swait.ge @!p0 [sflag:s24], $0x100  }
0x13d: {  	[sflag:s24] =	ssyncset.done @!p0 $0x0  }
0x13e: {  	[sflag:s24] =	ssyncadd.s32 @!p0 $0xFFFFFF00  }
0x13f: {  	_ =	swait.ge [sflag:s13], $0x300  }
0x140: {  	[sflag:s13] =	ssyncset.done $0x0  }
0x141: {  	[sflag:s13] =	ssyncadd.s32 $0xFFFFFD00  }
0x142: {  	_ =	swait.ge [sflag:s13], $0x300  }
0x143: {  	[sflag:s13] =	ssyncset.done $0x0  }
0x144: {  	[sflag:s13] =	ssyncadd.s32 $0xFFFFFD00  }
0x145: {  	_ =	swait.ge [sflag:s13], $0x300  }
0x146: {  	[sflag:s13] =	ssyncset.done $0x0  }
0x147: {  	[sflag:s13] =	ssyncadd.s32 $0xFFFFFD00  }
0x148: {  	_ =	swait.ge [sflag:s13], $0x300  }
0x149: {  	[sflag:s13] =	ssyncset.done $0x0  }
0x14a: {  	[sflag:s13] =	ssyncadd.s32 $0xFFFFFD00  }
0x14b: {  	_ =	swait.ge [sflag:s13], $0x300  }
0x14c: {  	[sflag:s13] =	ssyncset.done $0x0  }
0x14d: {  	[sflag:s13] =	ssyncadd.s32 $0xFFFFFD00  }
0x14e: {  	_ =	swait.ge [sflag:s13], $0x300  }
0x14f: {  	[sflag:s13] =	ssyncset.done $0x0  }
0x150: {  	[sflag:s13] =	ssyncadd.s32 $0xFFFFFD00  }
0x151: {  	_ =	swait.ge [sflag:s13], $0x300  }
0x152: {  	[sflag:s13] =	ssyncset.done $0x0  }
0x153: {  	[sflag:s13] =	ssyncadd.s32 $0xFFFFFD00  }
0x154: {  	_ =	swait.ge [sflag:s13], $0x300  }
0x155: {  	[sflag:s13] =	ssyncset.done $0x0  }
0x156: {  	[sflag:s13] =	ssyncadd.s32 $0xFFFFFD00  }
0x157: {  	_ =	swait.ge [sflag:s13], $0x300  }
0x158: {  	[sflag:s13] =	ssyncset.done $0x0  }
0x159: {  	[sflag:s13] =	ssyncadd.s32 $0xFFFFFD00  }
0x15a: {  	_ =	swait.ge [sflag:s13], $0x300  }
0x15b: {  	[sflag:s13] =	ssyncset.done $0x0  }
0x15c: {  	[sflag:s13] =	ssyncadd.s32 $0xFFFFFD00  }
0x15d: {  	_ =	swait.ge [sflag:s13], $0x300  }
0x15e: {  	[sflag:s13] =	ssyncset.done $0x0  }
0x15f: {  	[sflag:s13] =	ssyncadd.s32 $0xFFFFFD00  }
0x160: {  	_ =	swait.ge [sflag:s13], $0x300  }
0x161: {  	[sflag:s13] =	ssyncset.done $0x0  }
0x162: {  	[sflag:s13] =	ssyncadd.s32 $0xFFFFFD00  }
0x163: {  	_ =	swait.ge [sflag:s13], $0x300  }
0x164: {  	s23 =	sadd.s32 $0x1, s23;
	s31 =	rddreg [dreg:$0x1f]  }
0x165: {  	p2 =	sne.s32 s23, s31  }
.Ltmp2:
0x166: {  	_ = 	snop;
	(pc) =	sbr.rel @p2 .LBB2_1-.Ltmp2, $3  }
0x167: {  	_ =	sdelay $0x1  }
0x168: {  	[sflag:s13] =	ssyncset.done $0x0  }
0x169: {  	[sflag:s13] =	ssyncadd.s32 $0xFFFFFD00  }
0x16a: {  	_ =	sfence.sel $0x180000  }
0x16b: {  	[bflag:$0x0] =	sbarrier.arrive $0xFFFF  }
0x16c: {  	_ =	strace $0x90000047  }
0x16d: {  	s0 =	stileid.u32;
	[bflag:$0x2] =	sbarrier.arrive $0xFFFF  }
0x16e: {  	p0 =	sne.s32 s0, $0x0;
	s0 =	rddreg [dreg:$0x2]  }
0x16f: {  	s0 =	sadd.s32 @!p0 $0x100000, s0  }
0x170: {  	[sflag:s0] =	ssyncadd.tile.s32 @!p0 $0x1;
	_ =	shalt  }
.Lfunc_end2:
_tile_overlayer_lowered:
.L_overlay_start_2:
0x171: {  	(tag) =	ssettag $0x2  }
0x172: {  	s0 =	rddreg [dreg:$0x0];
	s2 =	stileid.u32  }
0x173: {  	s1 =	rddreg [dreg:$0x1];
	p0 =	sne.s32 s2, $0x0  }
0x174: {  	s3 =	rddreg [dreg:$0x2];
	[bflag:$0x3] =	sbarrier.arrive $0xFFFF;
	s2 =	simm.s32 @!p0 $0x1C09  }
0x175: {  	[timem:s3], [sflag:s2] =	dma.local @!p0 [hbm:s0], s1  }
0x176: {  	s0 =	simm.s32 @!p0 $0x9  }
0x177: {  	_ =	swait.ge @!p0 [sflag:s0], s1  }
0x178: {  	s1 =	ssub.s32 @!p0 $0x0, s1;
	[sflag:s0] =	ssyncset.done @!p0 $0x0  }
0x179: {  	[sflag:s0] =	ssyncadd.s32 @!p0 s1  }
0x17a: {  	[bflag:$0x3] =	sbarrier.arrive $0xFFFF  }
0x17b: {  	_ =	shalt  }

</sc_bundles>
